<compile_context>
chip_gen: v7x
topology: tpu7x:2x2x1
jax: 0.10.2.dev20260603
libtpu: 0.0.44.dev20260713+nightly
codegen_flags: <defaults>
</compile_context>

<pallas_src>
import functools

import jax
import jax.numpy as jnp
from jax import lax
from jax.experimental import pallas as pl
from jax.experimental.pallas import tpu as pltpu
from jax.experimental.pallas import tpu_sc as plsc

N = 10000
D = 128
E = 320000

NC = 2
NS = 16
NW = NC * NS
EPW = E // NW
K = 40
NCHUNK = EPW // K
NPAD = 10240
RPT = NPAD // NS
DRPT = NPAD // NS
DW = 16
KD = 80
NCHUNKD = EPW // KD

_mesh = plsc.VectorSubcoreMesh(core_axis_name="c", subcore_axis_name="s")


@functools.partial(
    pl.kernel,
    mesh=_mesh,
    out_type=jax.ShapeDtypeStruct((NC, NPAD, DW), jnp.float32),
    scratch_types=[
        pltpu.VMEM_SHARED((NPAD, DW), jnp.float32),
        pltpu.VMEM((NCHUNKD, KD), jnp.int32),
        pltpu.VMEM((KD, DW), jnp.float32),
        pltpu.SemaphoreType.DMA((4,)),
    ],
    compiler_params=pltpu.CompilerParams(use_tc_tiling_on_sc=False),
)
def _sc_degree(dst_hbm, ones_hbm, zeros_hbm, out_hbm, dacc, dst_v, ones_v,
               ssem):
    c = lax.axis_index("c")
    s = lax.axis_index("s")
    wid = s * NC + c
    pltpu.sync_copy(zeros_hbm, dacc.at[pl.ds(s * DRPT, DRPT)])
    pltpu.sync_copy(dst_hbm.at[wid], dst_v)
    pltpu.sync_copy(ones_hbm, ones_v)
    plsc.subcore_barrier()

    def body(j, carry):
        @pl.when(j >= 4)
        def _drain():
            pltpu.make_async_copy(ones_v, dacc.at[dst_v.at[j]],
                                  ssem.at[lax.rem(j, 4)]).wait()

        pltpu.async_copy(ones_v, dacc.at[dst_v.at[j]],
                         ssem.at[lax.rem(j, 4)], add=True)
        return carry

    lax.fori_loop(0, NCHUNKD, body, 0)
    for b in range(4):
        pltpu.make_async_copy(ones_v, dacc.at[dst_v.at[0]],
                              ssem.at[b]).wait()
    plsc.subcore_barrier()
    pltpu.sync_copy(dacc.at[pl.ds(s * DRPT, DRPT)],
                    out_hbm.at[c, pl.ds(s * DRPT, DRPT)])


@functools.partial(
    pl.kernel,
    mesh=_mesh,
    out_type=jax.ShapeDtypeStruct((NC, NPAD, D), jnp.float32),
    scratch_types=[
        pltpu.VMEM_SHARED((NPAD, D), jnp.float32),
        pltpu.VMEM((NCHUNK, K), jnp.int32),
        pltpu.VMEM((NCHUNK, K), jnp.int32),
        pltpu.VMEM((5, K, D), jnp.float32),
        pltpu.SemaphoreType.DMA((5,)),
        pltpu.SemaphoreType.DMA((5,)),
    ],
    compiler_params=pltpu.CompilerParams(use_tc_tiling_on_sc=False),
)
def _sc_aggregate(g_hbm, src_hbm, dsti_hbm, zeros_hbm, out_hbm,
                  acc, src_v, dst_v, rows_v, gsem, ssem):
    c = lax.axis_index("c")
    s = lax.axis_index("s")
    wid = s * NC + c
    pltpu.sync_copy(src_hbm.at[wid], src_v)
    pltpu.sync_copy(dsti_hbm.at[wid], dst_v)
    for b in range(4):
        pltpu.async_copy(g_hbm.at[src_v.at[b]], rows_v.at[b], gsem.at[b])

    @pl.when(c == 0)
    def _init_g():
        @pl.when(s < NS - 1)
        def _full():
            pltpu.sync_copy(g_hbm.at[pl.ds(s * RPT, RPT)],
                            acc.at[pl.ds(s * RPT, RPT)])

        @pl.when(s == NS - 1)
        def _tail():
            pltpu.sync_copy(g_hbm.at[pl.ds((NS - 1) * RPT, N - (NS - 1) * RPT)],
                            acc.at[pl.ds((NS - 1) * RPT, N - (NS - 1) * RPT)])
            pltpu.sync_copy(zeros_hbm.at[pl.ds(0, NPAD - N)],
                            acc.at[pl.ds(N, NPAD - N)])

    @pl.when(c == 1)
    def _init_z():
        pltpu.sync_copy(zeros_hbm, acc.at[pl.ds(s * RPT, RPT)])

    plsc.subcore_barrier()

    def _gather(j, b):
        pltpu.async_copy(g_hbm.at[src_v.at[j]], rows_v.at[b], gsem.at[b])

    def _gwait(j, b):
        pltpu.make_async_copy(g_hbm.at[src_v.at[j]], rows_v.at[b],
                              gsem.at[b]).wait()

    def _scat(j, b):
        pltpu.async_copy(rows_v.at[b], acc.at[dst_v.at[j]], ssem.at[b],
                         add=True)

    def _swait(b):
        pltpu.make_async_copy(rows_v.at[b], acc.at[dst_v.at[0]],
                              ssem.at[b]).wait()

    _gather(4, 4)
    _gwait(0, 0)
    _scat(0, 0)
    for b in range(1, 5):
        _swait(b - 1)
        _gather(4 + b, b - 1)
        _gwait(b, b)
        _scat(b, b)

    def body(jj, carry):
        j0 = jj * 5
        for b in range(5):
            bp = (b + 4) % 5
            _swait(bp)
            _gather(j0 + b + 4, bp)
            _gwait(j0 + b, b)
            _scat(j0 + b, b)
        return carry

    lax.fori_loop(1, NCHUNK // 5 - 1, body, 0)

    j0 = NCHUNK - 5
    _swait(4)
    _gather(NCHUNK - 1, 4)
    _gwait(j0, 0)
    _scat(j0, 0)
    for b in range(1, 5):
        _swait(b - 1)
        _gwait(j0 + b, b)
        _scat(j0 + b, b)
    _swait(4)
    plsc.subcore_barrier()
    pltpu.sync_copy(acc.at[pl.ds(s * RPT, RPT)],
                    out_hbm.at[c, pl.ds(s * RPT, RPT)])


_R = 1000


def _tc1_body(x_ref, w_ref, d0_ref, d1_ref, g_ref, dinv_ref):
    deg = d0_ref[0, :, 0:1] + d1_ref[0, :, 0:1] + 1.0
    dinv = lax.rsqrt(deg)
    g_ref[...] = jnp.dot(x_ref[...] * dinv, w_ref[...],
                         preferred_element_type=jnp.float32)
    dinv_ref[...] = dinv


def _tc2_body(a0_ref, a1_ref, dinv_ref, b_ref, w_ref, g2_ref):
    dinv = dinv_ref[...]
    tot = a0_ref[0] + a1_ref[0]
    x2 = jnp.maximum(tot * dinv + b_ref[...], 0.0)
    h2 = jnp.dot(x2, w_ref[...], preferred_element_type=jnp.float32)
    g2_ref[...] = h2 * dinv


def _tc3_body(a0_ref, a1_ref, dinv_ref, b_ref, out_ref):
    tot = a0_ref[0] + a1_ref[0]
    out_ref[...] = tot * dinv_ref[...] + b_ref[...]


def _row_spec(w):
    return pl.BlockSpec((_R, w), lambda i: (i, 0))


def _core_spec(w, c):
    return pl.BlockSpec((1, _R, w), lambda i, _c=c: (_c, i, 0))


_full_spec = pl.BlockSpec((D, D), lambda i: (0, 0))
_bias_spec = pl.BlockSpec((1, D), lambda i: (0, 0))


def kernel(x, edge_index, cache_name, W1, b1, W2, b2):
    src = edge_index[0].reshape(NW, NCHUNK, K)
    dst = edge_index[1].reshape(NW, NCHUNK, K)
    dstd = edge_index[1].reshape(NW, NCHUNKD, KD)
    ones_rows = jnp.ones((KD, DW), jnp.float32)
    zeros_deg = jnp.zeros((DRPT, DW), jnp.float32)
    zeros_agg = jnp.zeros((RPT, D), jnp.float32)
    b1r = b1.reshape(1, D)
    b2r = b2.reshape(1, D)

    dpart = _sc_degree(dstd, ones_rows, zeros_deg)

    g1, dinv = pl.pallas_call(
        _tc1_body,
        grid=(N // _R,),
        in_specs=[_row_spec(D), _full_spec, _core_spec(DW, 0),
                  _core_spec(DW, 1)],
        out_specs=[_row_spec(D), _row_spec(1)],
        out_shape=[jax.ShapeDtypeStruct((N, D), jnp.float32),
                   jax.ShapeDtypeStruct((N, 1), jnp.float32)],
    )(x, W1, dpart, dpart)

    a1 = _sc_aggregate(g1, src, dst, zeros_agg)

    g2 = pl.pallas_call(
        _tc2_body,
        grid=(N // _R,),
        in_specs=[_core_spec(D, 0), _core_spec(D, 1),
                  _row_spec(1), _bias_spec, _full_spec],
        out_specs=_row_spec(D),
        out_shape=jax.ShapeDtypeStruct((N, D), jnp.float32),
    )(a1, a1, dinv, b1r, W2)

    a2 = _sc_aggregate(g2, src, dst, zeros_agg)

    out = pl.pallas_call(
        _tc3_body,
        grid=(N // _R,),
        in_specs=[_core_spec(D, 0), _core_spec(D, 1),
                  _row_spec(1), _bias_spec],
        out_specs=_row_spec(D),
        out_shape=jax.ShapeDtypeStruct((N, D), jnp.float32),
    )(a2, a2, dinv, b2r)

    return out

# --- scband reference (transcript-rebuilt; emitter-appended) ---
"""Pipeline reference for scband-gnn-22995254903250 (READ-ONLY COPY).

The authoritative reference and input builder live on the scoring server;
editing this copy changes nothing except your own understanding.
"""

import jax, jax.numpy as jnp
import numpy as np

N = 10000
E = 320000
D = 128


def setup_inputs(seed: int = 0) -> dict:
    key = jax.random.key(seed)
    k1, k2, k3, k4, k5, k6 = jax.random.split(key, 6)
    x = jax.random.normal(k1, (N, D), dtype=jnp.float32)
    edge_index = jax.random.randint(k2, (2, E), 0, N, dtype=jnp.int32)
    W1 = jax.random.normal(k3, (D, D), dtype=jnp.float32) * 0.05
    b1 = jax.random.normal(k4, (D,), dtype=jnp.float32) * 0.05
    W2 = jax.random.normal(k5, (D, D), dtype=jnp.float32) * 0.05
    b2 = jax.random.normal(k6, (D,), dtype=jnp.float32) * 0.05
    return {"x": x, "edge_index": edge_index, "cache_name": 0, "W1": W1, "b1": b1, "W2": W2, "b2": b2}


def _gcn_layer(x, src, dst, W, b):
    # CachedGCNConv == GCNConv with cached symmetric normalization (self-loops added)
    n = x.shape[0]
    h = x @ W
    loop = jnp.arange(n, dtype=src.dtype)
    src2 = jnp.concatenate([src, loop])
    dst2 = jnp.concatenate([dst, loop])
    deg = jnp.zeros((n,), dtype=h.dtype).at[dst2].add(1.0)
    dinv = jnp.where(deg > 0, 1.0 / jnp.sqrt(deg), 0.0)
    norm = dinv[src2] * dinv[dst2]
    msg = h[src2] * norm[:, None]
    out = jnp.zeros_like(h).at[dst2].add(msg)
    return out + b


def reference(x, edge_index, cache_name, W1, b1, W2, b2):
    # dropout acts as identity in eval/reference mode
    src = edge_index[0]
    dst = edge_index[1]
    h = _gcn_layer(x, src, dst, W1, b1)
    h = jax.nn.relu(h)
    h = _gcn_layer(h, src, dst, W2, b2)
    return h

if __name__ == "__main__":
    import jax
    _d = setup_inputs()
    print(jax.jit(kernel)(*tuple(_d.values())))

</pallas_src>

<mosaic_0001>
#map = affine_map<(d0, d1) -> (0, 0, 0)>
#map1 = affine_map<(d0, d1) -> (0, 0)>
module attributes {stable_mosaic.version = 14 : i64} {
  func.func @_sc_degree(%arg0: i32, %arg1: i32, %arg2: memref<32x125x80xi32, #tpu.memory_space<hbm>>, %arg3: memref<80x16xf32, #tpu.memory_space<hbm>>, %arg4: memref<640x16xf32, #tpu.memory_space<hbm>>, %arg5: memref<2x10240x16xf32, #tpu.memory_space<hbm>>, %arg6: memref<10240x16xf32, #tpu.memory_space<vmem_shared>>, %arg7: memref<125x80xi32, #tpu.memory_space<vmem>>, %arg8: memref<80x16xf32, #tpu.memory_space<vmem>>, %arg9: memref<4x!tpu.dma_semaphore, #tpu.memory_space<semaphore_mem>>) attributes {dimension_semantics = [#tpu.dimension_semantics<core_parallel>, #tpu.dimension_semantics<subcore_parallel>], iteration_bounds = array<i64: 2, 16>, scalar_prefetch = 0 : i64, scratch_operands = 4 : i64, tpu.core_type = #tpu.core_type<sc_vector_subcore>, window_params = [{transform_indices = #map}, {transform_indices = #map1}, {transform_indices = #map1}, {transform_indices = #map}]} {
    %mul3A = arith.constant 2 : i32
    %mul3A_0 = arith.muli %arg1, %mul3A : i32
    %add3A = arith.addi %mul3A_0, %arg0 : i32
    %mul3A_1 = arith.constant 640 : i32
    %mul3A_2 = arith.muli %arg1, %mul3A_1 : i32
    "tpu.region"() ({
      %run_scoped3A = tpu.sem_alloc : memref<!tpu.dma_semaphore, #tpu.memory_space<semaphore_mem>>
      %dma_start3A = arith.constant 0 : i32
      %dma_start3A_52 = tpu.memref_slice %arg6[%mul3A_2, %dma_start3A] : memref<10240x16xf32, #tpu.memory_space<vmem_shared>> -> memref<640x16xf32, #tpu.memory_space<vmem_shared>>
      tpu.enqueue_dma source(%arg4 : memref<640x16xf32, #tpu.memory_space<hbm>>) target(%dma_start3A_52 : memref<640x16xf32, #tpu.memory_space<vmem_shared>>) target_semaphore(%run_scoped3A : memref<!tpu.dma_semaphore, #tpu.memory_space<semaphore_mem>>)
      %dma_wait3A_53 = arith.constant 0 : i32
      %dma_wait3A_54 = tpu.memref_slice %arg6[%mul3A_2, %dma_wait3A_53] : memref<10240x16xf32, #tpu.memory_space<vmem_shared>> -> memref<640x16xf32, #tpu.memory_space<vmem_shared>>
      tpu.wait_dma2 semaphore(%run_scoped3A : memref<!tpu.dma_semaphore, #tpu.memory_space<semaphore_mem>>) src(%arg4 : memref<640x16xf32, #tpu.memory_space<hbm>>) dst(%dma_wait3A_54 : memref<640x16xf32, #tpu.memory_space<vmem_shared>>)
      tpu.yield
    }) : () -> ()
    "tpu.region"() ({
      %run_scoped3A = tpu.sem_alloc : memref<!tpu.dma_semaphore, #tpu.memory_space<semaphore_mem>>
      %dma_start3A = arith.constant 0 : i32
      %dma_start3A_52 = arith.constant 0 : i32
      %dma_start3A_53 = tpu.memref_slice %arg2[%add3A, %dma_start3A, %dma_start3A_52] : memref<32x125x80xi32, #tpu.memory_space<hbm>> -> memref<1x125x80xi32, #tpu.memory_space<hbm>>
      %dma_start3A_54 = tpu.memref_squeeze %dma_start3A_53 : memref<1x125x80xi32, #tpu.memory_space<hbm>> -> memref<125x80xi32, #tpu.memory_space<hbm>>
      %dma_start3A_55 = arith.constant 0 : i32
      %dma_start3A_56 = arith.constant 0 : i32
      %dma_start3A_57 = tpu.memref_slice %arg2[%add3A, %dma_start3A_55, %dma_start3A_56] : memref<32x125x80xi32, #tpu.memory_space<hbm>> -> memref<1x125x80xi32, #tpu.memory_space<hbm>>
      %dma_start3A_58 = tpu.memref_squeeze %dma_start3A_57 : memref<1x125x80xi32, #tpu.memory_space<hbm>> -> memref<125x80xi32, #tpu.memory_space<hbm>>
      tpu.enqueue_dma source(%dma_start3A_58 : memref<125x80xi32, #tpu.memory_space<hbm>>) target(%arg7 : memref<125x80xi32, #tpu.memory_space<vmem>>) target_semaphore(%run_scoped3A : memref<!tpu.dma_semaphore, #tpu.memory_space<semaphore_mem>>)
      %dma_wait3A_59 = arith.constant 0 : i32
      %dma_wait3A_60 = arith.constant 0 : i32
      %dma_wait3A_61 = tpu.memref_slice %arg2[%add3A, %dma_wait3A_59, %dma_wait3A_60] : memref<32x125x80xi32, #tpu.memory_space<hbm>> -> memref<1x125x80xi32, #tpu.memory_space<hbm>>
      %dma_wait3A_62 = tpu.memref_squeeze %dma_wait3A_61 : memref<1x125x80xi32, #tpu.memory_space<hbm>> -> memref<125x80xi32, #tpu.memory_space<hbm>>
      %dma_wait3A_63 = arith.constant 0 : i32
      %dma_wait3A_64 = arith.constant 0 : i32
      %dma_wait3A_65 = tpu.memref_slice %arg2[%add3A, %dma_wait3A_63, %dma_wait3A_64] : memref<32x125x80xi32, #tpu.memory_space<hbm>> -> memref<1x125x80xi32, #tpu.memory_space<hbm>>
      %dma_wait3A_66 = tpu.memref_squeeze %dma_wait3A_65 : memref<1x125x80xi32, #tpu.memory_space<hbm>> -> memref<125x80xi32, #tpu.memory_space<hbm>>
      tpu.wait_dma2 semaphore(%run_scoped3A : memref<!tpu.dma_semaphore, #tpu.memory_space<semaphore_mem>>) src(%dma_wait3A_66 : memref<125x80xi32, #tpu.memory_space<hbm>>) dst(%arg7 : memref<125x80xi32, #tpu.memory_space<vmem>>)
      tpu.yield
    }) : () -> ()
    "tpu.region"() ({
      %run_scoped3A = tpu.sem_alloc : memref<!tpu.dma_semaphore, #tpu.memory_space<semaphore_mem>>
      tpu.enqueue_dma source(%arg3 : memref<80x16xf32, #tpu.memory_space<hbm>>) target(%arg8 : memref<80x16xf32, #tpu.memory_space<vmem>>) target_semaphore(%run_scoped3A : memref<!tpu.dma_semaphore, #tpu.memory_space<semaphore_mem>>)
      tpu.wait_dma2 semaphore(%run_scoped3A : memref<!tpu.dma_semaphore, #tpu.memory_space<semaphore_mem>>) src(%arg3 : memref<80x16xf32, #tpu.memory_space<hbm>>) dst(%arg8 : memref<80x16xf32, #tpu.memory_space<vmem>>)
      tpu.yield
    }) : () -> ()
    %barrier3A = arith.constant 0 : index
    tpu.barrier barrier_id(%barrier3A)
    %scan3A = arith.constant 0 : i32
    %scan3A_3 = arith.constant 0 : i32
    %scan3A_4 = arith.constant 125 : i32
    %scan3A_5 = arith.addi %scan3A_3, %scan3A_4 : i32
    %scan3A_6 = arith.constant 1 : i32
    scf.for %scan3A_52 = %scan3A_3 to %scan3A_5 step %scan3A_6  : i32 {
      %ge3A = arith.constant 4 : i32
      %ge3A_53 = arith.cmpi sge, %scan3A_52, %ge3A : i32
      %convert_element_type3A = arith.extui %ge3A_53 : i1 to i32
      %cond3A = arith.constant 0 : i32
      %cond3A_54 = arith.cmpi ne, %convert_element_type3A, %cond3A : i32
      scf.if %cond3A_54 {
        %rem3A_63 = arith.constant 4 : i32
        %rem3A_64 = arith.remsi %scan3A_52, %rem3A_63 : i32
        %dma_wait3A_65 = arith.constant 0 : i32
        %dma_wait3A_66 = tpu.memref_slice %arg7[%scan3A_52, %dma_wait3A_65] : memref<125x80xi32, #tpu.memory_space<vmem>> -> memref<1x80xi32, #tpu.memory_space<vmem>>
        %dma_wait3A_67 = tpu.memref_squeeze %dma_wait3A_66 : memref<1x80xi32, #tpu.memory_space<vmem>> -> memref<80xi32, #tpu.memory_space<vmem>>
        %dma_wait3A_68 = arith.constant 0 : i32
        %dma_wait3A_69 = arith.constant 0 : i32
        %dma_wait3A_70 = tpu.memref_slice %arg6[%dma_wait3A_68, %dma_wait3A_69] : memref<10240x16xf32, #tpu.memory_space<vmem_shared>> -> memref<10240x16xf32, #tpu.memory_space<vmem_shared>>
        %dma_wait3A_71 = tpu.memref_slice %arg9[%rem3A_64] : memref<4x!tpu.dma_semaphore, #tpu.memory_space<semaphore_mem>> -> memref<1x!tpu.dma_semaphore, #tpu.memory_space<semaphore_mem>>
        %dma_wait3A_72 = tpu.memref_squeeze %dma_wait3A_71 : memref<1x!tpu.dma_semaphore, #tpu.memory_space<semaphore_mem>> -> memref<!tpu.dma_semaphore, #tpu.memory_space<semaphore_mem>>
        tpu.wait_indirect_dma semaphore(%dma_wait3A_72 : memref<!tpu.dma_semaphore, #tpu.memory_space<semaphore_mem>>) src(%arg8 : memref<80x16xf32, #tpu.memory_space<vmem>>) dst(%dma_wait3A_70 : memref<10240x16xf32, #tpu.memory_space<vmem_shared>>)
      } else {
      }
      %rem3A = arith.constant 4 : i32
      %rem3A_55 = arith.remsi %scan3A_52, %rem3A : i32
      %dma_start3A = arith.constant 0 : i32
      %dma_start3A_56 = tpu.memref_slice %arg7[%scan3A_52, %dma_start3A] : memref<125x80xi32, #tpu.memory_space<vmem>> -> memref<1x80xi32, #tpu.memory_space<vmem>>
      %dma_start3A_57 = tpu.memref_squeeze %dma_start3A_56 : memref<1x80xi32, #tpu.memory_space<vmem>> -> memref<80xi32, #tpu.memory_space<vmem>>
      %dma_start3A_58 = arith.constant 0 : i32
      %dma_start3A_59 = arith.constant 0 : i32
      %dma_start3A_60 = tpu.memref_slice %arg6[%dma_start3A_58, %dma_start3A_59] : memref<10240x16xf32, #tpu.memory_space<vmem_shared>> -> memref<10240x16xf32, #tpu.memory_space<vmem_shared>>
      %dma_start3A_61 = tpu.memref_slice %arg9[%rem3A_55] : memref<4x!tpu.dma_semaphore, #tpu.memory_space<semaphore_mem>> -> memref<1x!tpu.dma_semaphore, #tpu.memory_space<semaphore_mem>>
      %dma_start3A_62 = tpu.memref_squeeze %dma_start3A_61 : memref<1x!tpu.dma_semaphore, #tpu.memory_space<semaphore_mem>> -> memref<!tpu.dma_semaphore, #tpu.memory_space<semaphore_mem>>
      tpu.enqueue_indirect_dma source(%arg8 : memref<80x16xf32, #tpu.memory_space<vmem>>) target(%dma_start3A_60 : memref<10240x16xf32, #tpu.memory_space<vmem_shared>>) offsets(%dma_start3A_57 : memref<80xi32, #tpu.memory_space<vmem>>) semaphore(%dma_start3A_62 : memref<!tpu.dma_semaphore, #tpu.memory_space<semaphore_mem>>) {add = true}
    }
    %scan3A_7 = arith.constant 125 : i32
    %dma_wait3A = arith.constant 0 : i32
    %dma_wait3A_8 = arith.constant 0 : i32
    %dma_wait3A_9 = arith.constant 0 : i32
    %dma_wait3A_10 = tpu.memref_slice %arg7[%dma_wait3A, %dma_wait3A_9] : memref<125x80xi32, #tpu.memory_space<vmem>> -> memref<1x80xi32, #tpu.memory_space<vmem>>
    %dma_wait3A_11 = tpu.memref_squeeze %dma_wait3A_10 : memref<1x80xi32, #tpu.memory_space<vmem>> -> memref<80xi32, #tpu.memory_space<vmem>>
    %dma_wait3A_12 = arith.constant 0 : i32
    %dma_wait3A_13 = arith.constant 0 : i32
    %dma_wait3A_14 = tpu.memref_slice %arg6[%dma_wait3A_12, %dma_wait3A_13] : memref<10240x16xf32, #tpu.memory_space<vmem_shared>> -> memref<10240x16xf32, #tpu.memory_space<vmem_shared>>
    %dma_wait3A_15 = tpu.memref_slice %arg9[%dma_wait3A_8] : memref<4x!tpu.dma_semaphore, #tpu.memory_space<semaphore_mem>> -> memref<1x!tpu.dma_semaphore, #tpu.memory_space<semaphore_mem>>
    %dma_wait3A_16 = tpu.memref_squeeze %dma_wait3A_15 : memref<1x!tpu.dma_semaphore, #tpu.memory_space<semaphore_mem>> -> memref<!tpu.dma_semaphore, #tpu.memory_space<semaphore_mem>>
    tpu.wait_indirect_dma semaphore(%dma_wait3A_16 : memref<!tpu.dma_semaphore, #tpu.memory_space<semaphore_mem>>) src(%arg8 : memref<80x16xf32, #tpu.memory_space<vmem>>) dst(%dma_wait3A_14 : memref<10240x16xf32, #tpu.memory_space<vmem_shared>>)
    %dma_wait3A_17 = arith.constant 0 : i32
    %dma_wait3A_18 = arith.constant 1 : i32
    %dma_wait3A_19 = arith.constant 0 : i32
    %dma_wait3A_20 = tpu.memref_slice %arg7[%dma_wait3A_17, %dma_wait3A_19] : memref<125x80xi32, #tpu.memory_space<vmem>> -> memref<1x80xi32, #tpu.memory_space<vmem>>
    %dma_wait3A_21 = tpu.memref_squeeze %dma_wait3A_20 : memref<1x80xi32, #tpu.memory_space<vmem>> -> memref<80xi32, #tpu.memory_space<vmem>>
    %dma_wait3A_22 = arith.constant 0 : i32
    %dma_wait3A_23 = arith.constant 0 : i32
    %dma_wait3A_24 = tpu.memref_slice %arg6[%dma_wait3A_22, %dma_wait3A_23] : memref<10240x16xf32, #tpu.memory_space<vmem_shared>> -> memref<10240x16xf32, #tpu.memory_space<vmem_shared>>
    %dma_wait3A_25 = tpu.memref_slice %arg9[%dma_wait3A_18] : memref<4x!tpu.dma_semaphore, #tpu.memory_space<semaphore_mem>> -> memref<1x!tpu.dma_semaphore, #tpu.memory_space<semaphore_mem>>
    %dma_wait3A_26 = tpu.memref_squeeze %dma_wait3A_25 : memref<1x!tpu.dma_semaphore, #tpu.memory_space<semaphore_mem>> -> memref<!tpu.dma_semaphore, #tpu.memory_space<semaphore_mem>>
    tpu.wait_indirect_dma semaphore(%dma_wait3A_26 : memref<!tpu.dma_semaphore, #tpu.memory_space<semaphore_mem>>) src(%arg8 : memref<80x16xf32, #tpu.memory_space<vmem>>) dst(%dma_wait3A_24 : memref<10240x16xf32, #tpu.memory_space<vmem_shared>>)
    %dma_wait3A_27 = arith.constant 0 : i32
    %dma_wait3A_28 = arith.constant 2 : i32
    %dma_wait3A_29 = arith.constant 0 : i32
    %dma_wait3A_30 = tpu.memref_slice %arg7[%dma_wait3A_27, %dma_wait3A_29] : memref<125x80xi32, #tpu.memory_space<vmem>> -> memref<1x80xi32, #tpu.memory_space<vmem>>
    %dma_wait3A_31 = tpu.memref_squeeze %dma_wait3A_30 : memref<1x80xi32, #tpu.memory_space<vmem>> -> memref<80xi32, #tpu.memory_space<vmem>>
    %dma_wait3A_32 = arith.constant 0 : i32
    %dma_wait3A_33 = arith.constant 0 : i32
    %dma_wait3A_34 = tpu.memref_slice %arg6[%dma_wait3A_32, %dma_wait3A_33] : memref<10240x16xf32, #tpu.memory_space<vmem_shared>> -> memref<10240x16xf32, #tpu.memory_space<vmem_shared>>
    %dma_wait3A_35 = tpu.memref_slice %arg9[%dma_wait3A_28] : memref<4x!tpu.dma_semaphore, #tpu.memory_space<semaphore_mem>> -> memref<1x!tpu.dma_semaphore, #tpu.memory_space<semaphore_mem>>
    %dma_wait3A_36 = tpu.memref_squeeze %dma_wait3A_35 : memref<1x!tpu.dma_semaphore, #tpu.memory_space<semaphore_mem>> -> memref<!tpu.dma_semaphore, #tpu.memory_space<semaphore_mem>>
    tpu.wait_indirect_dma semaphore(%dma_wait3A_36 : memref<!tpu.dma_semaphore, #tpu.memory_space<semaphore_mem>>) src(%arg8 : memref<80x16xf32, #tpu.memory_space<vmem>>) dst(%dma_wait3A_34 : memref<10240x16xf32, #tpu.memory_space<vmem_shared>>)
    %dma_wait3A_37 = arith.constant 0 : i32
    %dma_wait3A_38 = arith.constant 3 : i32
    %dma_wait3A_39 = arith.constant 0 : i32
    %dma_wait3A_40 = tpu.memref_slice %arg7[%dma_wait3A_37, %dma_wait3A_39] : memref<125x80xi32, #tpu.memory_space<vmem>> -> memref<1x80xi32, #tpu.memory_space<vmem>>
    %dma_wait3A_41 = tpu.memref_squeeze %dma_wait3A_40 : memref<1x80xi32, #tpu.memory_space<vmem>> -> memref<80xi32, #tpu.memory_space<vmem>>
    %dma_wait3A_42 = arith.constant 0 : i32
    %dma_wait3A_43 = arith.constant 0 : i32
    %dma_wait3A_44 = tpu.memref_slice %arg6[%dma_wait3A_42, %dma_wait3A_43] : memref<10240x16xf32, #tpu.memory_space<vmem_shared>> -> memref<10240x16xf32, #tpu.memory_space<vmem_shared>>
    %dma_wait3A_45 = tpu.memref_slice %arg9[%dma_wait3A_38] : memref<4x!tpu.dma_semaphore, #tpu.memory_space<semaphore_mem>> -> memref<1x!tpu.dma_semaphore, #tpu.memory_space<semaphore_mem>>
    %dma_wait3A_46 = tpu.memref_squeeze %dma_wait3A_45 : memref<1x!tpu.dma_semaphore, #tpu.memory_space<semaphore_mem>> -> memref<!tpu.dma_semaphore, #tpu.memory_space<semaphore_mem>>
    tpu.wait_indirect_dma semaphore(%dma_wait3A_46 : memref<!tpu.dma_semaphore, #tpu.memory_space<semaphore_mem>>) src(%arg8 : memref<80x16xf32, #tpu.memory_space<vmem>>) dst(%dma_wait3A_44 : memref<10240x16xf32, #tpu.memory_space<vmem_shared>>)
    %barrier3A_47 = arith.constant 0 : index
    tpu.barrier barrier_id(%barrier3A_47)
    %mul3A_48 = arith.constant 640 : i32
    %mul3A_49 = arith.muli %arg1, %mul3A_48 : i32
    %mul3A_50 = arith.constant 640 : i32
    %mul3A_51 = arith.muli %arg1, %mul3A_50 : i32
    "tpu.region"() ({
      %run_scoped3A = tpu.sem_alloc : memref<!tpu.dma_semaphore, #tpu.memory_space<semaphore_mem>>
      %dma_start3A = arith.constant 0 : i32
      %dma_start3A_52 = tpu.memref_slice %arg5[%arg0, %mul3A_51, %dma_start3A] : memref<2x10240x16xf32, #tpu.memory_space<hbm>> -> memref<1x640x16xf32, #tpu.memory_space<hbm>>
      %dma_start3A_53 = tpu.memref_squeeze %dma_start3A_52 : memref<1x640x16xf32, #tpu.memory_space<hbm>> -> memref<640x16xf32, #tpu.memory_space<hbm>>
      %dma_start3A_54 = arith.constant 0 : i32
      %dma_start3A_55 = tpu.memref_slice %arg6[%mul3A_49, %dma_start3A_54] : memref<10240x16xf32, #tpu.memory_space<vmem_shared>> -> memref<640x16xf32, #tpu.memory_space<vmem_shared>>
      tpu.enqueue_dma source(%dma_start3A_55 : memref<640x16xf32, #tpu.memory_space<vmem_shared>>) target(%dma_start3A_53 : memref<640x16xf32, #tpu.memory_space<hbm>>) target_semaphore(%run_scoped3A : memref<!tpu.dma_semaphore, #tpu.memory_space<semaphore_mem>>)
      %dma_wait3A_56 = arith.constant 0 : i32
      %dma_wait3A_57 = tpu.memref_slice %arg5[%arg0, %mul3A_51, %dma_wait3A_56] : memref<2x10240x16xf32, #tpu.memory_space<hbm>> -> memref<1x640x16xf32, #tpu.memory_space<hbm>>
      %dma_wait3A_58 = tpu.memref_squeeze %dma_wait3A_57 : memref<1x640x16xf32, #tpu.memory_space<hbm>> -> memref<640x16xf32, #tpu.memory_space<hbm>>
      %dma_wait3A_59 = arith.constant 0 : i32
      %dma_wait3A_60 = tpu.memref_slice %arg6[%mul3A_49, %dma_wait3A_59] : memref<10240x16xf32, #tpu.memory_space<vmem_shared>> -> memref<640x16xf32, #tpu.memory_space<vmem_shared>>
      tpu.wait_dma2 semaphore(%run_scoped3A : memref<!tpu.dma_semaphore, #tpu.memory_space<semaphore_mem>>) src(%dma_wait3A_60 : memref<640x16xf32, #tpu.memory_space<vmem_shared>>) dst(%dma_wait3A_58 : memref<640x16xf32, #tpu.memory_space<hbm>>)
      tpu.yield
    }) : () -> ()
    return
  }
}

#map = affine_map<(d0, d1) -> (0, 0)>
#map1 = affine_map<(d0, d1) -> (0, 0, 0)>
module attributes {stable_mosaic.version = 14 : i64} {
  func.func @_sc_aggregate(%arg0: i32, %arg1: i32, %arg2: memref<10000x128xf32, #tpu.memory_space<hbm>>, %arg3: memref<32x250x40xi32, #tpu.memory_space<hbm>>, %arg4: memref<32x250x40xi32, #tpu.memory_space<hbm>>, %arg5: memref<640x128xf32, #tpu.memory_space<hbm>>, %arg6: memref<2x10240x128xf32, #tpu.memory_space<hbm>>, %arg7: memref<10240x128xf32, #tpu.memory_space<vmem_shared>>, %arg8: memref<250x40xi32, #tpu.memory_space<vmem>>, %arg9: memref<250x40xi32, #tpu.memory_space<vmem>>, %arg10: memref<5x40x128xf32, #tpu.memory_space<vmem>>, %arg11: memref<5x!tpu.dma_semaphore, #tpu.memory_space<semaphore_mem>>, %arg12: memref<5x!tpu.dma_semaphore, #tpu.memory_space<semaphore_mem>>) attributes {dimension_semantics = [#tpu.dimension_semantics<core_parallel>, #tpu.dimension_semantics<subcore_parallel>], iteration_bounds = array<i64: 2, 16>, scalar_prefetch = 0 : i64, scratch_operands = 6 : i64, tpu.core_type = #tpu.core_type<sc_vector_subcore>, window_params = [{transform_indices = #map}, {transform_indices = #map1}, {transform_indices = #map1}, {transform_indices = #map}, {transform_indices = #map1}]} {
    %mul3A = arith.constant 2 : i32
    %mul3A_0 = arith.muli %arg1, %mul3A : i32
    %add3A = arith.addi %mul3A_0, %arg0 : i32
    "tpu.region"() ({
      %run_scoped3A = tpu.sem_alloc : memref<!tpu.dma_semaphore, #tpu.memory_space<semaphore_mem>>
      %dma_start3A_616 = arith.constant 0 : i32
      %dma_start3A_617 = arith.constant 0 : i32
      %dma_start3A_618 = tpu.memref_slice %arg3[%add3A, %dma_start3A_616, %dma_start3A_617] : memref<32x250x40xi32, #tpu.memory_space<hbm>> -> memref<1x250x40xi32, #tpu.memory_space<hbm>>
      %dma_start3A_619 = tpu.memref_squeeze %dma_start3A_618 : memref<1x250x40xi32, #tpu.memory_space<hbm>> -> memref<250x40xi32, #tpu.memory_space<hbm>>
      %dma_start3A_620 = arith.constant 0 : i32
      %dma_start3A_621 = arith.constant 0 : i32
      %dma_start3A_622 = tpu.memref_slice %arg3[%add3A, %dma_start3A_620, %dma_start3A_621] : memref<32x250x40xi32, #tpu.memory_space<hbm>> -> memref<1x250x40xi32, #tpu.memory_space<hbm>>
      %dma_start3A_623 = tpu.memref_squeeze %dma_start3A_622 : memref<1x250x40xi32, #tpu.memory_space<hbm>> -> memref<250x40xi32, #tpu.memory_space<hbm>>
      tpu.enqueue_dma source(%dma_start3A_623 : memref<250x40xi32, #tpu.memory_space<hbm>>) target(%arg8 : memref<250x40xi32, #tpu.memory_space<vmem>>) target_semaphore(%run_scoped3A : memref<!tpu.dma_semaphore, #tpu.memory_space<semaphore_mem>>)
      %dma_wait3A_624 = arith.constant 0 : i32
      %dma_wait3A_625 = arith.constant 0 : i32
      %dma_wait3A_626 = tpu.memref_slice %arg3[%add3A, %dma_wait3A_624, %dma_wait3A_625] : memref<32x250x40xi32, #tpu.memory_space<hbm>> -> memref<1x250x40xi32, #tpu.memory_space<hbm>>
      %dma_wait3A_627 = tpu.memref_squeeze %dma_wait3A_626 : memref<1x250x40xi32, #tpu.memory_space<hbm>> -> memref<250x40xi32, #tpu.memory_space<hbm>>
      %dma_wait3A_628 = arith.constant 0 : i32
      %dma_wait3A_629 = arith.constant 0 : i32
      %dma_wait3A_630 = tpu.memref_slice %arg3[%add3A, %dma_wait3A_628, %dma_wait3A_629] : memref<32x250x40xi32, #tpu.memory_space<hbm>> -> memref<1x250x40xi32, #tpu.memory_space<hbm>>
      %dma_wait3A_631 = tpu.memref_squeeze %dma_wait3A_630 : memref<1x250x40xi32, #tpu.memory_space<hbm>> -> memref<250x40xi32, #tpu.memory_space<hbm>>
      tpu.wait_dma2 semaphore(%run_scoped3A : memref<!tpu.dma_semaphore, #tpu.memory_space<semaphore_mem>>) src(%dma_wait3A_631 : memref<250x40xi32, #tpu.memory_space<hbm>>) dst(%arg8 : memref<250x40xi32, #tpu.memory_space<vmem>>)
      tpu.yield
    }) : () -> ()
    "tpu.region"() ({
      %run_scoped3A = tpu.sem_alloc : memref<!tpu.dma_semaphore, #tpu.memory_space<semaphore_mem>>
      %dma_start3A_616 = arith.constant 0 : i32
      %dma_start3A_617 = arith.constant 0 : i32
      %dma_start3A_618 = tpu.memref_slice %arg4[%add3A, %dma_start3A_616, %dma_start3A_617] : memref<32x250x40xi32, #tpu.memory_space<hbm>> -> memref<1x250x40xi32, #tpu.memory_space<hbm>>
      %dma_start3A_619 = tpu.memref_squeeze %dma_start3A_618 : memref<1x250x40xi32, #tpu.memory_space<hbm>> -> memref<250x40xi32, #tpu.memory_space<hbm>>
      %dma_start3A_620 = arith.constant 0 : i32
      %dma_start3A_621 = arith.constant 0 : i32
      %dma_start3A_622 = tpu.memref_slice %arg4[%add3A, %dma_start3A_620, %dma_start3A_621] : memref<32x250x40xi32, #tpu.memory_space<hbm>> -> memref<1x250x40xi32, #tpu.memory_space<hbm>>
      %dma_start3A_623 = tpu.memref_squeeze %dma_start3A_622 : memref<1x250x40xi32, #tpu.memory_space<hbm>> -> memref<250x40xi32, #tpu.memory_space<hbm>>
      tpu.enqueue_dma source(%dma_start3A_623 : memref<250x40xi32, #tpu.memory_space<hbm>>) target(%arg9 : memref<250x40xi32, #tpu.memory_space<vmem>>) target_semaphore(%run_scoped3A : memref<!tpu.dma_semaphore, #tpu.memory_space<semaphore_mem>>)
      %dma_wait3A_624 = arith.constant 0 : i32
      %dma_wait3A_625 = arith.constant 0 : i32
      %dma_wait3A_626 = tpu.memref_slice %arg4[%add3A, %dma_wait3A_624, %dma_wait3A_625] : memref<32x250x40xi32, #tpu.memory_space<hbm>> -> memref<1x250x40xi32, #tpu.memory_space<hbm>>
      %dma_wait3A_627 = tpu.memref_squeeze %dma_wait3A_626 : memref<1x250x40xi32, #tpu.memory_space<hbm>> -> memref<250x40xi32, #tpu.memory_space<hbm>>
      %dma_wait3A_628 = arith.constant 0 : i32
      %dma_wait3A_629 = arith.constant 0 : i32
      %dma_wait3A_630 = tpu.memref_slice %arg4[%add3A, %dma_wait3A_628, %dma_wait3A_629] : memref<32x250x40xi32, #tpu.memory_space<hbm>> -> memref<1x250x40xi32, #tpu.memory_space<hbm>>
      %dma_wait3A_631 = tpu.memref_squeeze %dma_wait3A_630 : memref<1x250x40xi32, #tpu.memory_space<hbm>> -> memref<250x40xi32, #tpu.memory_space<hbm>>
      tpu.wait_dma2 semaphore(%run_scoped3A : memref<!tpu.dma_semaphore, #tpu.memory_space<semaphore_mem>>) src(%dma_wait3A_631 : memref<250x40xi32, #tpu.memory_space<hbm>>) dst(%arg9 : memref<250x40xi32, #tpu.memory_space<vmem>>)
      tpu.yield
    }) : () -> ()
    %dma_start3A = arith.constant 0 : i32
    %dma_start3A_1 = arith.constant 0 : i32
    %dma_start3A_2 = arith.constant 0 : i32
    %dma_start3A_3 = arith.constant 0 : i32
    %dma_start3A_4 = arith.constant 0 : i32
    %dma_start3A_5 = tpu.memref_slice %arg10[%dma_start3A_1, %dma_start3A_3, %dma_start3A_4] : memref<5x40x128xf32, #tpu.memory_space<vmem>> -> memref<1x40x128xf32, #tpu.memory_space<vmem>>
    %dma_start3A_6 = tpu.memref_squeeze %dma_start3A_5 : memref<1x40x128xf32, #tpu.memory_space<vmem>> -> memref<40x128xf32, #tpu.memory_space<vmem>>
    %dma_start3A_7 = arith.constant 0 : i32
    %dma_start3A_8 = tpu.memref_slice %arg8[%dma_start3A, %dma_start3A_7] : memref<250x40xi32, #tpu.memory_space<vmem>> -> memref<1x40xi32, #tpu.memory_space<vmem>>
    %dma_start3A_9 = tpu.memref_squeeze %dma_start3A_8 : memref<1x40xi32, #tpu.memory_space<vmem>> -> memref<40xi32, #tpu.memory_space<vmem>>
    %dma_start3A_10 = arith.constant 0 : i32
    %dma_start3A_11 = arith.constant 0 : i32
    %dma_start3A_12 = tpu.memref_slice %arg2[%dma_start3A_10, %dma_start3A_11] : memref<10000x128xf32, #tpu.memory_space<hbm>> -> memref<10000x128xf32, #tpu.memory_space<hbm>>
    %dma_start3A_13 = tpu.memref_slice %arg11[%dma_start3A_2] : memref<5x!tpu.dma_semaphore, #tpu.memory_space<semaphore_mem>> -> memref<1x!tpu.dma_semaphore, #tpu.memory_space<semaphore_mem>>
    %dma_start3A_14 = tpu.memref_squeeze %dma_start3A_13 : memref<1x!tpu.dma_semaphore, #tpu.memory_space<semaphore_mem>> -> memref<!tpu.dma_semaphore, #tpu.memory_space<semaphore_mem>>
    tpu.enqueue_indirect_dma source(%dma_start3A_12 : memref<10000x128xf32, #tpu.memory_space<hbm>>) target(%dma_start3A_6 : memref<40x128xf32, #tpu.memory_space<vmem>>) offsets(%dma_start3A_9 : memref<40xi32, #tpu.memory_space<vmem>>) semaphore(%dma_start3A_14 : memref<!tpu.dma_semaphore, #tpu.memory_space<semaphore_mem>>)
    %dma_start3A_15 = arith.constant 1 : i32
    %dma_start3A_16 = arith.constant 1 : i32
    %dma_start3A_17 = arith.constant 1 : i32
    %dma_start3A_18 = arith.constant 0 : i32
    %dma_start3A_19 = arith.constant 0 : i32
    %dma_start3A_20 = tpu.memref_slice %arg10[%dma_start3A_16, %dma_start3A_18, %dma_start3A_19] : memref<5x40x128xf32, #tpu.memory_space<vmem>> -> memref<1x40x128xf32, #tpu.memory_space<vmem>>
    %dma_start3A_21 = tpu.memref_squeeze %dma_start3A_20 : memref<1x40x128xf32, #tpu.memory_space<vmem>> -> memref<40x128xf32, #tpu.memory_space<vmem>>
    %dma_start3A_22 = arith.constant 0 : i32
    %dma_start3A_23 = tpu.memref_slice %arg8[%dma_start3A_15, %dma_start3A_22] : memref<250x40xi32, #tpu.memory_space<vmem>> -> memref<1x40xi32, #tpu.memory_space<vmem>>
    %dma_start3A_24 = tpu.memref_squeeze %dma_start3A_23 : memref<1x40xi32, #tpu.memory_space<vmem>> -> memref<40xi32, #tpu.memory_space<vmem>>
    %dma_start3A_25 = arith.constant 0 : i32
    %dma_start3A_26 = arith.constant 0 : i32
    %dma_start3A_27 = tpu.memref_slice %arg2[%dma_start3A_25, %dma_start3A_26] : memref<10000x128xf32, #tpu.memory_space<hbm>> -> memref<10000x128xf32, #tpu.memory_space<hbm>>
    %dma_start3A_28 = tpu.memref_slice %arg11[%dma_start3A_17] : memref<5x!tpu.dma_semaphore, #tpu.memory_space<semaphore_mem>> -> memref<1x!tpu.dma_semaphore, #tpu.memory_space<semaphore_mem>>
    %dma_start3A_29 = tpu.memref_squeeze %dma_start3A_28 : memref<1x!tpu.dma_semaphore, #tpu.memory_space<semaphore_mem>> -> memref<!tpu.dma_semaphore, #tpu.memory_space<semaphore_mem>>
    tpu.enqueue_indirect_dma source(%dma_start3A_27 : memref<10000x128xf32, #tpu.memory_space<hbm>>) target(%dma_start3A_21 : memref<40x128xf32, #tpu.memory_space<vmem>>) offsets(%dma_start3A_24 : memref<40xi32, #tpu.memory_space<vmem>>) semaphore(%dma_start3A_29 : memref<!tpu.dma_semaphore, #tpu.memory_space<semaphore_mem>>)
    %dma_start3A_30 = arith.constant 2 : i32
    %dma_start3A_31 = arith.constant 2 : i32
    %dma_start3A_32 = arith.constant 2 : i32
    %dma_start3A_33 = arith.constant 0 : i32
    %dma_start3A_34 = arith.constant 0 : i32
    %dma_start3A_35 = tpu.memref_slice %arg10[%dma_start3A_31, %dma_start3A_33, %dma_start3A_34] : memref<5x40x128xf32, #tpu.memory_space<vmem>> -> memref<1x40x128xf32, #tpu.memory_space<vmem>>
    %dma_start3A_36 = tpu.memref_squeeze %dma_start3A_35 : memref<1x40x128xf32, #tpu.memory_space<vmem>> -> memref<40x128xf32, #tpu.memory_space<vmem>>
    %dma_start3A_37 = arith.constant 0 : i32
    %dma_start3A_38 = tpu.memref_slice %arg8[%dma_start3A_30, %dma_start3A_37] : memref<250x40xi32, #tpu.memory_space<vmem>> -> memref<1x40xi32, #tpu.memory_space<vmem>>
    %dma_start3A_39 = tpu.memref_squeeze %dma_start3A_38 : memref<1x40xi32, #tpu.memory_space<vmem>> -> memref<40xi32, #tpu.memory_space<vmem>>
    %dma_start3A_40 = arith.constant 0 : i32
    %dma_start3A_41 = arith.constant 0 : i32
    %dma_start3A_42 = tpu.memref_slice %arg2[%dma_start3A_40, %dma_start3A_41] : memref<10000x128xf32, #tpu.memory_space<hbm>> -> memref<10000x128xf32, #tpu.memory_space<hbm>>
    %dma_start3A_43 = tpu.memref_slice %arg11[%dma_start3A_32] : memref<5x!tpu.dma_semaphore, #tpu.memory_space<semaphore_mem>> -> memref<1x!tpu.dma_semaphore, #tpu.memory_space<semaphore_mem>>
    %dma_start3A_44 = tpu.memref_squeeze %dma_start3A_43 : memref<1x!tpu.dma_semaphore, #tpu.memory_space<semaphore_mem>> -> memref<!tpu.dma_semaphore, #tpu.memory_space<semaphore_mem>>
    tpu.enqueue_indirect_dma source(%dma_start3A_42 : memref<10000x128xf32, #tpu.memory_space<hbm>>) target(%dma_start3A_36 : memref<40x128xf32, #tpu.memory_space<vmem>>) offsets(%dma_start3A_39 : memref<40xi32, #tpu.memory_space<vmem>>) semaphore(%dma_start3A_44 : memref<!tpu.dma_semaphore, #tpu.memory_space<semaphore_mem>>)
    %dma_start3A_45 = arith.constant 3 : i32
    %dma_start3A_46 = arith.constant 3 : i32
    %dma_start3A_47 = arith.constant 3 : i32
    %dma_start3A_48 = arith.constant 0 : i32
    %dma_start3A_49 = arith.constant 0 : i32
    %dma_start3A_50 = tpu.memref_slice %arg10[%dma_start3A_46, %dma_start3A_48, %dma_start3A_49] : memref<5x40x128xf32, #tpu.memory_space<vmem>> -> memref<1x40x128xf32, #tpu.memory_space<vmem>>
    %dma_start3A_51 = tpu.memref_squeeze %dma_start3A_50 : memref<1x40x128xf32, #tpu.memory_space<vmem>> -> memref<40x128xf32, #tpu.memory_space<vmem>>
    %dma_start3A_52 = arith.constant 0 : i32
    %dma_start3A_53 = tpu.memref_slice %arg8[%dma_start3A_45, %dma_start3A_52] : memref<250x40xi32, #tpu.memory_space<vmem>> -> memref<1x40xi32, #tpu.memory_space<vmem>>
    %dma_start3A_54 = tpu.memref_squeeze %dma_start3A_53 : memref<1x40xi32, #tpu.memory_space<vmem>> -> memref<40xi32, #tpu.memory_space<vmem>>
    %dma_start3A_55 = arith.constant 0 : i32
    %dma_start3A_56 = arith.constant 0 : i32
    %dma_start3A_57 = tpu.memref_slice %arg2[%dma_start3A_55, %dma_start3A_56] : memref<10000x128xf32, #tpu.memory_space<hbm>> -> memref<10000x128xf32, #tpu.memory_space<hbm>>
    %dma_start3A_58 = tpu.memref_slice %arg11[%dma_start3A_47] : memref<5x!tpu.dma_semaphore, #tpu.memory_space<semaphore_mem>> -> memref<1x!tpu.dma_semaphore, #tpu.memory_space<semaphore_mem>>
    %dma_start3A_59 = tpu.memref_squeeze %dma_start3A_58 : memref<1x!tpu.dma_semaphore, #tpu.memory_space<semaphore_mem>> -> memref<!tpu.dma_semaphore, #tpu.memory_space<semaphore_mem>>
    tpu.enqueue_indirect_dma source(%dma_start3A_57 : memref<10000x128xf32, #tpu.memory_space<hbm>>) target(%dma_start3A_51 : memref<40x128xf32, #tpu.memory_space<vmem>>) offsets(%dma_start3A_54 : memref<40xi32, #tpu.memory_space<vmem>>) semaphore(%dma_start3A_59 : memref<!tpu.dma_semaphore, #tpu.memory_space<semaphore_mem>>)
    %eq3A = arith.constant 0 : i32
    %eq3A_60 = arith.cmpi eq, %arg0, %eq3A : i32
    %convert_element_type3A = arith.extui %eq3A_60 : i1 to i32
    %cond3A = arith.constant 0 : i32
    %cond3A_61 = arith.cmpi ne, %convert_element_type3A, %cond3A : i32
    scf.if %cond3A_61 {
      %lt3A = arith.constant 15 : i32
      %lt3A_616 = arith.cmpi slt, %arg1, %lt3A : i32
      %convert_element_type3A_617 = arith.extui %lt3A_616 : i1 to i32
      %cond3A_618 = arith.constant 0 : i32
      %cond3A_619 = arith.cmpi ne, %convert_element_type3A_617, %cond3A_618 : i32
      scf.if %cond3A_619 {
        %mul3A_625 = arith.constant 640 : i32
        %mul3A_626 = arith.muli %arg1, %mul3A_625 : i32
        %mul3A_627 = arith.constant 640 : i32
        %mul3A_628 = arith.muli %arg1, %mul3A_627 : i32
        "tpu.region"() ({
          %run_scoped3A = tpu.sem_alloc : memref<!tpu.dma_semaphore, #tpu.memory_space<semaphore_mem>>
          %dma_start3A_629 = arith.constant 0 : i32
          %dma_start3A_630 = tpu.memref_slice %arg7[%mul3A_628, %dma_start3A_629] : memref<10240x128xf32, #tpu.memory_space<vmem_shared>> -> memref<640x128xf32, #tpu.memory_space<vmem_shared>>
          %dma_start3A_631 = arith.constant 0 : i32
          %dma_start3A_632 = tpu.memref_slice %arg2[%mul3A_626, %dma_start3A_631] : memref<10000x128xf32, #tpu.memory_space<hbm>> -> memref<640x128xf32, #tpu.memory_space<hbm>>
          tpu.enqueue_dma source(%dma_start3A_632 : memref<640x128xf32, #tpu.memory_space<hbm>>) target(%dma_start3A_630 : memref<640x128xf32, #tpu.memory_space<vmem_shared>>) target_semaphore(%run_scoped3A : memref<!tpu.dma_semaphore, #tpu.memory_space<semaphore_mem>>)
          %dma_wait3A_633 = arith.constant 0 : i32
          %dma_wait3A_634 = tpu.memref_slice %arg7[%mul3A_628, %dma_wait3A_633] : memref<10240x128xf32, #tpu.memory_space<vmem_shared>> -> memref<640x128xf32, #tpu.memory_space<vmem_shared>>
          %dma_wait3A_635 = arith.constant 0 : i32
          %dma_wait3A_636 = tpu.memref_slice %arg2[%mul3A_626, %dma_wait3A_635] : memref<10000x128xf32, #tpu.memory_space<hbm>> -> memref<640x128xf32, #tpu.memory_space<hbm>>
          tpu.wait_dma2 semaphore(%run_scoped3A : memref<!tpu.dma_semaphore, #tpu.memory_space<semaphore_mem>>) src(%dma_wait3A_636 : memref<640x128xf32, #tpu.memory_space<hbm>>) dst(%dma_wait3A_634 : memref<640x128xf32, #tpu.memory_space<vmem_shared>>)
          tpu.yield
        }) : () -> ()
      } else {
      }
      %eq3A_620 = arith.constant 15 : i32
      %eq3A_621 = arith.cmpi eq, %arg1, %eq3A_620 : i32
      %convert_element_type3A_622 = arith.extui %eq3A_621 : i1 to i32
      %cond3A_623 = arith.constant 0 : i32
      %cond3A_624 = arith.cmpi ne, %convert_element_type3A_622, %cond3A_623 : i32
      scf.if %cond3A_624 {
        "tpu.region"() ({
          %run_scoped3A = tpu.sem_alloc : memref<!tpu.dma_semaphore, #tpu.memory_space<semaphore_mem>>
          %dma_start3A_625 = arith.constant 9600 : i32
          %dma_start3A_626 = arith.constant 0 : i32
          %dma_start3A_627 = tpu.memref_slice %arg7[%dma_start3A_625, %dma_start3A_626] : memref<10240x128xf32, #tpu.memory_space<vmem_shared>> -> memref<400x128xf32, #tpu.memory_space<vmem_shared>>
          %dma_start3A_628 = arith.constant 9600 : i32
          %dma_start3A_629 = arith.constant 0 : i32
          %dma_start3A_630 = tpu.memref_slice %arg2[%dma_start3A_628, %dma_start3A_629] : memref<10000x128xf32, #tpu.memory_space<hbm>> -> memref<400x128xf32, #tpu.memory_space<hbm>>
          tpu.enqueue_dma source(%dma_start3A_630 : memref<400x128xf32, #tpu.memory_space<hbm>>) target(%dma_start3A_627 : memref<400x128xf32, #tpu.memory_space<vmem_shared>>) target_semaphore(%run_scoped3A : memref<!tpu.dma_semaphore, #tpu.memory_space<semaphore_mem>>)
          %dma_wait3A_631 = arith.constant 9600 : i32
          %dma_wait3A_632 = arith.constant 0 : i32
          %dma_wait3A_633 = tpu.memref_slice %arg7[%dma_wait3A_631, %dma_wait3A_632] : memref<10240x128xf32, #tpu.memory_space<vmem_shared>> -> memref<400x128xf32, #tpu.memory_space<vmem_shared>>
          %dma_wait3A_634 = arith.constant 9600 : i32
          %dma_wait3A_635 = arith.constant 0 : i32
          %dma_wait3A_636 = tpu.memref_slice %arg2[%dma_wait3A_634, %dma_wait3A_635] : memref<10000x128xf32, #tpu.memory_space<hbm>> -> memref<400x128xf32, #tpu.memory_space<hbm>>
          tpu.wait_dma2 semaphore(%run_scoped3A : memref<!tpu.dma_semaphore, #tpu.memory_space<semaphore_mem>>) src(%dma_wait3A_636 : memref<400x128xf32, #tpu.memory_space<hbm>>) dst(%dma_wait3A_633 : memref<400x128xf32, #tpu.memory_space<vmem_shared>>)
          tpu.yield
        }) : () -> ()
        "tpu.region"() ({
          %run_scoped3A = tpu.sem_alloc : memref<!tpu.dma_semaphore, #tpu.memory_space<semaphore_mem>>
          %dma_start3A_625 = arith.constant 10000 : i32
          %dma_start3A_626 = arith.constant 0 : i32
          %dma_start3A_627 = tpu.memref_slice %arg7[%dma_start3A_625, %dma_start3A_626] : memref<10240x128xf32, #tpu.memory_space<vmem_shared>> -> memref<240x128xf32, #tpu.memory_space<vmem_shared>>
          %dma_start3A_628 = arith.constant 0 : i32
          %dma_start3A_629 = arith.constant 0 : i32
          %dma_start3A_630 = tpu.memref_slice %arg5[%dma_start3A_628, %dma_start3A_629] : memref<640x128xf32, #tpu.memory_space<hbm>> -> memref<240x128xf32, #tpu.memory_space<hbm>>
          tpu.enqueue_dma source(%dma_start3A_630 : memref<240x128xf32, #tpu.memory_space<hbm>>) target(%dma_start3A_627 : memref<240x128xf32, #tpu.memory_space<vmem_shared>>) target_semaphore(%run_scoped3A : memref<!tpu.dma_semaphore, #tpu.memory_space<semaphore_mem>>)
          %dma_wait3A_631 = arith.constant 10000 : i32
          %dma_wait3A_632 = arith.constant 0 : i32
          %dma_wait3A_633 = tpu.memref_slice %arg7[%dma_wait3A_631, %dma_wait3A_632] : memref<10240x128xf32, #tpu.memory_space<vmem_shared>> -> memref<240x128xf32, #tpu.memory_space<vmem_shared>>
          %dma_wait3A_634 = arith.constant 0 : i32
          %dma_wait3A_635 = arith.constant 0 : i32
          %dma_wait3A_636 = tpu.memref_slice %arg5[%dma_wait3A_634, %dma_wait3A_635] : memref<640x128xf32, #tpu.memory_space<hbm>> -> memref<240x128xf32, #tpu.memory_space<hbm>>
          tpu.wait_dma2 semaphore(%run_scoped3A : memref<!tpu.dma_semaphore, #tpu.memory_space<semaphore_mem>>) src(%dma_wait3A_636 : memref<240x128xf32, #tpu.memory_space<hbm>>) dst(%dma_wait3A_633 : memref<240x128xf32, #tpu.memory_space<vmem_shared>>)
          tpu.yield
        }) : () -> ()
      } else {
      }
    } else {
    }
    %eq3A_62 = arith.constant 1 : i32
    %eq3A_63 = arith.cmpi eq, %arg0, %eq3A_62 : i32
    %convert_element_type3A_64 = arith.extui %eq3A_63 : i1 to i32
    %cond3A_65 = arith.constant 0 : i32
    %cond3A_66 = arith.cmpi ne, %convert_element_type3A_64, %cond3A_65 : i32
    scf.if %cond3A_66 {
      %mul3A_616 = arith.constant 640 : i32
      %mul3A_617 = arith.muli %arg1, %mul3A_616 : i32
      "tpu.region"() ({
        %run_scoped3A = tpu.sem_alloc : memref<!tpu.dma_semaphore, #tpu.memory_space<semaphore_mem>>
        %dma_start3A_618 = arith.constant 0 : i32
        %dma_start3A_619 = tpu.memref_slice %arg7[%mul3A_617, %dma_start3A_618] : memref<10240x128xf32, #tpu.memory_space<vmem_shared>> -> memref<640x128xf32, #tpu.memory_space<vmem_shared>>
        tpu.enqueue_dma source(%arg5 : memref<640x128xf32, #tpu.memory_space<hbm>>) target(%dma_start3A_619 : memref<640x128xf32, #tpu.memory_space<vmem_shared>>) target_semaphore(%run_scoped3A : memref<!tpu.dma_semaphore, #tpu.memory_space<semaphore_mem>>)
        %dma_wait3A_620 = arith.constant 0 : i32
        %dma_wait3A_621 = tpu.memref_slice %arg7[%mul3A_617, %dma_wait3A_620] : memref<10240x128xf32, #tpu.memory_space<vmem_shared>> -> memref<640x128xf32, #tpu.memory_space<vmem_shared>>
        tpu.wait_dma2 semaphore(%run_scoped3A : memref<!tpu.dma_semaphore, #tpu.memory_space<semaphore_mem>>) src(%arg5 : memref<640x128xf32, #tpu.memory_space<hbm>>) dst(%dma_wait3A_621 : memref<640x128xf32, #tpu.memory_space<vmem_shared>>)
        tpu.yield
      }) : () -> ()
    } else {
    }
    %barrier3A = arith.constant 0 : index
    tpu.barrier barrier_id(%barrier3A)
    %dma_start3A_67 = arith.constant 4 : i32
    %dma_start3A_68 = arith.constant 4 : i32
    %dma_start3A_69 = arith.constant 4 : i32
    %dma_start3A_70 = arith.constant 0 : i32
    %dma_start3A_71 = arith.constant 0 : i32
    %dma_start3A_72 = tpu.memref_slice %arg10[%dma_start3A_68, %dma_start3A_70, %dma_start3A_71] : memref<5x40x128xf32, #tpu.memory_space<vmem>> -> memref<1x40x128xf32, #tpu.memory_space<vmem>>
    %dma_start3A_73 = tpu.memref_squeeze %dma_start3A_72 : memref<1x40x128xf32, #tpu.memory_space<vmem>> -> memref<40x128xf32, #tpu.memory_space<vmem>>
    %dma_start3A_74 = arith.constant 0 : i32
    %dma_start3A_75 = tpu.memref_slice %arg8[%dma_start3A_67, %dma_start3A_74] : memref<250x40xi32, #tpu.memory_space<vmem>> -> memref<1x40xi32, #tpu.memory_space<vmem>>
    %dma_start3A_76 = tpu.memref_squeeze %dma_start3A_75 : memref<1x40xi32, #tpu.memory_space<vmem>> -> memref<40xi32, #tpu.memory_space<vmem>>
    %dma_start3A_77 = arith.constant 0 : i32
    %dma_start3A_78 = arith.constant 0 : i32
    %dma_start3A_79 = tpu.memref_slice %arg2[%dma_start3A_77, %dma_start3A_78] : memref<10000x128xf32, #tpu.memory_space<hbm>> -> memref<10000x128xf32, #tpu.memory_space<hbm>>
    %dma_start3A_80 = tpu.memref_slice %arg11[%dma_start3A_69] : memref<5x!tpu.dma_semaphore, #tpu.memory_space<semaphore_mem>> -> memref<1x!tpu.dma_semaphore, #tpu.memory_space<semaphore_mem>>
    %dma_start3A_81 = tpu.memref_squeeze %dma_start3A_80 : memref<1x!tpu.dma_semaphore, #tpu.memory_space<semaphore_mem>> -> memref<!tpu.dma_semaphore, #tpu.memory_space<semaphore_mem>>
    tpu.enqueue_indirect_dma source(%dma_start3A_79 : memref<10000x128xf32, #tpu.memory_space<hbm>>) target(%dma_start3A_73 : memref<40x128xf32, #tpu.memory_space<vmem>>) offsets(%dma_start3A_76 : memref<40xi32, #tpu.memory_space<vmem>>) semaphore(%dma_start3A_81 : memref<!tpu.dma_semaphore, #tpu.memory_space<semaphore_mem>>)
    %dma_wait3A = arith.constant 0 : i32
    %dma_wait3A_82 = arith.constant 0 : i32
    %dma_wait3A_83 = arith.constant 0 : i32
    %dma_wait3A_84 = arith.constant 0 : i32
    %dma_wait3A_85 = arith.constant 0 : i32
    %dma_wait3A_86 = tpu.memref_slice %arg10[%dma_wait3A_82, %dma_wait3A_84, %dma_wait3A_85] : memref<5x40x128xf32, #tpu.memory_space<vmem>> -> memref<1x40x128xf32, #tpu.memory_space<vmem>>
    %dma_wait3A_87 = tpu.memref_squeeze %dma_wait3A_86 : memref<1x40x128xf32, #tpu.memory_space<vmem>> -> memref<40x128xf32, #tpu.memory_space<vmem>>
    %dma_wait3A_88 = arith.constant 0 : i32
    %dma_wait3A_89 = tpu.memref_slice %arg8[%dma_wait3A, %dma_wait3A_88] : memref<250x40xi32, #tpu.memory_space<vmem>> -> memref<1x40xi32, #tpu.memory_space<vmem>>
    %dma_wait3A_90 = tpu.memref_squeeze %dma_wait3A_89 : memref<1x40xi32, #tpu.memory_space<vmem>> -> memref<40xi32, #tpu.memory_space<vmem>>
    %dma_wait3A_91 = arith.constant 0 : i32
    %dma_wait3A_92 = arith.constant 0 : i32
    %dma_wait3A_93 = tpu.memref_slice %arg2[%dma_wait3A_91, %dma_wait3A_92] : memref<10000x128xf32, #tpu.memory_space<hbm>> -> memref<10000x128xf32, #tpu.memory_space<hbm>>
    %dma_wait3A_94 = tpu.memref_slice %arg11[%dma_wait3A_83] : memref<5x!tpu.dma_semaphore, #tpu.memory_space<semaphore_mem>> -> memref<1x!tpu.dma_semaphore, #tpu.memory_space<semaphore_mem>>
    %dma_wait3A_95 = tpu.memref_squeeze %dma_wait3A_94 : memref<1x!tpu.dma_semaphore, #tpu.memory_space<semaphore_mem>> -> memref<!tpu.dma_semaphore, #tpu.memory_space<semaphore_mem>>
    tpu.wait_indirect_dma semaphore(%dma_wait3A_95 : memref<!tpu.dma_semaphore, #tpu.memory_space<semaphore_mem>>) src(%dma_wait3A_93 : memref<10000x128xf32, #tpu.memory_space<hbm>>) dst(%dma_wait3A_87 : memref<40x128xf32, #tpu.memory_space<vmem>>)
    %dma_start3A_96 = arith.constant 0 : i32
    %dma_start3A_97 = arith.constant 0 : i32
    %dma_start3A_98 = arith.constant 0 : i32
    %dma_start3A_99 = arith.constant 0 : i32
    %dma_start3A_100 = arith.constant 0 : i32
    %dma_start3A_101 = tpu.memref_slice %arg10[%dma_start3A_96, %dma_start3A_99, %dma_start3A_100] : memref<5x40x128xf32, #tpu.memory_space<vmem>> -> memref<1x40x128xf32, #tpu.memory_space<vmem>>
    %dma_start3A_102 = tpu.memref_squeeze %dma_start3A_101 : memref<1x40x128xf32, #tpu.memory_space<vmem>> -> memref<40x128xf32, #tpu.memory_space<vmem>>
    %dma_start3A_103 = arith.constant 0 : i32
    %dma_start3A_104 = tpu.memref_slice %arg9[%dma_start3A_97, %dma_start3A_103] : memref<250x40xi32, #tpu.memory_space<vmem>> -> memref<1x40xi32, #tpu.memory_space<vmem>>
    %dma_start3A_105 = tpu.memref_squeeze %dma_start3A_104 : memref<1x40xi32, #tpu.memory_space<vmem>> -> memref<40xi32, #tpu.memory_space<vmem>>
    %dma_start3A_106 = arith.constant 0 : i32
    %dma_start3A_107 = arith.constant 0 : i32
    %dma_start3A_108 = tpu.memref_slice %arg7[%dma_start3A_106, %dma_start3A_107] : memref<10240x128xf32, #tpu.memory_space<vmem_shared>> -> memref<10240x128xf32, #tpu.memory_space<vmem_shared>>
    %dma_start3A_109 = tpu.memref_slice %arg12[%dma_start3A_98] : memref<5x!tpu.dma_semaphore, #tpu.memory_space<semaphore_mem>> -> memref<1x!tpu.dma_semaphore, #tpu.memory_space<semaphore_mem>>
    %dma_start3A_110 = tpu.memref_squeeze %dma_start3A_109 : memref<1x!tpu.dma_semaphore, #tpu.memory_space<semaphore_mem>> -> memref<!tpu.dma_semaphore, #tpu.memory_space<semaphore_mem>>
    tpu.enqueue_indirect_dma source(%dma_start3A_102 : memref<40x128xf32, #tpu.memory_space<vmem>>) target(%dma_start3A_108 : memref<10240x128xf32, #tpu.memory_space<vmem_shared>>) offsets(%dma_start3A_105 : memref<40xi32, #tpu.memory_space<vmem>>) semaphore(%dma_start3A_110 : memref<!tpu.dma_semaphore, #tpu.memory_space<semaphore_mem>>) {add = true}
    %dma_wait3A_111 = arith.constant 0 : i32
    %dma_wait3A_112 = arith.constant 0 : i32
    %dma_wait3A_113 = arith.constant 0 : i32
    %dma_wait3A_114 = arith.constant 0 : i32
    %dma_wait3A_115 = arith.constant 0 : i32
    %dma_wait3A_116 = tpu.memref_slice %arg10[%dma_wait3A_111, %dma_wait3A_114, %dma_wait3A_115] : memref<5x40x128xf32, #tpu.memory_space<vmem>> -> memref<1x40x128xf32, #tpu.memory_space<vmem>>
    %dma_wait3A_117 = tpu.memref_squeeze %dma_wait3A_116 : memref<1x40x128xf32, #tpu.memory_space<vmem>> -> memref<40x128xf32, #tpu.memory_space<vmem>>
    %dma_wait3A_118 = arith.constant 0 : i32
    %dma_wait3A_119 = tpu.memref_slice %arg9[%dma_wait3A_112, %dma_wait3A_118] : memref<250x40xi32, #tpu.memory_space<vmem>> -> memref<1x40xi32, #tpu.memory_space<vmem>>
    %dma_wait3A_120 = tpu.memref_squeeze %dma_wait3A_119 : memref<1x40xi32, #tpu.memory_space<vmem>> -> memref<40xi32, #tpu.memory_space<vmem>>
    %dma_wait3A_121 = arith.constant 0 : i32
    %dma_wait3A_122 = arith.constant 0 : i32
    %dma_wait3A_123 = tpu.memref_slice %arg7[%dma_wait3A_121, %dma_wait3A_122] : memref<10240x128xf32, #tpu.memory_space<vmem_shared>> -> memref<10240x128xf32, #tpu.memory_space<vmem_shared>>
    %dma_wait3A_124 = tpu.memref_slice %arg12[%dma_wait3A_113] : memref<5x!tpu.dma_semaphore, #tpu.memory_space<semaphore_mem>> -> memref<1x!tpu.dma_semaphore, #tpu.memory_space<semaphore_mem>>
    %dma_wait3A_125 = tpu.memref_squeeze %dma_wait3A_124 : memref<1x!tpu.dma_semaphore, #tpu.memory_space<semaphore_mem>> -> memref<!tpu.dma_semaphore, #tpu.memory_space<semaphore_mem>>
    tpu.wait_indirect_dma semaphore(%dma_wait3A_125 : memref<!tpu.dma_semaphore, #tpu.memory_space<semaphore_mem>>) src(%dma_wait3A_117 : memref<40x128xf32, #tpu.memory_space<vmem>>) dst(%dma_wait3A_123 : memref<10240x128xf32, #tpu.memory_space<vmem_shared>>)
    %dma_start3A_126 = arith.constant 5 : i32
    %dma_start3A_127 = arith.constant 0 : i32
    %dma_start3A_128 = arith.constant 0 : i32
    %dma_start3A_129 = arith.constant 0 : i32
    %dma_start3A_130 = arith.constant 0 : i32
    %dma_start3A_131 = tpu.memref_slice %arg10[%dma_start3A_127, %dma_start3A_129, %dma_start3A_130] : memref<5x40x128xf32, #tpu.memory_space<vmem>> -> memref<1x40x128xf32, #tpu.memory_space<vmem>>
    %dma_start3A_132 = tpu.memref_squeeze %dma_start3A_131 : memref<1x40x128xf32, #tpu.memory_space<vmem>> -> memref<40x128xf32, #tpu.memory_space<vmem>>
    %dma_start3A_133 = arith.constant 0 : i32
    %dma_start3A_134 = tpu.memref_slice %arg8[%dma_start3A_126, %dma_start3A_133] : memref<250x40xi32, #tpu.memory_space<vmem>> -> memref<1x40xi32, #tpu.memory_space<vmem>>
    %dma_start3A_135 = tpu.memref_squeeze %dma_start3A_134 : memref<1x40xi32, #tpu.memory_space<vmem>> -> memref<40xi32, #tpu.memory_space<vmem>>
    %dma_start3A_136 = arith.constant 0 : i32
    %dma_start3A_137 = arith.constant 0 : i32
    %dma_start3A_138 = tpu.memref_slice %arg2[%dma_start3A_136, %dma_start3A_137] : memref<10000x128xf32, #tpu.memory_space<hbm>> -> memref<10000x128xf32, #tpu.memory_space<hbm>>
    %dma_start3A_139 = tpu.memref_slice %arg11[%dma_start3A_128] : memref<5x!tpu.dma_semaphore, #tpu.memory_space<semaphore_mem>> -> memref<1x!tpu.dma_semaphore, #tpu.memory_space<semaphore_mem>>
    %dma_start3A_140 = tpu.memref_squeeze %dma_start3A_139 : memref<1x!tpu.dma_semaphore, #tpu.memory_space<semaphore_mem>> -> memref<!tpu.dma_semaphore, #tpu.memory_space<semaphore_mem>>
    tpu.enqueue_indirect_dma source(%dma_start3A_138 : memref<10000x128xf32, #tpu.memory_space<hbm>>) target(%dma_start3A_132 : memref<40x128xf32, #tpu.memory_space<vmem>>) offsets(%dma_start3A_135 : memref<40xi32, #tpu.memory_space<vmem>>) semaphore(%dma_start3A_140 : memref<!tpu.dma_semaphore, #tpu.memory_space<semaphore_mem>>)
    %dma_wait3A_141 = arith.constant 1 : i32
    %dma_wait3A_142 = arith.constant 1 : i32
    %dma_wait3A_143 = arith.constant 1 : i32
    %dma_wait3A_144 = arith.constant 0 : i32
    %dma_wait3A_145 = arith.constant 0 : i32
    %dma_wait3A_146 = tpu.memref_slice %arg10[%dma_wait3A_142, %dma_wait3A_144, %dma_wait3A_145] : memref<5x40x128xf32, #tpu.memory_space<vmem>> -> memref<1x40x128xf32, #tpu.memory_space<vmem>>
    %dma_wait3A_147 = tpu.memref_squeeze %dma_wait3A_146 : memref<1x40x128xf32, #tpu.memory_space<vmem>> -> memref<40x128xf32, #tpu.memory_space<vmem>>
    %dma_wait3A_148 = arith.constant 0 : i32
    %dma_wait3A_149 = tpu.memref_slice %arg8[%dma_wait3A_141, %dma_wait3A_148] : memref<250x40xi32, #tpu.memory_space<vmem>> -> memref<1x40xi32, #tpu.memory_space<vmem>>
    %dma_wait3A_150 = tpu.memref_squeeze %dma_wait3A_149 : memref<1x40xi32, #tpu.memory_space<vmem>> -> memref<40xi32, #tpu.memory_space<vmem>>
    %dma_wait3A_151 = arith.constant 0 : i32
    %dma_wait3A_152 = arith.constant 0 : i32
    %dma_wait3A_153 = tpu.memref_slice %arg2[%dma_wait3A_151, %dma_wait3A_152] : memref<10000x128xf32, #tpu.memory_space<hbm>> -> memref<10000x128xf32, #tpu.memory_space<hbm>>
    %dma_wait3A_154 = tpu.memref_slice %arg11[%dma_wait3A_143] : memref<5x!tpu.dma_semaphore, #tpu.memory_space<semaphore_mem>> -> memref<1x!tpu.dma_semaphore, #tpu.memory_space<semaphore_mem>>
    %dma_wait3A_155 = tpu.memref_squeeze %dma_wait3A_154 : memref<1x!tpu.dma_semaphore, #tpu.memory_space<semaphore_mem>> -> memref<!tpu.dma_semaphore, #tpu.memory_space<semaphore_mem>>
    tpu.wait_indirect_dma semaphore(%dma_wait3A_155 : memref<!tpu.dma_semaphore, #tpu.memory_space<semaphore_mem>>) src(%dma_wait3A_153 : memref<10000x128xf32, #tpu.memory_space<hbm>>) dst(%dma_wait3A_147 : memref<40x128xf32, #tpu.memory_space<vmem>>)
    %dma_start3A_156 = arith.constant 1 : i32
    %dma_start3A_157 = arith.constant 1 : i32
    %dma_start3A_158 = arith.constant 1 : i32
    %dma_start3A_159 = arith.constant 0 : i32
    %dma_start3A_160 = arith.constant 0 : i32
    %dma_start3A_161 = tpu.memref_slice %arg10[%dma_start3A_156, %dma_start3A_159, %dma_start3A_160] : memref<5x40x128xf32, #tpu.memory_space<vmem>> -> memref<1x40x128xf32, #tpu.memory_space<vmem>>
    %dma_start3A_162 = tpu.memref_squeeze %dma_start3A_161 : memref<1x40x128xf32, #tpu.memory_space<vmem>> -> memref<40x128xf32, #tpu.memory_space<vmem>>
    %dma_start3A_163 = arith.constant 0 : i32
    %dma_start3A_164 = tpu.memref_slice %arg9[%dma_start3A_157, %dma_start3A_163] : memref<250x40xi32, #tpu.memory_space<vmem>> -> memref<1x40xi32, #tpu.memory_space<vmem>>
    %dma_start3A_165 = tpu.memref_squeeze %dma_start3A_164 : memref<1x40xi32, #tpu.memory_space<vmem>> -> memref<40xi32, #tpu.memory_space<vmem>>
    %dma_start3A_166 = arith.constant 0 : i32
    %dma_start3A_167 = arith.constant 0 : i32
    %dma_start3A_168 = tpu.memref_slice %arg7[%dma_start3A_166, %dma_start3A_167] : memref<10240x128xf32, #tpu.memory_space<vmem_shared>> -> memref<10240x128xf32, #tpu.memory_space<vmem_shared>>
    %dma_start3A_169 = tpu.memref_slice %arg12[%dma_start3A_158] : memref<5x!tpu.dma_semaphore, #tpu.memory_space<semaphore_mem>> -> memref<1x!tpu.dma_semaphore, #tpu.memory_space<semaphore_mem>>
    %dma_start3A_170 = tpu.memref_squeeze %dma_start3A_169 : memref<1x!tpu.dma_semaphore, #tpu.memory_space<semaphore_mem>> -> memref<!tpu.dma_semaphore, #tpu.memory_space<semaphore_mem>>
    tpu.enqueue_indirect_dma source(%dma_start3A_162 : memref<40x128xf32, #tpu.memory_space<vmem>>) target(%dma_start3A_168 : memref<10240x128xf32, #tpu.memory_space<vmem_shared>>) offsets(%dma_start3A_165 : memref<40xi32, #tpu.memory_space<vmem>>) semaphore(%dma_start3A_170 : memref<!tpu.dma_semaphore, #tpu.memory_space<semaphore_mem>>) {add = true}
    %dma_wait3A_171 = arith.constant 1 : i32
    %dma_wait3A_172 = arith.constant 0 : i32
    %dma_wait3A_173 = arith.constant 1 : i32
    %dma_wait3A_174 = arith.constant 0 : i32
    %dma_wait3A_175 = arith.constant 0 : i32
    %dma_wait3A_176 = tpu.memref_slice %arg10[%dma_wait3A_171, %dma_wait3A_174, %dma_wait3A_175] : memref<5x40x128xf32, #tpu.memory_space<vmem>> -> memref<1x40x128xf32, #tpu.memory_space<vmem>>
    %dma_wait3A_177 = tpu.memref_squeeze %dma_wait3A_176 : memref<1x40x128xf32, #tpu.memory_space<vmem>> -> memref<40x128xf32, #tpu.memory_space<vmem>>
    %dma_wait3A_178 = arith.constant 0 : i32
    %dma_wait3A_179 = tpu.memref_slice %arg9[%dma_wait3A_172, %dma_wait3A_178] : memref<250x40xi32, #tpu.memory_space<vmem>> -> memref<1x40xi32, #tpu.memory_space<vmem>>
    %dma_wait3A_180 = tpu.memref_squeeze %dma_wait3A_179 : memref<1x40xi32, #tpu.memory_space<vmem>> -> memref<40xi32, #tpu.memory_space<vmem>>
    %dma_wait3A_181 = arith.constant 0 : i32
    %dma_wait3A_182 = arith.constant 0 : i32
    %dma_wait3A_183 = tpu.memref_slice %arg7[%dma_wait3A_181, %dma_wait3A_182] : memref<10240x128xf32, #tpu.memory_space<vmem_shared>> -> memref<10240x128xf32, #tpu.memory_space<vmem_shared>>
    %dma_wait3A_184 = tpu.memref_slice %arg12[%dma_wait3A_173] : memref<5x!tpu.dma_semaphore, #tpu.memory_space<semaphore_mem>> -> memref<1x!tpu.dma_semaphore, #tpu.memory_space<semaphore_mem>>
    %dma_wait3A_185 = tpu.memref_squeeze %dma_wait3A_184 : memref<1x!tpu.dma_semaphore, #tpu.memory_space<semaphore_mem>> -> memref<!tpu.dma_semaphore, #tpu.memory_space<semaphore_mem>>
    tpu.wait_indirect_dma semaphore(%dma_wait3A_185 : memref<!tpu.dma_semaphore, #tpu.memory_space<semaphore_mem>>) src(%dma_wait3A_177 : memref<40x128xf32, #tpu.memory_space<vmem>>) dst(%dma_wait3A_183 : memref<10240x128xf32, #tpu.memory_space<vmem_shared>>)
    %dma_start3A_186 = arith.constant 6 : i32
    %dma_start3A_187 = arith.constant 1 : i32
    %dma_start3A_188 = arith.constant 1 : i32
    %dma_start3A_189 = arith.constant 0 : i32
    %dma_start3A_190 = arith.constant 0 : i32
    %dma_start3A_191 = tpu.memref_slice %arg10[%dma_start3A_187, %dma_start3A_189, %dma_start3A_190] : memref<5x40x128xf32, #tpu.memory_space<vmem>> -> memref<1x40x128xf32, #tpu.memory_space<vmem>>
    %dma_start3A_192 = tpu.memref_squeeze %dma_start3A_191 : memref<1x40x128xf32, #tpu.memory_space<vmem>> -> memref<40x128xf32, #tpu.memory_space<vmem>>
    %dma_start3A_193 = arith.constant 0 : i32
    %dma_start3A_194 = tpu.memref_slice %arg8[%dma_start3A_186, %dma_start3A_193] : memref<250x40xi32, #tpu.memory_space<vmem>> -> memref<1x40xi32, #tpu.memory_space<vmem>>
    %dma_start3A_195 = tpu.memref_squeeze %dma_start3A_194 : memref<1x40xi32, #tpu.memory_space<vmem>> -> memref<40xi32, #tpu.memory_space<vmem>>
    %dma_start3A_196 = arith.constant 0 : i32
    %dma_start3A_197 = arith.constant 0 : i32
    %dma_start3A_198 = tpu.memref_slice %arg2[%dma_start3A_196, %dma_start3A_197] : memref<10000x128xf32, #tpu.memory_space<hbm>> -> memref<10000x128xf32, #tpu.memory_space<hbm>>
    %dma_start3A_199 = tpu.memref_slice %arg11[%dma_start3A_188] : memref<5x!tpu.dma_semaphore, #tpu.memory_space<semaphore_mem>> -> memref<1x!tpu.dma_semaphore, #tpu.memory_space<semaphore_mem>>
    %dma_start3A_200 = tpu.memref_squeeze %dma_start3A_199 : memref<1x!tpu.dma_semaphore, #tpu.memory_space<semaphore_mem>> -> memref<!tpu.dma_semaphore, #tpu.memory_space<semaphore_mem>>
    tpu.enqueue_indirect_dma source(%dma_start3A_198 : memref<10000x128xf32, #tpu.memory_space<hbm>>) target(%dma_start3A_192 : memref<40x128xf32, #tpu.memory_space<vmem>>) offsets(%dma_start3A_195 : memref<40xi32, #tpu.memory_space<vmem>>) semaphore(%dma_start3A_200 : memref<!tpu.dma_semaphore, #tpu.memory_space<semaphore_mem>>)
    %dma_wait3A_201 = arith.constant 2 : i32
    %dma_wait3A_202 = arith.constant 2 : i32
    %dma_wait3A_203 = arith.constant 2 : i32
    %dma_wait3A_204 = arith.constant 0 : i32
    %dma_wait3A_205 = arith.constant 0 : i32
    %dma_wait3A_206 = tpu.memref_slice %arg10[%dma_wait3A_202, %dma_wait3A_204, %dma_wait3A_205] : memref<5x40x128xf32, #tpu.memory_space<vmem>> -> memref<1x40x128xf32, #tpu.memory_space<vmem>>
    %dma_wait3A_207 = tpu.memref_squeeze %dma_wait3A_206 : memref<1x40x128xf32, #tpu.memory_space<vmem>> -> memref<40x128xf32, #tpu.memory_space<vmem>>
    %dma_wait3A_208 = arith.constant 0 : i32
    %dma_wait3A_209 = tpu.memref_slice %arg8[%dma_wait3A_201, %dma_wait3A_208] : memref<250x40xi32, #tpu.memory_space<vmem>> -> memref<1x40xi32, #tpu.memory_space<vmem>>
    %dma_wait3A_210 = tpu.memref_squeeze %dma_wait3A_209 : memref<1x40xi32, #tpu.memory_space<vmem>> -> memref<40xi32, #tpu.memory_space<vmem>>
    %dma_wait3A_211 = arith.constant 0 : i32
    %dma_wait3A_212 = arith.constant 0 : i32
    %dma_wait3A_213 = tpu.memref_slice %arg2[%dma_wait3A_211, %dma_wait3A_212] : memref<10000x128xf32, #tpu.memory_space<hbm>> -> memref<10000x128xf32, #tpu.memory_space<hbm>>
    %dma_wait3A_214 = tpu.memref_slice %arg11[%dma_wait3A_203] : memref<5x!tpu.dma_semaphore, #tpu.memory_space<semaphore_mem>> -> memref<1x!tpu.dma_semaphore, #tpu.memory_space<semaphore_mem>>
    %dma_wait3A_215 = tpu.memref_squeeze %dma_wait3A_214 : memref<1x!tpu.dma_semaphore, #tpu.memory_space<semaphore_mem>> -> memref<!tpu.dma_semaphore, #tpu.memory_space<semaphore_mem>>
    tpu.wait_indirect_dma semaphore(%dma_wait3A_215 : memref<!tpu.dma_semaphore, #tpu.memory_space<semaphore_mem>>) src(%dma_wait3A_213 : memref<10000x128xf32, #tpu.memory_space<hbm>>) dst(%dma_wait3A_207 : memref<40x128xf32, #tpu.memory_space<vmem>>)
    %dma_start3A_216 = arith.constant 2 : i32
    %dma_start3A_217 = arith.constant 2 : i32
    %dma_start3A_218 = arith.constant 2 : i32
    %dma_start3A_219 = arith.constant 0 : i32
    %dma_start3A_220 = arith.constant 0 : i32
    %dma_start3A_221 = tpu.memref_slice %arg10[%dma_start3A_216, %dma_start3A_219, %dma_start3A_220] : memref<5x40x128xf32, #tpu.memory_space<vmem>> -> memref<1x40x128xf32, #tpu.memory_space<vmem>>
    %dma_start3A_222 = tpu.memref_squeeze %dma_start3A_221 : memref<1x40x128xf32, #tpu.memory_space<vmem>> -> memref<40x128xf32, #tpu.memory_space<vmem>>
    %dma_start3A_223 = arith.constant 0 : i32
    %dma_start3A_224 = tpu.memref_slice %arg9[%dma_start3A_217, %dma_start3A_223] : memref<250x40xi32, #tpu.memory_space<vmem>> -> memref<1x40xi32, #tpu.memory_space<vmem>>
    %dma_start3A_225 = tpu.memref_squeeze %dma_start3A_224 : memref<1x40xi32, #tpu.memory_space<vmem>> -> memref<40xi32, #tpu.memory_space<vmem>>
    %dma_start3A_226 = arith.constant 0 : i32
    %dma_start3A_227 = arith.constant 0 : i32
    %dma_start3A_228 = tpu.memref_slice %arg7[%dma_start3A_226, %dma_start3A_227] : memref<10240x128xf32, #tpu.memory_space<vmem_shared>> -> memref<10240x128xf32, #tpu.memory_space<vmem_shared>>
    %dma_start3A_229 = tpu.memref_slice %arg12[%dma_start3A_218] : memref<5x!tpu.dma_semaphore, #tpu.memory_space<semaphore_mem>> -> memref<1x!tpu.dma_semaphore, #tpu.memory_space<semaphore_mem>>
    %dma_start3A_230 = tpu.memref_squeeze %dma_start3A_229 : memref<1x!tpu.dma_semaphore, #tpu.memory_space<semaphore_mem>> -> memref<!tpu.dma_semaphore, #tpu.memory_space<semaphore_mem>>
    tpu.enqueue_indirect_dma source(%dma_start3A_222 : memref<40x128xf32, #tpu.memory_space<vmem>>) target(%dma_start3A_228 : memref<10240x128xf32, #tpu.memory_space<vmem_shared>>) offsets(%dma_start3A_225 : memref<40xi32, #tpu.memory_space<vmem>>) semaphore(%dma_start3A_230 : memref<!tpu.dma_semaphore, #tpu.memory_space<semaphore_mem>>) {add = true}
    %dma_wait3A_231 = arith.constant 2 : i32
    %dma_wait3A_232 = arith.constant 0 : i32
    %dma_wait3A_233 = arith.constant 2 : i32
    %dma_wait3A_234 = arith.constant 0 : i32
    %dma_wait3A_235 = arith.constant 0 : i32
    %dma_wait3A_236 = tpu.memref_slice %arg10[%dma_wait3A_231, %dma_wait3A_234, %dma_wait3A_235] : memref<5x40x128xf32, #tpu.memory_space<vmem>> -> memref<1x40x128xf32, #tpu.memory_space<vmem>>
    %dma_wait3A_237 = tpu.memref_squeeze %dma_wait3A_236 : memref<1x40x128xf32, #tpu.memory_space<vmem>> -> memref<40x128xf32, #tpu.memory_space<vmem>>
    %dma_wait3A_238 = arith.constant 0 : i32
    %dma_wait3A_239 = tpu.memref_slice %arg9[%dma_wait3A_232, %dma_wait3A_238] : memref<250x40xi32, #tpu.memory_space<vmem>> -> memref<1x40xi32, #tpu.memory_space<vmem>>
    %dma_wait3A_240 = tpu.memref_squeeze %dma_wait3A_239 : memref<1x40xi32, #tpu.memory_space<vmem>> -> memref<40xi32, #tpu.memory_space<vmem>>
    %dma_wait3A_241 = arith.constant 0 : i32
    %dma_wait3A_242 = arith.constant 0 : i32
    %dma_wait3A_243 = tpu.memref_slice %arg7[%dma_wait3A_241, %dma_wait3A_242] : memref<10240x128xf32, #tpu.memory_space<vmem_shared>> -> memref<10240x128xf32, #tpu.memory_space<vmem_shared>>
    %dma_wait3A_244 = tpu.memref_slice %arg12[%dma_wait3A_233] : memref<5x!tpu.dma_semaphore, #tpu.memory_space<semaphore_mem>> -> memref<1x!tpu.dma_semaphore, #tpu.memory_space<semaphore_mem>>
    %dma_wait3A_245 = tpu.memref_squeeze %dma_wait3A_244 : memref<1x!tpu.dma_semaphore, #tpu.memory_space<semaphore_mem>> -> memref<!tpu.dma_semaphore, #tpu.memory_space<semaphore_mem>>
    tpu.wait_indirect_dma semaphore(%dma_wait3A_245 : memref<!tpu.dma_semaphore, #tpu.memory_space<semaphore_mem>>) src(%dma_wait3A_237 : memref<40x128xf32, #tpu.memory_space<vmem>>) dst(%dma_wait3A_243 : memref<10240x128xf32, #tpu.memory_space<vmem_shared>>)
    %dma_start3A_246 = arith.constant 7 : i32
    %dma_start3A_247 = arith.constant 2 : i32
    %dma_start3A_248 = arith.constant 2 : i32
    %dma_start3A_249 = arith.constant 0 : i32
    %dma_start3A_250 = arith.constant 0 : i32
    %dma_start3A_251 = tpu.memref_slice %arg10[%dma_start3A_247, %dma_start3A_249, %dma_start3A_250] : memref<5x40x128xf32, #tpu.memory_space<vmem>> -> memref<1x40x128xf32, #tpu.memory_space<vmem>>
    %dma_start3A_252 = tpu.memref_squeeze %dma_start3A_251 : memref<1x40x128xf32, #tpu.memory_space<vmem>> -> memref<40x128xf32, #tpu.memory_space<vmem>>
    %dma_start3A_253 = arith.constant 0 : i32
    %dma_start3A_254 = tpu.memref_slice %arg8[%dma_start3A_246, %dma_start3A_253] : memref<250x40xi32, #tpu.memory_space<vmem>> -> memref<1x40xi32, #tpu.memory_space<vmem>>
    %dma_start3A_255 = tpu.memref_squeeze %dma_start3A_254 : memref<1x40xi32, #tpu.memory_space<vmem>> -> memref<40xi32, #tpu.memory_space<vmem>>
    %dma_start3A_256 = arith.constant 0 : i32
    %dma_start3A_257 = arith.constant 0 : i32
    %dma_start3A_258 = tpu.memref_slice %arg2[%dma_start3A_256, %dma_start3A_257] : memref<10000x128xf32, #tpu.memory_space<hbm>> -> memref<10000x128xf32, #tpu.memory_space<hbm>>
    %dma_start3A_259 = tpu.memref_slice %arg11[%dma_start3A_248] : memref<5x!tpu.dma_semaphore, #tpu.memory_space<semaphore_mem>> -> memref<1x!tpu.dma_semaphore, #tpu.memory_space<semaphore_mem>>
    %dma_start3A_260 = tpu.memref_squeeze %dma_start3A_259 : memref<1x!tpu.dma_semaphore, #tpu.memory_space<semaphore_mem>> -> memref<!tpu.dma_semaphore, #tpu.memory_space<semaphore_mem>>
    tpu.enqueue_indirect_dma source(%dma_start3A_258 : memref<10000x128xf32, #tpu.memory_space<hbm>>) target(%dma_start3A_252 : memref<40x128xf32, #tpu.memory_space<vmem>>) offsets(%dma_start3A_255 : memref<40xi32, #tpu.memory_space<vmem>>) semaphore(%dma_start3A_260 : memref<!tpu.dma_semaphore, #tpu.memory_space<semaphore_mem>>)
    %dma_wait3A_261 = arith.constant 3 : i32
    %dma_wait3A_262 = arith.constant 3 : i32
    %dma_wait3A_263 = arith.constant 3 : i32
    %dma_wait3A_264 = arith.constant 0 : i32
    %dma_wait3A_265 = arith.constant 0 : i32
    %dma_wait3A_266 = tpu.memref_slice %arg10[%dma_wait3A_262, %dma_wait3A_264, %dma_wait3A_265] : memref<5x40x128xf32, #tpu.memory_space<vmem>> -> memref<1x40x128xf32, #tpu.memory_space<vmem>>
    %dma_wait3A_267 = tpu.memref_squeeze %dma_wait3A_266 : memref<1x40x128xf32, #tpu.memory_space<vmem>> -> memref<40x128xf32, #tpu.memory_space<vmem>>
    %dma_wait3A_268 = arith.constant 0 : i32
    %dma_wait3A_269 = tpu.memref_slice %arg8[%dma_wait3A_261, %dma_wait3A_268] : memref<250x40xi32, #tpu.memory_space<vmem>> -> memref<1x40xi32, #tpu.memory_space<vmem>>
    %dma_wait3A_270 = tpu.memref_squeeze %dma_wait3A_269 : memref<1x40xi32, #tpu.memory_space<vmem>> -> memref<40xi32, #tpu.memory_space<vmem>>
    %dma_wait3A_271 = arith.constant 0 : i32
    %dma_wait3A_272 = arith.constant 0 : i32
    %dma_wait3A_273 = tpu.memref_slice %arg2[%dma_wait3A_271, %dma_wait3A_272] : memref<10000x128xf32, #tpu.memory_space<hbm>> -> memref<10000x128xf32, #tpu.memory_space<hbm>>
    %dma_wait3A_274 = tpu.memref_slice %arg11[%dma_wait3A_263] : memref<5x!tpu.dma_semaphore, #tpu.memory_space<semaphore_mem>> -> memref<1x!tpu.dma_semaphore, #tpu.memory_space<semaphore_mem>>
    %dma_wait3A_275 = tpu.memref_squeeze %dma_wait3A_274 : memref<1x!tpu.dma_semaphore, #tpu.memory_space<semaphore_mem>> -> memref<!tpu.dma_semaphore, #tpu.memory_space<semaphore_mem>>
    tpu.wait_indirect_dma semaphore(%dma_wait3A_275 : memref<!tpu.dma_semaphore, #tpu.memory_space<semaphore_mem>>) src(%dma_wait3A_273 : memref<10000x128xf32, #tpu.memory_space<hbm>>) dst(%dma_wait3A_267 : memref<40x128xf32, #tpu.memory_space<vmem>>)
    %dma_start3A_276 = arith.constant 3 : i32
    %dma_start3A_277 = arith.constant 3 : i32
    %dma_start3A_278 = arith.constant 3 : i32
    %dma_start3A_279 = arith.constant 0 : i32
    %dma_start3A_280 = arith.constant 0 : i32
    %dma_start3A_281 = tpu.memref_slice %arg10[%dma_start3A_276, %dma_start3A_279, %dma_start3A_280] : memref<5x40x128xf32, #tpu.memory_space<vmem>> -> memref<1x40x128xf32, #tpu.memory_space<vmem>>
    %dma_start3A_282 = tpu.memref_squeeze %dma_start3A_281 : memref<1x40x128xf32, #tpu.memory_space<vmem>> -> memref<40x128xf32, #tpu.memory_space<vmem>>
    %dma_start3A_283 = arith.constant 0 : i32
    %dma_start3A_284 = tpu.memref_slice %arg9[%dma_start3A_277, %dma_start3A_283] : memref<250x40xi32, #tpu.memory_space<vmem>> -> memref<1x40xi32, #tpu.memory_space<vmem>>
    %dma_start3A_285 = tpu.memref_squeeze %dma_start3A_284 : memref<1x40xi32, #tpu.memory_space<vmem>> -> memref<40xi32, #tpu.memory_space<vmem>>
    %dma_start3A_286 = arith.constant 0 : i32
    %dma_start3A_287 = arith.constant 0 : i32
    %dma_start3A_288 = tpu.memref_slice %arg7[%dma_start3A_286, %dma_start3A_287] : memref<10240x128xf32, #tpu.memory_space<vmem_shared>> -> memref<10240x128xf32, #tpu.memory_space<vmem_shared>>
    %dma_start3A_289 = tpu.memref_slice %arg12[%dma_start3A_278] : memref<5x!tpu.dma_semaphore, #tpu.memory_space<semaphore_mem>> -> memref<1x!tpu.dma_semaphore, #tpu.memory_space<semaphore_mem>>
    %dma_start3A_290 = tpu.memref_squeeze %dma_start3A_289 : memref<1x!tpu.dma_semaphore, #tpu.memory_space<semaphore_mem>> -> memref<!tpu.dma_semaphore, #tpu.memory_space<semaphore_mem>>
    tpu.enqueue_indirect_dma source(%dma_start3A_282 : memref<40x128xf32, #tpu.memory_space<vmem>>) target(%dma_start3A_288 : memref<10240x128xf32, #tpu.memory_space<vmem_shared>>) offsets(%dma_start3A_285 : memref<40xi32, #tpu.memory_space<vmem>>) semaphore(%dma_start3A_290 : memref<!tpu.dma_semaphore, #tpu.memory_space<semaphore_mem>>) {add = true}
    %dma_wait3A_291 = arith.constant 3 : i32
    %dma_wait3A_292 = arith.constant 0 : i32
    %dma_wait3A_293 = arith.constant 3 : i32
    %dma_wait3A_294 = arith.constant 0 : i32
    %dma_wait3A_295 = arith.constant 0 : i32
    %dma_wait3A_296 = tpu.memref_slice %arg10[%dma_wait3A_291, %dma_wait3A_294, %dma_wait3A_295] : memref<5x40x128xf32, #tpu.memory_space<vmem>> -> memref<1x40x128xf32, #tpu.memory_space<vmem>>
    %dma_wait3A_297 = tpu.memref_squeeze %dma_wait3A_296 : memref<1x40x128xf32, #tpu.memory_space<vmem>> -> memref<40x128xf32, #tpu.memory_space<vmem>>
    %dma_wait3A_298 = arith.constant 0 : i32
    %dma_wait3A_299 = tpu.memref_slice %arg9[%dma_wait3A_292, %dma_wait3A_298] : memref<250x40xi32, #tpu.memory_space<vmem>> -> memref<1x40xi32, #tpu.memory_space<vmem>>
    %dma_wait3A_300 = tpu.memref_squeeze %dma_wait3A_299 : memref<1x40xi32, #tpu.memory_space<vmem>> -> memref<40xi32, #tpu.memory_space<vmem>>
    %dma_wait3A_301 = arith.constant 0 : i32
    %dma_wait3A_302 = arith.constant 0 : i32
    %dma_wait3A_303 = tpu.memref_slice %arg7[%dma_wait3A_301, %dma_wait3A_302] : memref<10240x128xf32, #tpu.memory_space<vmem_shared>> -> memref<10240x128xf32, #tpu.memory_space<vmem_shared>>
    %dma_wait3A_304 = tpu.memref_slice %arg12[%dma_wait3A_293] : memref<5x!tpu.dma_semaphore, #tpu.memory_space<semaphore_mem>> -> memref<1x!tpu.dma_semaphore, #tpu.memory_space<semaphore_mem>>
    %dma_wait3A_305 = tpu.memref_squeeze %dma_wait3A_304 : memref<1x!tpu.dma_semaphore, #tpu.memory_space<semaphore_mem>> -> memref<!tpu.dma_semaphore, #tpu.memory_space<semaphore_mem>>
    tpu.wait_indirect_dma semaphore(%dma_wait3A_305 : memref<!tpu.dma_semaphore, #tpu.memory_space<semaphore_mem>>) src(%dma_wait3A_297 : memref<40x128xf32, #tpu.memory_space<vmem>>) dst(%dma_wait3A_303 : memref<10240x128xf32, #tpu.memory_space<vmem_shared>>)
    %dma_start3A_306 = arith.constant 8 : i32
    %dma_start3A_307 = arith.constant 3 : i32
    %dma_start3A_308 = arith.constant 3 : i32
    %dma_start3A_309 = arith.constant 0 : i32
    %dma_start3A_310 = arith.constant 0 : i32
    %dma_start3A_311 = tpu.memref_slice %arg10[%dma_start3A_307, %dma_start3A_309, %dma_start3A_310] : memref<5x40x128xf32, #tpu.memory_space<vmem>> -> memref<1x40x128xf32, #tpu.memory_space<vmem>>
    %dma_start3A_312 = tpu.memref_squeeze %dma_start3A_311 : memref<1x40x128xf32, #tpu.memory_space<vmem>> -> memref<40x128xf32, #tpu.memory_space<vmem>>
    %dma_start3A_313 = arith.constant 0 : i32
    %dma_start3A_314 = tpu.memref_slice %arg8[%dma_start3A_306, %dma_start3A_313] : memref<250x40xi32, #tpu.memory_space<vmem>> -> memref<1x40xi32, #tpu.memory_space<vmem>>
    %dma_start3A_315 = tpu.memref_squeeze %dma_start3A_314 : memref<1x40xi32, #tpu.memory_space<vmem>> -> memref<40xi32, #tpu.memory_space<vmem>>
    %dma_start3A_316 = arith.constant 0 : i32
    %dma_start3A_317 = arith.constant 0 : i32
    %dma_start3A_318 = tpu.memref_slice %arg2[%dma_start3A_316, %dma_start3A_317] : memref<10000x128xf32, #tpu.memory_space<hbm>> -> memref<10000x128xf32, #tpu.memory_space<hbm>>
    %dma_start3A_319 = tpu.memref_slice %arg11[%dma_start3A_308] : memref<5x!tpu.dma_semaphore, #tpu.memory_space<semaphore_mem>> -> memref<1x!tpu.dma_semaphore, #tpu.memory_space<semaphore_mem>>
    %dma_start3A_320 = tpu.memref_squeeze %dma_start3A_319 : memref<1x!tpu.dma_semaphore, #tpu.memory_space<semaphore_mem>> -> memref<!tpu.dma_semaphore, #tpu.memory_space<semaphore_mem>>
    tpu.enqueue_indirect_dma source(%dma_start3A_318 : memref<10000x128xf32, #tpu.memory_space<hbm>>) target(%dma_start3A_312 : memref<40x128xf32, #tpu.memory_space<vmem>>) offsets(%dma_start3A_315 : memref<40xi32, #tpu.memory_space<vmem>>) semaphore(%dma_start3A_320 : memref<!tpu.dma_semaphore, #tpu.memory_space<semaphore_mem>>)
    %dma_wait3A_321 = arith.constant 4 : i32
    %dma_wait3A_322 = arith.constant 4 : i32
    %dma_wait3A_323 = arith.constant 4 : i32
    %dma_wait3A_324 = arith.constant 0 : i32
    %dma_wait3A_325 = arith.constant 0 : i32
    %dma_wait3A_326 = tpu.memref_slice %arg10[%dma_wait3A_322, %dma_wait3A_324, %dma_wait3A_325] : memref<5x40x128xf32, #tpu.memory_space<vmem>> -> memref<1x40x128xf32, #tpu.memory_space<vmem>>
    %dma_wait3A_327 = tpu.memref_squeeze %dma_wait3A_326 : memref<1x40x128xf32, #tpu.memory_space<vmem>> -> memref<40x128xf32, #tpu.memory_space<vmem>>
    %dma_wait3A_328 = arith.constant 0 : i32
    %dma_wait3A_329 = tpu.memref_slice %arg8[%dma_wait3A_321, %dma_wait3A_328] : memref<250x40xi32, #tpu.memory_space<vmem>> -> memref<1x40xi32, #tpu.memory_space<vmem>>
    %dma_wait3A_330 = tpu.memref_squeeze %dma_wait3A_329 : memref<1x40xi32, #tpu.memory_space<vmem>> -> memref<40xi32, #tpu.memory_space<vmem>>
    %dma_wait3A_331 = arith.constant 0 : i32
    %dma_wait3A_332 = arith.constant 0 : i32
    %dma_wait3A_333 = tpu.memref_slice %arg2[%dma_wait3A_331, %dma_wait3A_332] : memref<10000x128xf32, #tpu.memory_space<hbm>> -> memref<10000x128xf32, #tpu.memory_space<hbm>>
    %dma_wait3A_334 = tpu.memref_slice %arg11[%dma_wait3A_323] : memref<5x!tpu.dma_semaphore, #tpu.memory_space<semaphore_mem>> -> memref<1x!tpu.dma_semaphore, #tpu.memory_space<semaphore_mem>>
    %dma_wait3A_335 = tpu.memref_squeeze %dma_wait3A_334 : memref<1x!tpu.dma_semaphore, #tpu.memory_space<semaphore_mem>> -> memref<!tpu.dma_semaphore, #tpu.memory_space<semaphore_mem>>
    tpu.wait_indirect_dma semaphore(%dma_wait3A_335 : memref<!tpu.dma_semaphore, #tpu.memory_space<semaphore_mem>>) src(%dma_wait3A_333 : memref<10000x128xf32, #tpu.memory_space<hbm>>) dst(%dma_wait3A_327 : memref<40x128xf32, #tpu.memory_space<vmem>>)
    %dma_start3A_336 = arith.constant 4 : i32
    %dma_start3A_337 = arith.constant 4 : i32
    %dma_start3A_338 = arith.constant 4 : i32
    %dma_start3A_339 = arith.constant 0 : i32
    %dma_start3A_340 = arith.constant 0 : i32
    %dma_start3A_341 = tpu.memref_slice %arg10[%dma_start3A_336, %dma_start3A_339, %dma_start3A_340] : memref<5x40x128xf32, #tpu.memory_space<vmem>> -> memref<1x40x128xf32, #tpu.memory_space<vmem>>
    %dma_start3A_342 = tpu.memref_squeeze %dma_start3A_341 : memref<1x40x128xf32, #tpu.memory_space<vmem>> -> memref<40x128xf32, #tpu.memory_space<vmem>>
    %dma_start3A_343 = arith.constant 0 : i32
    %dma_start3A_344 = tpu.memref_slice %arg9[%dma_start3A_337, %dma_start3A_343] : memref<250x40xi32, #tpu.memory_space<vmem>> -> memref<1x40xi32, #tpu.memory_space<vmem>>
    %dma_start3A_345 = tpu.memref_squeeze %dma_start3A_344 : memref<1x40xi32, #tpu.memory_space<vmem>> -> memref<40xi32, #tpu.memory_space<vmem>>
    %dma_start3A_346 = arith.constant 0 : i32
    %dma_start3A_347 = arith.constant 0 : i32
    %dma_start3A_348 = tpu.memref_slice %arg7[%dma_start3A_346, %dma_start3A_347] : memref<10240x128xf32, #tpu.memory_space<vmem_shared>> -> memref<10240x128xf32, #tpu.memory_space<vmem_shared>>
    %dma_start3A_349 = tpu.memref_slice %arg12[%dma_start3A_338] : memref<5x!tpu.dma_semaphore, #tpu.memory_space<semaphore_mem>> -> memref<1x!tpu.dma_semaphore, #tpu.memory_space<semaphore_mem>>
    %dma_start3A_350 = tpu.memref_squeeze %dma_start3A_349 : memref<1x!tpu.dma_semaphore, #tpu.memory_space<semaphore_mem>> -> memref<!tpu.dma_semaphore, #tpu.memory_space<semaphore_mem>>
    tpu.enqueue_indirect_dma source(%dma_start3A_342 : memref<40x128xf32, #tpu.memory_space<vmem>>) target(%dma_start3A_348 : memref<10240x128xf32, #tpu.memory_space<vmem_shared>>) offsets(%dma_start3A_345 : memref<40xi32, #tpu.memory_space<vmem>>) semaphore(%dma_start3A_350 : memref<!tpu.dma_semaphore, #tpu.memory_space<semaphore_mem>>) {add = true}
    %scan3A = arith.constant 0 : i32
    %scan3A_351 = arith.constant 1 : i32
    %scan3A_352 = arith.constant 48 : i32
    %scan3A_353 = arith.addi %scan3A_351, %scan3A_352 : i32
    %scan3A_354 = arith.constant 1 : i32
    scf.for %scan3A_616 = %scan3A_351 to %scan3A_353 step %scan3A_354  : i32 {
      %mul3A_617 = arith.constant 5 : i32
      %mul3A_618 = arith.muli %scan3A_616, %mul3A_617 : i32
      %dma_wait3A_619 = arith.constant 4 : i32
      %dma_wait3A_620 = arith.constant 0 : i32
      %dma_wait3A_621 = arith.constant 4 : i32
      %dma_wait3A_622 = arith.constant 0 : i32
      %dma_wait3A_623 = arith.constant 0 : i32
      %dma_wait3A_624 = tpu.memref_slice %arg10[%dma_wait3A_619, %dma_wait3A_622, %dma_wait3A_623] : memref<5x40x128xf32, #tpu.memory_space<vmem>> -> memref<1x40x128xf32, #tpu.memory_space<vmem>>
      %dma_wait3A_625 = tpu.memref_squeeze %dma_wait3A_624 : memref<1x40x128xf32, #tpu.memory_space<vmem>> -> memref<40x128xf32, #tpu.memory_space<vmem>>
      %dma_wait3A_626 = arith.constant 0 : i32
      %dma_wait3A_627 = tpu.memref_slice %arg9[%dma_wait3A_620, %dma_wait3A_626] : memref<250x40xi32, #tpu.memory_space<vmem>> -> memref<1x40xi32, #tpu.memory_space<vmem>>
      %dma_wait3A_628 = tpu.memref_squeeze %dma_wait3A_627 : memref<1x40xi32, #tpu.memory_space<vmem>> -> memref<40xi32, #tpu.memory_space<vmem>>
      %dma_wait3A_629 = arith.constant 0 : i32
      %dma_wait3A_630 = arith.constant 0 : i32
      %dma_wait3A_631 = tpu.memref_slice %arg7[%dma_wait3A_629, %dma_wait3A_630] : memref<10240x128xf32, #tpu.memory_space<vmem_shared>> -> memref<10240x128xf32, #tpu.memory_space<vmem_shared>>
      %dma_wait3A_632 = tpu.memref_slice %arg12[%dma_wait3A_621] : memref<5x!tpu.dma_semaphore, #tpu.memory_space<semaphore_mem>> -> memref<1x!tpu.dma_semaphore, #tpu.memory_space<semaphore_mem>>
      %dma_wait3A_633 = tpu.memref_squeeze %dma_wait3A_632 : memref<1x!tpu.dma_semaphore, #tpu.memory_space<semaphore_mem>> -> memref<!tpu.dma_semaphore, #tpu.memory_space<semaphore_mem>>
      tpu.wait_indirect_dma semaphore(%dma_wait3A_633 : memref<!tpu.dma_semaphore, #tpu.memory_space<semaphore_mem>>) src(%dma_wait3A_625 : memref<40x128xf32, #tpu.memory_space<vmem>>) dst(%dma_wait3A_631 : memref<10240x128xf32, #tpu.memory_space<vmem_shared>>)
      %add3A_634 = arith.constant 0 : i32
      %add3A_635 = arith.addi %mul3A_618, %add3A_634 : i32
      %add3A_636 = arith.constant 4 : i32
      %add3A_637 = arith.addi %add3A_635, %add3A_636 : i32
      %dma_start3A_638 = arith.constant 4 : i32
      %dma_start3A_639 = arith.constant 4 : i32
      %dma_start3A_640 = arith.constant 0 : i32
      %dma_start3A_641 = arith.constant 0 : i32
      %dma_start3A_642 = tpu.memref_slice %arg10[%dma_start3A_638, %dma_start3A_640, %dma_start3A_641] : memref<5x40x128xf32, #tpu.memory_space<vmem>> -> memref<1x40x128xf32, #tpu.memory_space<vmem>>
      %dma_start3A_643 = tpu.memref_squeeze %dma_start3A_642 : memref<1x40x128xf32, #tpu.memory_space<vmem>> -> memref<40x128xf32, #tpu.memory_space<vmem>>
      %dma_start3A_644 = arith.constant 0 : i32
      %dma_start3A_645 = tpu.memref_slice %arg8[%add3A_637, %dma_start3A_644] : memref<250x40xi32, #tpu.memory_space<vmem>> -> memref<1x40xi32, #tpu.memory_space<vmem>>
      %dma_start3A_646 = tpu.memref_squeeze %dma_start3A_645 : memref<1x40xi32, #tpu.memory_space<vmem>> -> memref<40xi32, #tpu.memory_space<vmem>>
      %dma_start3A_647 = arith.constant 0 : i32
      %dma_start3A_648 = arith.constant 0 : i32
      %dma_start3A_649 = tpu.memref_slice %arg2[%dma_start3A_647, %dma_start3A_648] : memref<10000x128xf32, #tpu.memory_space<hbm>> -> memref<10000x128xf32, #tpu.memory_space<hbm>>
      %dma_start3A_650 = tpu.memref_slice %arg11[%dma_start3A_639] : memref<5x!tpu.dma_semaphore, #tpu.memory_space<semaphore_mem>> -> memref<1x!tpu.dma_semaphore, #tpu.memory_space<semaphore_mem>>
      %dma_start3A_651 = tpu.memref_squeeze %dma_start3A_650 : memref<1x!tpu.dma_semaphore, #tpu.memory_space<semaphore_mem>> -> memref<!tpu.dma_semaphore, #tpu.memory_space<semaphore_mem>>
      tpu.enqueue_indirect_dma source(%dma_start3A_649 : memref<10000x128xf32, #tpu.memory_space<hbm>>) target(%dma_start3A_643 : memref<40x128xf32, #tpu.memory_space<vmem>>) offsets(%dma_start3A_646 : memref<40xi32, #tpu.memory_space<vmem>>) semaphore(%dma_start3A_651 : memref<!tpu.dma_semaphore, #tpu.memory_space<semaphore_mem>>)
      %add3A_652 = arith.constant 0 : i32
      %add3A_653 = arith.addi %mul3A_618, %add3A_652 : i32
      %dma_wait3A_654 = arith.constant 0 : i32
      %dma_wait3A_655 = arith.constant 0 : i32
      %dma_wait3A_656 = arith.constant 0 : i32
      %dma_wait3A_657 = arith.constant 0 : i32
      %dma_wait3A_658 = tpu.memref_slice %arg10[%dma_wait3A_654, %dma_wait3A_656, %dma_wait3A_657] : memref<5x40x128xf32, #tpu.memory_space<vmem>> -> memref<1x40x128xf32, #tpu.memory_space<vmem>>
      %dma_wait3A_659 = tpu.memref_squeeze %dma_wait3A_658 : memref<1x40x128xf32, #tpu.memory_space<vmem>> -> memref<40x128xf32, #tpu.memory_space<vmem>>
      %dma_wait3A_660 = arith.constant 0 : i32
      %dma_wait3A_661 = tpu.memref_slice %arg8[%add3A_653, %dma_wait3A_660] : memref<250x40xi32, #tpu.memory_space<vmem>> -> memref<1x40xi32, #tpu.memory_space<vmem>>
      %dma_wait3A_662 = tpu.memref_squeeze %dma_wait3A_661 : memref<1x40xi32, #tpu.memory_space<vmem>> -> memref<40xi32, #tpu.memory_space<vmem>>
      %dma_wait3A_663 = arith.constant 0 : i32
      %dma_wait3A_664 = arith.constant 0 : i32
      %dma_wait3A_665 = tpu.memref_slice %arg2[%dma_wait3A_663, %dma_wait3A_664] : memref<10000x128xf32, #tpu.memory_space<hbm>> -> memref<10000x128xf32, #tpu.memory_space<hbm>>
      %dma_wait3A_666 = tpu.memref_slice %arg11[%dma_wait3A_655] : memref<5x!tpu.dma_semaphore, #tpu.memory_space<semaphore_mem>> -> memref<1x!tpu.dma_semaphore, #tpu.memory_space<semaphore_mem>>
      %dma_wait3A_667 = tpu.memref_squeeze %dma_wait3A_666 : memref<1x!tpu.dma_semaphore, #tpu.memory_space<semaphore_mem>> -> memref<!tpu.dma_semaphore, #tpu.memory_space<semaphore_mem>>
      tpu.wait_indirect_dma semaphore(%dma_wait3A_667 : memref<!tpu.dma_semaphore, #tpu.memory_space<semaphore_mem>>) src(%dma_wait3A_665 : memref<10000x128xf32, #tpu.memory_space<hbm>>) dst(%dma_wait3A_659 : memref<40x128xf32, #tpu.memory_space<vmem>>)
      %add3A_668 = arith.constant 0 : i32
      %add3A_669 = arith.addi %mul3A_618, %add3A_668 : i32
      %dma_start3A_670 = arith.constant 0 : i32
      %dma_start3A_671 = arith.constant 0 : i32
      %dma_start3A_672 = arith.constant 0 : i32
      %dma_start3A_673 = arith.constant 0 : i32
      %dma_start3A_674 = tpu.memref_slice %arg10[%dma_start3A_670, %dma_start3A_672, %dma_start3A_673] : memref<5x40x128xf32, #tpu.memory_space<vmem>> -> memref<1x40x128xf32, #tpu.memory_space<vmem>>
      %dma_start3A_675 = tpu.memref_squeeze %dma_start3A_674 : memref<1x40x128xf32, #tpu.memory_space<vmem>> -> memref<40x128xf32, #tpu.memory_space<vmem>>
      %dma_start3A_676 = arith.constant 0 : i32
      %dma_start3A_677 = tpu.memref_slice %arg9[%add3A_669, %dma_start3A_676] : memref<250x40xi32, #tpu.memory_space<vmem>> -> memref<1x40xi32, #tpu.memory_space<vmem>>
      %dma_start3A_678 = tpu.memref_squeeze %dma_start3A_677 : memref<1x40xi32, #tpu.memory_space<vmem>> -> memref<40xi32, #tpu.memory_space<vmem>>
      %dma_start3A_679 = arith.constant 0 : i32
      %dma_start3A_680 = arith.constant 0 : i32
      %dma_start3A_681 = tpu.memref_slice %arg7[%dma_start3A_679, %dma_start3A_680] : memref<10240x128xf32, #tpu.memory_space<vmem_shared>> -> memref<10240x128xf32, #tpu.memory_space<vmem_shared>>
      %dma_start3A_682 = tpu.memref_slice %arg12[%dma_start3A_671] : memref<5x!tpu.dma_semaphore, #tpu.memory_space<semaphore_mem>> -> memref<1x!tpu.dma_semaphore, #tpu.memory_space<semaphore_mem>>
      %dma_start3A_683 = tpu.memref_squeeze %dma_start3A_682 : memref<1x!tpu.dma_semaphore, #tpu.memory_space<semaphore_mem>> -> memref<!tpu.dma_semaphore, #tpu.memory_space<semaphore_mem>>
      tpu.enqueue_indirect_dma source(%dma_start3A_675 : memref<40x128xf32, #tpu.memory_space<vmem>>) target(%dma_start3A_681 : memref<10240x128xf32, #tpu.memory_space<vmem_shared>>) offsets(%dma_start3A_678 : memref<40xi32, #tpu.memory_space<vmem>>) semaphore(%dma_start3A_683 : memref<!tpu.dma_semaphore, #tpu.memory_space<semaphore_mem>>) {add = true}
      %dma_wait3A_684 = arith.constant 0 : i32
      %dma_wait3A_685 = arith.constant 0 : i32
      %dma_wait3A_686 = arith.constant 0 : i32
      %dma_wait3A_687 = arith.constant 0 : i32
      %dma_wait3A_688 = arith.constant 0 : i32
      %dma_wait3A_689 = tpu.memref_slice %arg10[%dma_wait3A_684, %dma_wait3A_687, %dma_wait3A_688] : memref<5x40x128xf32, #tpu.memory_space<vmem>> -> memref<1x40x128xf32, #tpu.memory_space<vmem>>
      %dma_wait3A_690 = tpu.memref_squeeze %dma_wait3A_689 : memref<1x40x128xf32, #tpu.memory_space<vmem>> -> memref<40x128xf32, #tpu.memory_space<vmem>>
      %dma_wait3A_691 = arith.constant 0 : i32
      %dma_wait3A_692 = tpu.memref_slice %arg9[%dma_wait3A_685, %dma_wait3A_691] : memref<250x40xi32, #tpu.memory_space<vmem>> -> memref<1x40xi32, #tpu.memory_space<vmem>>
      %dma_wait3A_693 = tpu.memref_squeeze %dma_wait3A_692 : memref<1x40xi32, #tpu.memory_space<vmem>> -> memref<40xi32, #tpu.memory_space<vmem>>
      %dma_wait3A_694 = arith.constant 0 : i32
      %dma_wait3A_695 = arith.constant 0 : i32
      %dma_wait3A_696 = tpu.memref_slice %arg7[%dma_wait3A_694, %dma_wait3A_695] : memref<10240x128xf32, #tpu.memory_space<vmem_shared>> -> memref<10240x128xf32, #tpu.memory_space<vmem_shared>>
      %dma_wait3A_697 = tpu.memref_slice %arg12[%dma_wait3A_686] : memref<5x!tpu.dma_semaphore, #tpu.memory_space<semaphore_mem>> -> memref<1x!tpu.dma_semaphore, #tpu.memory_space<semaphore_mem>>
      %dma_wait3A_698 = tpu.memref_squeeze %dma_wait3A_697 : memref<1x!tpu.dma_semaphore, #tpu.memory_space<semaphore_mem>> -> memref<!tpu.dma_semaphore, #tpu.memory_space<semaphore_mem>>
      tpu.wait_indirect_dma semaphore(%dma_wait3A_698 : memref<!tpu.dma_semaphore, #tpu.memory_space<semaphore_mem>>) src(%dma_wait3A_690 : memref<40x128xf32, #tpu.memory_space<vmem>>) dst(%dma_wait3A_696 : memref<10240x128xf32, #tpu.memory_space<vmem_shared>>)
      %add3A_699 = arith.constant 1 : i32
      %add3A_700 = arith.addi %mul3A_618, %add3A_699 : i32
      %add3A_701 = arith.constant 4 : i32
      %add3A_702 = arith.addi %add3A_700, %add3A_701 : i32
      %dma_start3A_703 = arith.constant 0 : i32
      %dma_start3A_704 = arith.constant 0 : i32
      %dma_start3A_705 = arith.constant 0 : i32
      %dma_start3A_706 = arith.constant 0 : i32
      %dma_start3A_707 = tpu.memref_slice %arg10[%dma_start3A_703, %dma_start3A_705, %dma_start3A_706] : memref<5x40x128xf32, #tpu.memory_space<vmem>> -> memref<1x40x128xf32, #tpu.memory_space<vmem>>
      %dma_start3A_708 = tpu.memref_squeeze %dma_start3A_707 : memref<1x40x128xf32, #tpu.memory_space<vmem>> -> memref<40x128xf32, #tpu.memory_space<vmem>>
      %dma_start3A_709 = arith.constant 0 : i32
      %dma_start3A_710 = tpu.memref_slice %arg8[%add3A_702, %dma_start3A_709] : memref<250x40xi32, #tpu.memory_space<vmem>> -> memref<1x40xi32, #tpu.memory_space<vmem>>
      %dma_start3A_711 = tpu.memref_squeeze %dma_start3A_710 : memref<1x40xi32, #tpu.memory_space<vmem>> -> memref<40xi32, #tpu.memory_space<vmem>>
      %dma_start3A_712 = arith.constant 0 : i32
      %dma_start3A_713 = arith.constant 0 : i32
      %dma_start3A_714 = tpu.memref_slice %arg2[%dma_start3A_712, %dma_start3A_713] : memref<10000x128xf32, #tpu.memory_space<hbm>> -> memref<10000x128xf32, #tpu.memory_space<hbm>>
      %dma_start3A_715 = tpu.memref_slice %arg11[%dma_start3A_704] : memref<5x!tpu.dma_semaphore, #tpu.memory_space<semaphore_mem>> -> memref<1x!tpu.dma_semaphore, #tpu.memory_space<semaphore_mem>>
      %dma_start3A_716 = tpu.memref_squeeze %dma_start3A_715 : memref<1x!tpu.dma_semaphore, #tpu.memory_space<semaphore_mem>> -> memref<!tpu.dma_semaphore, #tpu.memory_space<semaphore_mem>>
      tpu.enqueue_indirect_dma source(%dma_start3A_714 : memref<10000x128xf32, #tpu.memory_space<hbm>>) target(%dma_start3A_708 : memref<40x128xf32, #tpu.memory_space<vmem>>) offsets(%dma_start3A_711 : memref<40xi32, #tpu.memory_space<vmem>>) semaphore(%dma_start3A_716 : memref<!tpu.dma_semaphore, #tpu.memory_space<semaphore_mem>>)
      %add3A_717 = arith.constant 1 : i32
      %add3A_718 = arith.addi %mul3A_618, %add3A_717 : i32
      %dma_wait3A_719 = arith.constant 1 : i32
      %dma_wait3A_720 = arith.constant 1 : i32
      %dma_wait3A_721 = arith.constant 0 : i32
      %dma_wait3A_722 = arith.constant 0 : i32
      %dma_wait3A_723 = tpu.memref_slice %arg10[%dma_wait3A_719, %dma_wait3A_721, %dma_wait3A_722] : memref<5x40x128xf32, #tpu.memory_space<vmem>> -> memref<1x40x128xf32, #tpu.memory_space<vmem>>
      %dma_wait3A_724 = tpu.memref_squeeze %dma_wait3A_723 : memref<1x40x128xf32, #tpu.memory_space<vmem>> -> memref<40x128xf32, #tpu.memory_space<vmem>>
      %dma_wait3A_725 = arith.constant 0 : i32
      %dma_wait3A_726 = tpu.memref_slice %arg8[%add3A_718, %dma_wait3A_725] : memref<250x40xi32, #tpu.memory_space<vmem>> -> memref<1x40xi32, #tpu.memory_space<vmem>>
      %dma_wait3A_727 = tpu.memref_squeeze %dma_wait3A_726 : memref<1x40xi32, #tpu.memory_space<vmem>> -> memref<40xi32, #tpu.memory_space<vmem>>
      %dma_wait3A_728 = arith.constant 0 : i32
      %dma_wait3A_729 = arith.constant 0 : i32
      %dma_wait3A_730 = tpu.memref_slice %arg2[%dma_wait3A_728, %dma_wait3A_729] : memref<10000x128xf32, #tpu.memory_space<hbm>> -> memref<10000x128xf32, #tpu.memory_space<hbm>>
      %dma_wait3A_731 = tpu.memref_slice %arg11[%dma_wait3A_720] : memref<5x!tpu.dma_semaphore, #tpu.memory_space<semaphore_mem>> -> memref<1x!tpu.dma_semaphore, #tpu.memory_space<semaphore_mem>>
      %dma_wait3A_732 = tpu.memref_squeeze %dma_wait3A_731 : memref<1x!tpu.dma_semaphore, #tpu.memory_space<semaphore_mem>> -> memref<!tpu.dma_semaphore, #tpu.memory_space<semaphore_mem>>
      tpu.wait_indirect_dma semaphore(%dma_wait3A_732 : memref<!tpu.dma_semaphore, #tpu.memory_space<semaphore_mem>>) src(%dma_wait3A_730 : memref<10000x128xf32, #tpu.memory_space<hbm>>) dst(%dma_wait3A_724 : memref<40x128xf32, #tpu.memory_space<vmem>>)
      %add3A_733 = arith.constant 1 : i32
      %add3A_734 = arith.addi %mul3A_618, %add3A_733 : i32
      %dma_start3A_735 = arith.constant 1 : i32
      %dma_start3A_736 = arith.constant 1 : i32
      %dma_start3A_737 = arith.constant 0 : i32
      %dma_start3A_738 = arith.constant 0 : i32
      %dma_start3A_739 = tpu.memref_slice %arg10[%dma_start3A_735, %dma_start3A_737, %dma_start3A_738] : memref<5x40x128xf32, #tpu.memory_space<vmem>> -> memref<1x40x128xf32, #tpu.memory_space<vmem>>
      %dma_start3A_740 = tpu.memref_squeeze %dma_start3A_739 : memref<1x40x128xf32, #tpu.memory_space<vmem>> -> memref<40x128xf32, #tpu.memory_space<vmem>>
      %dma_start3A_741 = arith.constant 0 : i32
      %dma_start3A_742 = tpu.memref_slice %arg9[%add3A_734, %dma_start3A_741] : memref<250x40xi32, #tpu.memory_space<vmem>> -> memref<1x40xi32, #tpu.memory_space<vmem>>
      %dma_start3A_743 = tpu.memref_squeeze %dma_start3A_742 : memref<1x40xi32, #tpu.memory_space<vmem>> -> memref<40xi32, #tpu.memory_space<vmem>>
      %dma_start3A_744 = arith.constant 0 : i32
      %dma_start3A_745 = arith.constant 0 : i32
      %dma_start3A_746 = tpu.memref_slice %arg7[%dma_start3A_744, %dma_start3A_745] : memref<10240x128xf32, #tpu.memory_space<vmem_shared>> -> memref<10240x128xf32, #tpu.memory_space<vmem_shared>>
      %dma_start3A_747 = tpu.memref_slice %arg12[%dma_start3A_736] : memref<5x!tpu.dma_semaphore, #tpu.memory_space<semaphore_mem>> -> memref<1x!tpu.dma_semaphore, #tpu.memory_space<semaphore_mem>>
      %dma_start3A_748 = tpu.memref_squeeze %dma_start3A_747 : memref<1x!tpu.dma_semaphore, #tpu.memory_space<semaphore_mem>> -> memref<!tpu.dma_semaphore, #tpu.memory_space<semaphore_mem>>
      tpu.enqueue_indirect_dma source(%dma_start3A_740 : memref<40x128xf32, #tpu.memory_space<vmem>>) target(%dma_start3A_746 : memref<10240x128xf32, #tpu.memory_space<vmem_shared>>) offsets(%dma_start3A_743 : memref<40xi32, #tpu.memory_space<vmem>>) semaphore(%dma_start3A_748 : memref<!tpu.dma_semaphore, #tpu.memory_space<semaphore_mem>>) {add = true}
      %dma_wait3A_749 = arith.constant 1 : i32
      %dma_wait3A_750 = arith.constant 0 : i32
      %dma_wait3A_751 = arith.constant 1 : i32
      %dma_wait3A_752 = arith.constant 0 : i32
      %dma_wait3A_753 = arith.constant 0 : i32
      %dma_wait3A_754 = tpu.memref_slice %arg10[%dma_wait3A_749, %dma_wait3A_752, %dma_wait3A_753] : memref<5x40x128xf32, #tpu.memory_space<vmem>> -> memref<1x40x128xf32, #tpu.memory_space<vmem>>
      %dma_wait3A_755 = tpu.memref_squeeze %dma_wait3A_754 : memref<1x40x128xf32, #tpu.memory_space<vmem>> -> memref<40x128xf32, #tpu.memory_space<vmem>>
      %dma_wait3A_756 = arith.constant 0 : i32
      %dma_wait3A_757 = tpu.memref_slice %arg9[%dma_wait3A_750, %dma_wait3A_756] : memref<250x40xi32, #tpu.memory_space<vmem>> -> memref<1x40xi32, #tpu.memory_space<vmem>>
      %dma_wait3A_758 = tpu.memref_squeeze %dma_wait3A_757 : memref<1x40xi32, #tpu.memory_space<vmem>> -> memref<40xi32, #tpu.memory_space<vmem>>
      %dma_wait3A_759 = arith.constant 0 : i32
      %dma_wait3A_760 = arith.constant 0 : i32
      %dma_wait3A_761 = tpu.memref_slice %arg7[%dma_wait3A_759, %dma_wait3A_760] : memref<10240x128xf32, #tpu.memory_space<vmem_shared>> -> memref<10240x128xf32, #tpu.memory_space<vmem_shared>>
      %dma_wait3A_762 = tpu.memref_slice %arg12[%dma_wait3A_751] : memref<5x!tpu.dma_semaphore, #tpu.memory_space<semaphore_mem>> -> memref<1x!tpu.dma_semaphore, #tpu.memory_space<semaphore_mem>>
      %dma_wait3A_763 = tpu.memref_squeeze %dma_wait3A_762 : memref<1x!tpu.dma_semaphore, #tpu.memory_space<semaphore_mem>> -> memref<!tpu.dma_semaphore, #tpu.memory_space<semaphore_mem>>
      tpu.wait_indirect_dma semaphore(%dma_wait3A_763 : memref<!tpu.dma_semaphore, #tpu.memory_space<semaphore_mem>>) src(%dma_wait3A_755 : memref<40x128xf32, #tpu.memory_space<vmem>>) dst(%dma_wait3A_761 : memref<10240x128xf32, #tpu.memory_space<vmem_shared>>)
      %add3A_764 = arith.constant 2 : i32
      %add3A_765 = arith.addi %mul3A_618, %add3A_764 : i32
      %add3A_766 = arith.constant 4 : i32
      %add3A_767 = arith.addi %add3A_765, %add3A_766 : i32
      %dma_start3A_768 = arith.constant 1 : i32
      %dma_start3A_769 = arith.constant 1 : i32
      %dma_start3A_770 = arith.constant 0 : i32
      %dma_start3A_771 = arith.constant 0 : i32
      %dma_start3A_772 = tpu.memref_slice %arg10[%dma_start3A_768, %dma_start3A_770, %dma_start3A_771] : memref<5x40x128xf32, #tpu.memory_space<vmem>> -> memref<1x40x128xf32, #tpu.memory_space<vmem>>
      %dma_start3A_773 = tpu.memref_squeeze %dma_start3A_772 : memref<1x40x128xf32, #tpu.memory_space<vmem>> -> memref<40x128xf32, #tpu.memory_space<vmem>>
      %dma_start3A_774 = arith.constant 0 : i32
      %dma_start3A_775 = tpu.memref_slice %arg8[%add3A_767, %dma_start3A_774] : memref<250x40xi32, #tpu.memory_space<vmem>> -> memref<1x40xi32, #tpu.memory_space<vmem>>
      %dma_start3A_776 = tpu.memref_squeeze %dma_start3A_775 : memref<1x40xi32, #tpu.memory_space<vmem>> -> memref<40xi32, #tpu.memory_space<vmem>>
      %dma_start3A_777 = arith.constant 0 : i32
      %dma_start3A_778 = arith.constant 0 : i32
      %dma_start3A_779 = tpu.memref_slice %arg2[%dma_start3A_777, %dma_start3A_778] : memref<10000x128xf32, #tpu.memory_space<hbm>> -> memref<10000x128xf32, #tpu.memory_space<hbm>>
      %dma_start3A_780 = tpu.memref_slice %arg11[%dma_start3A_769] : memref<5x!tpu.dma_semaphore, #tpu.memory_space<semaphore_mem>> -> memref<1x!tpu.dma_semaphore, #tpu.memory_space<semaphore_mem>>
      %dma_start3A_781 = tpu.memref_squeeze %dma_start3A_780 : memref<1x!tpu.dma_semaphore, #tpu.memory_space<semaphore_mem>> -> memref<!tpu.dma_semaphore, #tpu.memory_space<semaphore_mem>>
      tpu.enqueue_indirect_dma source(%dma_start3A_779 : memref<10000x128xf32, #tpu.memory_space<hbm>>) target(%dma_start3A_773 : memref<40x128xf32, #tpu.memory_space<vmem>>) offsets(%dma_start3A_776 : memref<40xi32, #tpu.memory_space<vmem>>) semaphore(%dma_start3A_781 : memref<!tpu.dma_semaphore, #tpu.memory_space<semaphore_mem>>)
      %add3A_782 = arith.constant 2 : i32
      %add3A_783 = arith.addi %mul3A_618, %add3A_782 : i32
      %dma_wait3A_784 = arith.constant 2 : i32
      %dma_wait3A_785 = arith.constant 2 : i32
      %dma_wait3A_786 = arith.constant 0 : i32
      %dma_wait3A_787 = arith.constant 0 : i32
      %dma_wait3A_788 = tpu.memref_slice %arg10[%dma_wait3A_784, %dma_wait3A_786, %dma_wait3A_787] : memref<5x40x128xf32, #tpu.memory_space<vmem>> -> memref<1x40x128xf32, #tpu.memory_space<vmem>>
      %dma_wait3A_789 = tpu.memref_squeeze %dma_wait3A_788 : memref<1x40x128xf32, #tpu.memory_space<vmem>> -> memref<40x128xf32, #tpu.memory_space<vmem>>
      %dma_wait3A_790 = arith.constant 0 : i32
      %dma_wait3A_791 = tpu.memref_slice %arg8[%add3A_783, %dma_wait3A_790] : memref<250x40xi32, #tpu.memory_space<vmem>> -> memref<1x40xi32, #tpu.memory_space<vmem>>
      %dma_wait3A_792 = tpu.memref_squeeze %dma_wait3A_791 : memref<1x40xi32, #tpu.memory_space<vmem>> -> memref<40xi32, #tpu.memory_space<vmem>>
      %dma_wait3A_793 = arith.constant 0 : i32
      %dma_wait3A_794 = arith.constant 0 : i32
      %dma_wait3A_795 = tpu.memref_slice %arg2[%dma_wait3A_793, %dma_wait3A_794] : memref<10000x128xf32, #tpu.memory_space<hbm>> -> memref<10000x128xf32, #tpu.memory_space<hbm>>
      %dma_wait3A_796 = tpu.memref_slice %arg11[%dma_wait3A_785] : memref<5x!tpu.dma_semaphore, #tpu.memory_space<semaphore_mem>> -> memref<1x!tpu.dma_semaphore, #tpu.memory_space<semaphore_mem>>
      %dma_wait3A_797 = tpu.memref_squeeze %dma_wait3A_796 : memref<1x!tpu.dma_semaphore, #tpu.memory_space<semaphore_mem>> -> memref<!tpu.dma_semaphore, #tpu.memory_space<semaphore_mem>>
      tpu.wait_indirect_dma semaphore(%dma_wait3A_797 : memref<!tpu.dma_semaphore, #tpu.memory_space<semaphore_mem>>) src(%dma_wait3A_795 : memref<10000x128xf32, #tpu.memory_space<hbm>>) dst(%dma_wait3A_789 : memref<40x128xf32, #tpu.memory_space<vmem>>)
      %add3A_798 = arith.constant 2 : i32
      %add3A_799 = arith.addi %mul3A_618, %add3A_798 : i32
      %dma_start3A_800 = arith.constant 2 : i32
      %dma_start3A_801 = arith.constant 2 : i32
      %dma_start3A_802 = arith.constant 0 : i32
      %dma_start3A_803 = arith.constant 0 : i32
      %dma_start3A_804 = tpu.memref_slice %arg10[%dma_start3A_800, %dma_start3A_802, %dma_start3A_803] : memref<5x40x128xf32, #tpu.memory_space<vmem>> -> memref<1x40x128xf32, #tpu.memory_space<vmem>>
      %dma_start3A_805 = tpu.memref_squeeze %dma_start3A_804 : memref<1x40x128xf32, #tpu.memory_space<vmem>> -> memref<40x128xf32, #tpu.memory_space<vmem>>
      %dma_start3A_806 = arith.constant 0 : i32
      %dma_start3A_807 = tpu.memref_slice %arg9[%add3A_799, %dma_start3A_806] : memref<250x40xi32, #tpu.memory_space<vmem>> -> memref<1x40xi32, #tpu.memory_space<vmem>>
      %dma_start3A_808 = tpu.memref_squeeze %dma_start3A_807 : memref<1x40xi32, #tpu.memory_space<vmem>> -> memref<40xi32, #tpu.memory_space<vmem>>
      %dma_start3A_809 = arith.constant 0 : i32
      %dma_start3A_810 = arith.constant 0 : i32
      %dma_start3A_811 = tpu.memref_slice %arg7[%dma_start3A_809, %dma_start3A_810] : memref<10240x128xf32, #tpu.memory_space<vmem_shared>> -> memref<10240x128xf32, #tpu.memory_space<vmem_shared>>
      %dma_start3A_812 = tpu.memref_slice %arg12[%dma_start3A_801] : memref<5x!tpu.dma_semaphore, #tpu.memory_space<semaphore_mem>> -> memref<1x!tpu.dma_semaphore, #tpu.memory_space<semaphore_mem>>
      %dma_start3A_813 = tpu.memref_squeeze %dma_start3A_812 : memref<1x!tpu.dma_semaphore, #tpu.memory_space<semaphore_mem>> -> memref<!tpu.dma_semaphore, #tpu.memory_space<semaphore_mem>>
      tpu.enqueue_indirect_dma source(%dma_start3A_805 : memref<40x128xf32, #tpu.memory_space<vmem>>) target(%dma_start3A_811 : memref<10240x128xf32, #tpu.memory_space<vmem_shared>>) offsets(%dma_start3A_808 : memref<40xi32, #tpu.memory_space<vmem>>) semaphore(%dma_start3A_813 : memref<!tpu.dma_semaphore, #tpu.memory_space<semaphore_mem>>) {add = true}
      %dma_wait3A_814 = arith.constant 2 : i32
      %dma_wait3A_815 = arith.constant 0 : i32
      %dma_wait3A_816 = arith.constant 2 : i32
      %dma_wait3A_817 = arith.constant 0 : i32
      %dma_wait3A_818 = arith.constant 0 : i32
      %dma_wait3A_819 = tpu.memref_slice %arg10[%dma_wait3A_814, %dma_wait3A_817, %dma_wait3A_818] : memref<5x40x128xf32, #tpu.memory_space<vmem>> -> memref<1x40x128xf32, #tpu.memory_space<vmem>>
      %dma_wait3A_820 = tpu.memref_squeeze %dma_wait3A_819 : memref<1x40x128xf32, #tpu.memory_space<vmem>> -> memref<40x128xf32, #tpu.memory_space<vmem>>
      %dma_wait3A_821 = arith.constant 0 : i32
      %dma_wait3A_822 = tpu.memref_slice %arg9[%dma_wait3A_815, %dma_wait3A_821] : memref<250x40xi32, #tpu.memory_space<vmem>> -> memref<1x40xi32, #tpu.memory_space<vmem>>
      %dma_wait3A_823 = tpu.memref_squeeze %dma_wait3A_822 : memref<1x40xi32, #tpu.memory_space<vmem>> -> memref<40xi32, #tpu.memory_space<vmem>>
      %dma_wait3A_824 = arith.constant 0 : i32
      %dma_wait3A_825 = arith.constant 0 : i32
      %dma_wait3A_826 = tpu.memref_slice %arg7[%dma_wait3A_824, %dma_wait3A_825] : memref<10240x128xf32, #tpu.memory_space<vmem_shared>> -> memref<10240x128xf32, #tpu.memory_space<vmem_shared>>
      %dma_wait3A_827 = tpu.memref_slice %arg12[%dma_wait3A_816] : memref<5x!tpu.dma_semaphore, #tpu.memory_space<semaphore_mem>> -> memref<1x!tpu.dma_semaphore, #tpu.memory_space<semaphore_mem>>
      %dma_wait3A_828 = tpu.memref_squeeze %dma_wait3A_827 : memref<1x!tpu.dma_semaphore, #tpu.memory_space<semaphore_mem>> -> memref<!tpu.dma_semaphore, #tpu.memory_space<semaphore_mem>>
      tpu.wait_indirect_dma semaphore(%dma_wait3A_828 : memref<!tpu.dma_semaphore, #tpu.memory_space<semaphore_mem>>) src(%dma_wait3A_820 : memref<40x128xf32, #tpu.memory_space<vmem>>) dst(%dma_wait3A_826 : memref<10240x128xf32, #tpu.memory_space<vmem_shared>>)
      %add3A_829 = arith.constant 3 : i32
      %add3A_830 = arith.addi %mul3A_618, %add3A_829 : i32
      %add3A_831 = arith.constant 4 : i32
      %add3A_832 = arith.addi %add3A_830, %add3A_831 : i32
      %dma_start3A_833 = arith.constant 2 : i32
      %dma_start3A_834 = arith.constant 2 : i32
      %dma_start3A_835 = arith.constant 0 : i32
      %dma_start3A_836 = arith.constant 0 : i32
      %dma_start3A_837 = tpu.memref_slice %arg10[%dma_start3A_833, %dma_start3A_835, %dma_start3A_836] : memref<5x40x128xf32, #tpu.memory_space<vmem>> -> memref<1x40x128xf32, #tpu.memory_space<vmem>>
      %dma_start3A_838 = tpu.memref_squeeze %dma_start3A_837 : memref<1x40x128xf32, #tpu.memory_space<vmem>> -> memref<40x128xf32, #tpu.memory_space<vmem>>
      %dma_start3A_839 = arith.constant 0 : i32
      %dma_start3A_840 = tpu.memref_slice %arg8[%add3A_832, %dma_start3A_839] : memref<250x40xi32, #tpu.memory_space<vmem>> -> memref<1x40xi32, #tpu.memory_space<vmem>>
      %dma_start3A_841 = tpu.memref_squeeze %dma_start3A_840 : memref<1x40xi32, #tpu.memory_space<vmem>> -> memref<40xi32, #tpu.memory_space<vmem>>
      %dma_start3A_842 = arith.constant 0 : i32
      %dma_start3A_843 = arith.constant 0 : i32
      %dma_start3A_844 = tpu.memref_slice %arg2[%dma_start3A_842, %dma_start3A_843] : memref<10000x128xf32, #tpu.memory_space<hbm>> -> memref<10000x128xf32, #tpu.memory_space<hbm>>
      %dma_start3A_845 = tpu.memref_slice %arg11[%dma_start3A_834] : memref<5x!tpu.dma_semaphore, #tpu.memory_space<semaphore_mem>> -> memref<1x!tpu.dma_semaphore, #tpu.memory_space<semaphore_mem>>
      %dma_start3A_846 = tpu.memref_squeeze %dma_start3A_845 : memref<1x!tpu.dma_semaphore, #tpu.memory_space<semaphore_mem>> -> memref<!tpu.dma_semaphore, #tpu.memory_space<semaphore_mem>>
      tpu.enqueue_indirect_dma source(%dma_start3A_844 : memref<10000x128xf32, #tpu.memory_space<hbm>>) target(%dma_start3A_838 : memref<40x128xf32, #tpu.memory_space<vmem>>) offsets(%dma_start3A_841 : memref<40xi32, #tpu.memory_space<vmem>>) semaphore(%dma_start3A_846 : memref<!tpu.dma_semaphore, #tpu.memory_space<semaphore_mem>>)
      %add3A_847 = arith.constant 3 : i32
      %add3A_848 = arith.addi %mul3A_618, %add3A_847 : i32
      %dma_wait3A_849 = arith.constant 3 : i32
      %dma_wait3A_850 = arith.constant 3 : i32
      %dma_wait3A_851 = arith.constant 0 : i32
      %dma_wait3A_852 = arith.constant 0 : i32
      %dma_wait3A_853 = tpu.memref_slice %arg10[%dma_wait3A_849, %dma_wait3A_851, %dma_wait3A_852] : memref<5x40x128xf32, #tpu.memory_space<vmem>> -> memref<1x40x128xf32, #tpu.memory_space<vmem>>
      %dma_wait3A_854 = tpu.memref_squeeze %dma_wait3A_853 : memref<1x40x128xf32, #tpu.memory_space<vmem>> -> memref<40x128xf32, #tpu.memory_space<vmem>>
      %dma_wait3A_855 = arith.constant 0 : i32
      %dma_wait3A_856 = tpu.memref_slice %arg8[%add3A_848, %dma_wait3A_855] : memref<250x40xi32, #tpu.memory_space<vmem>> -> memref<1x40xi32, #tpu.memory_space<vmem>>
      %dma_wait3A_857 = tpu.memref_squeeze %dma_wait3A_856 : memref<1x40xi32, #tpu.memory_space<vmem>> -> memref<40xi32, #tpu.memory_space<vmem>>
      %dma_wait3A_858 = arith.constant 0 : i32
      %dma_wait3A_859 = arith.constant 0 : i32
      %dma_wait3A_860 = tpu.memref_slice %arg2[%dma_wait3A_858, %dma_wait3A_859] : memref<10000x128xf32, #tpu.memory_space<hbm>> -> memref<10000x128xf32, #tpu.memory_space<hbm>>
      %dma_wait3A_861 = tpu.memref_slice %arg11[%dma_wait3A_850] : memref<5x!tpu.dma_semaphore, #tpu.memory_space<semaphore_mem>> -> memref<1x!tpu.dma_semaphore, #tpu.memory_space<semaphore_mem>>
      %dma_wait3A_862 = tpu.memref_squeeze %dma_wait3A_861 : memref<1x!tpu.dma_semaphore, #tpu.memory_space<semaphore_mem>> -> memref<!tpu.dma_semaphore, #tpu.memory_space<semaphore_mem>>
      tpu.wait_indirect_dma semaphore(%dma_wait3A_862 : memref<!tpu.dma_semaphore, #tpu.memory_space<semaphore_mem>>) src(%dma_wait3A_860 : memref<10000x128xf32, #tpu.memory_space<hbm>>) dst(%dma_wait3A_854 : memref<40x128xf32, #tpu.memory_space<vmem>>)
      %add3A_863 = arith.constant 3 : i32
      %add3A_864 = arith.addi %mul3A_618, %add3A_863 : i32
      %dma_start3A_865 = arith.constant 3 : i32
      %dma_start3A_866 = arith.constant 3 : i32
      %dma_start3A_867 = arith.constant 0 : i32
      %dma_start3A_868 = arith.constant 0 : i32
      %dma_start3A_869 = tpu.memref_slice %arg10[%dma_start3A_865, %dma_start3A_867, %dma_start3A_868] : memref<5x40x128xf32, #tpu.memory_space<vmem>> -> memref<1x40x128xf32, #tpu.memory_space<vmem>>
      %dma_start3A_870 = tpu.memref_squeeze %dma_start3A_869 : memref<1x40x128xf32, #tpu.memory_space<vmem>> -> memref<40x128xf32, #tpu.memory_space<vmem>>
      %dma_start3A_871 = arith.constant 0 : i32
      %dma_start3A_872 = tpu.memref_slice %arg9[%add3A_864, %dma_start3A_871] : memref<250x40xi32, #tpu.memory_space<vmem>> -> memref<1x40xi32, #tpu.memory_space<vmem>>
      %dma_start3A_873 = tpu.memref_squeeze %dma_start3A_872 : memref<1x40xi32, #tpu.memory_space<vmem>> -> memref<40xi32, #tpu.memory_space<vmem>>
      %dma_start3A_874 = arith.constant 0 : i32
      %dma_start3A_875 = arith.constant 0 : i32
      %dma_start3A_876 = tpu.memref_slice %arg7[%dma_start3A_874, %dma_start3A_875] : memref<10240x128xf32, #tpu.memory_space<vmem_shared>> -> memref<10240x128xf32, #tpu.memory_space<vmem_shared>>
      %dma_start3A_877 = tpu.memref_slice %arg12[%dma_start3A_866] : memref<5x!tpu.dma_semaphore, #tpu.memory_space<semaphore_mem>> -> memref<1x!tpu.dma_semaphore, #tpu.memory_space<semaphore_mem>>
      %dma_start3A_878 = tpu.memref_squeeze %dma_start3A_877 : memref<1x!tpu.dma_semaphore, #tpu.memory_space<semaphore_mem>> -> memref<!tpu.dma_semaphore, #tpu.memory_space<semaphore_mem>>
      tpu.enqueue_indirect_dma source(%dma_start3A_870 : memref<40x128xf32, #tpu.memory_space<vmem>>) target(%dma_start3A_876 : memref<10240x128xf32, #tpu.memory_space<vmem_shared>>) offsets(%dma_start3A_873 : memref<40xi32, #tpu.memory_space<vmem>>) semaphore(%dma_start3A_878 : memref<!tpu.dma_semaphore, #tpu.memory_space<semaphore_mem>>) {add = true}
      %dma_wait3A_879 = arith.constant 3 : i32
      %dma_wait3A_880 = arith.constant 0 : i32
      %dma_wait3A_881 = arith.constant 3 : i32
      %dma_wait3A_882 = arith.constant 0 : i32
      %dma_wait3A_883 = arith.constant 0 : i32
      %dma_wait3A_884 = tpu.memref_slice %arg10[%dma_wait3A_879, %dma_wait3A_882, %dma_wait3A_883] : memref<5x40x128xf32, #tpu.memory_space<vmem>> -> memref<1x40x128xf32, #tpu.memory_space<vmem>>
      %dma_wait3A_885 = tpu.memref_squeeze %dma_wait3A_884 : memref<1x40x128xf32, #tpu.memory_space<vmem>> -> memref<40x128xf32, #tpu.memory_space<vmem>>
      %dma_wait3A_886 = arith.constant 0 : i32
      %dma_wait3A_887 = tpu.memref_slice %arg9[%dma_wait3A_880, %dma_wait3A_886] : memref<250x40xi32, #tpu.memory_space<vmem>> -> memref<1x40xi32, #tpu.memory_space<vmem>>
      %dma_wait3A_888 = tpu.memref_squeeze %dma_wait3A_887 : memref<1x40xi32, #tpu.memory_space<vmem>> -> memref<40xi32, #tpu.memory_space<vmem>>
      %dma_wait3A_889 = arith.constant 0 : i32
      %dma_wait3A_890 = arith.constant 0 : i32
      %dma_wait3A_891 = tpu.memref_slice %arg7[%dma_wait3A_889, %dma_wait3A_890] : memref<10240x128xf32, #tpu.memory_space<vmem_shared>> -> memref<10240x128xf32, #tpu.memory_space<vmem_shared>>
      %dma_wait3A_892 = tpu.memref_slice %arg12[%dma_wait3A_881] : memref<5x!tpu.dma_semaphore, #tpu.memory_space<semaphore_mem>> -> memref<1x!tpu.dma_semaphore, #tpu.memory_space<semaphore_mem>>
      %dma_wait3A_893 = tpu.memref_squeeze %dma_wait3A_892 : memref<1x!tpu.dma_semaphore, #tpu.memory_space<semaphore_mem>> -> memref<!tpu.dma_semaphore, #tpu.memory_space<semaphore_mem>>
      tpu.wait_indirect_dma semaphore(%dma_wait3A_893 : memref<!tpu.dma_semaphore, #tpu.memory_space<semaphore_mem>>) src(%dma_wait3A_885 : memref<40x128xf32, #tpu.memory_space<vmem>>) dst(%dma_wait3A_891 : memref<10240x128xf32, #tpu.memory_space<vmem_shared>>)
      %add3A_894 = arith.constant 4 : i32
      %add3A_895 = arith.addi %mul3A_618, %add3A_894 : i32
      %add3A_896 = arith.constant 4 : i32
      %add3A_897 = arith.addi %add3A_895, %add3A_896 : i32
      %dma_start3A_898 = arith.constant 3 : i32
      %dma_start3A_899 = arith.constant 3 : i32
      %dma_start3A_900 = arith.constant 0 : i32
      %dma_start3A_901 = arith.constant 0 : i32
      %dma_start3A_902 = tpu.memref_slice %arg10[%dma_start3A_898, %dma_start3A_900, %dma_start3A_901] : memref<5x40x128xf32, #tpu.memory_space<vmem>> -> memref<1x40x128xf32, #tpu.memory_space<vmem>>
      %dma_start3A_903 = tpu.memref_squeeze %dma_start3A_902 : memref<1x40x128xf32, #tpu.memory_space<vmem>> -> memref<40x128xf32, #tpu.memory_space<vmem>>
      %dma_start3A_904 = arith.constant 0 : i32
      %dma_start3A_905 = tpu.memref_slice %arg8[%add3A_897, %dma_start3A_904] : memref<250x40xi32, #tpu.memory_space<vmem>> -> memref<1x40xi32, #tpu.memory_space<vmem>>
      %dma_start3A_906 = tpu.memref_squeeze %dma_start3A_905 : memref<1x40xi32, #tpu.memory_space<vmem>> -> memref<40xi32, #tpu.memory_space<vmem>>
      %dma_start3A_907 = arith.constant 0 : i32
      %dma_start3A_908 = arith.constant 0 : i32
      %dma_start3A_909 = tpu.memref_slice %arg2[%dma_start3A_907, %dma_start3A_908] : memref<10000x128xf32, #tpu.memory_space<hbm>> -> memref<10000x128xf32, #tpu.memory_space<hbm>>
      %dma_start3A_910 = tpu.memref_slice %arg11[%dma_start3A_899] : memref<5x!tpu.dma_semaphore, #tpu.memory_space<semaphore_mem>> -> memref<1x!tpu.dma_semaphore, #tpu.memory_space<semaphore_mem>>
      %dma_start3A_911 = tpu.memref_squeeze %dma_start3A_910 : memref<1x!tpu.dma_semaphore, #tpu.memory_space<semaphore_mem>> -> memref<!tpu.dma_semaphore, #tpu.memory_space<semaphore_mem>>
      tpu.enqueue_indirect_dma source(%dma_start3A_909 : memref<10000x128xf32, #tpu.memory_space<hbm>>) target(%dma_start3A_903 : memref<40x128xf32, #tpu.memory_space<vmem>>) offsets(%dma_start3A_906 : memref<40xi32, #tpu.memory_space<vmem>>) semaphore(%dma_start3A_911 : memref<!tpu.dma_semaphore, #tpu.memory_space<semaphore_mem>>)
      %add3A_912 = arith.constant 4 : i32
      %add3A_913 = arith.addi %mul3A_618, %add3A_912 : i32
      %dma_wait3A_914 = arith.constant 4 : i32
      %dma_wait3A_915 = arith.constant 4 : i32
      %dma_wait3A_916 = arith.constant 0 : i32
      %dma_wait3A_917 = arith.constant 0 : i32
      %dma_wait3A_918 = tpu.memref_slice %arg10[%dma_wait3A_914, %dma_wait3A_916, %dma_wait3A_917] : memref<5x40x128xf32, #tpu.memory_space<vmem>> -> memref<1x40x128xf32, #tpu.memory_space<vmem>>
      %dma_wait3A_919 = tpu.memref_squeeze %dma_wait3A_918 : memref<1x40x128xf32, #tpu.memory_space<vmem>> -> memref<40x128xf32, #tpu.memory_space<vmem>>
      %dma_wait3A_920 = arith.constant 0 : i32
      %dma_wait3A_921 = tpu.memref_slice %arg8[%add3A_913, %dma_wait3A_920] : memref<250x40xi32, #tpu.memory_space<vmem>> -> memref<1x40xi32, #tpu.memory_space<vmem>>
      %dma_wait3A_922 = tpu.memref_squeeze %dma_wait3A_921 : memref<1x40xi32, #tpu.memory_space<vmem>> -> memref<40xi32, #tpu.memory_space<vmem>>
      %dma_wait3A_923 = arith.constant 0 : i32
      %dma_wait3A_924 = arith.constant 0 : i32
      %dma_wait3A_925 = tpu.memref_slice %arg2[%dma_wait3A_923, %dma_wait3A_924] : memref<10000x128xf32, #tpu.memory_space<hbm>> -> memref<10000x128xf32, #tpu.memory_space<hbm>>
      %dma_wait3A_926 = tpu.memref_slice %arg11[%dma_wait3A_915] : memref<5x!tpu.dma_semaphore, #tpu.memory_space<semaphore_mem>> -> memref<1x!tpu.dma_semaphore, #tpu.memory_space<semaphore_mem>>
      %dma_wait3A_927 = tpu.memref_squeeze %dma_wait3A_926 : memref<1x!tpu.dma_semaphore, #tpu.memory_space<semaphore_mem>> -> memref<!tpu.dma_semaphore, #tpu.memory_space<semaphore_mem>>
      tpu.wait_indirect_dma semaphore(%dma_wait3A_927 : memref<!tpu.dma_semaphore, #tpu.memory_space<semaphore_mem>>) src(%dma_wait3A_925 : memref<10000x128xf32, #tpu.memory_space<hbm>>) dst(%dma_wait3A_919 : memref<40x128xf32, #tpu.memory_space<vmem>>)
      %add3A_928 = arith.constant 4 : i32
      %add3A_929 = arith.addi %mul3A_618, %add3A_928 : i32
      %dma_start3A_930 = arith.constant 4 : i32
      %dma_start3A_931 = arith.constant 4 : i32
      %dma_start3A_932 = arith.constant 0 : i32
      %dma_start3A_933 = arith.constant 0 : i32
      %dma_start3A_934 = tpu.memref_slice %arg10[%dma_start3A_930, %dma_start3A_932, %dma_start3A_933] : memref<5x40x128xf32, #tpu.memory_space<vmem>> -> memref<1x40x128xf32, #tpu.memory_space<vmem>>
      %dma_start3A_935 = tpu.memref_squeeze %dma_start3A_934 : memref<1x40x128xf32, #tpu.memory_space<vmem>> -> memref<40x128xf32, #tpu.memory_space<vmem>>
      %dma_start3A_936 = arith.constant 0 : i32
      %dma_start3A_937 = tpu.memref_slice %arg9[%add3A_929, %dma_start3A_936] : memref<250x40xi32, #tpu.memory_space<vmem>> -> memref<1x40xi32, #tpu.memory_space<vmem>>
      %dma_start3A_938 = tpu.memref_squeeze %dma_start3A_937 : memref<1x40xi32, #tpu.memory_space<vmem>> -> memref<40xi32, #tpu.memory_space<vmem>>
      %dma_start3A_939 = arith.constant 0 : i32
      %dma_start3A_940 = arith.constant 0 : i32
      %dma_start3A_941 = tpu.memref_slice %arg7[%dma_start3A_939, %dma_start3A_940] : memref<10240x128xf32, #tpu.memory_space<vmem_shared>> -> memref<10240x128xf32, #tpu.memory_space<vmem_shared>>
      %dma_start3A_942 = tpu.memref_slice %arg12[%dma_start3A_931] : memref<5x!tpu.dma_semaphore, #tpu.memory_space<semaphore_mem>> -> memref<1x!tpu.dma_semaphore, #tpu.memory_space<semaphore_mem>>
      %dma_start3A_943 = tpu.memref_squeeze %dma_start3A_942 : memref<1x!tpu.dma_semaphore, #tpu.memory_space<semaphore_mem>> -> memref<!tpu.dma_semaphore, #tpu.memory_space<semaphore_mem>>
      tpu.enqueue_indirect_dma source(%dma_start3A_935 : memref<40x128xf32, #tpu.memory_space<vmem>>) target(%dma_start3A_941 : memref<10240x128xf32, #tpu.memory_space<vmem_shared>>) offsets(%dma_start3A_938 : memref<40xi32, #tpu.memory_space<vmem>>) semaphore(%dma_start3A_943 : memref<!tpu.dma_semaphore, #tpu.memory_space<semaphore_mem>>) {add = true}
    }
    %scan3A_355 = arith.constant 48 : i32
    %dma_wait3A_356 = arith.constant 4 : i32
    %dma_wait3A_357 = arith.constant 0 : i32
    %dma_wait3A_358 = arith.constant 4 : i32
    %dma_wait3A_359 = arith.constant 0 : i32
    %dma_wait3A_360 = arith.constant 0 : i32
    %dma_wait3A_361 = tpu.memref_slice %arg10[%dma_wait3A_356, %dma_wait3A_359, %dma_wait3A_360] : memref<5x40x128xf32, #tpu.memory_space<vmem>> -> memref<1x40x128xf32, #tpu.memory_space<vmem>>
    %dma_wait3A_362 = tpu.memref_squeeze %dma_wait3A_361 : memref<1x40x128xf32, #tpu.memory_space<vmem>> -> memref<40x128xf32, #tpu.memory_space<vmem>>
    %dma_wait3A_363 = arith.constant 0 : i32
    %dma_wait3A_364 = tpu.memref_slice %arg9[%dma_wait3A_357, %dma_wait3A_363] : memref<250x40xi32, #tpu.memory_space<vmem>> -> memref<1x40xi32, #tpu.memory_space<vmem>>
    %dma_wait3A_365 = tpu.memref_squeeze %dma_wait3A_364 : memref<1x40xi32, #tpu.memory_space<vmem>> -> memref<40xi32, #tpu.memory_space<vmem>>
    %dma_wait3A_366 = arith.constant 0 : i32
    %dma_wait3A_367 = arith.constant 0 : i32
    %dma_wait3A_368 = tpu.memref_slice %arg7[%dma_wait3A_366, %dma_wait3A_367] : memref<10240x128xf32, #tpu.memory_space<vmem_shared>> -> memref<10240x128xf32, #tpu.memory_space<vmem_shared>>
    %dma_wait3A_369 = tpu.memref_slice %arg12[%dma_wait3A_358] : memref<5x!tpu.dma_semaphore, #tpu.memory_space<semaphore_mem>> -> memref<1x!tpu.dma_semaphore, #tpu.memory_space<semaphore_mem>>
    %dma_wait3A_370 = tpu.memref_squeeze %dma_wait3A_369 : memref<1x!tpu.dma_semaphore, #tpu.memory_space<semaphore_mem>> -> memref<!tpu.dma_semaphore, #tpu.memory_space<semaphore_mem>>
    tpu.wait_indirect_dma semaphore(%dma_wait3A_370 : memref<!tpu.dma_semaphore, #tpu.memory_space<semaphore_mem>>) src(%dma_wait3A_362 : memref<40x128xf32, #tpu.memory_space<vmem>>) dst(%dma_wait3A_368 : memref<10240x128xf32, #tpu.memory_space<vmem_shared>>)
    %dma_start3A_371 = arith.constant 249 : i32
    %dma_start3A_372 = arith.constant 4 : i32
    %dma_start3A_373 = arith.constant 4 : i32
    %dma_start3A_374 = arith.constant 0 : i32
    %dma_start3A_375 = arith.constant 0 : i32
    %dma_start3A_376 = tpu.memref_slice %arg10[%dma_start3A_372, %dma_start3A_374, %dma_start3A_375] : memref<5x40x128xf32, #tpu.memory_space<vmem>> -> memref<1x40x128xf32, #tpu.memory_space<vmem>>
    %dma_start3A_377 = tpu.memref_squeeze %dma_start3A_376 : memref<1x40x128xf32, #tpu.memory_space<vmem>> -> memref<40x128xf32, #tpu.memory_space<vmem>>
    %dma_start3A_378 = arith.constant 0 : i32
    %dma_start3A_379 = tpu.memref_slice %arg8[%dma_start3A_371, %dma_start3A_378] : memref<250x40xi32, #tpu.memory_space<vmem>> -> memref<1x40xi32, #tpu.memory_space<vmem>>
    %dma_start3A_380 = tpu.memref_squeeze %dma_start3A_379 : memref<1x40xi32, #tpu.memory_space<vmem>> -> memref<40xi32, #tpu.memory_space<vmem>>
    %dma_start3A_381 = arith.constant 0 : i32
    %dma_start3A_382 = arith.constant 0 : i32
    %dma_start3A_383 = tpu.memref_slice %arg2[%dma_start3A_381, %dma_start3A_382] : memref<10000x128xf32, #tpu.memory_space<hbm>> -> memref<10000x128xf32, #tpu.memory_space<hbm>>
    %dma_start3A_384 = tpu.memref_slice %arg11[%dma_start3A_373] : memref<5x!tpu.dma_semaphore, #tpu.memory_space<semaphore_mem>> -> memref<1x!tpu.dma_semaphore, #tpu.memory_space<semaphore_mem>>
    %dma_start3A_385 = tpu.memref_squeeze %dma_start3A_384 : memref<1x!tpu.dma_semaphore, #tpu.memory_space<semaphore_mem>> -> memref<!tpu.dma_semaphore, #tpu.memory_space<semaphore_mem>>
    tpu.enqueue_indirect_dma source(%dma_start3A_383 : memref<10000x128xf32, #tpu.memory_space<hbm>>) target(%dma_start3A_377 : memref<40x128xf32, #tpu.memory_space<vmem>>) offsets(%dma_start3A_380 : memref<40xi32, #tpu.memory_space<vmem>>) semaphore(%dma_start3A_385 : memref<!tpu.dma_semaphore, #tpu.memory_space<semaphore_mem>>)
    %dma_wait3A_386 = arith.constant 245 : i32
    %dma_wait3A_387 = arith.constant 0 : i32
    %dma_wait3A_388 = arith.constant 0 : i32
    %dma_wait3A_389 = arith.constant 0 : i32
    %dma_wait3A_390 = arith.constant 0 : i32
    %dma_wait3A_391 = tpu.memref_slice %arg10[%dma_wait3A_387, %dma_wait3A_389, %dma_wait3A_390] : memref<5x40x128xf32, #tpu.memory_space<vmem>> -> memref<1x40x128xf32, #tpu.memory_space<vmem>>
    %dma_wait3A_392 = tpu.memref_squeeze %dma_wait3A_391 : memref<1x40x128xf32, #tpu.memory_space<vmem>> -> memref<40x128xf32, #tpu.memory_space<vmem>>
    %dma_wait3A_393 = arith.constant 0 : i32
    %dma_wait3A_394 = tpu.memref_slice %arg8[%dma_wait3A_386, %dma_wait3A_393] : memref<250x40xi32, #tpu.memory_space<vmem>> -> memref<1x40xi32, #tpu.memory_space<vmem>>
    %dma_wait3A_395 = tpu.memref_squeeze %dma_wait3A_394 : memref<1x40xi32, #tpu.memory_space<vmem>> -> memref<40xi32, #tpu.memory_space<vmem>>
    %dma_wait3A_396 = arith.constant 0 : i32
    %dma_wait3A_397 = arith.constant 0 : i32
    %dma_wait3A_398 = tpu.memref_slice %arg2[%dma_wait3A_396, %dma_wait3A_397] : memref<10000x128xf32, #tpu.memory_space<hbm>> -> memref<10000x128xf32, #tpu.memory_space<hbm>>
    %dma_wait3A_399 = tpu.memref_slice %arg11[%dma_wait3A_388] : memref<5x!tpu.dma_semaphore, #tpu.memory_space<semaphore_mem>> -> memref<1x!tpu.dma_semaphore, #tpu.memory_space<semaphore_mem>>
    %dma_wait3A_400 = tpu.memref_squeeze %dma_wait3A_399 : memref<1x!tpu.dma_semaphore, #tpu.memory_space<semaphore_mem>> -> memref<!tpu.dma_semaphore, #tpu.memory_space<semaphore_mem>>
    tpu.wait_indirect_dma semaphore(%dma_wait3A_400 : memref<!tpu.dma_semaphore, #tpu.memory_space<semaphore_mem>>) src(%dma_wait3A_398 : memref<10000x128xf32, #tpu.memory_space<hbm>>) dst(%dma_wait3A_392 : memref<40x128xf32, #tpu.memory_space<vmem>>)
    %dma_start3A_401 = arith.constant 0 : i32
    %dma_start3A_402 = arith.constant 245 : i32
    %dma_start3A_403 = arith.constant 0 : i32
    %dma_start3A_404 = arith.constant 0 : i32
    %dma_start3A_405 = arith.constant 0 : i32
    %dma_start3A_406 = tpu.memref_slice %arg10[%dma_start3A_401, %dma_start3A_404, %dma_start3A_405] : memref<5x40x128xf32, #tpu.memory_space<vmem>> -> memref<1x40x128xf32, #tpu.memory_space<vmem>>
    %dma_start3A_407 = tpu.memref_squeeze %dma_start3A_406 : memref<1x40x128xf32, #tpu.memory_space<vmem>> -> memref<40x128xf32, #tpu.memory_space<vmem>>
    %dma_start3A_408 = arith.constant 0 : i32
    %dma_start3A_409 = tpu.memref_slice %arg9[%dma_start3A_402, %dma_start3A_408] : memref<250x40xi32, #tpu.memory_space<vmem>> -> memref<1x40xi32, #tpu.memory_space<vmem>>
    %dma_start3A_410 = tpu.memref_squeeze %dma_start3A_409 : memref<1x40xi32, #tpu.memory_space<vmem>> -> memref<40xi32, #tpu.memory_space<vmem>>
    %dma_start3A_411 = arith.constant 0 : i32
    %dma_start3A_412 = arith.constant 0 : i32
    %dma_start3A_413 = tpu.memref_slice %arg7[%dma_start3A_411, %dma_start3A_412] : memref<10240x128xf32, #tpu.memory_space<vmem_shared>> -> memref<10240x128xf32, #tpu.memory_space<vmem_shared>>
    %dma_start3A_414 = tpu.memref_slice %arg12[%dma_start3A_403] : memref<5x!tpu.dma_semaphore, #tpu.memory_space<semaphore_mem>> -> memref<1x!tpu.dma_semaphore, #tpu.memory_space<semaphore_mem>>
    %dma_start3A_415 = tpu.memref_squeeze %dma_start3A_414 : memref<1x!tpu.dma_semaphore, #tpu.memory_space<semaphore_mem>> -> memref<!tpu.dma_semaphore, #tpu.memory_space<semaphore_mem>>
    tpu.enqueue_indirect_dma source(%dma_start3A_407 : memref<40x128xf32, #tpu.memory_space<vmem>>) target(%dma_start3A_413 : memref<10240x128xf32, #tpu.memory_space<vmem_shared>>) offsets(%dma_start3A_410 : memref<40xi32, #tpu.memory_space<vmem>>) semaphore(%dma_start3A_415 : memref<!tpu.dma_semaphore, #tpu.memory_space<semaphore_mem>>) {add = true}
    %dma_wait3A_416 = arith.constant 0 : i32
    %dma_wait3A_417 = arith.constant 0 : i32
    %dma_wait3A_418 = arith.constant 0 : i32
    %dma_wait3A_419 = arith.constant 0 : i32
    %dma_wait3A_420 = arith.constant 0 : i32
    %dma_wait3A_421 = tpu.memref_slice %arg10[%dma_wait3A_416, %dma_wait3A_419, %dma_wait3A_420] : memref<5x40x128xf32, #tpu.memory_space<vmem>> -> memref<1x40x128xf32, #tpu.memory_space<vmem>>
    %dma_wait3A_422 = tpu.memref_squeeze %dma_wait3A_421 : memref<1x40x128xf32, #tpu.memory_space<vmem>> -> memref<40x128xf32, #tpu.memory_space<vmem>>
    %dma_wait3A_423 = arith.constant 0 : i32
    %dma_wait3A_424 = tpu.memref_slice %arg9[%dma_wait3A_417, %dma_wait3A_423] : memref<250x40xi32, #tpu.memory_space<vmem>> -> memref<1x40xi32, #tpu.memory_space<vmem>>
    %dma_wait3A_425 = tpu.memref_squeeze %dma_wait3A_424 : memref<1x40xi32, #tpu.memory_space<vmem>> -> memref<40xi32, #tpu.memory_space<vmem>>
    %dma_wait3A_426 = arith.constant 0 : i32
    %dma_wait3A_427 = arith.constant 0 : i32
    %dma_wait3A_428 = tpu.memref_slice %arg7[%dma_wait3A_426, %dma_wait3A_427] : memref<10240x128xf32, #tpu.memory_space<vmem_shared>> -> memref<10240x128xf32, #tpu.memory_space<vmem_shared>>
    %dma_wait3A_429 = tpu.memref_slice %arg12[%dma_wait3A_418] : memref<5x!tpu.dma_semaphore, #tpu.memory_space<semaphore_mem>> -> memref<1x!tpu.dma_semaphore, #tpu.memory_space<semaphore_mem>>
    %dma_wait3A_430 = tpu.memref_squeeze %dma_wait3A_429 : memref<1x!tpu.dma_semaphore, #tpu.memory_space<semaphore_mem>> -> memref<!tpu.dma_semaphore, #tpu.memory_space<semaphore_mem>>
    tpu.wait_indirect_dma semaphore(%dma_wait3A_430 : memref<!tpu.dma_semaphore, #tpu.memory_space<semaphore_mem>>) src(%dma_wait3A_422 : memref<40x128xf32, #tpu.memory_space<vmem>>) dst(%dma_wait3A_428 : memref<10240x128xf32, #tpu.memory_space<vmem_shared>>)
    %dma_wait3A_431 = arith.constant 246 : i32
    %dma_wait3A_432 = arith.constant 1 : i32
    %dma_wait3A_433 = arith.constant 1 : i32
    %dma_wait3A_434 = arith.constant 0 : i32
    %dma_wait3A_435 = arith.constant 0 : i32
    %dma_wait3A_436 = tpu.memref_slice %arg10[%dma_wait3A_432, %dma_wait3A_434, %dma_wait3A_435] : memref<5x40x128xf32, #tpu.memory_space<vmem>> -> memref<1x40x128xf32, #tpu.memory_space<vmem>>
    %dma_wait3A_437 = tpu.memref_squeeze %dma_wait3A_436 : memref<1x40x128xf32, #tpu.memory_space<vmem>> -> memref<40x128xf32, #tpu.memory_space<vmem>>
    %dma_wait3A_438 = arith.constant 0 : i32
    %dma_wait3A_439 = tpu.memref_slice %arg8[%dma_wait3A_431, %dma_wait3A_438] : memref<250x40xi32, #tpu.memory_space<vmem>> -> memref<1x40xi32, #tpu.memory_space<vmem>>
    %dma_wait3A_440 = tpu.memref_squeeze %dma_wait3A_439 : memref<1x40xi32, #tpu.memory_space<vmem>> -> memref<40xi32, #tpu.memory_space<vmem>>
    %dma_wait3A_441 = arith.constant 0 : i32
    %dma_wait3A_442 = arith.constant 0 : i32
    %dma_wait3A_443 = tpu.memref_slice %arg2[%dma_wait3A_441, %dma_wait3A_442] : memref<10000x128xf32, #tpu.memory_space<hbm>> -> memref<10000x128xf32, #tpu.memory_space<hbm>>
    %dma_wait3A_444 = tpu.memref_slice %arg11[%dma_wait3A_433] : memref<5x!tpu.dma_semaphore, #tpu.memory_space<semaphore_mem>> -> memref<1x!tpu.dma_semaphore, #tpu.memory_space<semaphore_mem>>
    %dma_wait3A_445 = tpu.memref_squeeze %dma_wait3A_444 : memref<1x!tpu.dma_semaphore, #tpu.memory_space<semaphore_mem>> -> memref<!tpu.dma_semaphore, #tpu.memory_space<semaphore_mem>>
    tpu.wait_indirect_dma semaphore(%dma_wait3A_445 : memref<!tpu.dma_semaphore, #tpu.memory_space<semaphore_mem>>) src(%dma_wait3A_443 : memref<10000x128xf32, #tpu.memory_space<hbm>>) dst(%dma_wait3A_437 : memref<40x128xf32, #tpu.memory_space<vmem>>)
    %dma_start3A_446 = arith.constant 1 : i32
    %dma_start3A_447 = arith.constant 246 : i32
    %dma_start3A_448 = arith.constant 1 : i32
    %dma_start3A_449 = arith.constant 0 : i32
    %dma_start3A_450 = arith.constant 0 : i32
    %dma_start3A_451 = tpu.memref_slice %arg10[%dma_start3A_446, %dma_start3A_449, %dma_start3A_450] : memref<5x40x128xf32, #tpu.memory_space<vmem>> -> memref<1x40x128xf32, #tpu.memory_space<vmem>>
    %dma_start3A_452 = tpu.memref_squeeze %dma_start3A_451 : memref<1x40x128xf32, #tpu.memory_space<vmem>> -> memref<40x128xf32, #tpu.memory_space<vmem>>
    %dma_start3A_453 = arith.constant 0 : i32
    %dma_start3A_454 = tpu.memref_slice %arg9[%dma_start3A_447, %dma_start3A_453] : memref<250x40xi32, #tpu.memory_space<vmem>> -> memref<1x40xi32, #tpu.memory_space<vmem>>
    %dma_start3A_455 = tpu.memref_squeeze %dma_start3A_454 : memref<1x40xi32, #tpu.memory_space<vmem>> -> memref<40xi32, #tpu.memory_space<vmem>>
    %dma_start3A_456 = arith.constant 0 : i32
    %dma_start3A_457 = arith.constant 0 : i32
    %dma_start3A_458 = tpu.memref_slice %arg7[%dma_start3A_456, %dma_start3A_457] : memref<10240x128xf32, #tpu.memory_space<vmem_shared>> -> memref<10240x128xf32, #tpu.memory_space<vmem_shared>>
    %dma_start3A_459 = tpu.memref_slice %arg12[%dma_start3A_448] : memref<5x!tpu.dma_semaphore, #tpu.memory_space<semaphore_mem>> -> memref<1x!tpu.dma_semaphore, #tpu.memory_space<semaphore_mem>>
    %dma_start3A_460 = tpu.memref_squeeze %dma_start3A_459 : memref<1x!tpu.dma_semaphore, #tpu.memory_space<semaphore_mem>> -> memref<!tpu.dma_semaphore, #tpu.memory_space<semaphore_mem>>
    tpu.enqueue_indirect_dma source(%dma_start3A_452 : memref<40x128xf32, #tpu.memory_space<vmem>>) target(%dma_start3A_458 : memref<10240x128xf32, #tpu.memory_space<vmem_shared>>) offsets(%dma_start3A_455 : memref<40xi32, #tpu.memory_space<vmem>>) semaphore(%dma_start3A_460 : memref<!tpu.dma_semaphore, #tpu.memory_space<semaphore_mem>>) {add = true}
    %dma_wait3A_461 = arith.constant 1 : i32
    %dma_wait3A_462 = arith.constant 0 : i32
    %dma_wait3A_463 = arith.constant 1 : i32
    %dma_wait3A_464 = arith.constant 0 : i32
    %dma_wait3A_465 = arith.constant 0 : i32
    %dma_wait3A_466 = tpu.memref_slice %arg10[%dma_wait3A_461, %dma_wait3A_464, %dma_wait3A_465] : memref<5x40x128xf32, #tpu.memory_space<vmem>> -> memref<1x40x128xf32, #tpu.memory_space<vmem>>
    %dma_wait3A_467 = tpu.memref_squeeze %dma_wait3A_466 : memref<1x40x128xf32, #tpu.memory_space<vmem>> -> memref<40x128xf32, #tpu.memory_space<vmem>>
    %dma_wait3A_468 = arith.constant 0 : i32
    %dma_wait3A_469 = tpu.memref_slice %arg9[%dma_wait3A_462, %dma_wait3A_468] : memref<250x40xi32, #tpu.memory_space<vmem>> -> memref<1x40xi32, #tpu.memory_space<vmem>>
    %dma_wait3A_470 = tpu.memref_squeeze %dma_wait3A_469 : memref<1x40xi32, #tpu.memory_space<vmem>> -> memref<40xi32, #tpu.memory_space<vmem>>
    %dma_wait3A_471 = arith.constant 0 : i32
    %dma_wait3A_472 = arith.constant 0 : i32
    %dma_wait3A_473 = tpu.memref_slice %arg7[%dma_wait3A_471, %dma_wait3A_472] : memref<10240x128xf32, #tpu.memory_space<vmem_shared>> -> memref<10240x128xf32, #tpu.memory_space<vmem_shared>>
    %dma_wait3A_474 = tpu.memref_slice %arg12[%dma_wait3A_463] : memref<5x!tpu.dma_semaphore, #tpu.memory_space<semaphore_mem>> -> memref<1x!tpu.dma_semaphore, #tpu.memory_space<semaphore_mem>>
    %dma_wait3A_475 = tpu.memref_squeeze %dma_wait3A_474 : memref<1x!tpu.dma_semaphore, #tpu.memory_space<semaphore_mem>> -> memref<!tpu.dma_semaphore, #tpu.memory_space<semaphore_mem>>
    tpu.wait_indirect_dma semaphore(%dma_wait3A_475 : memref<!tpu.dma_semaphore, #tpu.memory_space<semaphore_mem>>) src(%dma_wait3A_467 : memref<40x128xf32, #tpu.memory_space<vmem>>) dst(%dma_wait3A_473 : memref<10240x128xf32, #tpu.memory_space<vmem_shared>>)
    %dma_wait3A_476 = arith.constant 247 : i32
    %dma_wait3A_477 = arith.constant 2 : i32
    %dma_wait3A_478 = arith.constant 2 : i32
    %dma_wait3A_479 = arith.constant 0 : i32
    %dma_wait3A_480 = arith.constant 0 : i32
    %dma_wait3A_481 = tpu.memref_slice %arg10[%dma_wait3A_477, %dma_wait3A_479, %dma_wait3A_480] : memref<5x40x128xf32, #tpu.memory_space<vmem>> -> memref<1x40x128xf32, #tpu.memory_space<vmem>>
    %dma_wait3A_482 = tpu.memref_squeeze %dma_wait3A_481 : memref<1x40x128xf32, #tpu.memory_space<vmem>> -> memref<40x128xf32, #tpu.memory_space<vmem>>
    %dma_wait3A_483 = arith.constant 0 : i32
    %dma_wait3A_484 = tpu.memref_slice %arg8[%dma_wait3A_476, %dma_wait3A_483] : memref<250x40xi32, #tpu.memory_space<vmem>> -> memref<1x40xi32, #tpu.memory_space<vmem>>
    %dma_wait3A_485 = tpu.memref_squeeze %dma_wait3A_484 : memref<1x40xi32, #tpu.memory_space<vmem>> -> memref<40xi32, #tpu.memory_space<vmem>>
    %dma_wait3A_486 = arith.constant 0 : i32
    %dma_wait3A_487 = arith.constant 0 : i32
    %dma_wait3A_488 = tpu.memref_slice %arg2[%dma_wait3A_486, %dma_wait3A_487] : memref<10000x128xf32, #tpu.memory_space<hbm>> -> memref<10000x128xf32, #tpu.memory_space<hbm>>
    %dma_wait3A_489 = tpu.memref_slice %arg11[%dma_wait3A_478] : memref<5x!tpu.dma_semaphore, #tpu.memory_space<semaphore_mem>> -> memref<1x!tpu.dma_semaphore, #tpu.memory_space<semaphore_mem>>
    %dma_wait3A_490 = tpu.memref_squeeze %dma_wait3A_489 : memref<1x!tpu.dma_semaphore, #tpu.memory_space<semaphore_mem>> -> memref<!tpu.dma_semaphore, #tpu.memory_space<semaphore_mem>>
    tpu.wait_indirect_dma semaphore(%dma_wait3A_490 : memref<!tpu.dma_semaphore, #tpu.memory_space<semaphore_mem>>) src(%dma_wait3A_488 : memref<10000x128xf32, #tpu.memory_space<hbm>>) dst(%dma_wait3A_482 : memref<40x128xf32, #tpu.memory_space<vmem>>)
    %dma_start3A_491 = arith.constant 2 : i32
    %dma_start3A_492 = arith.constant 247 : i32
    %dma_start3A_493 = arith.constant 2 : i32
    %dma_start3A_494 = arith.constant 0 : i32
    %dma_start3A_495 = arith.constant 0 : i32
    %dma_start3A_496 = tpu.memref_slice %arg10[%dma_start3A_491, %dma_start3A_494, %dma_start3A_495] : memref<5x40x128xf32, #tpu.memory_space<vmem>> -> memref<1x40x128xf32, #tpu.memory_space<vmem>>
    %dma_start3A_497 = tpu.memref_squeeze %dma_start3A_496 : memref<1x40x128xf32, #tpu.memory_space<vmem>> -> memref<40x128xf32, #tpu.memory_space<vmem>>
    %dma_start3A_498 = arith.constant 0 : i32
    %dma_start3A_499 = tpu.memref_slice %arg9[%dma_start3A_492, %dma_start3A_498] : memref<250x40xi32, #tpu.memory_space<vmem>> -> memref<1x40xi32, #tpu.memory_space<vmem>>
    %dma_start3A_500 = tpu.memref_squeeze %dma_start3A_499 : memref<1x40xi32, #tpu.memory_space<vmem>> -> memref<40xi32, #tpu.memory_space<vmem>>
    %dma_start3A_501 = arith.constant 0 : i32
    %dma_start3A_502 = arith.constant 0 : i32
    %dma_start3A_503 = tpu.memref_slice %arg7[%dma_start3A_501, %dma_start3A_502] : memref<10240x128xf32, #tpu.memory_space<vmem_shared>> -> memref<10240x128xf32, #tpu.memory_space<vmem_shared>>
    %dma_start3A_504 = tpu.memref_slice %arg12[%dma_start3A_493] : memref<5x!tpu.dma_semaphore, #tpu.memory_space<semaphore_mem>> -> memref<1x!tpu.dma_semaphore, #tpu.memory_space<semaphore_mem>>
    %dma_start3A_505 = tpu.memref_squeeze %dma_start3A_504 : memref<1x!tpu.dma_semaphore, #tpu.memory_space<semaphore_mem>> -> memref<!tpu.dma_semaphore, #tpu.memory_space<semaphore_mem>>
    tpu.enqueue_indirect_dma source(%dma_start3A_497 : memref<40x128xf32, #tpu.memory_space<vmem>>) target(%dma_start3A_503 : memref<10240x128xf32, #tpu.memory_space<vmem_shared>>) offsets(%dma_start3A_500 : memref<40xi32, #tpu.memory_space<vmem>>) semaphore(%dma_start3A_505 : memref<!tpu.dma_semaphore, #tpu.memory_space<semaphore_mem>>) {add = true}
    %dma_wait3A_506 = arith.constant 2 : i32
    %dma_wait3A_507 = arith.constant 0 : i32
    %dma_wait3A_508 = arith.constant 2 : i32
    %dma_wait3A_509 = arith.constant 0 : i32
    %dma_wait3A_510 = arith.constant 0 : i32
    %dma_wait3A_511 = tpu.memref_slice %arg10[%dma_wait3A_506, %dma_wait3A_509, %dma_wait3A_510] : memref<5x40x128xf32, #tpu.memory_space<vmem>> -> memref<1x40x128xf32, #tpu.memory_space<vmem>>
    %dma_wait3A_512 = tpu.memref_squeeze %dma_wait3A_511 : memref<1x40x128xf32, #tpu.memory_space<vmem>> -> memref<40x128xf32, #tpu.memory_space<vmem>>
    %dma_wait3A_513 = arith.constant 0 : i32
    %dma_wait3A_514 = tpu.memref_slice %arg9[%dma_wait3A_507, %dma_wait3A_513] : memref<250x40xi32, #tpu.memory_space<vmem>> -> memref<1x40xi32, #tpu.memory_space<vmem>>
    %dma_wait3A_515 = tpu.memref_squeeze %dma_wait3A_514 : memref<1x40xi32, #tpu.memory_space<vmem>> -> memref<40xi32, #tpu.memory_space<vmem>>
    %dma_wait3A_516 = arith.constant 0 : i32
    %dma_wait3A_517 = arith.constant 0 : i32
    %dma_wait3A_518 = tpu.memref_slice %arg7[%dma_wait3A_516, %dma_wait3A_517] : memref<10240x128xf32, #tpu.memory_space<vmem_shared>> -> memref<10240x128xf32, #tpu.memory_space<vmem_shared>>
    %dma_wait3A_519 = tpu.memref_slice %arg12[%dma_wait3A_508] : memref<5x!tpu.dma_semaphore, #tpu.memory_space<semaphore_mem>> -> memref<1x!tpu.dma_semaphore, #tpu.memory_space<semaphore_mem>>
    %dma_wait3A_520 = tpu.memref_squeeze %dma_wait3A_519 : memref<1x!tpu.dma_semaphore, #tpu.memory_space<semaphore_mem>> -> memref<!tpu.dma_semaphore, #tpu.memory_space<semaphore_mem>>
    tpu.wait_indirect_dma semaphore(%dma_wait3A_520 : memref<!tpu.dma_semaphore, #tpu.memory_space<semaphore_mem>>) src(%dma_wait3A_512 : memref<40x128xf32, #tpu.memory_space<vmem>>) dst(%dma_wait3A_518 : memref<10240x128xf32, #tpu.memory_space<vmem_shared>>)
    %dma_wait3A_521 = arith.constant 248 : i32
    %dma_wait3A_522 = arith.constant 3 : i32
    %dma_wait3A_523 = arith.constant 3 : i32
    %dma_wait3A_524 = arith.constant 0 : i32
    %dma_wait3A_525 = arith.constant 0 : i32
    %dma_wait3A_526 = tpu.memref_slice %arg10[%dma_wait3A_522, %dma_wait3A_524, %dma_wait3A_525] : memref<5x40x128xf32, #tpu.memory_space<vmem>> -> memref<1x40x128xf32, #tpu.memory_space<vmem>>
    %dma_wait3A_527 = tpu.memref_squeeze %dma_wait3A_526 : memref<1x40x128xf32, #tpu.memory_space<vmem>> -> memref<40x128xf32, #tpu.memory_space<vmem>>
    %dma_wait3A_528 = arith.constant 0 : i32
    %dma_wait3A_529 = tpu.memref_slice %arg8[%dma_wait3A_521, %dma_wait3A_528] : memref<250x40xi32, #tpu.memory_space<vmem>> -> memref<1x40xi32, #tpu.memory_space<vmem>>
    %dma_wait3A_530 = tpu.memref_squeeze %dma_wait3A_529 : memref<1x40xi32, #tpu.memory_space<vmem>> -> memref<40xi32, #tpu.memory_space<vmem>>
    %dma_wait3A_531 = arith.constant 0 : i32
    %dma_wait3A_532 = arith.constant 0 : i32
    %dma_wait3A_533 = tpu.memref_slice %arg2[%dma_wait3A_531, %dma_wait3A_532] : memref<10000x128xf32, #tpu.memory_space<hbm>> -> memref<10000x128xf32, #tpu.memory_space<hbm>>
    %dma_wait3A_534 = tpu.memref_slice %arg11[%dma_wait3A_523] : memref<5x!tpu.dma_semaphore, #tpu.memory_space<semaphore_mem>> -> memref<1x!tpu.dma_semaphore, #tpu.memory_space<semaphore_mem>>
    %dma_wait3A_535 = tpu.memref_squeeze %dma_wait3A_534 : memref<1x!tpu.dma_semaphore, #tpu.memory_space<semaphore_mem>> -> memref<!tpu.dma_semaphore, #tpu.memory_space<semaphore_mem>>
    tpu.wait_indirect_dma semaphore(%dma_wait3A_535 : memref<!tpu.dma_semaphore, #tpu.memory_space<semaphore_mem>>) src(%dma_wait3A_533 : memref<10000x128xf32, #tpu.memory_space<hbm>>) dst(%dma_wait3A_527 : memref<40x128xf32, #tpu.memory_space<vmem>>)
    %dma_start3A_536 = arith.constant 3 : i32
    %dma_start3A_537 = arith.constant 248 : i32
    %dma_start3A_538 = arith.constant 3 : i32
    %dma_start3A_539 = arith.constant 0 : i32
    %dma_start3A_540 = arith.constant 0 : i32
    %dma_start3A_541 = tpu.memref_slice %arg10[%dma_start3A_536, %dma_start3A_539, %dma_start3A_540] : memref<5x40x128xf32, #tpu.memory_space<vmem>> -> memref<1x40x128xf32, #tpu.memory_space<vmem>>
    %dma_start3A_542 = tpu.memref_squeeze %dma_start3A_541 : memref<1x40x128xf32, #tpu.memory_space<vmem>> -> memref<40x128xf32, #tpu.memory_space<vmem>>
    %dma_start3A_543 = arith.constant 0 : i32
    %dma_start3A_544 = tpu.memref_slice %arg9[%dma_start3A_537, %dma_start3A_543] : memref<250x40xi32, #tpu.memory_space<vmem>> -> memref<1x40xi32, #tpu.memory_space<vmem>>
    %dma_start3A_545 = tpu.memref_squeeze %dma_start3A_544 : memref<1x40xi32, #tpu.memory_space<vmem>> -> memref<40xi32, #tpu.memory_space<vmem>>
    %dma_start3A_546 = arith.constant 0 : i32
    %dma_start3A_547 = arith.constant 0 : i32
    %dma_start3A_548 = tpu.memref_slice %arg7[%dma_start3A_546, %dma_start3A_547] : memref<10240x128xf32, #tpu.memory_space<vmem_shared>> -> memref<10240x128xf32, #tpu.memory_space<vmem_shared>>
    %dma_start3A_549 = tpu.memref_slice %arg12[%dma_start3A_538] : memref<5x!tpu.dma_semaphore, #tpu.memory_space<semaphore_mem>> -> memref<1x!tpu.dma_semaphore, #tpu.memory_space<semaphore_mem>>
    %dma_start3A_550 = tpu.memref_squeeze %dma_start3A_549 : memref<1x!tpu.dma_semaphore, #tpu.memory_space<semaphore_mem>> -> memref<!tpu.dma_semaphore, #tpu.memory_space<semaphore_mem>>
    tpu.enqueue_indirect_dma source(%dma_start3A_542 : memref<40x128xf32, #tpu.memory_space<vmem>>) target(%dma_start3A_548 : memref<10240x128xf32, #tpu.memory_space<vmem_shared>>) offsets(%dma_start3A_545 : memref<40xi32, #tpu.memory_space<vmem>>) semaphore(%dma_start3A_550 : memref<!tpu.dma_semaphore, #tpu.memory_space<semaphore_mem>>) {add = true}
    %dma_wait3A_551 = arith.constant 3 : i32
    %dma_wait3A_552 = arith.constant 0 : i32
    %dma_wait3A_553 = arith.constant 3 : i32
    %dma_wait3A_554 = arith.constant 0 : i32
    %dma_wait3A_555 = arith.constant 0 : i32
    %dma_wait3A_556 = tpu.memref_slice %arg10[%dma_wait3A_551, %dma_wait3A_554, %dma_wait3A_555] : memref<5x40x128xf32, #tpu.memory_space<vmem>> -> memref<1x40x128xf32, #tpu.memory_space<vmem>>
    %dma_wait3A_557 = tpu.memref_squeeze %dma_wait3A_556 : memref<1x40x128xf32, #tpu.memory_space<vmem>> -> memref<40x128xf32, #tpu.memory_space<vmem>>
    %dma_wait3A_558 = arith.constant 0 : i32
    %dma_wait3A_559 = tpu.memref_slice %arg9[%dma_wait3A_552, %dma_wait3A_558] : memref<250x40xi32, #tpu.memory_space<vmem>> -> memref<1x40xi32, #tpu.memory_space<vmem>>
    %dma_wait3A_560 = tpu.memref_squeeze %dma_wait3A_559 : memref<1x40xi32, #tpu.memory_space<vmem>> -> memref<40xi32, #tpu.memory_space<vmem>>
    %dma_wait3A_561 = arith.constant 0 : i32
    %dma_wait3A_562 = arith.constant 0 : i32
    %dma_wait3A_563 = tpu.memref_slice %arg7[%dma_wait3A_561, %dma_wait3A_562] : memref<10240x128xf32, #tpu.memory_space<vmem_shared>> -> memref<10240x128xf32, #tpu.memory_space<vmem_shared>>
    %dma_wait3A_564 = tpu.memref_slice %arg12[%dma_wait3A_553] : memref<5x!tpu.dma_semaphore, #tpu.memory_space<semaphore_mem>> -> memref<1x!tpu.dma_semaphore, #tpu.memory_space<semaphore_mem>>
    %dma_wait3A_565 = tpu.memref_squeeze %dma_wait3A_564 : memref<1x!tpu.dma_semaphore, #tpu.memory_space<semaphore_mem>> -> memref<!tpu.dma_semaphore, #tpu.memory_space<semaphore_mem>>
    tpu.wait_indirect_dma semaphore(%dma_wait3A_565 : memref<!tpu.dma_semaphore, #tpu.memory_space<semaphore_mem>>) src(%dma_wait3A_557 : memref<40x128xf32, #tpu.memory_space<vmem>>) dst(%dma_wait3A_563 : memref<10240x128xf32, #tpu.memory_space<vmem_shared>>)
    %dma_wait3A_566 = arith.constant 249 : i32
    %dma_wait3A_567 = arith.constant 4 : i32
    %dma_wait3A_568 = arith.constant 4 : i32
    %dma_wait3A_569 = arith.constant 0 : i32
    %dma_wait3A_570 = arith.constant 0 : i32
    %dma_wait3A_571 = tpu.memref_slice %arg10[%dma_wait3A_567, %dma_wait3A_569, %dma_wait3A_570] : memref<5x40x128xf32, #tpu.memory_space<vmem>> -> memref<1x40x128xf32, #tpu.memory_space<vmem>>
    %dma_wait3A_572 = tpu.memref_squeeze %dma_wait3A_571 : memref<1x40x128xf32, #tpu.memory_space<vmem>> -> memref<40x128xf32, #tpu.memory_space<vmem>>
    %dma_wait3A_573 = arith.constant 0 : i32
    %dma_wait3A_574 = tpu.memref_slice %arg8[%dma_wait3A_566, %dma_wait3A_573] : memref<250x40xi32, #tpu.memory_space<vmem>> -> memref<1x40xi32, #tpu.memory_space<vmem>>
    %dma_wait3A_575 = tpu.memref_squeeze %dma_wait3A_574 : memref<1x40xi32, #tpu.memory_space<vmem>> -> memref<40xi32, #tpu.memory_space<vmem>>
    %dma_wait3A_576 = arith.constant 0 : i32
    %dma_wait3A_577 = arith.constant 0 : i32
    %dma_wait3A_578 = tpu.memref_slice %arg2[%dma_wait3A_576, %dma_wait3A_577] : memref<10000x128xf32, #tpu.memory_space<hbm>> -> memref<10000x128xf32, #tpu.memory_space<hbm>>
    %dma_wait3A_579 = tpu.memref_slice %arg11[%dma_wait3A_568] : memref<5x!tpu.dma_semaphore, #tpu.memory_space<semaphore_mem>> -> memref<1x!tpu.dma_semaphore, #tpu.memory_space<semaphore_mem>>
    %dma_wait3A_580 = tpu.memref_squeeze %dma_wait3A_579 : memref<1x!tpu.dma_semaphore, #tpu.memory_space<semaphore_mem>> -> memref<!tpu.dma_semaphore, #tpu.memory_space<semaphore_mem>>
    tpu.wait_indirect_dma semaphore(%dma_wait3A_580 : memref<!tpu.dma_semaphore, #tpu.memory_space<semaphore_mem>>) src(%dma_wait3A_578 : memref<10000x128xf32, #tpu.memory_space<hbm>>) dst(%dma_wait3A_572 : memref<40x128xf32, #tpu.memory_space<vmem>>)
    %dma_start3A_581 = arith.constant 4 : i32
    %dma_start3A_582 = arith.constant 249 : i32
    %dma_start3A_583 = arith.constant 4 : i32
    %dma_start3A_584 = arith.constant 0 : i32
    %dma_start3A_585 = arith.constant 0 : i32
    %dma_start3A_586 = tpu.memref_slice %arg10[%dma_start3A_581, %dma_start3A_584, %dma_start3A_585] : memref<5x40x128xf32, #tpu.memory_space<vmem>> -> memref<1x40x128xf32, #tpu.memory_space<vmem>>
    %dma_start3A_587 = tpu.memref_squeeze %dma_start3A_586 : memref<1x40x128xf32, #tpu.memory_space<vmem>> -> memref<40x128xf32, #tpu.memory_space<vmem>>
    %dma_start3A_588 = arith.constant 0 : i32
    %dma_start3A_589 = tpu.memref_slice %arg9[%dma_start3A_582, %dma_start3A_588] : memref<250x40xi32, #tpu.memory_space<vmem>> -> memref<1x40xi32, #tpu.memory_space<vmem>>
    %dma_start3A_590 = tpu.memref_squeeze %dma_start3A_589 : memref<1x40xi32, #tpu.memory_space<vmem>> -> memref<40xi32, #tpu.memory_space<vmem>>
    %dma_start3A_591 = arith.constant 0 : i32
    %dma_start3A_592 = arith.constant 0 : i32
    %dma_start3A_593 = tpu.memref_slice %arg7[%dma_start3A_591, %dma_start3A_592] : memref<10240x128xf32, #tpu.memory_space<vmem_shared>> -> memref<10240x128xf32, #tpu.memory_space<vmem_shared>>
    %dma_start3A_594 = tpu.memref_slice %arg12[%dma_start3A_583] : memref<5x!tpu.dma_semaphore, #tpu.memory_space<semaphore_mem>> -> memref<1x!tpu.dma_semaphore, #tpu.memory_space<semaphore_mem>>
    %dma_start3A_595 = tpu.memref_squeeze %dma_start3A_594 : memref<1x!tpu.dma_semaphore, #tpu.memory_space<semaphore_mem>> -> memref<!tpu.dma_semaphore, #tpu.memory_space<semaphore_mem>>
    tpu.enqueue_indirect_dma source(%dma_start3A_587 : memref<40x128xf32, #tpu.memory_space<vmem>>) target(%dma_start3A_593 : memref<10240x128xf32, #tpu.memory_space<vmem_shared>>) offsets(%dma_start3A_590 : memref<40xi32, #tpu.memory_space<vmem>>) semaphore(%dma_start3A_595 : memref<!tpu.dma_semaphore, #tpu.memory_space<semaphore_mem>>) {add = true}
    %dma_wait3A_596 = arith.constant 4 : i32
    %dma_wait3A_597 = arith.constant 0 : i32
    %dma_wait3A_598 = arith.constant 4 : i32
    %dma_wait3A_599 = arith.constant 0 : i32
    %dma_wait3A_600 = arith.constant 0 : i32
    %dma_wait3A_601 = tpu.memref_slice %arg10[%dma_wait3A_596, %dma_wait3A_599, %dma_wait3A_600] : memref<5x40x128xf32, #tpu.memory_space<vmem>> -> memref<1x40x128xf32, #tpu.memory_space<vmem>>
    %dma_wait3A_602 = tpu.memref_squeeze %dma_wait3A_601 : memref<1x40x128xf32, #tpu.memory_space<vmem>> -> memref<40x128xf32, #tpu.memory_space<vmem>>
    %dma_wait3A_603 = arith.constant 0 : i32
    %dma_wait3A_604 = tpu.memref_slice %arg9[%dma_wait3A_597, %dma_wait3A_603] : memref<250x40xi32, #tpu.memory_space<vmem>> -> memref<1x40xi32, #tpu.memory_space<vmem>>
    %dma_wait3A_605 = tpu.memref_squeeze %dma_wait3A_604 : memref<1x40xi32, #tpu.memory_space<vmem>> -> memref<40xi32, #tpu.memory_space<vmem>>
    %dma_wait3A_606 = arith.constant 0 : i32
    %dma_wait3A_607 = arith.constant 0 : i32
    %dma_wait3A_608 = tpu.memref_slice %arg7[%dma_wait3A_606, %dma_wait3A_607] : memref<10240x128xf32, #tpu.memory_space<vmem_shared>> -> memref<10240x128xf32, #tpu.memory_space<vmem_shared>>
    %dma_wait3A_609 = tpu.memref_slice %arg12[%dma_wait3A_598] : memref<5x!tpu.dma_semaphore, #tpu.memory_space<semaphore_mem>> -> memref<1x!tpu.dma_semaphore, #tpu.memory_space<semaphore_mem>>
    %dma_wait3A_610 = tpu.memref_squeeze %dma_wait3A_609 : memref<1x!tpu.dma_semaphore, #tpu.memory_space<semaphore_mem>> -> memref<!tpu.dma_semaphore, #tpu.memory_space<semaphore_mem>>
    tpu.wait_indirect_dma semaphore(%dma_wait3A_610 : memref<!tpu.dma_semaphore, #tpu.memory_space<semaphore_mem>>) src(%dma_wait3A_602 : memref<40x128xf32, #tpu.memory_space<vmem>>) dst(%dma_wait3A_608 : memref<10240x128xf32, #tpu.memory_space<vmem_shared>>)
    %barrier3A_611 = arith.constant 0 : index
    tpu.barrier barrier_id(%barrier3A_611)
    %mul3A_612 = arith.constant 640 : i32
    %mul3A_613 = arith.muli %arg1, %mul3A_612 : i32
    %mul3A_614 = arith.constant 640 : i32
    %mul3A_615 = arith.muli %arg1, %mul3A_614 : i32
    "tpu.region"() ({
      %run_scoped3A = tpu.sem_alloc : memref<!tpu.dma_semaphore, #tpu.memory_space<semaphore_mem>>
      %dma_start3A_616 = arith.constant 0 : i32
      %dma_start3A_617 = tpu.memref_slice %arg6[%arg0, %mul3A_615, %dma_start3A_616] : memref<2x10240x128xf32, #tpu.memory_space<hbm>> -> memref<1x640x128xf32, #tpu.memory_space<hbm>>
      %dma_start3A_618 = tpu.memref_squeeze %dma_start3A_617 : memref<1x640x128xf32, #tpu.memory_space<hbm>> -> memref<640x128xf32, #tpu.memory_space<hbm>>
      %dma_start3A_619 = arith.constant 0 : i32
      %dma_start3A_620 = tpu.memref_slice %arg7[%mul3A_613, %dma_start3A_619] : memref<10240x128xf32, #tpu.memory_space<vmem_shared>> -> memref<640x128xf32, #tpu.memory_space<vmem_shared>>
      tpu.enqueue_dma source(%dma_start3A_620 : memref<640x128xf32, #tpu.memory_space<vmem_shared>>) target(%dma_start3A_618 : memref<640x128xf32, #tpu.memory_space<hbm>>) target_semaphore(%run_scoped3A : memref<!tpu.dma_semaphore, #tpu.memory_space<semaphore_mem>>)
      %dma_wait3A_621 = arith.constant 0 : i32
      %dma_wait3A_622 = tpu.memref_slice %arg6[%arg0, %mul3A_615, %dma_wait3A_621] : memref<2x10240x128xf32, #tpu.memory_space<hbm>> -> memref<1x640x128xf32, #tpu.memory_space<hbm>>
      %dma_wait3A_623 = tpu.memref_squeeze %dma_wait3A_622 : memref<1x640x128xf32, #tpu.memory_space<hbm>> -> memref<640x128xf32, #tpu.memory_space<hbm>>
      %dma_wait3A_624 = arith.constant 0 : i32
      %dma_wait3A_625 = tpu.memref_slice %arg7[%mul3A_613, %dma_wait3A_624] : memref<10240x128xf32, #tpu.memory_space<vmem_shared>> -> memref<640x128xf32, #tpu.memory_space<vmem_shared>>
      tpu.wait_dma2 semaphore(%run_scoped3A : memref<!tpu.dma_semaphore, #tpu.memory_space<semaphore_mem>>) src(%dma_wait3A_625 : memref<640x128xf32, #tpu.memory_space<vmem_shared>>) dst(%dma_wait3A_623 : memref<640x128xf32, #tpu.memory_space<hbm>>)
      tpu.yield
    }) : () -> ()
    return
  }
}

#map = affine_map<(d0, d1) -> (0, 0)>
#map1 = affine_map<(d0, d1) -> (0, 0, 0)>
module attributes {stable_mosaic.version = 14 : i64} {
  func.func @_sc_aggregate(%arg0: i32, %arg1: i32, %arg2: memref<10000x128xf32, #tpu.memory_space<hbm>>, %arg3: memref<32x250x40xi32, #tpu.memory_space<hbm>>, %arg4: memref<32x250x40xi32, #tpu.memory_space<hbm>>, %arg5: memref<640x128xf32, #tpu.memory_space<hbm>>, %arg6: memref<2x10240x128xf32, #tpu.memory_space<hbm>>, %arg7: memref<10240x128xf32, #tpu.memory_space<vmem_shared>>, %arg8: memref<250x40xi32, #tpu.memory_space<vmem>>, %arg9: memref<250x40xi32, #tpu.memory_space<vmem>>, %arg10: memref<5x40x128xf32, #tpu.memory_space<vmem>>, %arg11: memref<5x!tpu.dma_semaphore, #tpu.memory_space<semaphore_mem>>, %arg12: memref<5x!tpu.dma_semaphore, #tpu.memory_space<semaphore_mem>>) attributes {dimension_semantics = [#tpu.dimension_semantics<core_parallel>, #tpu.dimension_semantics<subcore_parallel>], iteration_bounds = array<i64: 2, 16>, scalar_prefetch = 0 : i64, scratch_operands = 6 : i64, tpu.core_type = #tpu.core_type<sc_vector_subcore>, window_params = [{transform_indices = #map}, {transform_indices = #map1}, {transform_indices = #map1}, {transform_indices = #map}, {transform_indices = #map1}]} {
    %mul3A = arith.constant 2 : i32
    %mul3A_0 = arith.muli %arg1, %mul3A : i32
    %add3A = arith.addi %mul3A_0, %arg0 : i32
    "tpu.region"() ({
      %run_scoped3A = tpu.sem_alloc : memref<!tpu.dma_semaphore, #tpu.memory_space<semaphore_mem>>
      %dma_start3A_616 = arith.constant 0 : i32
      %dma_start3A_617 = arith.constant 0 : i32
      %dma_start3A_618 = tpu.memref_slice %arg3[%add3A, %dma_start3A_616, %dma_start3A_617] : memref<32x250x40xi32, #tpu.memory_space<hbm>> -> memref<1x250x40xi32, #tpu.memory_space<hbm>>
      %dma_start3A_619 = tpu.memref_squeeze %dma_start3A_618 : memref<1x250x40xi32, #tpu.memory_space<hbm>> -> memref<250x40xi32, #tpu.memory_space<hbm>>
      %dma_start3A_620 = arith.constant 0 : i32
      %dma_start3A_621 = arith.constant 0 : i32
      %dma_start3A_622 = tpu.memref_slice %arg3[%add3A, %dma_start3A_620, %dma_start3A_621] : memref<32x250x40xi32, #tpu.memory_space<hbm>> -> memref<1x250x40xi32, #tpu.memory_space<hbm>>
      %dma_start3A_623 = tpu.memref_squeeze %dma_start3A_622 : memref<1x250x40xi32, #tpu.memory_space<hbm>> -> memref<250x40xi32, #tpu.memory_space<hbm>>
      tpu.enqueue_dma source(%dma_start3A_623 : memref<250x40xi32, #tpu.memory_space<hbm>>) target(%arg8 : memref<250x40xi32, #tpu.memory_space<vmem>>) target_semaphore(%run_scoped3A : memref<!tpu.dma_semaphore, #tpu.memory_space<semaphore_mem>>)
      %dma_wait3A_624 = arith.constant 0 : i32
      %dma_wait3A_625 = arith.constant 0 : i32
      %dma_wait3A_626 = tpu.memref_slice %arg3[%add3A, %dma_wait3A_624, %dma_wait3A_625] : memref<32x250x40xi32, #tpu.memory_space<hbm>> -> memref<1x250x40xi32, #tpu.memory_space<hbm>>
      %dma_wait3A_627 = tpu.memref_squeeze %dma_wait3A_626 : memref<1x250x40xi32, #tpu.memory_space<hbm>> -> memref<250x40xi32, #tpu.memory_space<hbm>>
      %dma_wait3A_628 = arith.constant 0 : i32
      %dma_wait3A_629 = arith.constant 0 : i32
      %dma_wait3A_630 = tpu.memref_slice %arg3[%add3A, %dma_wait3A_628, %dma_wait3A_629] : memref<32x250x40xi32, #tpu.memory_space<hbm>> -> memref<1x250x40xi32, #tpu.memory_space<hbm>>
      %dma_wait3A_631 = tpu.memref_squeeze %dma_wait3A_630 : memref<1x250x40xi32, #tpu.memory_space<hbm>> -> memref<250x40xi32, #tpu.memory_space<hbm>>
      tpu.wait_dma2 semaphore(%run_scoped3A : memref<!tpu.dma_semaphore, #tpu.memory_space<semaphore_mem>>) src(%dma_wait3A_631 : memref<250x40xi32, #tpu.memory_space<hbm>>) dst(%arg8 : memref<250x40xi32, #tpu.memory_space<vmem>>)
      tpu.yield
    }) : () -> ()
    "tpu.region"() ({
      %run_scoped3A = tpu.sem_alloc : memref<!tpu.dma_semaphore, #tpu.memory_space<semaphore_mem>>
      %dma_start3A_616 = arith.constant 0 : i32
      %dma_start3A_617 = arith.constant 0 : i32
      %dma_start3A_618 = tpu.memref_slice %arg4[%add3A, %dma_start3A_616, %dma_start3A_617] : memref<32x250x40xi32, #tpu.memory_space<hbm>> -> memref<1x250x40xi32, #tpu.memory_space<hbm>>
      %dma_start3A_619 = tpu.memref_squeeze %dma_start3A_618 : memref<1x250x40xi32, #tpu.memory_space<hbm>> -> memref<250x40xi32, #tpu.memory_space<hbm>>
      %dma_start3A_620 = arith.constant 0 : i32
      %dma_start3A_621 = arith.constant 0 : i32
      %dma_start3A_622 = tpu.memref_slice %arg4[%add3A, %dma_start3A_620, %dma_start3A_621] : memref<32x250x40xi32, #tpu.memory_space<hbm>> -> memref<1x250x40xi32, #tpu.memory_space<hbm>>
      %dma_start3A_623 = tpu.memref_squeeze %dma_start3A_622 : memref<1x250x40xi32, #tpu.memory_space<hbm>> -> memref<250x40xi32, #tpu.memory_space<hbm>>
      tpu.enqueue_dma source(%dma_start3A_623 : memref<250x40xi32, #tpu.memory_space<hbm>>) target(%arg9 : memref<250x40xi32, #tpu.memory_space<vmem>>) target_semaphore(%run_scoped3A : memref<!tpu.dma_semaphore, #tpu.memory_space<semaphore_mem>>)
      %dma_wait3A_624 = arith.constant 0 : i32
      %dma_wait3A_625 = arith.constant 0 : i32
      %dma_wait3A_626 = tpu.memref_slice %arg4[%add3A, %dma_wait3A_624, %dma_wait3A_625] : memref<32x250x40xi32, #tpu.memory_space<hbm>> -> memref<1x250x40xi32, #tpu.memory_space<hbm>>
      %dma_wait3A_627 = tpu.memref_squeeze %dma_wait3A_626 : memref<1x250x40xi32, #tpu.memory_space<hbm>> -> memref<250x40xi32, #tpu.memory_space<hbm>>
      %dma_wait3A_628 = arith.constant 0 : i32
      %dma_wait3A_629 = arith.constant 0 : i32
      %dma_wait3A_630 = tpu.memref_slice %arg4[%add3A, %dma_wait3A_628, %dma_wait3A_629] : memref<32x250x40xi32, #tpu.memory_space<hbm>> -> memref<1x250x40xi32, #tpu.memory_space<hbm>>
      %dma_wait3A_631 = tpu.memref_squeeze %dma_wait3A_630 : memref<1x250x40xi32, #tpu.memory_space<hbm>> -> memref<250x40xi32, #tpu.memory_space<hbm>>
      tpu.wait_dma2 semaphore(%run_scoped3A : memref<!tpu.dma_semaphore, #tpu.memory_space<semaphore_mem>>) src(%dma_wait3A_631 : memref<250x40xi32, #tpu.memory_space<hbm>>) dst(%arg9 : memref<250x40xi32, #tpu.memory_space<vmem>>)
      tpu.yield
    }) : () -> ()
    %dma_start3A = arith.constant 0 : i32
    %dma_start3A_1 = arith.constant 0 : i32
    %dma_start3A_2 = arith.constant 0 : i32
    %dma_start3A_3 = arith.constant 0 : i32
    %dma_start3A_4 = arith.constant 0 : i32
    %dma_start3A_5 = tpu.memref_slice %arg10[%dma_start3A_1, %dma_start3A_3, %dma_start3A_4] : memref<5x40x128xf32, #tpu.memory_space<vmem>> -> memref<1x40x128xf32, #tpu.memory_space<vmem>>
    %dma_start3A_6 = tpu.memref_squeeze %dma_start3A_5 : memref<1x40x128xf32, #tpu.memory_space<vmem>> -> memref<40x128xf32, #tpu.memory_space<vmem>>
    %dma_start3A_7 = arith.constant 0 : i32
    %dma_start3A_8 = tpu.memref_slice %arg8[%dma_start3A, %dma_start3A_7] : memref<250x40xi32, #tpu.memory_space<vmem>> -> memref<1x40xi32, #tpu.memory_space<vmem>>
    %dma_start3A_9 = tpu.memref_squeeze %dma_start3A_8 : memref<1x40xi32, #tpu.memory_space<vmem>> -> memref<40xi32, #tpu.memory_space<vmem>>
    %dma_start3A_10 = arith.constant 0 : i32
    %dma_start3A_11 = arith.constant 0 : i32
    %dma_start3A_12 = tpu.memref_slice %arg2[%dma_start3A_10, %dma_start3A_11] : memref<10000x128xf32, #tpu.memory_space<hbm>> -> memref<10000x128xf32, #tpu.memory_space<hbm>>
    %dma_start3A_13 = tpu.memref_slice %arg11[%dma_start3A_2] : memref<5x!tpu.dma_semaphore, #tpu.memory_space<semaphore_mem>> -> memref<1x!tpu.dma_semaphore, #tpu.memory_space<semaphore_mem>>
    %dma_start3A_14 = tpu.memref_squeeze %dma_start3A_13 : memref<1x!tpu.dma_semaphore, #tpu.memory_space<semaphore_mem>> -> memref<!tpu.dma_semaphore, #tpu.memory_space<semaphore_mem>>
    tpu.enqueue_indirect_dma source(%dma_start3A_12 : memref<10000x128xf32, #tpu.memory_space<hbm>>) target(%dma_start3A_6 : memref<40x128xf32, #tpu.memory_space<vmem>>) offsets(%dma_start3A_9 : memref<40xi32, #tpu.memory_space<vmem>>) semaphore(%dma_start3A_14 : memref<!tpu.dma_semaphore, #tpu.memory_space<semaphore_mem>>)
    %dma_start3A_15 = arith.constant 1 : i32
    %dma_start3A_16 = arith.constant 1 : i32
    %dma_start3A_17 = arith.constant 1 : i32
    %dma_start3A_18 = arith.constant 0 : i32
    %dma_start3A_19 = arith.constant 0 : i32
    %dma_start3A_20 = tpu.memref_slice %arg10[%dma_start3A_16, %dma_start3A_18, %dma_start3A_19] : memref<5x40x128xf32, #tpu.memory_space<vmem>> -> memref<1x40x128xf32, #tpu.memory_space<vmem>>
    %dma_start3A_21 = tpu.memref_squeeze %dma_start3A_20 : memref<1x40x128xf32, #tpu.memory_space<vmem>> -> memref<40x128xf32, #tpu.memory_space<vmem>>
    %dma_start3A_22 = arith.constant 0 : i32
    %dma_start3A_23 = tpu.memref_slice %arg8[%dma_start3A_15, %dma_start3A_22] : memref<250x40xi32, #tpu.memory_space<vmem>> -> memref<1x40xi32, #tpu.memory_space<vmem>>
    %dma_start3A_24 = tpu.memref_squeeze %dma_start3A_23 : memref<1x40xi32, #tpu.memory_space<vmem>> -> memref<40xi32, #tpu.memory_space<vmem>>
    %dma_start3A_25 = arith.constant 0 : i32
    %dma_start3A_26 = arith.constant 0 : i32
    %dma_start3A_27 = tpu.memref_slice %arg2[%dma_start3A_25, %dma_start3A_26] : memref<10000x128xf32, #tpu.memory_space<hbm>> -> memref<10000x128xf32, #tpu.memory_space<hbm>>
    %dma_start3A_28 = tpu.memref_slice %arg11[%dma_start3A_17] : memref<5x!tpu.dma_semaphore, #tpu.memory_space<semaphore_mem>> -> memref<1x!tpu.dma_semaphore, #tpu.memory_space<semaphore_mem>>
    %dma_start3A_29 = tpu.memref_squeeze %dma_start3A_28 : memref<1x!tpu.dma_semaphore, #tpu.memory_space<semaphore_mem>> -> memref<!tpu.dma_semaphore, #tpu.memory_space<semaphore_mem>>
    tpu.enqueue_indirect_dma source(%dma_start3A_27 : memref<10000x128xf32, #tpu.memory_space<hbm>>) target(%dma_start3A_21 : memref<40x128xf32, #tpu.memory_space<vmem>>) offsets(%dma_start3A_24 : memref<40xi32, #tpu.memory_space<vmem>>) semaphore(%dma_start3A_29 : memref<!tpu.dma_semaphore, #tpu.memory_space<semaphore_mem>>)
    %dma_start3A_30 = arith.constant 2 : i32
    %dma_start3A_31 = arith.constant 2 : i32
    %dma_start3A_32 = arith.constant 2 : i32
    %dma_start3A_33 = arith.constant 0 : i32
    %dma_start3A_34 = arith.constant 0 : i32
    %dma_start3A_35 = tpu.memref_slice %arg10[%dma_start3A_31, %dma_start3A_33, %dma_start3A_34] : memref<5x40x128xf32, #tpu.memory_space<vmem>> -> memref<1x40x128xf32, #tpu.memory_space<vmem>>
    %dma_start3A_36 = tpu.memref_squeeze %dma_start3A_35 : memref<1x40x128xf32, #tpu.memory_space<vmem>> -> memref<40x128xf32, #tpu.memory_space<vmem>>
    %dma_start3A_37 = arith.constant 0 : i32
    %dma_start3A_38 = tpu.memref_slice %arg8[%dma_start3A_30, %dma_start3A_37] : memref<250x40xi32, #tpu.memory_space<vmem>> -> memref<1x40xi32, #tpu.memory_space<vmem>>
    %dma_start3A_39 = tpu.memref_squeeze %dma_start3A_38 : memref<1x40xi32, #tpu.memory_space<vmem>> -> memref<40xi32, #tpu.memory_space<vmem>>
    %dma_start3A_40 = arith.constant 0 : i32
    %dma_start3A_41 = arith.constant 0 : i32
    %dma_start3A_42 = tpu.memref_slice %arg2[%dma_start3A_40, %dma_start3A_41] : memref<10000x128xf32, #tpu.memory_space<hbm>> -> memref<10000x128xf32, #tpu.memory_space<hbm>>
    %dma_start3A_43 = tpu.memref_slice %arg11[%dma_start3A_32] : memref<5x!tpu.dma_semaphore, #tpu.memory_space<semaphore_mem>> -> memref<1x!tpu.dma_semaphore, #tpu.memory_space<semaphore_mem>>
    %dma_start3A_44 = tpu.memref_squeeze %dma_start3A_43 : memref<1x!tpu.dma_semaphore, #tpu.memory_space<semaphore_mem>> -> memref<!tpu.dma_semaphore, #tpu.memory_space<semaphore_mem>>
    tpu.enqueue_indirect_dma source(%dma_start3A_42 : memref<10000x128xf32, #tpu.memory_space<hbm>>) target(%dma_start3A_36 : memref<40x128xf32, #tpu.memory_space<vmem>>) offsets(%dma_start3A_39 : memref<40xi32, #tpu.memory_space<vmem>>) semaphore(%dma_start3A_44 : memref<!tpu.dma_semaphore, #tpu.memory_space<semaphore_mem>>)
    %dma_start3A_45 = arith.constant 3 : i32
    %dma_start3A_46 = arith.constant 3 : i32
    %dma_start3A_47 = arith.constant 3 : i32
    %dma_start3A_48 = arith.constant 0 : i32
    %dma_start3A_49 = arith.constant 0 : i32
    %dma_start3A_50 = tpu.memref_slice %arg10[%dma_start3A_46, %dma_start3A_48, %dma_start3A_49] : memref<5x40x128xf32, #tpu.memory_space<vmem>> -> memref<1x40x128xf32, #tpu.memory_space<vmem>>
    %dma_start3A_51 = tpu.memref_squeeze %dma_start3A_50 : memref<1x40x128xf32, #tpu.memory_space<vmem>> -> memref<40x128xf32, #tpu.memory_space<vmem>>
    %dma_start3A_52 = arith.constant 0 : i32
    %dma_start3A_53 = tpu.memref_slice %arg8[%dma_start3A_45, %dma_start3A_52] : memref<250x40xi32, #tpu.memory_space<vmem>> -> memref<1x40xi32, #tpu.memory_space<vmem>>
    %dma_start3A_54 = tpu.memref_squeeze %dma_start3A_53 : memref<1x40xi32, #tpu.memory_space<vmem>> -> memref<40xi32, #tpu.memory_space<vmem>>
    %dma_start3A_55 = arith.constant 0 : i32
    %dma_start3A_56 = arith.constant 0 : i32
    %dma_start3A_57 = tpu.memref_slice %arg2[%dma_start3A_55, %dma_start3A_56] : memref<10000x128xf32, #tpu.memory_space<hbm>> -> memref<10000x128xf32, #tpu.memory_space<hbm>>
    %dma_start3A_58 = tpu.memref_slice %arg11[%dma_start3A_47] : memref<5x!tpu.dma_semaphore, #tpu.memory_space<semaphore_mem>> -> memref<1x!tpu.dma_semaphore, #tpu.memory_space<semaphore_mem>>
    %dma_start3A_59 = tpu.memref_squeeze %dma_start3A_58 : memref<1x!tpu.dma_semaphore, #tpu.memory_space<semaphore_mem>> -> memref<!tpu.dma_semaphore, #tpu.memory_space<semaphore_mem>>
    tpu.enqueue_indirect_dma source(%dma_start3A_57 : memref<10000x128xf32, #tpu.memory_space<hbm>>) target(%dma_start3A_51 : memref<40x128xf32, #tpu.memory_space<vmem>>) offsets(%dma_start3A_54 : memref<40xi32, #tpu.memory_space<vmem>>) semaphore(%dma_start3A_59 : memref<!tpu.dma_semaphore, #tpu.memory_space<semaphore_mem>>)
    %eq3A = arith.constant 0 : i32
    %eq3A_60 = arith.cmpi eq, %arg0, %eq3A : i32
    %convert_element_type3A = arith.extui %eq3A_60 : i1 to i32
    %cond3A = arith.constant 0 : i32
    %cond3A_61 = arith.cmpi ne, %convert_element_type3A, %cond3A : i32
    scf.if %cond3A_61 {
      %lt3A = arith.constant 15 : i32
      %lt3A_616 = arith.cmpi slt, %arg1, %lt3A : i32
      %convert_element_type3A_617 = arith.extui %lt3A_616 : i1 to i32
      %cond3A_618 = arith.constant 0 : i32
      %cond3A_619 = arith.cmpi ne, %convert_element_type3A_617, %cond3A_618 : i32
      scf.if %cond3A_619 {
        %mul3A_625 = arith.constant 640 : i32
        %mul3A_626 = arith.muli %arg1, %mul3A_625 : i32
        %mul3A_627 = arith.constant 640 : i32
        %mul3A_628 = arith.muli %arg1, %mul3A_627 : i32
        "tpu.region"() ({
          %run_scoped3A = tpu.sem_alloc : memref<!tpu.dma_semaphore, #tpu.memory_space<semaphore_mem>>
          %dma_start3A_629 = arith.constant 0 : i32
          %dma_start3A_630 = tpu.memref_slice %arg7[%mul3A_628, %dma_start3A_629] : memref<10240x128xf32, #tpu.memory_space<vmem_shared>> -> memref<640x128xf32, #tpu.memory_space<vmem_shared>>
          %dma_start3A_631 = arith.constant 0 : i32
          %dma_start3A_632 = tpu.memref_slice %arg2[%mul3A_626, %dma_start3A_631] : memref<10000x128xf32, #tpu.memory_space<hbm>> -> memref<640x128xf32, #tpu.memory_space<hbm>>
          tpu.enqueue_dma source(%dma_start3A_632 : memref<640x128xf32, #tpu.memory_space<hbm>>) target(%dma_start3A_630 : memref<640x128xf32, #tpu.memory_space<vmem_shared>>) target_semaphore(%run_scoped3A : memref<!tpu.dma_semaphore, #tpu.memory_space<semaphore_mem>>)
          %dma_wait3A_633 = arith.constant 0 : i32
          %dma_wait3A_634 = tpu.memref_slice %arg7[%mul3A_628, %dma_wait3A_633] : memref<10240x128xf32, #tpu.memory_space<vmem_shared>> -> memref<640x128xf32, #tpu.memory_space<vmem_shared>>
          %dma_wait3A_635 = arith.constant 0 : i32
          %dma_wait3A_636 = tpu.memref_slice %arg2[%mul3A_626, %dma_wait3A_635] : memref<10000x128xf32, #tpu.memory_space<hbm>> -> memref<640x128xf32, #tpu.memory_space<hbm>>
          tpu.wait_dma2 semaphore(%run_scoped3A : memref<!tpu.dma_semaphore, #tpu.memory_space<semaphore_mem>>) src(%dma_wait3A_636 : memref<640x128xf32, #tpu.memory_space<hbm>>) dst(%dma_wait3A_634 : memref<640x128xf32, #tpu.memory_space<vmem_shared>>)
          tpu.yield
        }) : () -> ()
      } else {
      }
      %eq3A_620 = arith.constant 15 : i32
      %eq3A_621 = arith.cmpi eq, %arg1, %eq3A_620 : i32
      %convert_element_type3A_622 = arith.extui %eq3A_621 : i1 to i32
      %cond3A_623 = arith.constant 0 : i32
      %cond3A_624 = arith.cmpi ne, %convert_element_type3A_622, %cond3A_623 : i32
      scf.if %cond3A_624 {
        "tpu.region"() ({
          %run_scoped3A = tpu.sem_alloc : memref<!tpu.dma_semaphore, #tpu.memory_space<semaphore_mem>>
          %dma_start3A_625 = arith.constant 9600 : i32
          %dma_start3A_626 = arith.constant 0 : i32
          %dma_start3A_627 = tpu.memref_slice %arg7[%dma_start3A_625, %dma_start3A_626] : memref<10240x128xf32, #tpu.memory_space<vmem_shared>> -> memref<400x128xf32, #tpu.memory_space<vmem_shared>>
          %dma_start3A_628 = arith.constant 9600 : i32
          %dma_start3A_629 = arith.constant 0 : i32
          %dma_start3A_630 = tpu.memref_slice %arg2[%dma_start3A_628, %dma_start3A_629] : memref<10000x128xf32, #tpu.memory_space<hbm>> -> memref<400x128xf32, #tpu.memory_space<hbm>>
          tpu.enqueue_dma source(%dma_start3A_630 : memref<400x128xf32, #tpu.memory_space<hbm>>) target(%dma_start3A_627 : memref<400x128xf32, #tpu.memory_space<vmem_shared>>) target_semaphore(%run_scoped3A : memref<!tpu.dma_semaphore, #tpu.memory_space<semaphore_mem>>)
          %dma_wait3A_631 = arith.constant 9600 : i32
          %dma_wait3A_632 = arith.constant 0 : i32
          %dma_wait3A_633 = tpu.memref_slice %arg7[%dma_wait3A_631, %dma_wait3A_632] : memref<10240x128xf32, #tpu.memory_space<vmem_shared>> -> memref<400x128xf32, #tpu.memory_space<vmem_shared>>
          %dma_wait3A_634 = arith.constant 9600 : i32
          %dma_wait3A_635 = arith.constant 0 : i32
          %dma_wait3A_636 = tpu.memref_slice %arg2[%dma_wait3A_634, %dma_wait3A_635] : memref<10000x128xf32, #tpu.memory_space<hbm>> -> memref<400x128xf32, #tpu.memory_space<hbm>>
          tpu.wait_dma2 semaphore(%run_scoped3A : memref<!tpu.dma_semaphore, #tpu.memory_space<semaphore_mem>>) src(%dma_wait3A_636 : memref<400x128xf32, #tpu.memory_space<hbm>>) dst(%dma_wait3A_633 : memref<400x128xf32, #tpu.memory_space<vmem_shared>>)
          tpu.yield
        }) : () -> ()
        "tpu.region"() ({
          %run_scoped3A = tpu.sem_alloc : memref<!tpu.dma_semaphore, #tpu.memory_space<semaphore_mem>>
          %dma_start3A_625 = arith.constant 10000 : i32
          %dma_start3A_626 = arith.constant 0 : i32
          %dma_start3A_627 = tpu.memref_slice %arg7[%dma_start3A_625, %dma_start3A_626] : memref<10240x128xf32, #tpu.memory_space<vmem_shared>> -> memref<240x128xf32, #tpu.memory_space<vmem_shared>>
          %dma_start3A_628 = arith.constant 0 : i32
          %dma_start3A_629 = arith.constant 0 : i32
          %dma_start3A_630 = tpu.memref_slice %arg5[%dma_start3A_628, %dma_start3A_629] : memref<640x128xf32, #tpu.memory_space<hbm>> -> memref<240x128xf32, #tpu.memory_space<hbm>>
          tpu.enqueue_dma source(%dma_start3A_630 : memref<240x128xf32, #tpu.memory_space<hbm>>) target(%dma_start3A_627 : memref<240x128xf32, #tpu.memory_space<vmem_shared>>) target_semaphore(%run_scoped3A : memref<!tpu.dma_semaphore, #tpu.memory_space<semaphore_mem>>)
          %dma_wait3A_631 = arith.constant 10000 : i32
          %dma_wait3A_632 = arith.constant 0 : i32
          %dma_wait3A_633 = tpu.memref_slice %arg7[%dma_wait3A_631, %dma_wait3A_632] : memref<10240x128xf32, #tpu.memory_space<vmem_shared>> -> memref<240x128xf32, #tpu.memory_space<vmem_shared>>
          %dma_wait3A_634 = arith.constant 0 : i32
          %dma_wait3A_635 = arith.constant 0 : i32
          %dma_wait3A_636 = tpu.memref_slice %arg5[%dma_wait3A_634, %dma_wait3A_635] : memref<640x128xf32, #tpu.memory_space<hbm>> -> memref<240x128xf32, #tpu.memory_space<hbm>>
          tpu.wait_dma2 semaphore(%run_scoped3A : memref<!tpu.dma_semaphore, #tpu.memory_space<semaphore_mem>>) src(%dma_wait3A_636 : memref<240x128xf32, #tpu.memory_space<hbm>>) dst(%dma_wait3A_633 : memref<240x128xf32, #tpu.memory_space<vmem_shared>>)
          tpu.yield
        }) : () -> ()
      } else {
      }
    } else {
    }
    %eq3A_62 = arith.constant 1 : i32
    %eq3A_63 = arith.cmpi eq, %arg0, %eq3A_62 : i32
    %convert_element_type3A_64 = arith.extui %eq3A_63 : i1 to i32
    %cond3A_65 = arith.constant 0 : i32
    %cond3A_66 = arith.cmpi ne, %convert_element_type3A_64, %cond3A_65 : i32
    scf.if %cond3A_66 {
      %mul3A_616 = arith.constant 640 : i32
      %mul3A_617 = arith.muli %arg1, %mul3A_616 : i32
      "tpu.region"() ({
        %run_scoped3A = tpu.sem_alloc : memref<!tpu.dma_semaphore, #tpu.memory_space<semaphore_mem>>
        %dma_start3A_618 = arith.constant 0 : i32
        %dma_start3A_619 = tpu.memref_slice %arg7[%mul3A_617, %dma_start3A_618] : memref<10240x128xf32, #tpu.memory_space<vmem_shared>> -> memref<640x128xf32, #tpu.memory_space<vmem_shared>>
        tpu.enqueue_dma source(%arg5 : memref<640x128xf32, #tpu.memory_space<hbm>>) target(%dma_start3A_619 : memref<640x128xf32, #tpu.memory_space<vmem_shared>>) target_semaphore(%run_scoped3A : memref<!tpu.dma_semaphore, #tpu.memory_space<semaphore_mem>>)
        %dma_wait3A_620 = arith.constant 0 : i32
        %dma_wait3A_621 = tpu.memref_slice %arg7[%mul3A_617, %dma_wait3A_620] : memref<10240x128xf32, #tpu.memory_space<vmem_shared>> -> memref<640x128xf32, #tpu.memory_space<vmem_shared>>
        tpu.wait_dma2 semaphore(%run_scoped3A : memref<!tpu.dma_semaphore, #tpu.memory_space<semaphore_mem>>) src(%arg5 : memref<640x128xf32, #tpu.memory_space<hbm>>) dst(%dma_wait3A_621 : memref<640x128xf32, #tpu.memory_space<vmem_shared>>)
        tpu.yield
      }) : () -> ()
    } else {
    }
    %barrier3A = arith.constant 0 : index
    tpu.barrier barrier_id(%barrier3A)
    %dma_start3A_67 = arith.constant 4 : i32
    %dma_start3A_68 = arith.constant 4 : i32
    %dma_start3A_69 = arith.constant 4 : i32
    %dma_start3A_70 = arith.constant 0 : i32
    %dma_start3A_71 = arith.constant 0 : i32
    %dma_start3A_72 = tpu.memref_slice %arg10[%dma_start3A_68, %dma_start3A_70, %dma_start3A_71] : memref<5x40x128xf32, #tpu.memory_space<vmem>> -> memref<1x40x128xf32, #tpu.memory_space<vmem>>
    %dma_start3A_73 = tpu.memref_squeeze %dma_start3A_72 : memref<1x40x128xf32, #tpu.memory_space<vmem>> -> memref<40x128xf32, #tpu.memory_space<vmem>>
    %dma_start3A_74 = arith.constant 0 : i32
    %dma_start3A_75 = tpu.memref_slice %arg8[%dma_start3A_67, %dma_start3A_74] : memref<250x40xi32, #tpu.memory_space<vmem>> -> memref<1x40xi32, #tpu.memory_space<vmem>>
    %dma_start3A_76 = tpu.memref_squeeze %dma_start3A_75 : memref<1x40xi32, #tpu.memory_space<vmem>> -> memref<40xi32, #tpu.memory_space<vmem>>
    %dma_start3A_77 = arith.constant 0 : i32
    %dma_start3A_78 = arith.constant 0 : i32
    %dma_start3A_79 = tpu.memref_slice %arg2[%dma_start3A_77, %dma_start3A_78] : memref<10000x128xf32, #tpu.memory_space<hbm>> -> memref<10000x128xf32, #tpu.memory_space<hbm>>
    %dma_start3A_80 = tpu.memref_slice %arg11[%dma_start3A_69] : memref<5x!tpu.dma_semaphore, #tpu.memory_space<semaphore_mem>> -> memref<1x!tpu.dma_semaphore, #tpu.memory_space<semaphore_mem>>
    %dma_start3A_81 = tpu.memref_squeeze %dma_start3A_80 : memref<1x!tpu.dma_semaphore, #tpu.memory_space<semaphore_mem>> -> memref<!tpu.dma_semaphore, #tpu.memory_space<semaphore_mem>>
    tpu.enqueue_indirect_dma source(%dma_start3A_79 : memref<10000x128xf32, #tpu.memory_space<hbm>>) target(%dma_start3A_73 : memref<40x128xf32, #tpu.memory_space<vmem>>) offsets(%dma_start3A_76 : memref<40xi32, #tpu.memory_space<vmem>>) semaphore(%dma_start3A_81 : memref<!tpu.dma_semaphore, #tpu.memory_space<semaphore_mem>>)
    %dma_wait3A = arith.constant 0 : i32
    %dma_wait3A_82 = arith.constant 0 : i32
    %dma_wait3A_83 = arith.constant 0 : i32
    %dma_wait3A_84 = arith.constant 0 : i32
    %dma_wait3A_85 = arith.constant 0 : i32
    %dma_wait3A_86 = tpu.memref_slice %arg10[%dma_wait3A_82, %dma_wait3A_84, %dma_wait3A_85] : memref<5x40x128xf32, #tpu.memory_space<vmem>> -> memref<1x40x128xf32, #tpu.memory_space<vmem>>
    %dma_wait3A_87 = tpu.memref_squeeze %dma_wait3A_86 : memref<1x40x128xf32, #tpu.memory_space<vmem>> -> memref<40x128xf32, #tpu.memory_space<vmem>>
    %dma_wait3A_88 = arith.constant 0 : i32
    %dma_wait3A_89 = tpu.memref_slice %arg8[%dma_wait3A, %dma_wait3A_88] : memref<250x40xi32, #tpu.memory_space<vmem>> -> memref<1x40xi32, #tpu.memory_space<vmem>>
    %dma_wait3A_90 = tpu.memref_squeeze %dma_wait3A_89 : memref<1x40xi32, #tpu.memory_space<vmem>> -> memref<40xi32, #tpu.memory_space<vmem>>
    %dma_wait3A_91 = arith.constant 0 : i32
    %dma_wait3A_92 = arith.constant 0 : i32
    %dma_wait3A_93 = tpu.memref_slice %arg2[%dma_wait3A_91, %dma_wait3A_92] : memref<10000x128xf32, #tpu.memory_space<hbm>> -> memref<10000x128xf32, #tpu.memory_space<hbm>>
    %dma_wait3A_94 = tpu.memref_slice %arg11[%dma_wait3A_83] : memref<5x!tpu.dma_semaphore, #tpu.memory_space<semaphore_mem>> -> memref<1x!tpu.dma_semaphore, #tpu.memory_space<semaphore_mem>>
    %dma_wait3A_95 = tpu.memref_squeeze %dma_wait3A_94 : memref<1x!tpu.dma_semaphore, #tpu.memory_space<semaphore_mem>> -> memref<!tpu.dma_semaphore, #tpu.memory_space<semaphore_mem>>
    tpu.wait_indirect_dma semaphore(%dma_wait3A_95 : memref<!tpu.dma_semaphore, #tpu.memory_space<semaphore_mem>>) src(%dma_wait3A_93 : memref<10000x128xf32, #tpu.memory_space<hbm>>) dst(%dma_wait3A_87 : memref<40x128xf32, #tpu.memory_space<vmem>>)
    %dma_start3A_96 = arith.constant 0 : i32
    %dma_start3A_97 = arith.constant 0 : i32
    %dma_start3A_98 = arith.constant 0 : i32
    %dma_start3A_99 = arith.constant 0 : i32
    %dma_start3A_100 = arith.constant 0 : i32
    %dma_start3A_101 = tpu.memref_slice %arg10[%dma_start3A_96, %dma_start3A_99, %dma_start3A_100] : memref<5x40x128xf32, #tpu.memory_space<vmem>> -> memref<1x40x128xf32, #tpu.memory_space<vmem>>
    %dma_start3A_102 = tpu.memref_squeeze %dma_start3A_101 : memref<1x40x128xf32, #tpu.memory_space<vmem>> -> memref<40x128xf32, #tpu.memory_space<vmem>>
    %dma_start3A_103 = arith.constant 0 : i32
    %dma_start3A_104 = tpu.memref_slice %arg9[%dma_start3A_97, %dma_start3A_103] : memref<250x40xi32, #tpu.memory_space<vmem>> -> memref<1x40xi32, #tpu.memory_space<vmem>>
    %dma_start3A_105 = tpu.memref_squeeze %dma_start3A_104 : memref<1x40xi32, #tpu.memory_space<vmem>> -> memref<40xi32, #tpu.memory_space<vmem>>
    %dma_start3A_106 = arith.constant 0 : i32
    %dma_start3A_107 = arith.constant 0 : i32
    %dma_start3A_108 = tpu.memref_slice %arg7[%dma_start3A_106, %dma_start3A_107] : memref<10240x128xf32, #tpu.memory_space<vmem_shared>> -> memref<10240x128xf32, #tpu.memory_space<vmem_shared>>
    %dma_start3A_109 = tpu.memref_slice %arg12[%dma_start3A_98] : memref<5x!tpu.dma_semaphore, #tpu.memory_space<semaphore_mem>> -> memref<1x!tpu.dma_semaphore, #tpu.memory_space<semaphore_mem>>
    %dma_start3A_110 = tpu.memref_squeeze %dma_start3A_109 : memref<1x!tpu.dma_semaphore, #tpu.memory_space<semaphore_mem>> -> memref<!tpu.dma_semaphore, #tpu.memory_space<semaphore_mem>>
    tpu.enqueue_indirect_dma source(%dma_start3A_102 : memref<40x128xf32, #tpu.memory_space<vmem>>) target(%dma_start3A_108 : memref<10240x128xf32, #tpu.memory_space<vmem_shared>>) offsets(%dma_start3A_105 : memref<40xi32, #tpu.memory_space<vmem>>) semaphore(%dma_start3A_110 : memref<!tpu.dma_semaphore, #tpu.memory_space<semaphore_mem>>) {add = true}
    %dma_wait3A_111 = arith.constant 0 : i32
    %dma_wait3A_112 = arith.constant 0 : i32
    %dma_wait3A_113 = arith.constant 0 : i32
    %dma_wait3A_114 = arith.constant 0 : i32
    %dma_wait3A_115 = arith.constant 0 : i32
    %dma_wait3A_116 = tpu.memref_slice %arg10[%dma_wait3A_111, %dma_wait3A_114, %dma_wait3A_115] : memref<5x40x128xf32, #tpu.memory_space<vmem>> -> memref<1x40x128xf32, #tpu.memory_space<vmem>>
    %dma_wait3A_117 = tpu.memref_squeeze %dma_wait3A_116 : memref<1x40x128xf32, #tpu.memory_space<vmem>> -> memref<40x128xf32, #tpu.memory_space<vmem>>
    %dma_wait3A_118 = arith.constant 0 : i32
    %dma_wait3A_119 = tpu.memref_slice %arg9[%dma_wait3A_112, %dma_wait3A_118] : memref<250x40xi32, #tpu.memory_space<vmem>> -> memref<1x40xi32, #tpu.memory_space<vmem>>
    %dma_wait3A_120 = tpu.memref_squeeze %dma_wait3A_119 : memref<1x40xi32, #tpu.memory_space<vmem>> -> memref<40xi32, #tpu.memory_space<vmem>>
    %dma_wait3A_121 = arith.constant 0 : i32
    %dma_wait3A_122 = arith.constant 0 : i32
    %dma_wait3A_123 = tpu.memref_slice %arg7[%dma_wait3A_121, %dma_wait3A_122] : memref<10240x128xf32, #tpu.memory_space<vmem_shared>> -> memref<10240x128xf32, #tpu.memory_space<vmem_shared>>
    %dma_wait3A_124 = tpu.memref_slice %arg12[%dma_wait3A_113] : memref<5x!tpu.dma_semaphore, #tpu.memory_space<semaphore_mem>> -> memref<1x!tpu.dma_semaphore, #tpu.memory_space<semaphore_mem>>
    %dma_wait3A_125 = tpu.memref_squeeze %dma_wait3A_124 : memref<1x!tpu.dma_semaphore, #tpu.memory_space<semaphore_mem>> -> memref<!tpu.dma_semaphore, #tpu.memory_space<semaphore_mem>>
    tpu.wait_indirect_dma semaphore(%dma_wait3A_125 : memref<!tpu.dma_semaphore, #tpu.memory_space<semaphore_mem>>) src(%dma_wait3A_117 : memref<40x128xf32, #tpu.memory_space<vmem>>) dst(%dma_wait3A_123 : memref<10240x128xf32, #tpu.memory_space<vmem_shared>>)
    %dma_start3A_126 = arith.constant 5 : i32
    %dma_start3A_127 = arith.constant 0 : i32
    %dma_start3A_128 = arith.constant 0 : i32
    %dma_start3A_129 = arith.constant 0 : i32
    %dma_start3A_130 = arith.constant 0 : i32
    %dma_start3A_131 = tpu.memref_slice %arg10[%dma_start3A_127, %dma_start3A_129, %dma_start3A_130] : memref<5x40x128xf32, #tpu.memory_space<vmem>> -> memref<1x40x128xf32, #tpu.memory_space<vmem>>
    %dma_start3A_132 = tpu.memref_squeeze %dma_start3A_131 : memref<1x40x128xf32, #tpu.memory_space<vmem>> -> memref<40x128xf32, #tpu.memory_space<vmem>>
    %dma_start3A_133 = arith.constant 0 : i32
    %dma_start3A_134 = tpu.memref_slice %arg8[%dma_start3A_126, %dma_start3A_133] : memref<250x40xi32, #tpu.memory_space<vmem>> -> memref<1x40xi32, #tpu.memory_space<vmem>>
    %dma_start3A_135 = tpu.memref_squeeze %dma_start3A_134 : memref<1x40xi32, #tpu.memory_space<vmem>> -> memref<40xi32, #tpu.memory_space<vmem>>
    %dma_start3A_136 = arith.constant 0 : i32
    %dma_start3A_137 = arith.constant 0 : i32
    %dma_start3A_138 = tpu.memref_slice %arg2[%dma_start3A_136, %dma_start3A_137] : memref<10000x128xf32, #tpu.memory_space<hbm>> -> memref<10000x128xf32, #tpu.memory_space<hbm>>
    %dma_start3A_139 = tpu.memref_slice %arg11[%dma_start3A_128] : memref<5x!tpu.dma_semaphore, #tpu.memory_space<semaphore_mem>> -> memref<1x!tpu.dma_semaphore, #tpu.memory_space<semaphore_mem>>
    %dma_start3A_140 = tpu.memref_squeeze %dma_start3A_139 : memref<1x!tpu.dma_semaphore, #tpu.memory_space<semaphore_mem>> -> memref<!tpu.dma_semaphore, #tpu.memory_space<semaphore_mem>>
    tpu.enqueue_indirect_dma source(%dma_start3A_138 : memref<10000x128xf32, #tpu.memory_space<hbm>>) target(%dma_start3A_132 : memref<40x128xf32, #tpu.memory_space<vmem>>) offsets(%dma_start3A_135 : memref<40xi32, #tpu.memory_space<vmem>>) semaphore(%dma_start3A_140 : memref<!tpu.dma_semaphore, #tpu.memory_space<semaphore_mem>>)
    %dma_wait3A_141 = arith.constant 1 : i32
    %dma_wait3A_142 = arith.constant 1 : i32
    %dma_wait3A_143 = arith.constant 1 : i32
    %dma_wait3A_144 = arith.constant 0 : i32
    %dma_wait3A_145 = arith.constant 0 : i32
    %dma_wait3A_146 = tpu.memref_slice %arg10[%dma_wait3A_142, %dma_wait3A_144, %dma_wait3A_145] : memref<5x40x128xf32, #tpu.memory_space<vmem>> -> memref<1x40x128xf32, #tpu.memory_space<vmem>>
    %dma_wait3A_147 = tpu.memref_squeeze %dma_wait3A_146 : memref<1x40x128xf32, #tpu.memory_space<vmem>> -> memref<40x128xf32, #tpu.memory_space<vmem>>
    %dma_wait3A_148 = arith.constant 0 : i32
    %dma_wait3A_149 = tpu.memref_slice %arg8[%dma_wait3A_141, %dma_wait3A_148] : memref<250x40xi32, #tpu.memory_space<vmem>> -> memref<1x40xi32, #tpu.memory_space<vmem>>
    %dma_wait3A_150 = tpu.memref_squeeze %dma_wait3A_149 : memref<1x40xi32, #tpu.memory_space<vmem>> -> memref<40xi32, #tpu.memory_space<vmem>>
    %dma_wait3A_151 = arith.constant 0 : i32
    %dma_wait3A_152 = arith.constant 0 : i32
    %dma_wait3A_153 = tpu.memref_slice %arg2[%dma_wait3A_151, %dma_wait3A_152] : memref<10000x128xf32, #tpu.memory_space<hbm>> -> memref<10000x128xf32, #tpu.memory_space<hbm>>
    %dma_wait3A_154 = tpu.memref_slice %arg11[%dma_wait3A_143] : memref<5x!tpu.dma_semaphore, #tpu.memory_space<semaphore_mem>> -> memref<1x!tpu.dma_semaphore, #tpu.memory_space<semaphore_mem>>
    %dma_wait3A_155 = tpu.memref_squeeze %dma_wait3A_154 : memref<1x!tpu.dma_semaphore, #tpu.memory_space<semaphore_mem>> -> memref<!tpu.dma_semaphore, #tpu.memory_space<semaphore_mem>>
    tpu.wait_indirect_dma semaphore(%dma_wait3A_155 : memref<!tpu.dma_semaphore, #tpu.memory_space<semaphore_mem>>) src(%dma_wait3A_153 : memref<10000x128xf32, #tpu.memory_space<hbm>>) dst(%dma_wait3A_147 : memref<40x128xf32, #tpu.memory_space<vmem>>)
    %dma_start3A_156 = arith.constant 1 : i32
    %dma_start3A_157 = arith.constant 1 : i32
    %dma_start3A_158 = arith.constant 1 : i32
    %dma_start3A_159 = arith.constant 0 : i32
    %dma_start3A_160 = arith.constant 0 : i32
    %dma_start3A_161 = tpu.memref_slice %arg10[%dma_start3A_156, %dma_start3A_159, %dma_start3A_160] : memref<5x40x128xf32, #tpu.memory_space<vmem>> -> memref<1x40x128xf32, #tpu.memory_space<vmem>>
    %dma_start3A_162 = tpu.memref_squeeze %dma_start3A_161 : memref<1x40x128xf32, #tpu.memory_space<vmem>> -> memref<40x128xf32, #tpu.memory_space<vmem>>
    %dma_start3A_163 = arith.constant 0 : i32
    %dma_start3A_164 = tpu.memref_slice %arg9[%dma_start3A_157, %dma_start3A_163] : memref<250x40xi32, #tpu.memory_space<vmem>> -> memref<1x40xi32, #tpu.memory_space<vmem>>
    %dma_start3A_165 = tpu.memref_squeeze %dma_start3A_164 : memref<1x40xi32, #tpu.memory_space<vmem>> -> memref<40xi32, #tpu.memory_space<vmem>>
    %dma_start3A_166 = arith.constant 0 : i32
    %dma_start3A_167 = arith.constant 0 : i32
    %dma_start3A_168 = tpu.memref_slice %arg7[%dma_start3A_166, %dma_start3A_167] : memref<10240x128xf32, #tpu.memory_space<vmem_shared>> -> memref<10240x128xf32, #tpu.memory_space<vmem_shared>>
    %dma_start3A_169 = tpu.memref_slice %arg12[%dma_start3A_158] : memref<5x!tpu.dma_semaphore, #tpu.memory_space<semaphore_mem>> -> memref<1x!tpu.dma_semaphore, #tpu.memory_space<semaphore_mem>>
    %dma_start3A_170 = tpu.memref_squeeze %dma_start3A_169 : memref<1x!tpu.dma_semaphore, #tpu.memory_space<semaphore_mem>> -> memref<!tpu.dma_semaphore, #tpu.memory_space<semaphore_mem>>
    tpu.enqueue_indirect_dma source(%dma_start3A_162 : memref<40x128xf32, #tpu.memory_space<vmem>>) target(%dma_start3A_168 : memref<10240x128xf32, #tpu.memory_space<vmem_shared>>) offsets(%dma_start3A_165 : memref<40xi32, #tpu.memory_space<vmem>>) semaphore(%dma_start3A_170 : memref<!tpu.dma_semaphore, #tpu.memory_space<semaphore_mem>>) {add = true}
    %dma_wait3A_171 = arith.constant 1 : i32
    %dma_wait3A_172 = arith.constant 0 : i32
    %dma_wait3A_173 = arith.constant 1 : i32
    %dma_wait3A_174 = arith.constant 0 : i32
    %dma_wait3A_175 = arith.constant 0 : i32
    %dma_wait3A_176 = tpu.memref_slice %arg10[%dma_wait3A_171, %dma_wait3A_174, %dma_wait3A_175] : memref<5x40x128xf32, #tpu.memory_space<vmem>> -> memref<1x40x128xf32, #tpu.memory_space<vmem>>
    %dma_wait3A_177 = tpu.memref_squeeze %dma_wait3A_176 : memref<1x40x128xf32, #tpu.memory_space<vmem>> -> memref<40x128xf32, #tpu.memory_space<vmem>>
    %dma_wait3A_178 = arith.constant 0 : i32
    %dma_wait3A_179 = tpu.memref_slice %arg9[%dma_wait3A_172, %dma_wait3A_178] : memref<250x40xi32, #tpu.memory_space<vmem>> -> memref<1x40xi32, #tpu.memory_space<vmem>>
    %dma_wait3A_180 = tpu.memref_squeeze %dma_wait3A_179 : memref<1x40xi32, #tpu.memory_space<vmem>> -> memref<40xi32, #tpu.memory_space<vmem>>
    %dma_wait3A_181 = arith.constant 0 : i32
    %dma_wait3A_182 = arith.constant 0 : i32
    %dma_wait3A_183 = tpu.memref_slice %arg7[%dma_wait3A_181, %dma_wait3A_182] : memref<10240x128xf32, #tpu.memory_space<vmem_shared>> -> memref<10240x128xf32, #tpu.memory_space<vmem_shared>>
    %dma_wait3A_184 = tpu.memref_slice %arg12[%dma_wait3A_173] : memref<5x!tpu.dma_semaphore, #tpu.memory_space<semaphore_mem>> -> memref<1x!tpu.dma_semaphore, #tpu.memory_space<semaphore_mem>>
    %dma_wait3A_185 = tpu.memref_squeeze %dma_wait3A_184 : memref<1x!tpu.dma_semaphore, #tpu.memory_space<semaphore_mem>> -> memref<!tpu.dma_semaphore, #tpu.memory_space<semaphore_mem>>
    tpu.wait_indirect_dma semaphore(%dma_wait3A_185 : memref<!tpu.dma_semaphore, #tpu.memory_space<semaphore_mem>>) src(%dma_wait3A_177 : memref<40x128xf32, #tpu.memory_space<vmem>>) dst(%dma_wait3A_183 : memref<10240x128xf32, #tpu.memory_space<vmem_shared>>)
    %dma_start3A_186 = arith.constant 6 : i32
    %dma_start3A_187 = arith.constant 1 : i32
    %dma_start3A_188 = arith.constant 1 : i32
    %dma_start3A_189 = arith.constant 0 : i32
    %dma_start3A_190 = arith.constant 0 : i32
    %dma_start3A_191 = tpu.memref_slice %arg10[%dma_start3A_187, %dma_start3A_189, %dma_start3A_190] : memref<5x40x128xf32, #tpu.memory_space<vmem>> -> memref<1x40x128xf32, #tpu.memory_space<vmem>>
    %dma_start3A_192 = tpu.memref_squeeze %dma_start3A_191 : memref<1x40x128xf32, #tpu.memory_space<vmem>> -> memref<40x128xf32, #tpu.memory_space<vmem>>
    %dma_start3A_193 = arith.constant 0 : i32
    %dma_start3A_194 = tpu.memref_slice %arg8[%dma_start3A_186, %dma_start3A_193] : memref<250x40xi32, #tpu.memory_space<vmem>> -> memref<1x40xi32, #tpu.memory_space<vmem>>
    %dma_start3A_195 = tpu.memref_squeeze %dma_start3A_194 : memref<1x40xi32, #tpu.memory_space<vmem>> -> memref<40xi32, #tpu.memory_space<vmem>>
    %dma_start3A_196 = arith.constant 0 : i32
    %dma_start3A_197 = arith.constant 0 : i32
    %dma_start3A_198 = tpu.memref_slice %arg2[%dma_start3A_196, %dma_start3A_197] : memref<10000x128xf32, #tpu.memory_space<hbm>> -> memref<10000x128xf32, #tpu.memory_space<hbm>>
    %dma_start3A_199 = tpu.memref_slice %arg11[%dma_start3A_188] : memref<5x!tpu.dma_semaphore, #tpu.memory_space<semaphore_mem>> -> memref<1x!tpu.dma_semaphore, #tpu.memory_space<semaphore_mem>>
    %dma_start3A_200 = tpu.memref_squeeze %dma_start3A_199 : memref<1x!tpu.dma_semaphore, #tpu.memory_space<semaphore_mem>> -> memref<!tpu.dma_semaphore, #tpu.memory_space<semaphore_mem>>
    tpu.enqueue_indirect_dma source(%dma_start3A_198 : memref<10000x128xf32, #tpu.memory_space<hbm>>) target(%dma_start3A_192 : memref<40x128xf32, #tpu.memory_space<vmem>>) offsets(%dma_start3A_195 : memref<40xi32, #tpu.memory_space<vmem>>) semaphore(%dma_start3A_200 : memref<!tpu.dma_semaphore, #tpu.memory_space<semaphore_mem>>)
    %dma_wait3A_201 = arith.constant 2 : i32
    %dma_wait3A_202 = arith.constant 2 : i32
    %dma_wait3A_203 = arith.constant 2 : i32
    %dma_wait3A_204 = arith.constant 0 : i32
    %dma_wait3A_205 = arith.constant 0 : i32
    %dma_wait3A_206 = tpu.memref_slice %arg10[%dma_wait3A_202, %dma_wait3A_204, %dma_wait3A_205] : memref<5x40x128xf32, #tpu.memory_space<vmem>> -> memref<1x40x128xf32, #tpu.memory_space<vmem>>
    %dma_wait3A_207 = tpu.memref_squeeze %dma_wait3A_206 : memref<1x40x128xf32, #tpu.memory_space<vmem>> -> memref<40x128xf32, #tpu.memory_space<vmem>>
    %dma_wait3A_208 = arith.constant 0 : i32
    %dma_wait3A_209 = tpu.memref_slice %arg8[%dma_wait3A_201, %dma_wait3A_208] : memref<250x40xi32, #tpu.memory_space<vmem>> -> memref<1x40xi32, #tpu.memory_space<vmem>>
    %dma_wait3A_210 = tpu.memref_squeeze %dma_wait3A_209 : memref<1x40xi32, #tpu.memory_space<vmem>> -> memref<40xi32, #tpu.memory_space<vmem>>
    %dma_wait3A_211 = arith.constant 0 : i32
    %dma_wait3A_212 = arith.constant 0 : i32
    %dma_wait3A_213 = tpu.memref_slice %arg2[%dma_wait3A_211, %dma_wait3A_212] : memref<10000x128xf32, #tpu.memory_space<hbm>> -> memref<10000x128xf32, #tpu.memory_space<hbm>>
    %dma_wait3A_214 = tpu.memref_slice %arg11[%dma_wait3A_203] : memref<5x!tpu.dma_semaphore, #tpu.memory_space<semaphore_mem>> -> memref<1x!tpu.dma_semaphore, #tpu.memory_space<semaphore_mem>>
    %dma_wait3A_215 = tpu.memref_squeeze %dma_wait3A_214 : memref<1x!tpu.dma_semaphore, #tpu.memory_space<semaphore_mem>> -> memref<!tpu.dma_semaphore, #tpu.memory_space<semaphore_mem>>
    tpu.wait_indirect_dma semaphore(%dma_wait3A_215 : memref<!tpu.dma_semaphore, #tpu.memory_space<semaphore_mem>>) src(%dma_wait3A_213 : memref<10000x128xf32, #tpu.memory_space<hbm>>) dst(%dma_wait3A_207 : memref<40x128xf32, #tpu.memory_space<vmem>>)
    %dma_start3A_216 = arith.constant 2 : i32
    %dma_start3A_217 = arith.constant 2 : i32
    %dma_start3A_218 = arith.constant 2 : i32
    %dma_start3A_219 = arith.constant 0 : i32
    %dma_start3A_220 = arith.constant 0 : i32
    %dma_start3A_221 = tpu.memref_slice %arg10[%dma_start3A_216, %dma_start3A_219, %dma_start3A_220] : memref<5x40x128xf32, #tpu.memory_space<vmem>> -> memref<1x40x128xf32, #tpu.memory_space<vmem>>
    %dma_start3A_222 = tpu.memref_squeeze %dma_start3A_221 : memref<1x40x128xf32, #tpu.memory_space<vmem>> -> memref<40x128xf32, #tpu.memory_space<vmem>>
    %dma_start3A_223 = arith.constant 0 : i32
    %dma_start3A_224 = tpu.memref_slice %arg9[%dma_start3A_217, %dma_start3A_223] : memref<250x40xi32, #tpu.memory_space<vmem>> -> memref<1x40xi32, #tpu.memory_space<vmem>>
    %dma_start3A_225 = tpu.memref_squeeze %dma_start3A_224 : memref<1x40xi32, #tpu.memory_space<vmem>> -> memref<40xi32, #tpu.memory_space<vmem>>
    %dma_start3A_226 = arith.constant 0 : i32
    %dma_start3A_227 = arith.constant 0 : i32
    %dma_start3A_228 = tpu.memref_slice %arg7[%dma_start3A_226, %dma_start3A_227] : memref<10240x128xf32, #tpu.memory_space<vmem_shared>> -> memref<10240x128xf32, #tpu.memory_space<vmem_shared>>
    %dma_start3A_229 = tpu.memref_slice %arg12[%dma_start3A_218] : memref<5x!tpu.dma_semaphore, #tpu.memory_space<semaphore_mem>> -> memref<1x!tpu.dma_semaphore, #tpu.memory_space<semaphore_mem>>
    %dma_start3A_230 = tpu.memref_squeeze %dma_start3A_229 : memref<1x!tpu.dma_semaphore, #tpu.memory_space<semaphore_mem>> -> memref<!tpu.dma_semaphore, #tpu.memory_space<semaphore_mem>>
    tpu.enqueue_indirect_dma source(%dma_start3A_222 : memref<40x128xf32, #tpu.memory_space<vmem>>) target(%dma_start3A_228 : memref<10240x128xf32, #tpu.memory_space<vmem_shared>>) offsets(%dma_start3A_225 : memref<40xi32, #tpu.memory_space<vmem>>) semaphore(%dma_start3A_230 : memref<!tpu.dma_semaphore, #tpu.memory_space<semaphore_mem>>) {add = true}
    %dma_wait3A_231 = arith.constant 2 : i32
    %dma_wait3A_232 = arith.constant 0 : i32
    %dma_wait3A_233 = arith.constant 2 : i32
    %dma_wait3A_234 = arith.constant 0 : i32
    %dma_wait3A_235 = arith.constant 0 : i32
    %dma_wait3A_236 = tpu.memref_slice %arg10[%dma_wait3A_231, %dma_wait3A_234, %dma_wait3A_235] : memref<5x40x128xf32, #tpu.memory_space<vmem>> -> memref<1x40x128xf32, #tpu.memory_space<vmem>>
    %dma_wait3A_237 = tpu.memref_squeeze %dma_wait3A_236 : memref<1x40x128xf32, #tpu.memory_space<vmem>> -> memref<40x128xf32, #tpu.memory_space<vmem>>
    %dma_wait3A_238 = arith.constant 0 : i32
    %dma_wait3A_239 = tpu.memref_slice %arg9[%dma_wait3A_232, %dma_wait3A_238] : memref<250x40xi32, #tpu.memory_space<vmem>> -> memref<1x40xi32, #tpu.memory_space<vmem>>
    %dma_wait3A_240 = tpu.memref_squeeze %dma_wait3A_239 : memref<1x40xi32, #tpu.memory_space<vmem>> -> memref<40xi32, #tpu.memory_space<vmem>>
    %dma_wait3A_241 = arith.constant 0 : i32
    %dma_wait3A_242 = arith.constant 0 : i32
    %dma_wait3A_243 = tpu.memref_slice %arg7[%dma_wait3A_241, %dma_wait3A_242] : memref<10240x128xf32, #tpu.memory_space<vmem_shared>> -> memref<10240x128xf32, #tpu.memory_space<vmem_shared>>
    %dma_wait3A_244 = tpu.memref_slice %arg12[%dma_wait3A_233] : memref<5x!tpu.dma_semaphore, #tpu.memory_space<semaphore_mem>> -> memref<1x!tpu.dma_semaphore, #tpu.memory_space<semaphore_mem>>
    %dma_wait3A_245 = tpu.memref_squeeze %dma_wait3A_244 : memref<1x!tpu.dma_semaphore, #tpu.memory_space<semaphore_mem>> -> memref<!tpu.dma_semaphore, #tpu.memory_space<semaphore_mem>>
    tpu.wait_indirect_dma semaphore(%dma_wait3A_245 : memref<!tpu.dma_semaphore, #tpu.memory_space<semaphore_mem>>) src(%dma_wait3A_237 : memref<40x128xf32, #tpu.memory_space<vmem>>) dst(%dma_wait3A_243 : memref<10240x128xf32, #tpu.memory_space<vmem_shared>>)
    %dma_start3A_246 = arith.constant 7 : i32
    %dma_start3A_247 = arith.constant 2 : i32
    %dma_start3A_248 = arith.constant 2 : i32
    %dma_start3A_249 = arith.constant 0 : i32
    %dma_start3A_250 = arith.constant 0 : i32
    %dma_start3A_251 = tpu.memref_slice %arg10[%dma_start3A_247, %dma_start3A_249, %dma_start3A_250] : memref<5x40x128xf32, #tpu.memory_space<vmem>> -> memref<1x40x128xf32, #tpu.memory_space<vmem>>
    %dma_start3A_252 = tpu.memref_squeeze %dma_start3A_251 : memref<1x40x128xf32, #tpu.memory_space<vmem>> -> memref<40x128xf32, #tpu.memory_space<vmem>>
    %dma_start3A_253 = arith.constant 0 : i32
    %dma_start3A_254 = tpu.memref_slice %arg8[%dma_start3A_246, %dma_start3A_253] : memref<250x40xi32, #tpu.memory_space<vmem>> -> memref<1x40xi32, #tpu.memory_space<vmem>>
    %dma_start3A_255 = tpu.memref_squeeze %dma_start3A_254 : memref<1x40xi32, #tpu.memory_space<vmem>> -> memref<40xi32, #tpu.memory_space<vmem>>
    %dma_start3A_256 = arith.constant 0 : i32
    %dma_start3A_257 = arith.constant 0 : i32
    %dma_start3A_258 = tpu.memref_slice %arg2[%dma_start3A_256, %dma_start3A_257] : memref<10000x128xf32, #tpu.memory_space<hbm>> -> memref<10000x128xf32, #tpu.memory_space<hbm>>
    %dma_start3A_259 = tpu.memref_slice %arg11[%dma_start3A_248] : memref<5x!tpu.dma_semaphore, #tpu.memory_space<semaphore_mem>> -> memref<1x!tpu.dma_semaphore, #tpu.memory_space<semaphore_mem>>
    %dma_start3A_260 = tpu.memref_squeeze %dma_start3A_259 : memref<1x!tpu.dma_semaphore, #tpu.memory_space<semaphore_mem>> -> memref<!tpu.dma_semaphore, #tpu.memory_space<semaphore_mem>>
    tpu.enqueue_indirect_dma source(%dma_start3A_258 : memref<10000x128xf32, #tpu.memory_space<hbm>>) target(%dma_start3A_252 : memref<40x128xf32, #tpu.memory_space<vmem>>) offsets(%dma_start3A_255 : memref<40xi32, #tpu.memory_space<vmem>>) semaphore(%dma_start3A_260 : memref<!tpu.dma_semaphore, #tpu.memory_space<semaphore_mem>>)
    %dma_wait3A_261 = arith.constant 3 : i32
    %dma_wait3A_262 = arith.constant 3 : i32
    %dma_wait3A_263 = arith.constant 3 : i32
    %dma_wait3A_264 = arith.constant 0 : i32
    %dma_wait3A_265 = arith.constant 0 : i32
    %dma_wait3A_266 = tpu.memref_slice %arg10[%dma_wait3A_262, %dma_wait3A_264, %dma_wait3A_265] : memref<5x40x128xf32, #tpu.memory_space<vmem>> -> memref<1x40x128xf32, #tpu.memory_space<vmem>>
    %dma_wait3A_267 = tpu.memref_squeeze %dma_wait3A_266 : memref<1x40x128xf32, #tpu.memory_space<vmem>> -> memref<40x128xf32, #tpu.memory_space<vmem>>
    %dma_wait3A_268 = arith.constant 0 : i32
    %dma_wait3A_269 = tpu.memref_slice %arg8[%dma_wait3A_261, %dma_wait3A_268] : memref<250x40xi32, #tpu.memory_space<vmem>> -> memref<1x40xi32, #tpu.memory_space<vmem>>
    %dma_wait3A_270 = tpu.memref_squeeze %dma_wait3A_269 : memref<1x40xi32, #tpu.memory_space<vmem>> -> memref<40xi32, #tpu.memory_space<vmem>>
    %dma_wait3A_271 = arith.constant 0 : i32
    %dma_wait3A_272 = arith.constant 0 : i32
    %dma_wait3A_273 = tpu.memref_slice %arg2[%dma_wait3A_271, %dma_wait3A_272] : memref<10000x128xf32, #tpu.memory_space<hbm>> -> memref<10000x128xf32, #tpu.memory_space<hbm>>
    %dma_wait3A_274 = tpu.memref_slice %arg11[%dma_wait3A_263] : memref<5x!tpu.dma_semaphore, #tpu.memory_space<semaphore_mem>> -> memref<1x!tpu.dma_semaphore, #tpu.memory_space<semaphore_mem>>
    %dma_wait3A_275 = tpu.memref_squeeze %dma_wait3A_274 : memref<1x!tpu.dma_semaphore, #tpu.memory_space<semaphore_mem>> -> memref<!tpu.dma_semaphore, #tpu.memory_space<semaphore_mem>>
    tpu.wait_indirect_dma semaphore(%dma_wait3A_275 : memref<!tpu.dma_semaphore, #tpu.memory_space<semaphore_mem>>) src(%dma_wait3A_273 : memref<10000x128xf32, #tpu.memory_space<hbm>>) dst(%dma_wait3A_267 : memref<40x128xf32, #tpu.memory_space<vmem>>)
    %dma_start3A_276 = arith.constant 3 : i32
    %dma_start3A_277 = arith.constant 3 : i32
    %dma_start3A_278 = arith.constant 3 : i32
    %dma_start3A_279 = arith.constant 0 : i32
    %dma_start3A_280 = arith.constant 0 : i32
    %dma_start3A_281 = tpu.memref_slice %arg10[%dma_start3A_276, %dma_start3A_279, %dma_start3A_280] : memref<5x40x128xf32, #tpu.memory_space<vmem>> -> memref<1x40x128xf32, #tpu.memory_space<vmem>>
    %dma_start3A_282 = tpu.memref_squeeze %dma_start3A_281 : memref<1x40x128xf32, #tpu.memory_space<vmem>> -> memref<40x128xf32, #tpu.memory_space<vmem>>
    %dma_start3A_283 = arith.constant 0 : i32
    %dma_start3A_284 = tpu.memref_slice %arg9[%dma_start3A_277, %dma_start3A_283] : memref<250x40xi32, #tpu.memory_space<vmem>> -> memref<1x40xi32, #tpu.memory_space<vmem>>
    %dma_start3A_285 = tpu.memref_squeeze %dma_start3A_284 : memref<1x40xi32, #tpu.memory_space<vmem>> -> memref<40xi32, #tpu.memory_space<vmem>>
    %dma_start3A_286 = arith.constant 0 : i32
    %dma_start3A_287 = arith.constant 0 : i32
    %dma_start3A_288 = tpu.memref_slice %arg7[%dma_start3A_286, %dma_start3A_287] : memref<10240x128xf32, #tpu.memory_space<vmem_shared>> -> memref<10240x128xf32, #tpu.memory_space<vmem_shared>>
    %dma_start3A_289 = tpu.memref_slice %arg12[%dma_start3A_278] : memref<5x!tpu.dma_semaphore, #tpu.memory_space<semaphore_mem>> -> memref<1x!tpu.dma_semaphore, #tpu.memory_space<semaphore_mem>>
    %dma_start3A_290 = tpu.memref_squeeze %dma_start3A_289 : memref<1x!tpu.dma_semaphore, #tpu.memory_space<semaphore_mem>> -> memref<!tpu.dma_semaphore, #tpu.memory_space<semaphore_mem>>
    tpu.enqueue_indirect_dma source(%dma_start3A_282 : memref<40x128xf32, #tpu.memory_space<vmem>>) target(%dma_start3A_288 : memref<10240x128xf32, #tpu.memory_space<vmem_shared>>) offsets(%dma_start3A_285 : memref<40xi32, #tpu.memory_space<vmem>>) semaphore(%dma_start3A_290 : memref<!tpu.dma_semaphore, #tpu.memory_space<semaphore_mem>>) {add = true}
    %dma_wait3A_291 = arith.constant 3 : i32
    %dma_wait3A_292 = arith.constant 0 : i32
    %dma_wait3A_293 = arith.constant 3 : i32
    %dma_wait3A_294 = arith.constant 0 : i32
    %dma_wait3A_295 = arith.constant 0 : i32
    %dma_wait3A_296 = tpu.memref_slice %arg10[%dma_wait3A_291, %dma_wait3A_294, %dma_wait3A_295] : memref<5x40x128xf32, #tpu.memory_space<vmem>> -> memref<1x40x128xf32, #tpu.memory_space<vmem>>
    %dma_wait3A_297 = tpu.memref_squeeze %dma_wait3A_296 : memref<1x40x128xf32, #tpu.memory_space<vmem>> -> memref<40x128xf32, #tpu.memory_space<vmem>>
    %dma_wait3A_298 = arith.constant 0 : i32
    %dma_wait3A_299 = tpu.memref_slice %arg9[%dma_wait3A_292, %dma_wait3A_298] : memref<250x40xi32, #tpu.memory_space<vmem>> -> memref<1x40xi32, #tpu.memory_space<vmem>>
    %dma_wait3A_300 = tpu.memref_squeeze %dma_wait3A_299 : memref<1x40xi32, #tpu.memory_space<vmem>> -> memref<40xi32, #tpu.memory_space<vmem>>
    %dma_wait3A_301 = arith.constant 0 : i32
    %dma_wait3A_302 = arith.constant 0 : i32
    %dma_wait3A_303 = tpu.memref_slice %arg7[%dma_wait3A_301, %dma_wait3A_302] : memref<10240x128xf32, #tpu.memory_space<vmem_shared>> -> memref<10240x128xf32, #tpu.memory_space<vmem_shared>>
    %dma_wait3A_304 = tpu.memref_slice %arg12[%dma_wait3A_293] : memref<5x!tpu.dma_semaphore, #tpu.memory_space<semaphore_mem>> -> memref<1x!tpu.dma_semaphore, #tpu.memory_space<semaphore_mem>>
    %dma_wait3A_305 = tpu.memref_squeeze %dma_wait3A_304 : memref<1x!tpu.dma_semaphore, #tpu.memory_space<semaphore_mem>> -> memref<!tpu.dma_semaphore, #tpu.memory_space<semaphore_mem>>
    tpu.wait_indirect_dma semaphore(%dma_wait3A_305 : memref<!tpu.dma_semaphore, #tpu.memory_space<semaphore_mem>>) src(%dma_wait3A_297 : memref<40x128xf32, #tpu.memory_space<vmem>>) dst(%dma_wait3A_303 : memref<10240x128xf32, #tpu.memory_space<vmem_shared>>)
    %dma_start3A_306 = arith.constant 8 : i32
    %dma_start3A_307 = arith.constant 3 : i32
    %dma_start3A_308 = arith.constant 3 : i32
    %dma_start3A_309 = arith.constant 0 : i32
    %dma_start3A_310 = arith.constant 0 : i32
    %dma_start3A_311 = tpu.memref_slice %arg10[%dma_start3A_307, %dma_start3A_309, %dma_start3A_310] : memref<5x40x128xf32, #tpu.memory_space<vmem>> -> memref<1x40x128xf32, #tpu.memory_space<vmem>>
    %dma_start3A_312 = tpu.memref_squeeze %dma_start3A_311 : memref<1x40x128xf32, #tpu.memory_space<vmem>> -> memref<40x128xf32, #tpu.memory_space<vmem>>
    %dma_start3A_313 = arith.constant 0 : i32
    %dma_start3A_314 = tpu.memref_slice %arg8[%dma_start3A_306, %dma_start3A_313] : memref<250x40xi32, #tpu.memory_space<vmem>> -> memref<1x40xi32, #tpu.memory_space<vmem>>
    %dma_start3A_315 = tpu.memref_squeeze %dma_start3A_314 : memref<1x40xi32, #tpu.memory_space<vmem>> -> memref<40xi32, #tpu.memory_space<vmem>>
    %dma_start3A_316 = arith.constant 0 : i32
    %dma_start3A_317 = arith.constant 0 : i32
    %dma_start3A_318 = tpu.memref_slice %arg2[%dma_start3A_316, %dma_start3A_317] : memref<10000x128xf32, #tpu.memory_space<hbm>> -> memref<10000x128xf32, #tpu.memory_space<hbm>>
    %dma_start3A_319 = tpu.memref_slice %arg11[%dma_start3A_308] : memref<5x!tpu.dma_semaphore, #tpu.memory_space<semaphore_mem>> -> memref<1x!tpu.dma_semaphore, #tpu.memory_space<semaphore_mem>>
    %dma_start3A_320 = tpu.memref_squeeze %dma_start3A_319 : memref<1x!tpu.dma_semaphore, #tpu.memory_space<semaphore_mem>> -> memref<!tpu.dma_semaphore, #tpu.memory_space<semaphore_mem>>
    tpu.enqueue_indirect_dma source(%dma_start3A_318 : memref<10000x128xf32, #tpu.memory_space<hbm>>) target(%dma_start3A_312 : memref<40x128xf32, #tpu.memory_space<vmem>>) offsets(%dma_start3A_315 : memref<40xi32, #tpu.memory_space<vmem>>) semaphore(%dma_start3A_320 : memref<!tpu.dma_semaphore, #tpu.memory_space<semaphore_mem>>)
    %dma_wait3A_321 = arith.constant 4 : i32
    %dma_wait3A_322 = arith.constant 4 : i32
    %dma_wait3A_323 = arith.constant 4 : i32
    %dma_wait3A_324 = arith.constant 0 : i32
    %dma_wait3A_325 = arith.constant 0 : i32
    %dma_wait3A_326 = tpu.memref_slice %arg10[%dma_wait3A_322, %dma_wait3A_324, %dma_wait3A_325] : memref<5x40x128xf32, #tpu.memory_space<vmem>> -> memref<1x40x128xf32, #tpu.memory_space<vmem>>
    %dma_wait3A_327 = tpu.memref_squeeze %dma_wait3A_326 : memref<1x40x128xf32, #tpu.memory_space<vmem>> -> memref<40x128xf32, #tpu.memory_space<vmem>>
    %dma_wait3A_328 = arith.constant 0 : i32
    %dma_wait3A_329 = tpu.memref_slice %arg8[%dma_wait3A_321, %dma_wait3A_328] : memref<250x40xi32, #tpu.memory_space<vmem>> -> memref<1x40xi32, #tpu.memory_space<vmem>>
    %dma_wait3A_330 = tpu.memref_squeeze %dma_wait3A_329 : memref<1x40xi32, #tpu.memory_space<vmem>> -> memref<40xi32, #tpu.memory_space<vmem>>
    %dma_wait3A_331 = arith.constant 0 : i32
    %dma_wait3A_332 = arith.constant 0 : i32
    %dma_wait3A_333 = tpu.memref_slice %arg2[%dma_wait3A_331, %dma_wait3A_332] : memref<10000x128xf32, #tpu.memory_space<hbm>> -> memref<10000x128xf32, #tpu.memory_space<hbm>>
    %dma_wait3A_334 = tpu.memref_slice %arg11[%dma_wait3A_323] : memref<5x!tpu.dma_semaphore, #tpu.memory_space<semaphore_mem>> -> memref<1x!tpu.dma_semaphore, #tpu.memory_space<semaphore_mem>>
    %dma_wait3A_335 = tpu.memref_squeeze %dma_wait3A_334 : memref<1x!tpu.dma_semaphore, #tpu.memory_space<semaphore_mem>> -> memref<!tpu.dma_semaphore, #tpu.memory_space<semaphore_mem>>
    tpu.wait_indirect_dma semaphore(%dma_wait3A_335 : memref<!tpu.dma_semaphore, #tpu.memory_space<semaphore_mem>>) src(%dma_wait3A_333 : memref<10000x128xf32, #tpu.memory_space<hbm>>) dst(%dma_wait3A_327 : memref<40x128xf32, #tpu.memory_space<vmem>>)
    %dma_start3A_336 = arith.constant 4 : i32
    %dma_start3A_337 = arith.constant 4 : i32
    %dma_start3A_338 = arith.constant 4 : i32
    %dma_start3A_339 = arith.constant 0 : i32
    %dma_start3A_340 = arith.constant 0 : i32
    %dma_start3A_341 = tpu.memref_slice %arg10[%dma_start3A_336, %dma_start3A_339, %dma_start3A_340] : memref<5x40x128xf32, #tpu.memory_space<vmem>> -> memref<1x40x128xf32, #tpu.memory_space<vmem>>
    %dma_start3A_342 = tpu.memref_squeeze %dma_start3A_341 : memref<1x40x128xf32, #tpu.memory_space<vmem>> -> memref<40x128xf32, #tpu.memory_space<vmem>>
    %dma_start3A_343 = arith.constant 0 : i32
    %dma_start3A_344 = tpu.memref_slice %arg9[%dma_start3A_337, %dma_start3A_343] : memref<250x40xi32, #tpu.memory_space<vmem>> -> memref<1x40xi32, #tpu.memory_space<vmem>>
    %dma_start3A_345 = tpu.memref_squeeze %dma_start3A_344 : memref<1x40xi32, #tpu.memory_space<vmem>> -> memref<40xi32, #tpu.memory_space<vmem>>
    %dma_start3A_346 = arith.constant 0 : i32
    %dma_start3A_347 = arith.constant 0 : i32
    %dma_start3A_348 = tpu.memref_slice %arg7[%dma_start3A_346, %dma_start3A_347] : memref<10240x128xf32, #tpu.memory_space<vmem_shared>> -> memref<10240x128xf32, #tpu.memory_space<vmem_shared>>
    %dma_start3A_349 = tpu.memref_slice %arg12[%dma_start3A_338] : memref<5x!tpu.dma_semaphore, #tpu.memory_space<semaphore_mem>> -> memref<1x!tpu.dma_semaphore, #tpu.memory_space<semaphore_mem>>
    %dma_start3A_350 = tpu.memref_squeeze %dma_start3A_349 : memref<1x!tpu.dma_semaphore, #tpu.memory_space<semaphore_mem>> -> memref<!tpu.dma_semaphore, #tpu.memory_space<semaphore_mem>>
    tpu.enqueue_indirect_dma source(%dma_start3A_342 : memref<40x128xf32, #tpu.memory_space<vmem>>) target(%dma_start3A_348 : memref<10240x128xf32, #tpu.memory_space<vmem_shared>>) offsets(%dma_start3A_345 : memref<40xi32, #tpu.memory_space<vmem>>) semaphore(%dma_start3A_350 : memref<!tpu.dma_semaphore, #tpu.memory_space<semaphore_mem>>) {add = true}
    %scan3A = arith.constant 0 : i32
    %scan3A_351 = arith.constant 1 : i32
    %scan3A_352 = arith.constant 48 : i32
    %scan3A_353 = arith.addi %scan3A_351, %scan3A_352 : i32
    %scan3A_354 = arith.constant 1 : i32
    scf.for %scan3A_616 = %scan3A_351 to %scan3A_353 step %scan3A_354  : i32 {
      %mul3A_617 = arith.constant 5 : i32
      %mul3A_618 = arith.muli %scan3A_616, %mul3A_617 : i32
      %dma_wait3A_619 = arith.constant 4 : i32
      %dma_wait3A_620 = arith.constant 0 : i32
      %dma_wait3A_621 = arith.constant 4 : i32
      %dma_wait3A_622 = arith.constant 0 : i32
      %dma_wait3A_623 = arith.constant 0 : i32
      %dma_wait3A_624 = tpu.memref_slice %arg10[%dma_wait3A_619, %dma_wait3A_622, %dma_wait3A_623] : memref<5x40x128xf32, #tpu.memory_space<vmem>> -> memref<1x40x128xf32, #tpu.memory_space<vmem>>
      %dma_wait3A_625 = tpu.memref_squeeze %dma_wait3A_624 : memref<1x40x128xf32, #tpu.memory_space<vmem>> -> memref<40x128xf32, #tpu.memory_space<vmem>>
      %dma_wait3A_626 = arith.constant 0 : i32
      %dma_wait3A_627 = tpu.memref_slice %arg9[%dma_wait3A_620, %dma_wait3A_626] : memref<250x40xi32, #tpu.memory_space<vmem>> -> memref<1x40xi32, #tpu.memory_space<vmem>>
      %dma_wait3A_628 = tpu.memref_squeeze %dma_wait3A_627 : memref<1x40xi32, #tpu.memory_space<vmem>> -> memref<40xi32, #tpu.memory_space<vmem>>
      %dma_wait3A_629 = arith.constant 0 : i32
      %dma_wait3A_630 = arith.constant 0 : i32
      %dma_wait3A_631 = tpu.memref_slice %arg7[%dma_wait3A_629, %dma_wait3A_630] : memref<10240x128xf32, #tpu.memory_space<vmem_shared>> -> memref<10240x128xf32, #tpu.memory_space<vmem_shared>>
      %dma_wait3A_632 = tpu.memref_slice %arg12[%dma_wait3A_621] : memref<5x!tpu.dma_semaphore, #tpu.memory_space<semaphore_mem>> -> memref<1x!tpu.dma_semaphore, #tpu.memory_space<semaphore_mem>>
      %dma_wait3A_633 = tpu.memref_squeeze %dma_wait3A_632 : memref<1x!tpu.dma_semaphore, #tpu.memory_space<semaphore_mem>> -> memref<!tpu.dma_semaphore, #tpu.memory_space<semaphore_mem>>
      tpu.wait_indirect_dma semaphore(%dma_wait3A_633 : memref<!tpu.dma_semaphore, #tpu.memory_space<semaphore_mem>>) src(%dma_wait3A_625 : memref<40x128xf32, #tpu.memory_space<vmem>>) dst(%dma_wait3A_631 : memref<10240x128xf32, #tpu.memory_space<vmem_shared>>)
      %add3A_634 = arith.constant 0 : i32
      %add3A_635 = arith.addi %mul3A_618, %add3A_634 : i32
      %add3A_636 = arith.constant 4 : i32
      %add3A_637 = arith.addi %add3A_635, %add3A_636 : i32
      %dma_start3A_638 = arith.constant 4 : i32
      %dma_start3A_639 = arith.constant 4 : i32
      %dma_start3A_640 = arith.constant 0 : i32
      %dma_start3A_641 = arith.constant 0 : i32
      %dma_start3A_642 = tpu.memref_slice %arg10[%dma_start3A_638, %dma_start3A_640, %dma_start3A_641] : memref<5x40x128xf32, #tpu.memory_space<vmem>> -> memref<1x40x128xf32, #tpu.memory_space<vmem>>
      %dma_start3A_643 = tpu.memref_squeeze %dma_start3A_642 : memref<1x40x128xf32, #tpu.memory_space<vmem>> -> memref<40x128xf32, #tpu.memory_space<vmem>>
      %dma_start3A_644 = arith.constant 0 : i32
      %dma_start3A_645 = tpu.memref_slice %arg8[%add3A_637, %dma_start3A_644] : memref<250x40xi32, #tpu.memory_space<vmem>> -> memref<1x40xi32, #tpu.memory_space<vmem>>
      %dma_start3A_646 = tpu.memref_squeeze %dma_start3A_645 : memref<1x40xi32, #tpu.memory_space<vmem>> -> memref<40xi32, #tpu.memory_space<vmem>>
      %dma_start3A_647 = arith.constant 0 : i32
      %dma_start3A_648 = arith.constant 0 : i32
      %dma_start3A_649 = tpu.memref_slice %arg2[%dma_start3A_647, %dma_start3A_648] : memref<10000x128xf32, #tpu.memory_space<hbm>> -> memref<10000x128xf32, #tpu.memory_space<hbm>>
      %dma_start3A_650 = tpu.memref_slice %arg11[%dma_start3A_639] : memref<5x!tpu.dma_semaphore, #tpu.memory_space<semaphore_mem>> -> memref<1x!tpu.dma_semaphore, #tpu.memory_space<semaphore_mem>>
      %dma_start3A_651 = tpu.memref_squeeze %dma_start3A_650 : memref<1x!tpu.dma_semaphore, #tpu.memory_space<semaphore_mem>> -> memref<!tpu.dma_semaphore, #tpu.memory_space<semaphore_mem>>
      tpu.enqueue_indirect_dma source(%dma_start3A_649 : memref<10000x128xf32, #tpu.memory_space<hbm>>) target(%dma_start3A_643 : memref<40x128xf32, #tpu.memory_space<vmem>>) offsets(%dma_start3A_646 : memref<40xi32, #tpu.memory_space<vmem>>) semaphore(%dma_start3A_651 : memref<!tpu.dma_semaphore, #tpu.memory_space<semaphore_mem>>)
      %add3A_652 = arith.constant 0 : i32
      %add3A_653 = arith.addi %mul3A_618, %add3A_652 : i32
      %dma_wait3A_654 = arith.constant 0 : i32
      %dma_wait3A_655 = arith.constant 0 : i32
      %dma_wait3A_656 = arith.constant 0 : i32
      %dma_wait3A_657 = arith.constant 0 : i32
      %dma_wait3A_658 = tpu.memref_slice %arg10[%dma_wait3A_654, %dma_wait3A_656, %dma_wait3A_657] : memref<5x40x128xf32, #tpu.memory_space<vmem>> -> memref<1x40x128xf32, #tpu.memory_space<vmem>>
      %dma_wait3A_659 = tpu.memref_squeeze %dma_wait3A_658 : memref<1x40x128xf32, #tpu.memory_space<vmem>> -> memref<40x128xf32, #tpu.memory_space<vmem>>
      %dma_wait3A_660 = arith.constant 0 : i32
      %dma_wait3A_661 = tpu.memref_slice %arg8[%add3A_653, %dma_wait3A_660] : memref<250x40xi32, #tpu.memory_space<vmem>> -> memref<1x40xi32, #tpu.memory_space<vmem>>
      %dma_wait3A_662 = tpu.memref_squeeze %dma_wait3A_661 : memref<1x40xi32, #tpu.memory_space<vmem>> -> memref<40xi32, #tpu.memory_space<vmem>>
      %dma_wait3A_663 = arith.constant 0 : i32
      %dma_wait3A_664 = arith.constant 0 : i32
      %dma_wait3A_665 = tpu.memref_slice %arg2[%dma_wait3A_663, %dma_wait3A_664] : memref<10000x128xf32, #tpu.memory_space<hbm>> -> memref<10000x128xf32, #tpu.memory_space<hbm>>
      %dma_wait3A_666 = tpu.memref_slice %arg11[%dma_wait3A_655] : memref<5x!tpu.dma_semaphore, #tpu.memory_space<semaphore_mem>> -> memref<1x!tpu.dma_semaphore, #tpu.memory_space<semaphore_mem>>
      %dma_wait3A_667 = tpu.memref_squeeze %dma_wait3A_666 : memref<1x!tpu.dma_semaphore, #tpu.memory_space<semaphore_mem>> -> memref<!tpu.dma_semaphore, #tpu.memory_space<semaphore_mem>>
      tpu.wait_indirect_dma semaphore(%dma_wait3A_667 : memref<!tpu.dma_semaphore, #tpu.memory_space<semaphore_mem>>) src(%dma_wait3A_665 : memref<10000x128xf32, #tpu.memory_space<hbm>>) dst(%dma_wait3A_659 : memref<40x128xf32, #tpu.memory_space<vmem>>)
      %add3A_668 = arith.constant 0 : i32
      %add3A_669 = arith.addi %mul3A_618, %add3A_668 : i32
      %dma_start3A_670 = arith.constant 0 : i32
      %dma_start3A_671 = arith.constant 0 : i32
      %dma_start3A_672 = arith.constant 0 : i32
      %dma_start3A_673 = arith.constant 0 : i32
      %dma_start3A_674 = tpu.memref_slice %arg10[%dma_start3A_670, %dma_start3A_672, %dma_start3A_673] : memref<5x40x128xf32, #tpu.memory_space<vmem>> -> memref<1x40x128xf32, #tpu.memory_space<vmem>>
      %dma_start3A_675 = tpu.memref_squeeze %dma_start3A_674 : memref<1x40x128xf32, #tpu.memory_space<vmem>> -> memref<40x128xf32, #tpu.memory_space<vmem>>
      %dma_start3A_676 = arith.constant 0 : i32
      %dma_start3A_677 = tpu.memref_slice %arg9[%add3A_669, %dma_start3A_676] : memref<250x40xi32, #tpu.memory_space<vmem>> -> memref<1x40xi32, #tpu.memory_space<vmem>>
      %dma_start3A_678 = tpu.memref_squeeze %dma_start3A_677 : memref<1x40xi32, #tpu.memory_space<vmem>> -> memref<40xi32, #tpu.memory_space<vmem>>
      %dma_start3A_679 = arith.constant 0 : i32
      %dma_start3A_680 = arith.constant 0 : i32
      %dma_start3A_681 = tpu.memref_slice %arg7[%dma_start3A_679, %dma_start3A_680] : memref<10240x128xf32, #tpu.memory_space<vmem_shared>> -> memref<10240x128xf32, #tpu.memory_space<vmem_shared>>
      %dma_start3A_682 = tpu.memref_slice %arg12[%dma_start3A_671] : memref<5x!tpu.dma_semaphore, #tpu.memory_space<semaphore_mem>> -> memref<1x!tpu.dma_semaphore, #tpu.memory_space<semaphore_mem>>
      %dma_start3A_683 = tpu.memref_squeeze %dma_start3A_682 : memref<1x!tpu.dma_semaphore, #tpu.memory_space<semaphore_mem>> -> memref<!tpu.dma_semaphore, #tpu.memory_space<semaphore_mem>>
      tpu.enqueue_indirect_dma source(%dma_start3A_675 : memref<40x128xf32, #tpu.memory_space<vmem>>) target(%dma_start3A_681 : memref<10240x128xf32, #tpu.memory_space<vmem_shared>>) offsets(%dma_start3A_678 : memref<40xi32, #tpu.memory_space<vmem>>) semaphore(%dma_start3A_683 : memref<!tpu.dma_semaphore, #tpu.memory_space<semaphore_mem>>) {add = true}
      %dma_wait3A_684 = arith.constant 0 : i32
      %dma_wait3A_685 = arith.constant 0 : i32
      %dma_wait3A_686 = arith.constant 0 : i32
      %dma_wait3A_687 = arith.constant 0 : i32
      %dma_wait3A_688 = arith.constant 0 : i32
      %dma_wait3A_689 = tpu.memref_slice %arg10[%dma_wait3A_684, %dma_wait3A_687, %dma_wait3A_688] : memref<5x40x128xf32, #tpu.memory_space<vmem>> -> memref<1x40x128xf32, #tpu.memory_space<vmem>>
      %dma_wait3A_690 = tpu.memref_squeeze %dma_wait3A_689 : memref<1x40x128xf32, #tpu.memory_space<vmem>> -> memref<40x128xf32, #tpu.memory_space<vmem>>
      %dma_wait3A_691 = arith.constant 0 : i32
      %dma_wait3A_692 = tpu.memref_slice %arg9[%dma_wait3A_685, %dma_wait3A_691] : memref<250x40xi32, #tpu.memory_space<vmem>> -> memref<1x40xi32, #tpu.memory_space<vmem>>
      %dma_wait3A_693 = tpu.memref_squeeze %dma_wait3A_692 : memref<1x40xi32, #tpu.memory_space<vmem>> -> memref<40xi32, #tpu.memory_space<vmem>>
      %dma_wait3A_694 = arith.constant 0 : i32
      %dma_wait3A_695 = arith.constant 0 : i32
      %dma_wait3A_696 = tpu.memref_slice %arg7[%dma_wait3A_694, %dma_wait3A_695] : memref<10240x128xf32, #tpu.memory_space<vmem_shared>> -> memref<10240x128xf32, #tpu.memory_space<vmem_shared>>
      %dma_wait3A_697 = tpu.memref_slice %arg12[%dma_wait3A_686] : memref<5x!tpu.dma_semaphore, #tpu.memory_space<semaphore_mem>> -> memref<1x!tpu.dma_semaphore, #tpu.memory_space<semaphore_mem>>
      %dma_wait3A_698 = tpu.memref_squeeze %dma_wait3A_697 : memref<1x!tpu.dma_semaphore, #tpu.memory_space<semaphore_mem>> -> memref<!tpu.dma_semaphore, #tpu.memory_space<semaphore_mem>>
      tpu.wait_indirect_dma semaphore(%dma_wait3A_698 : memref<!tpu.dma_semaphore, #tpu.memory_space<semaphore_mem>>) src(%dma_wait3A_690 : memref<40x128xf32, #tpu.memory_space<vmem>>) dst(%dma_wait3A_696 : memref<10240x128xf32, #tpu.memory_space<vmem_shared>>)
      %add3A_699 = arith.constant 1 : i32
      %add3A_700 = arith.addi %mul3A_618, %add3A_699 : i32
      %add3A_701 = arith.constant 4 : i32
      %add3A_702 = arith.addi %add3A_700, %add3A_701 : i32
      %dma_start3A_703 = arith.constant 0 : i32
      %dma_start3A_704 = arith.constant 0 : i32
      %dma_start3A_705 = arith.constant 0 : i32
      %dma_start3A_706 = arith.constant 0 : i32
      %dma_start3A_707 = tpu.memref_slice %arg10[%dma_start3A_703, %dma_start3A_705, %dma_start3A_706] : memref<5x40x128xf32, #tpu.memory_space<vmem>> -> memref<1x40x128xf32, #tpu.memory_space<vmem>>
      %dma_start3A_708 = tpu.memref_squeeze %dma_start3A_707 : memref<1x40x128xf32, #tpu.memory_space<vmem>> -> memref<40x128xf32, #tpu.memory_space<vmem>>
      %dma_start3A_709 = arith.constant 0 : i32
      %dma_start3A_710 = tpu.memref_slice %arg8[%add3A_702, %dma_start3A_709] : memref<250x40xi32, #tpu.memory_space<vmem>> -> memref<1x40xi32, #tpu.memory_space<vmem>>
      %dma_start3A_711 = tpu.memref_squeeze %dma_start3A_710 : memref<1x40xi32, #tpu.memory_space<vmem>> -> memref<40xi32, #tpu.memory_space<vmem>>
      %dma_start3A_712 = arith.constant 0 : i32
      %dma_start3A_713 = arith.constant 0 : i32
      %dma_start3A_714 = tpu.memref_slice %arg2[%dma_start3A_712, %dma_start3A_713] : memref<10000x128xf32, #tpu.memory_space<hbm>> -> memref<10000x128xf32, #tpu.memory_space<hbm>>
      %dma_start3A_715 = tpu.memref_slice %arg11[%dma_start3A_704] : memref<5x!tpu.dma_semaphore, #tpu.memory_space<semaphore_mem>> -> memref<1x!tpu.dma_semaphore, #tpu.memory_space<semaphore_mem>>
      %dma_start3A_716 = tpu.memref_squeeze %dma_start3A_715 : memref<1x!tpu.dma_semaphore, #tpu.memory_space<semaphore_mem>> -> memref<!tpu.dma_semaphore, #tpu.memory_space<semaphore_mem>>
      tpu.enqueue_indirect_dma source(%dma_start3A_714 : memref<10000x128xf32, #tpu.memory_space<hbm>>) target(%dma_start3A_708 : memref<40x128xf32, #tpu.memory_space<vmem>>) offsets(%dma_start3A_711 : memref<40xi32, #tpu.memory_space<vmem>>) semaphore(%dma_start3A_716 : memref<!tpu.dma_semaphore, #tpu.memory_space<semaphore_mem>>)
      %add3A_717 = arith.constant 1 : i32
      %add3A_718 = arith.addi %mul3A_618, %add3A_717 : i32
      %dma_wait3A_719 = arith.constant 1 : i32
      %dma_wait3A_720 = arith.constant 1 : i32
      %dma_wait3A_721 = arith.constant 0 : i32
      %dma_wait3A_722 = arith.constant 0 : i32
      %dma_wait3A_723 = tpu.memref_slice %arg10[%dma_wait3A_719, %dma_wait3A_721, %dma_wait3A_722] : memref<5x40x128xf32, #tpu.memory_space<vmem>> -> memref<1x40x128xf32, #tpu.memory_space<vmem>>
      %dma_wait3A_724 = tpu.memref_squeeze %dma_wait3A_723 : memref<1x40x128xf32, #tpu.memory_space<vmem>> -> memref<40x128xf32, #tpu.memory_space<vmem>>
      %dma_wait3A_725 = arith.constant 0 : i32
      %dma_wait3A_726 = tpu.memref_slice %arg8[%add3A_718, %dma_wait3A_725] : memref<250x40xi32, #tpu.memory_space<vmem>> -> memref<1x40xi32, #tpu.memory_space<vmem>>
      %dma_wait3A_727 = tpu.memref_squeeze %dma_wait3A_726 : memref<1x40xi32, #tpu.memory_space<vmem>> -> memref<40xi32, #tpu.memory_space<vmem>>
      %dma_wait3A_728 = arith.constant 0 : i32
      %dma_wait3A_729 = arith.constant 0 : i32
      %dma_wait3A_730 = tpu.memref_slice %arg2[%dma_wait3A_728, %dma_wait3A_729] : memref<10000x128xf32, #tpu.memory_space<hbm>> -> memref<10000x128xf32, #tpu.memory_space<hbm>>
      %dma_wait3A_731 = tpu.memref_slice %arg11[%dma_wait3A_720] : memref<5x!tpu.dma_semaphore, #tpu.memory_space<semaphore_mem>> -> memref<1x!tpu.dma_semaphore, #tpu.memory_space<semaphore_mem>>
      %dma_wait3A_732 = tpu.memref_squeeze %dma_wait3A_731 : memref<1x!tpu.dma_semaphore, #tpu.memory_space<semaphore_mem>> -> memref<!tpu.dma_semaphore, #tpu.memory_space<semaphore_mem>>
      tpu.wait_indirect_dma semaphore(%dma_wait3A_732 : memref<!tpu.dma_semaphore, #tpu.memory_space<semaphore_mem>>) src(%dma_wait3A_730 : memref<10000x128xf32, #tpu.memory_space<hbm>>) dst(%dma_wait3A_724 : memref<40x128xf32, #tpu.memory_space<vmem>>)
      %add3A_733 = arith.constant 1 : i32
      %add3A_734 = arith.addi %mul3A_618, %add3A_733 : i32
      %dma_start3A_735 = arith.constant 1 : i32
      %dma_start3A_736 = arith.constant 1 : i32
      %dma_start3A_737 = arith.constant 0 : i32
      %dma_start3A_738 = arith.constant 0 : i32
      %dma_start3A_739 = tpu.memref_slice %arg10[%dma_start3A_735, %dma_start3A_737, %dma_start3A_738] : memref<5x40x128xf32, #tpu.memory_space<vmem>> -> memref<1x40x128xf32, #tpu.memory_space<vmem>>
      %dma_start3A_740 = tpu.memref_squeeze %dma_start3A_739 : memref<1x40x128xf32, #tpu.memory_space<vmem>> -> memref<40x128xf32, #tpu.memory_space<vmem>>
      %dma_start3A_741 = arith.constant 0 : i32
      %dma_start3A_742 = tpu.memref_slice %arg9[%add3A_734, %dma_start3A_741] : memref<250x40xi32, #tpu.memory_space<vmem>> -> memref<1x40xi32, #tpu.memory_space<vmem>>
      %dma_start3A_743 = tpu.memref_squeeze %dma_start3A_742 : memref<1x40xi32, #tpu.memory_space<vmem>> -> memref<40xi32, #tpu.memory_space<vmem>>
      %dma_start3A_744 = arith.constant 0 : i32
      %dma_start3A_745 = arith.constant 0 : i32
      %dma_start3A_746 = tpu.memref_slice %arg7[%dma_start3A_744, %dma_start3A_745] : memref<10240x128xf32, #tpu.memory_space<vmem_shared>> -> memref<10240x128xf32, #tpu.memory_space<vmem_shared>>
      %dma_start3A_747 = tpu.memref_slice %arg12[%dma_start3A_736] : memref<5x!tpu.dma_semaphore, #tpu.memory_space<semaphore_mem>> -> memref<1x!tpu.dma_semaphore, #tpu.memory_space<semaphore_mem>>
      %dma_start3A_748 = tpu.memref_squeeze %dma_start3A_747 : memref<1x!tpu.dma_semaphore, #tpu.memory_space<semaphore_mem>> -> memref<!tpu.dma_semaphore, #tpu.memory_space<semaphore_mem>>
      tpu.enqueue_indirect_dma source(%dma_start3A_740 : memref<40x128xf32, #tpu.memory_space<vmem>>) target(%dma_start3A_746 : memref<10240x128xf32, #tpu.memory_space<vmem_shared>>) offsets(%dma_start3A_743 : memref<40xi32, #tpu.memory_space<vmem>>) semaphore(%dma_start3A_748 : memref<!tpu.dma_semaphore, #tpu.memory_space<semaphore_mem>>) {add = true}
      %dma_wait3A_749 = arith.constant 1 : i32
      %dma_wait3A_750 = arith.constant 0 : i32
      %dma_wait3A_751 = arith.constant 1 : i32
      %dma_wait3A_752 = arith.constant 0 : i32
      %dma_wait3A_753 = arith.constant 0 : i32
      %dma_wait3A_754 = tpu.memref_slice %arg10[%dma_wait3A_749, %dma_wait3A_752, %dma_wait3A_753] : memref<5x40x128xf32, #tpu.memory_space<vmem>> -> memref<1x40x128xf32, #tpu.memory_space<vmem>>
      %dma_wait3A_755 = tpu.memref_squeeze %dma_wait3A_754 : memref<1x40x128xf32, #tpu.memory_space<vmem>> -> memref<40x128xf32, #tpu.memory_space<vmem>>
      %dma_wait3A_756 = arith.constant 0 : i32
      %dma_wait3A_757 = tpu.memref_slice %arg9[%dma_wait3A_750, %dma_wait3A_756] : memref<250x40xi32, #tpu.memory_space<vmem>> -> memref<1x40xi32, #tpu.memory_space<vmem>>
      %dma_wait3A_758 = tpu.memref_squeeze %dma_wait3A_757 : memref<1x40xi32, #tpu.memory_space<vmem>> -> memref<40xi32, #tpu.memory_space<vmem>>
      %dma_wait3A_759 = arith.constant 0 : i32
      %dma_wait3A_760 = arith.constant 0 : i32
      %dma_wait3A_761 = tpu.memref_slice %arg7[%dma_wait3A_759, %dma_wait3A_760] : memref<10240x128xf32, #tpu.memory_space<vmem_shared>> -> memref<10240x128xf32, #tpu.memory_space<vmem_shared>>
      %dma_wait3A_762 = tpu.memref_slice %arg12[%dma_wait3A_751] : memref<5x!tpu.dma_semaphore, #tpu.memory_space<semaphore_mem>> -> memref<1x!tpu.dma_semaphore, #tpu.memory_space<semaphore_mem>>
      %dma_wait3A_763 = tpu.memref_squeeze %dma_wait3A_762 : memref<1x!tpu.dma_semaphore, #tpu.memory_space<semaphore_mem>> -> memref<!tpu.dma_semaphore, #tpu.memory_space<semaphore_mem>>
      tpu.wait_indirect_dma semaphore(%dma_wait3A_763 : memref<!tpu.dma_semaphore, #tpu.memory_space<semaphore_mem>>) src(%dma_wait3A_755 : memref<40x128xf32, #tpu.memory_space<vmem>>) dst(%dma_wait3A_761 : memref<10240x128xf32, #tpu.memory_space<vmem_shared>>)
      %add3A_764 = arith.constant 2 : i32
      %add3A_765 = arith.addi %mul3A_618, %add3A_764 : i32
      %add3A_766 = arith.constant 4 : i32
      %add3A_767 = arith.addi %add3A_765, %add3A_766 : i32
      %dma_start3A_768 = arith.constant 1 : i32
      %dma_start3A_769 = arith.constant 1 : i32
      %dma_start3A_770 = arith.constant 0 : i32
      %dma_start3A_771 = arith.constant 0 : i32
      %dma_start3A_772 = tpu.memref_slice %arg10[%dma_start3A_768, %dma_start3A_770, %dma_start3A_771] : memref<5x40x128xf32, #tpu.memory_space<vmem>> -> memref<1x40x128xf32, #tpu.memory_space<vmem>>
      %dma_start3A_773 = tpu.memref_squeeze %dma_start3A_772 : memref<1x40x128xf32, #tpu.memory_space<vmem>> -> memref<40x128xf32, #tpu.memory_space<vmem>>
      %dma_start3A_774 = arith.constant 0 : i32
      %dma_start3A_775 = tpu.memref_slice %arg8[%add3A_767, %dma_start3A_774] : memref<250x40xi32, #tpu.memory_space<vmem>> -> memref<1x40xi32, #tpu.memory_space<vmem>>
      %dma_start3A_776 = tpu.memref_squeeze %dma_start3A_775 : memref<1x40xi32, #tpu.memory_space<vmem>> -> memref<40xi32, #tpu.memory_space<vmem>>
      %dma_start3A_777 = arith.constant 0 : i32
      %dma_start3A_778 = arith.constant 0 : i32
      %dma_start3A_779 = tpu.memref_slice %arg2[%dma_start3A_777, %dma_start3A_778] : memref<10000x128xf32, #tpu.memory_space<hbm>> -> memref<10000x128xf32, #tpu.memory_space<hbm>>
      %dma_start3A_780 = tpu.memref_slice %arg11[%dma_start3A_769] : memref<5x!tpu.dma_semaphore, #tpu.memory_space<semaphore_mem>> -> memref<1x!tpu.dma_semaphore, #tpu.memory_space<semaphore_mem>>
      %dma_start3A_781 = tpu.memref_squeeze %dma_start3A_780 : memref<1x!tpu.dma_semaphore, #tpu.memory_space<semaphore_mem>> -> memref<!tpu.dma_semaphore, #tpu.memory_space<semaphore_mem>>
      tpu.enqueue_indirect_dma source(%dma_start3A_779 : memref<10000x128xf32, #tpu.memory_space<hbm>>) target(%dma_start3A_773 : memref<40x128xf32, #tpu.memory_space<vmem>>) offsets(%dma_start3A_776 : memref<40xi32, #tpu.memory_space<vmem>>) semaphore(%dma_start3A_781 : memref<!tpu.dma_semaphore, #tpu.memory_space<semaphore_mem>>)
      %add3A_782 = arith.constant 2 : i32
      %add3A_783 = arith.addi %mul3A_618, %add3A_782 : i32
      %dma_wait3A_784 = arith.constant 2 : i32
      %dma_wait3A_785 = arith.constant 2 : i32
      %dma_wait3A_786 = arith.constant 0 : i32
      %dma_wait3A_787 = arith.constant 0 : i32
      %dma_wait3A_788 = tpu.memref_slice %arg10[%dma_wait3A_784, %dma_wait3A_786, %dma_wait3A_787] : memref<5x40x128xf32, #tpu.memory_space<vmem>> -> memref<1x40x128xf32, #tpu.memory_space<vmem>>
      %dma_wait3A_789 = tpu.memref_squeeze %dma_wait3A_788 : memref<1x40x128xf32, #tpu.memory_space<vmem>> -> memref<40x128xf32, #tpu.memory_space<vmem>>
      %dma_wait3A_790 = arith.constant 0 : i32
      %dma_wait3A_791 = tpu.memref_slice %arg8[%add3A_783, %dma_wait3A_790] : memref<250x40xi32, #tpu.memory_space<vmem>> -> memref<1x40xi32, #tpu.memory_space<vmem>>
      %dma_wait3A_792 = tpu.memref_squeeze %dma_wait3A_791 : memref<1x40xi32, #tpu.memory_space<vmem>> -> memref<40xi32, #tpu.memory_space<vmem>>
      %dma_wait3A_793 = arith.constant 0 : i32
      %dma_wait3A_794 = arith.constant 0 : i32
      %dma_wait3A_795 = tpu.memref_slice %arg2[%dma_wait3A_793, %dma_wait3A_794] : memref<10000x128xf32, #tpu.memory_space<hbm>> -> memref<10000x128xf32, #tpu.memory_space<hbm>>
      %dma_wait3A_796 = tpu.memref_slice %arg11[%dma_wait3A_785] : memref<5x!tpu.dma_semaphore, #tpu.memory_space<semaphore_mem>> -> memref<1x!tpu.dma_semaphore, #tpu.memory_space<semaphore_mem>>
      %dma_wait3A_797 = tpu.memref_squeeze %dma_wait3A_796 : memref<1x!tpu.dma_semaphore, #tpu.memory_space<semaphore_mem>> -> memref<!tpu.dma_semaphore, #tpu.memory_space<semaphore_mem>>
      tpu.wait_indirect_dma semaphore(%dma_wait3A_797 : memref<!tpu.dma_semaphore, #tpu.memory_space<semaphore_mem>>) src(%dma_wait3A_795 : memref<10000x128xf32, #tpu.memory_space<hbm>>) dst(%dma_wait3A_789 : memref<40x128xf32, #tpu.memory_space<vmem>>)
      %add3A_798 = arith.constant 2 : i32
      %add3A_799 = arith.addi %mul3A_618, %add3A_798 : i32
      %dma_start3A_800 = arith.constant 2 : i32
      %dma_start3A_801 = arith.constant 2 : i32
      %dma_start3A_802 = arith.constant 0 : i32
      %dma_start3A_803 = arith.constant 0 : i32
      %dma_start3A_804 = tpu.memref_slice %arg10[%dma_start3A_800, %dma_start3A_802, %dma_start3A_803] : memref<5x40x128xf32, #tpu.memory_space<vmem>> -> memref<1x40x128xf32, #tpu.memory_space<vmem>>
      %dma_start3A_805 = tpu.memref_squeeze %dma_start3A_804 : memref<1x40x128xf32, #tpu.memory_space<vmem>> -> memref<40x128xf32, #tpu.memory_space<vmem>>
      %dma_start3A_806 = arith.constant 0 : i32
      %dma_start3A_807 = tpu.memref_slice %arg9[%add3A_799, %dma_start3A_806] : memref<250x40xi32, #tpu.memory_space<vmem>> -> memref<1x40xi32, #tpu.memory_space<vmem>>
      %dma_start3A_808 = tpu.memref_squeeze %dma_start3A_807 : memref<1x40xi32, #tpu.memory_space<vmem>> -> memref<40xi32, #tpu.memory_space<vmem>>
      %dma_start3A_809 = arith.constant 0 : i32
      %dma_start3A_810 = arith.constant 0 : i32
      %dma_start3A_811 = tpu.memref_slice %arg7[%dma_start3A_809, %dma_start3A_810] : memref<10240x128xf32, #tpu.memory_space<vmem_shared>> -> memref<10240x128xf32, #tpu.memory_space<vmem_shared>>
      %dma_start3A_812 = tpu.memref_slice %arg12[%dma_start3A_801] : memref<5x!tpu.dma_semaphore, #tpu.memory_space<semaphore_mem>> -> memref<1x!tpu.dma_semaphore, #tpu.memory_space<semaphore_mem>>
      %dma_start3A_813 = tpu.memref_squeeze %dma_start3A_812 : memref<1x!tpu.dma_semaphore, #tpu.memory_space<semaphore_mem>> -> memref<!tpu.dma_semaphore, #tpu.memory_space<semaphore_mem>>
      tpu.enqueue_indirect_dma source(%dma_start3A_805 : memref<40x128xf32, #tpu.memory_space<vmem>>) target(%dma_start3A_811 : memref<10240x128xf32, #tpu.memory_space<vmem_shared>>) offsets(%dma_start3A_808 : memref<40xi32, #tpu.memory_space<vmem>>) semaphore(%dma_start3A_813 : memref<!tpu.dma_semaphore, #tpu.memory_space<semaphore_mem>>) {add = true}
      %dma_wait3A_814 = arith.constant 2 : i32
      %dma_wait3A_815 = arith.constant 0 : i32
      %dma_wait3A_816 = arith.constant 2 : i32
      %dma_wait3A_817 = arith.constant 0 : i32
      %dma_wait3A_818 = arith.constant 0 : i32
      %dma_wait3A_819 = tpu.memref_slice %arg10[%dma_wait3A_814, %dma_wait3A_817, %dma_wait3A_818] : memref<5x40x128xf32, #tpu.memory_space<vmem>> -> memref<1x40x128xf32, #tpu.memory_space<vmem>>
      %dma_wait3A_820 = tpu.memref_squeeze %dma_wait3A_819 : memref<1x40x128xf32, #tpu.memory_space<vmem>> -> memref<40x128xf32, #tpu.memory_space<vmem>>
      %dma_wait3A_821 = arith.constant 0 : i32
      %dma_wait3A_822 = tpu.memref_slice %arg9[%dma_wait3A_815, %dma_wait3A_821] : memref<250x40xi32, #tpu.memory_space<vmem>> -> memref<1x40xi32, #tpu.memory_space<vmem>>
      %dma_wait3A_823 = tpu.memref_squeeze %dma_wait3A_822 : memref<1x40xi32, #tpu.memory_space<vmem>> -> memref<40xi32, #tpu.memory_space<vmem>>
      %dma_wait3A_824 = arith.constant 0 : i32
      %dma_wait3A_825 = arith.constant 0 : i32
      %dma_wait3A_826 = tpu.memref_slice %arg7[%dma_wait3A_824, %dma_wait3A_825] : memref<10240x128xf32, #tpu.memory_space<vmem_shared>> -> memref<10240x128xf32, #tpu.memory_space<vmem_shared>>
      %dma_wait3A_827 = tpu.memref_slice %arg12[%dma_wait3A_816] : memref<5x!tpu.dma_semaphore, #tpu.memory_space<semaphore_mem>> -> memref<1x!tpu.dma_semaphore, #tpu.memory_space<semaphore_mem>>
      %dma_wait3A_828 = tpu.memref_squeeze %dma_wait3A_827 : memref<1x!tpu.dma_semaphore, #tpu.memory_space<semaphore_mem>> -> memref<!tpu.dma_semaphore, #tpu.memory_space<semaphore_mem>>
      tpu.wait_indirect_dma semaphore(%dma_wait3A_828 : memref<!tpu.dma_semaphore, #tpu.memory_space<semaphore_mem>>) src(%dma_wait3A_820 : memref<40x128xf32, #tpu.memory_space<vmem>>) dst(%dma_wait3A_826 : memref<10240x128xf32, #tpu.memory_space<vmem_shared>>)
      %add3A_829 = arith.constant 3 : i32
      %add3A_830 = arith.addi %mul3A_618, %add3A_829 : i32
      %add3A_831 = arith.constant 4 : i32
      %add3A_832 = arith.addi %add3A_830, %add3A_831 : i32
      %dma_start3A_833 = arith.constant 2 : i32
      %dma_start3A_834 = arith.constant 2 : i32
      %dma_start3A_835 = arith.constant 0 : i32
      %dma_start3A_836 = arith.constant 0 : i32
      %dma_start3A_837 = tpu.memref_slice %arg10[%dma_start3A_833, %dma_start3A_835, %dma_start3A_836] : memref<5x40x128xf32, #tpu.memory_space<vmem>> -> memref<1x40x128xf32, #tpu.memory_space<vmem>>
      %dma_start3A_838 = tpu.memref_squeeze %dma_start3A_837 : memref<1x40x128xf32, #tpu.memory_space<vmem>> -> memref<40x128xf32, #tpu.memory_space<vmem>>
      %dma_start3A_839 = arith.constant 0 : i32
      %dma_start3A_840 = tpu.memref_slice %arg8[%add3A_832, %dma_start3A_839] : memref<250x40xi32, #tpu.memory_space<vmem>> -> memref<1x40xi32, #tpu.memory_space<vmem>>
      %dma_start3A_841 = tpu.memref_squeeze %dma_start3A_840 : memref<1x40xi32, #tpu.memory_space<vmem>> -> memref<40xi32, #tpu.memory_space<vmem>>
      %dma_start3A_842 = arith.constant 0 : i32
      %dma_start3A_843 = arith.constant 0 : i32
      %dma_start3A_844 = tpu.memref_slice %arg2[%dma_start3A_842, %dma_start3A_843] : memref<10000x128xf32, #tpu.memory_space<hbm>> -> memref<10000x128xf32, #tpu.memory_space<hbm>>
      %dma_start3A_845 = tpu.memref_slice %arg11[%dma_start3A_834] : memref<5x!tpu.dma_semaphore, #tpu.memory_space<semaphore_mem>> -> memref<1x!tpu.dma_semaphore, #tpu.memory_space<semaphore_mem>>
      %dma_start3A_846 = tpu.memref_squeeze %dma_start3A_845 : memref<1x!tpu.dma_semaphore, #tpu.memory_space<semaphore_mem>> -> memref<!tpu.dma_semaphore, #tpu.memory_space<semaphore_mem>>
      tpu.enqueue_indirect_dma source(%dma_start3A_844 : memref<10000x128xf32, #tpu.memory_space<hbm>>) target(%dma_start3A_838 : memref<40x128xf32, #tpu.memory_space<vmem>>) offsets(%dma_start3A_841 : memref<40xi32, #tpu.memory_space<vmem>>) semaphore(%dma_start3A_846 : memref<!tpu.dma_semaphore, #tpu.memory_space<semaphore_mem>>)
      %add3A_847 = arith.constant 3 : i32
      %add3A_848 = arith.addi %mul3A_618, %add3A_847 : i32
      %dma_wait3A_849 = arith.constant 3 : i32
      %dma_wait3A_850 = arith.constant 3 : i32
      %dma_wait3A_851 = arith.constant 0 : i32
      %dma_wait3A_852 = arith.constant 0 : i32
      %dma_wait3A_853 = tpu.memref_slice %arg10[%dma_wait3A_849, %dma_wait3A_851, %dma_wait3A_852] : memref<5x40x128xf32, #tpu.memory_space<vmem>> -> memref<1x40x128xf32, #tpu.memory_space<vmem>>
      %dma_wait3A_854 = tpu.memref_squeeze %dma_wait3A_853 : memref<1x40x128xf32, #tpu.memory_space<vmem>> -> memref<40x128xf32, #tpu.memory_space<vmem>>
      %dma_wait3A_855 = arith.constant 0 : i32
      %dma_wait3A_856 = tpu.memref_slice %arg8[%add3A_848, %dma_wait3A_855] : memref<250x40xi32, #tpu.memory_space<vmem>> -> memref<1x40xi32, #tpu.memory_space<vmem>>
      %dma_wait3A_857 = tpu.memref_squeeze %dma_wait3A_856 : memref<1x40xi32, #tpu.memory_space<vmem>> -> memref<40xi32, #tpu.memory_space<vmem>>
      %dma_wait3A_858 = arith.constant 0 : i32
      %dma_wait3A_859 = arith.constant 0 : i32
      %dma_wait3A_860 = tpu.memref_slice %arg2[%dma_wait3A_858, %dma_wait3A_859] : memref<10000x128xf32, #tpu.memory_space<hbm>> -> memref<10000x128xf32, #tpu.memory_space<hbm>>
      %dma_wait3A_861 = tpu.memref_slice %arg11[%dma_wait3A_850] : memref<5x!tpu.dma_semaphore, #tpu.memory_space<semaphore_mem>> -> memref<1x!tpu.dma_semaphore, #tpu.memory_space<semaphore_mem>>
      %dma_wait3A_862 = tpu.memref_squeeze %dma_wait3A_861 : memref<1x!tpu.dma_semaphore, #tpu.memory_space<semaphore_mem>> -> memref<!tpu.dma_semaphore, #tpu.memory_space<semaphore_mem>>
      tpu.wait_indirect_dma semaphore(%dma_wait3A_862 : memref<!tpu.dma_semaphore, #tpu.memory_space<semaphore_mem>>) src(%dma_wait3A_860 : memref<10000x128xf32, #tpu.memory_space<hbm>>) dst(%dma_wait3A_854 : memref<40x128xf32, #tpu.memory_space<vmem>>)
      %add3A_863 = arith.constant 3 : i32
      %add3A_864 = arith.addi %mul3A_618, %add3A_863 : i32
      %dma_start3A_865 = arith.constant 3 : i32
      %dma_start3A_866 = arith.constant 3 : i32
      %dma_start3A_867 = arith.constant 0 : i32
      %dma_start3A_868 = arith.constant 0 : i32
      %dma_start3A_869 = tpu.memref_slice %arg10[%dma_start3A_865, %dma_start3A_867, %dma_start3A_868] : memref<5x40x128xf32, #tpu.memory_space<vmem>> -> memref<1x40x128xf32, #tpu.memory_space<vmem>>
      %dma_start3A_870 = tpu.memref_squeeze %dma_start3A_869 : memref<1x40x128xf32, #tpu.memory_space<vmem>> -> memref<40x128xf32, #tpu.memory_space<vmem>>
      %dma_start3A_871 = arith.constant 0 : i32
      %dma_start3A_872 = tpu.memref_slice %arg9[%add3A_864, %dma_start3A_871] : memref<250x40xi32, #tpu.memory_space<vmem>> -> memref<1x40xi32, #tpu.memory_space<vmem>>
      %dma_start3A_873 = tpu.memref_squeeze %dma_start3A_872 : memref<1x40xi32, #tpu.memory_space<vmem>> -> memref<40xi32, #tpu.memory_space<vmem>>
      %dma_start3A_874 = arith.constant 0 : i32
      %dma_start3A_875 = arith.constant 0 : i32
      %dma_start3A_876 = tpu.memref_slice %arg7[%dma_start3A_874, %dma_start3A_875] : memref<10240x128xf32, #tpu.memory_space<vmem_shared>> -> memref<10240x128xf32, #tpu.memory_space<vmem_shared>>
      %dma_start3A_877 = tpu.memref_slice %arg12[%dma_start3A_866] : memref<5x!tpu.dma_semaphore, #tpu.memory_space<semaphore_mem>> -> memref<1x!tpu.dma_semaphore, #tpu.memory_space<semaphore_mem>>
      %dma_start3A_878 = tpu.memref_squeeze %dma_start3A_877 : memref<1x!tpu.dma_semaphore, #tpu.memory_space<semaphore_mem>> -> memref<!tpu.dma_semaphore, #tpu.memory_space<semaphore_mem>>
      tpu.enqueue_indirect_dma source(%dma_start3A_870 : memref<40x128xf32, #tpu.memory_space<vmem>>) target(%dma_start3A_876 : memref<10240x128xf32, #tpu.memory_space<vmem_shared>>) offsets(%dma_start3A_873 : memref<40xi32, #tpu.memory_space<vmem>>) semaphore(%dma_start3A_878 : memref<!tpu.dma_semaphore, #tpu.memory_space<semaphore_mem>>) {add = true}
      %dma_wait3A_879 = arith.constant 3 : i32
      %dma_wait3A_880 = arith.constant 0 : i32
      %dma_wait3A_881 = arith.constant 3 : i32
      %dma_wait3A_882 = arith.constant 0 : i32
      %dma_wait3A_883 = arith.constant 0 : i32
      %dma_wait3A_884 = tpu.memref_slice %arg10[%dma_wait3A_879, %dma_wait3A_882, %dma_wait3A_883] : memref<5x40x128xf32, #tpu.memory_space<vmem>> -> memref<1x40x128xf32, #tpu.memory_space<vmem>>
      %dma_wait3A_885 = tpu.memref_squeeze %dma_wait3A_884 : memref<1x40x128xf32, #tpu.memory_space<vmem>> -> memref<40x128xf32, #tpu.memory_space<vmem>>
      %dma_wait3A_886 = arith.constant 0 : i32
      %dma_wait3A_887 = tpu.memref_slice %arg9[%dma_wait3A_880, %dma_wait3A_886] : memref<250x40xi32, #tpu.memory_space<vmem>> -> memref<1x40xi32, #tpu.memory_space<vmem>>
      %dma_wait3A_888 = tpu.memref_squeeze %dma_wait3A_887 : memref<1x40xi32, #tpu.memory_space<vmem>> -> memref<40xi32, #tpu.memory_space<vmem>>
      %dma_wait3A_889 = arith.constant 0 : i32
      %dma_wait3A_890 = arith.constant 0 : i32
      %dma_wait3A_891 = tpu.memref_slice %arg7[%dma_wait3A_889, %dma_wait3A_890] : memref<10240x128xf32, #tpu.memory_space<vmem_shared>> -> memref<10240x128xf32, #tpu.memory_space<vmem_shared>>
      %dma_wait3A_892 = tpu.memref_slice %arg12[%dma_wait3A_881] : memref<5x!tpu.dma_semaphore, #tpu.memory_space<semaphore_mem>> -> memref<1x!tpu.dma_semaphore, #tpu.memory_space<semaphore_mem>>
      %dma_wait3A_893 = tpu.memref_squeeze %dma_wait3A_892 : memref<1x!tpu.dma_semaphore, #tpu.memory_space<semaphore_mem>> -> memref<!tpu.dma_semaphore, #tpu.memory_space<semaphore_mem>>
      tpu.wait_indirect_dma semaphore(%dma_wait3A_893 : memref<!tpu.dma_semaphore, #tpu.memory_space<semaphore_mem>>) src(%dma_wait3A_885 : memref<40x128xf32, #tpu.memory_space<vmem>>) dst(%dma_wait3A_891 : memref<10240x128xf32, #tpu.memory_space<vmem_shared>>)
      %add3A_894 = arith.constant 4 : i32
      %add3A_895 = arith.addi %mul3A_618, %add3A_894 : i32
      %add3A_896 = arith.constant 4 : i32
      %add3A_897 = arith.addi %add3A_895, %add3A_896 : i32
      %dma_start3A_898 = arith.constant 3 : i32
      %dma_start3A_899 = arith.constant 3 : i32
      %dma_start3A_900 = arith.constant 0 : i32
      %dma_start3A_901 = arith.constant 0 : i32
      %dma_start3A_902 = tpu.memref_slice %arg10[%dma_start3A_898, %dma_start3A_900, %dma_start3A_901] : memref<5x40x128xf32, #tpu.memory_space<vmem>> -> memref<1x40x128xf32, #tpu.memory_space<vmem>>
      %dma_start3A_903 = tpu.memref_squeeze %dma_start3A_902 : memref<1x40x128xf32, #tpu.memory_space<vmem>> -> memref<40x128xf32, #tpu.memory_space<vmem>>
      %dma_start3A_904 = arith.constant 0 : i32
      %dma_start3A_905 = tpu.memref_slice %arg8[%add3A_897, %dma_start3A_904] : memref<250x40xi32, #tpu.memory_space<vmem>> -> memref<1x40xi32, #tpu.memory_space<vmem>>
      %dma_start3A_906 = tpu.memref_squeeze %dma_start3A_905 : memref<1x40xi32, #tpu.memory_space<vmem>> -> memref<40xi32, #tpu.memory_space<vmem>>
      %dma_start3A_907 = arith.constant 0 : i32
      %dma_start3A_908 = arith.constant 0 : i32
      %dma_start3A_909 = tpu.memref_slice %arg2[%dma_start3A_907, %dma_start3A_908] : memref<10000x128xf32, #tpu.memory_space<hbm>> -> memref<10000x128xf32, #tpu.memory_space<hbm>>
      %dma_start3A_910 = tpu.memref_slice %arg11[%dma_start3A_899] : memref<5x!tpu.dma_semaphore, #tpu.memory_space<semaphore_mem>> -> memref<1x!tpu.dma_semaphore, #tpu.memory_space<semaphore_mem>>
      %dma_start3A_911 = tpu.memref_squeeze %dma_start3A_910 : memref<1x!tpu.dma_semaphore, #tpu.memory_space<semaphore_mem>> -> memref<!tpu.dma_semaphore, #tpu.memory_space<semaphore_mem>>
      tpu.enqueue_indirect_dma source(%dma_start3A_909 : memref<10000x128xf32, #tpu.memory_space<hbm>>) target(%dma_start3A_903 : memref<40x128xf32, #tpu.memory_space<vmem>>) offsets(%dma_start3A_906 : memref<40xi32, #tpu.memory_space<vmem>>) semaphore(%dma_start3A_911 : memref<!tpu.dma_semaphore, #tpu.memory_space<semaphore_mem>>)
      %add3A_912 = arith.constant 4 : i32
      %add3A_913 = arith.addi %mul3A_618, %add3A_912 : i32
      %dma_wait3A_914 = arith.constant 4 : i32
      %dma_wait3A_915 = arith.constant 4 : i32
      %dma_wait3A_916 = arith.constant 0 : i32
      %dma_wait3A_917 = arith.constant 0 : i32
      %dma_wait3A_918 = tpu.memref_slice %arg10[%dma_wait3A_914, %dma_wait3A_916, %dma_wait3A_917] : memref<5x40x128xf32, #tpu.memory_space<vmem>> -> memref<1x40x128xf32, #tpu.memory_space<vmem>>
      %dma_wait3A_919 = tpu.memref_squeeze %dma_wait3A_918 : memref<1x40x128xf32, #tpu.memory_space<vmem>> -> memref<40x128xf32, #tpu.memory_space<vmem>>
      %dma_wait3A_920 = arith.constant 0 : i32
      %dma_wait3A_921 = tpu.memref_slice %arg8[%add3A_913, %dma_wait3A_920] : memref<250x40xi32, #tpu.memory_space<vmem>> -> memref<1x40xi32, #tpu.memory_space<vmem>>
      %dma_wait3A_922 = tpu.memref_squeeze %dma_wait3A_921 : memref<1x40xi32, #tpu.memory_space<vmem>> -> memref<40xi32, #tpu.memory_space<vmem>>
      %dma_wait3A_923 = arith.constant 0 : i32
      %dma_wait3A_924 = arith.constant 0 : i32
      %dma_wait3A_925 = tpu.memref_slice %arg2[%dma_wait3A_923, %dma_wait3A_924] : memref<10000x128xf32, #tpu.memory_space<hbm>> -> memref<10000x128xf32, #tpu.memory_space<hbm>>
      %dma_wait3A_926 = tpu.memref_slice %arg11[%dma_wait3A_915] : memref<5x!tpu.dma_semaphore, #tpu.memory_space<semaphore_mem>> -> memref<1x!tpu.dma_semaphore, #tpu.memory_space<semaphore_mem>>
      %dma_wait3A_927 = tpu.memref_squeeze %dma_wait3A_926 : memref<1x!tpu.dma_semaphore, #tpu.memory_space<semaphore_mem>> -> memref<!tpu.dma_semaphore, #tpu.memory_space<semaphore_mem>>
      tpu.wait_indirect_dma semaphore(%dma_wait3A_927 : memref<!tpu.dma_semaphore, #tpu.memory_space<semaphore_mem>>) src(%dma_wait3A_925 : memref<10000x128xf32, #tpu.memory_space<hbm>>) dst(%dma_wait3A_919 : memref<40x128xf32, #tpu.memory_space<vmem>>)
      %add3A_928 = arith.constant 4 : i32
      %add3A_929 = arith.addi %mul3A_618, %add3A_928 : i32
      %dma_start3A_930 = arith.constant 4 : i32
      %dma_start3A_931 = arith.constant 4 : i32
      %dma_start3A_932 = arith.constant 0 : i32
      %dma_start3A_933 = arith.constant 0 : i32
      %dma_start3A_934 = tpu.memref_slice %arg10[%dma_start3A_930, %dma_start3A_932, %dma_start3A_933] : memref<5x40x128xf32, #tpu.memory_space<vmem>> -> memref<1x40x128xf32, #tpu.memory_space<vmem>>
      %dma_start3A_935 = tpu.memref_squeeze %dma_start3A_934 : memref<1x40x128xf32, #tpu.memory_space<vmem>> -> memref<40x128xf32, #tpu.memory_space<vmem>>
      %dma_start3A_936 = arith.constant 0 : i32
      %dma_start3A_937 = tpu.memref_slice %arg9[%add3A_929, %dma_start3A_936] : memref<250x40xi32, #tpu.memory_space<vmem>> -> memref<1x40xi32, #tpu.memory_space<vmem>>
      %dma_start3A_938 = tpu.memref_squeeze %dma_start3A_937 : memref<1x40xi32, #tpu.memory_space<vmem>> -> memref<40xi32, #tpu.memory_space<vmem>>
      %dma_start3A_939 = arith.constant 0 : i32
      %dma_start3A_940 = arith.constant 0 : i32
      %dma_start3A_941 = tpu.memref_slice %arg7[%dma_start3A_939, %dma_start3A_940] : memref<10240x128xf32, #tpu.memory_space<vmem_shared>> -> memref<10240x128xf32, #tpu.memory_space<vmem_shared>>
      %dma_start3A_942 = tpu.memref_slice %arg12[%dma_start3A_931] : memref<5x!tpu.dma_semaphore, #tpu.memory_space<semaphore_mem>> -> memref<1x!tpu.dma_semaphore, #tpu.memory_space<semaphore_mem>>
      %dma_start3A_943 = tpu.memref_squeeze %dma_start3A_942 : memref<1x!tpu.dma_semaphore, #tpu.memory_space<semaphore_mem>> -> memref<!tpu.dma_semaphore, #tpu.memory_space<semaphore_mem>>
      tpu.enqueue_indirect_dma source(%dma_start3A_935 : memref<40x128xf32, #tpu.memory_space<vmem>>) target(%dma_start3A_941 : memref<10240x128xf32, #tpu.memory_space<vmem_shared>>) offsets(%dma_start3A_938 : memref<40xi32, #tpu.memory_space<vmem>>) semaphore(%dma_start3A_943 : memref<!tpu.dma_semaphore, #tpu.memory_space<semaphore_mem>>) {add = true}
    }
    %scan3A_355 = arith.constant 48 : i32
    %dma_wait3A_356 = arith.constant 4 : i32
    %dma_wait3A_357 = arith.constant 0 : i32
    %dma_wait3A_358 = arith.constant 4 : i32
    %dma_wait3A_359 = arith.constant 0 : i32
    %dma_wait3A_360 = arith.constant 0 : i32
    %dma_wait3A_361 = tpu.memref_slice %arg10[%dma_wait3A_356, %dma_wait3A_359, %dma_wait3A_360] : memref<5x40x128xf32, #tpu.memory_space<vmem>> -> memref<1x40x128xf32, #tpu.memory_space<vmem>>
    %dma_wait3A_362 = tpu.memref_squeeze %dma_wait3A_361 : memref<1x40x128xf32, #tpu.memory_space<vmem>> -> memref<40x128xf32, #tpu.memory_space<vmem>>
    %dma_wait3A_363 = arith.constant 0 : i32
    %dma_wait3A_364 = tpu.memref_slice %arg9[%dma_wait3A_357, %dma_wait3A_363] : memref<250x40xi32, #tpu.memory_space<vmem>> -> memref<1x40xi32, #tpu.memory_space<vmem>>
    %dma_wait3A_365 = tpu.memref_squeeze %dma_wait3A_364 : memref<1x40xi32, #tpu.memory_space<vmem>> -> memref<40xi32, #tpu.memory_space<vmem>>
    %dma_wait3A_366 = arith.constant 0 : i32
    %dma_wait3A_367 = arith.constant 0 : i32
    %dma_wait3A_368 = tpu.memref_slice %arg7[%dma_wait3A_366, %dma_wait3A_367] : memref<10240x128xf32, #tpu.memory_space<vmem_shared>> -> memref<10240x128xf32, #tpu.memory_space<vmem_shared>>
    %dma_wait3A_369 = tpu.memref_slice %arg12[%dma_wait3A_358] : memref<5x!tpu.dma_semaphore, #tpu.memory_space<semaphore_mem>> -> memref<1x!tpu.dma_semaphore, #tpu.memory_space<semaphore_mem>>
    %dma_wait3A_370 = tpu.memref_squeeze %dma_wait3A_369 : memref<1x!tpu.dma_semaphore, #tpu.memory_space<semaphore_mem>> -> memref<!tpu.dma_semaphore, #tpu.memory_space<semaphore_mem>>
    tpu.wait_indirect_dma semaphore(%dma_wait3A_370 : memref<!tpu.dma_semaphore, #tpu.memory_space<semaphore_mem>>) src(%dma_wait3A_362 : memref<40x128xf32, #tpu.memory_space<vmem>>) dst(%dma_wait3A_368 : memref<10240x128xf32, #tpu.memory_space<vmem_shared>>)
    %dma_start3A_371 = arith.constant 249 : i32
    %dma_start3A_372 = arith.constant 4 : i32
    %dma_start3A_373 = arith.constant 4 : i32
    %dma_start3A_374 = arith.constant 0 : i32
    %dma_start3A_375 = arith.constant 0 : i32
    %dma_start3A_376 = tpu.memref_slice %arg10[%dma_start3A_372, %dma_start3A_374, %dma_start3A_375] : memref<5x40x128xf32, #tpu.memory_space<vmem>> -> memref<1x40x128xf32, #tpu.memory_space<vmem>>
    %dma_start3A_377 = tpu.memref_squeeze %dma_start3A_376 : memref<1x40x128xf32, #tpu.memory_space<vmem>> -> memref<40x128xf32, #tpu.memory_space<vmem>>
    %dma_start3A_378 = arith.constant 0 : i32
    %dma_start3A_379 = tpu.memref_slice %arg8[%dma_start3A_371, %dma_start3A_378] : memref<250x40xi32, #tpu.memory_space<vmem>> -> memref<1x40xi32, #tpu.memory_space<vmem>>
    %dma_start3A_380 = tpu.memref_squeeze %dma_start3A_379 : memref<1x40xi32, #tpu.memory_space<vmem>> -> memref<40xi32, #tpu.memory_space<vmem>>
    %dma_start3A_381 = arith.constant 0 : i32
    %dma_start3A_382 = arith.constant 0 : i32
    %dma_start3A_383 = tpu.memref_slice %arg2[%dma_start3A_381, %dma_start3A_382] : memref<10000x128xf32, #tpu.memory_space<hbm>> -> memref<10000x128xf32, #tpu.memory_space<hbm>>
    %dma_start3A_384 = tpu.memref_slice %arg11[%dma_start3A_373] : memref<5x!tpu.dma_semaphore, #tpu.memory_space<semaphore_mem>> -> memref<1x!tpu.dma_semaphore, #tpu.memory_space<semaphore_mem>>
    %dma_start3A_385 = tpu.memref_squeeze %dma_start3A_384 : memref<1x!tpu.dma_semaphore, #tpu.memory_space<semaphore_mem>> -> memref<!tpu.dma_semaphore, #tpu.memory_space<semaphore_mem>>
    tpu.enqueue_indirect_dma source(%dma_start3A_383 : memref<10000x128xf32, #tpu.memory_space<hbm>>) target(%dma_start3A_377 : memref<40x128xf32, #tpu.memory_space<vmem>>) offsets(%dma_start3A_380 : memref<40xi32, #tpu.memory_space<vmem>>) semaphore(%dma_start3A_385 : memref<!tpu.dma_semaphore, #tpu.memory_space<semaphore_mem>>)
    %dma_wait3A_386 = arith.constant 245 : i32
    %dma_wait3A_387 = arith.constant 0 : i32
    %dma_wait3A_388 = arith.constant 0 : i32
    %dma_wait3A_389 = arith.constant 0 : i32
    %dma_wait3A_390 = arith.constant 0 : i32
    %dma_wait3A_391 = tpu.memref_slice %arg10[%dma_wait3A_387, %dma_wait3A_389, %dma_wait3A_390] : memref<5x40x128xf32, #tpu.memory_space<vmem>> -> memref<1x40x128xf32, #tpu.memory_space<vmem>>
    %dma_wait3A_392 = tpu.memref_squeeze %dma_wait3A_391 : memref<1x40x128xf32, #tpu.memory_space<vmem>> -> memref<40x128xf32, #tpu.memory_space<vmem>>
    %dma_wait3A_393 = arith.constant 0 : i32
    %dma_wait3A_394 = tpu.memref_slice %arg8[%dma_wait3A_386, %dma_wait3A_393] : memref<250x40xi32, #tpu.memory_space<vmem>> -> memref<1x40xi32, #tpu.memory_space<vmem>>
    %dma_wait3A_395 = tpu.memref_squeeze %dma_wait3A_394 : memref<1x40xi32, #tpu.memory_space<vmem>> -> memref<40xi32, #tpu.memory_space<vmem>>
    %dma_wait3A_396 = arith.constant 0 : i32
    %dma_wait3A_397 = arith.constant 0 : i32
    %dma_wait3A_398 = tpu.memref_slice %arg2[%dma_wait3A_396, %dma_wait3A_397] : memref<10000x128xf32, #tpu.memory_space<hbm>> -> memref<10000x128xf32, #tpu.memory_space<hbm>>
    %dma_wait3A_399 = tpu.memref_slice %arg11[%dma_wait3A_388] : memref<5x!tpu.dma_semaphore, #tpu.memory_space<semaphore_mem>> -> memref<1x!tpu.dma_semaphore, #tpu.memory_space<semaphore_mem>>
    %dma_wait3A_400 = tpu.memref_squeeze %dma_wait3A_399 : memref<1x!tpu.dma_semaphore, #tpu.memory_space<semaphore_mem>> -> memref<!tpu.dma_semaphore, #tpu.memory_space<semaphore_mem>>
    tpu.wait_indirect_dma semaphore(%dma_wait3A_400 : memref<!tpu.dma_semaphore, #tpu.memory_space<semaphore_mem>>) src(%dma_wait3A_398 : memref<10000x128xf32, #tpu.memory_space<hbm>>) dst(%dma_wait3A_392 : memref<40x128xf32, #tpu.memory_space<vmem>>)
    %dma_start3A_401 = arith.constant 0 : i32
    %dma_start3A_402 = arith.constant 245 : i32
    %dma_start3A_403 = arith.constant 0 : i32
    %dma_start3A_404 = arith.constant 0 : i32
    %dma_start3A_405 = arith.constant 0 : i32
    %dma_start3A_406 = tpu.memref_slice %arg10[%dma_start3A_401, %dma_start3A_404, %dma_start3A_405] : memref<5x40x128xf32, #tpu.memory_space<vmem>> -> memref<1x40x128xf32, #tpu.memory_space<vmem>>
    %dma_start3A_407 = tpu.memref_squeeze %dma_start3A_406 : memref<1x40x128xf32, #tpu.memory_space<vmem>> -> memref<40x128xf32, #tpu.memory_space<vmem>>
    %dma_start3A_408 = arith.constant 0 : i32
    %dma_start3A_409 = tpu.memref_slice %arg9[%dma_start3A_402, %dma_start3A_408] : memref<250x40xi32, #tpu.memory_space<vmem>> -> memref<1x40xi32, #tpu.memory_space<vmem>>
    %dma_start3A_410 = tpu.memref_squeeze %dma_start3A_409 : memref<1x40xi32, #tpu.memory_space<vmem>> -> memref<40xi32, #tpu.memory_space<vmem>>
    %dma_start3A_411 = arith.constant 0 : i32
    %dma_start3A_412 = arith.constant 0 : i32
    %dma_start3A_413 = tpu.memref_slice %arg7[%dma_start3A_411, %dma_start3A_412] : memref<10240x128xf32, #tpu.memory_space<vmem_shared>> -> memref<10240x128xf32, #tpu.memory_space<vmem_shared>>
    %dma_start3A_414 = tpu.memref_slice %arg12[%dma_start3A_403] : memref<5x!tpu.dma_semaphore, #tpu.memory_space<semaphore_mem>> -> memref<1x!tpu.dma_semaphore, #tpu.memory_space<semaphore_mem>>
    %dma_start3A_415 = tpu.memref_squeeze %dma_start3A_414 : memref<1x!tpu.dma_semaphore, #tpu.memory_space<semaphore_mem>> -> memref<!tpu.dma_semaphore, #tpu.memory_space<semaphore_mem>>
    tpu.enqueue_indirect_dma source(%dma_start3A_407 : memref<40x128xf32, #tpu.memory_space<vmem>>) target(%dma_start3A_413 : memref<10240x128xf32, #tpu.memory_space<vmem_shared>>) offsets(%dma_start3A_410 : memref<40xi32, #tpu.memory_space<vmem>>) semaphore(%dma_start3A_415 : memref<!tpu.dma_semaphore, #tpu.memory_space<semaphore_mem>>) {add = true}
    %dma_wait3A_416 = arith.constant 0 : i32
    %dma_wait3A_417 = arith.constant 0 : i32
    %dma_wait3A_418 = arith.constant 0 : i32
    %dma_wait3A_419 = arith.constant 0 : i32
    %dma_wait3A_420 = arith.constant 0 : i32
    %dma_wait3A_421 = tpu.memref_slice %arg10[%dma_wait3A_416, %dma_wait3A_419, %dma_wait3A_420] : memref<5x40x128xf32, #tpu.memory_space<vmem>> -> memref<1x40x128xf32, #tpu.memory_space<vmem>>
    %dma_wait3A_422 = tpu.memref_squeeze %dma_wait3A_421 : memref<1x40x128xf32, #tpu.memory_space<vmem>> -> memref<40x128xf32, #tpu.memory_space<vmem>>
    %dma_wait3A_423 = arith.constant 0 : i32
    %dma_wait3A_424 = tpu.memref_slice %arg9[%dma_wait3A_417, %dma_wait3A_423] : memref<250x40xi32, #tpu.memory_space<vmem>> -> memref<1x40xi32, #tpu.memory_space<vmem>>
    %dma_wait3A_425 = tpu.memref_squeeze %dma_wait3A_424 : memref<1x40xi32, #tpu.memory_space<vmem>> -> memref<40xi32, #tpu.memory_space<vmem>>
    %dma_wait3A_426 = arith.constant 0 : i32
    %dma_wait3A_427 = arith.constant 0 : i32
    %dma_wait3A_428 = tpu.memref_slice %arg7[%dma_wait3A_426, %dma_wait3A_427] : memref<10240x128xf32, #tpu.memory_space<vmem_shared>> -> memref<10240x128xf32, #tpu.memory_space<vmem_shared>>
    %dma_wait3A_429 = tpu.memref_slice %arg12[%dma_wait3A_418] : memref<5x!tpu.dma_semaphore, #tpu.memory_space<semaphore_mem>> -> memref<1x!tpu.dma_semaphore, #tpu.memory_space<semaphore_mem>>
    %dma_wait3A_430 = tpu.memref_squeeze %dma_wait3A_429 : memref<1x!tpu.dma_semaphore, #tpu.memory_space<semaphore_mem>> -> memref<!tpu.dma_semaphore, #tpu.memory_space<semaphore_mem>>
    tpu.wait_indirect_dma semaphore(%dma_wait3A_430 : memref<!tpu.dma_semaphore, #tpu.memory_space<semaphore_mem>>) src(%dma_wait3A_422 : memref<40x128xf32, #tpu.memory_space<vmem>>) dst(%dma_wait3A_428 : memref<10240x128xf32, #tpu.memory_space<vmem_shared>>)
    %dma_wait3A_431 = arith.constant 246 : i32
    %dma_wait3A_432 = arith.constant 1 : i32
    %dma_wait3A_433 = arith.constant 1 : i32
    %dma_wait3A_434 = arith.constant 0 : i32
    %dma_wait3A_435 = arith.constant 0 : i32
    %dma_wait3A_436 = tpu.memref_slice %arg10[%dma_wait3A_432, %dma_wait3A_434, %dma_wait3A_435] : memref<5x40x128xf32, #tpu.memory_space<vmem>> -> memref<1x40x128xf32, #tpu.memory_space<vmem>>
    %dma_wait3A_437 = tpu.memref_squeeze %dma_wait3A_436 : memref<1x40x128xf32, #tpu.memory_space<vmem>> -> memref<40x128xf32, #tpu.memory_space<vmem>>
    %dma_wait3A_438 = arith.constant 0 : i32
    %dma_wait3A_439 = tpu.memref_slice %arg8[%dma_wait3A_431, %dma_wait3A_438] : memref<250x40xi32, #tpu.memory_space<vmem>> -> memref<1x40xi32, #tpu.memory_space<vmem>>
    %dma_wait3A_440 = tpu.memref_squeeze %dma_wait3A_439 : memref<1x40xi32, #tpu.memory_space<vmem>> -> memref<40xi32, #tpu.memory_space<vmem>>
    %dma_wait3A_441 = arith.constant 0 : i32
    %dma_wait3A_442 = arith.constant 0 : i32
    %dma_wait3A_443 = tpu.memref_slice %arg2[%dma_wait3A_441, %dma_wait3A_442] : memref<10000x128xf32, #tpu.memory_space<hbm>> -> memref<10000x128xf32, #tpu.memory_space<hbm>>
    %dma_wait3A_444 = tpu.memref_slice %arg11[%dma_wait3A_433] : memref<5x!tpu.dma_semaphore, #tpu.memory_space<semaphore_mem>> -> memref<1x!tpu.dma_semaphore, #tpu.memory_space<semaphore_mem>>
    %dma_wait3A_445 = tpu.memref_squeeze %dma_wait3A_444 : memref<1x!tpu.dma_semaphore, #tpu.memory_space<semaphore_mem>> -> memref<!tpu.dma_semaphore, #tpu.memory_space<semaphore_mem>>
    tpu.wait_indirect_dma semaphore(%dma_wait3A_445 : memref<!tpu.dma_semaphore, #tpu.memory_space<semaphore_mem>>) src(%dma_wait3A_443 : memref<10000x128xf32, #tpu.memory_space<hbm>>) dst(%dma_wait3A_437 : memref<40x128xf32, #tpu.memory_space<vmem>>)
    %dma_start3A_446 = arith.constant 1 : i32
    %dma_start3A_447 = arith.constant 246 : i32
    %dma_start3A_448 = arith.constant 1 : i32
    %dma_start3A_449 = arith.constant 0 : i32
    %dma_start3A_450 = arith.constant 0 : i32
    %dma_start3A_451 = tpu.memref_slice %arg10[%dma_start3A_446, %dma_start3A_449, %dma_start3A_450] : memref<5x40x128xf32, #tpu.memory_space<vmem>> -> memref<1x40x128xf32, #tpu.memory_space<vmem>>
    %dma_start3A_452 = tpu.memref_squeeze %dma_start3A_451 : memref<1x40x128xf32, #tpu.memory_space<vmem>> -> memref<40x128xf32, #tpu.memory_space<vmem>>
    %dma_start3A_453 = arith.constant 0 : i32
    %dma_start3A_454 = tpu.memref_slice %arg9[%dma_start3A_447, %dma_start3A_453] : memref<250x40xi32, #tpu.memory_space<vmem>> -> memref<1x40xi32, #tpu.memory_space<vmem>>
    %dma_start3A_455 = tpu.memref_squeeze %dma_start3A_454 : memref<1x40xi32, #tpu.memory_space<vmem>> -> memref<40xi32, #tpu.memory_space<vmem>>
    %dma_start3A_456 = arith.constant 0 : i32
    %dma_start3A_457 = arith.constant 0 : i32
    %dma_start3A_458 = tpu.memref_slice %arg7[%dma_start3A_456, %dma_start3A_457] : memref<10240x128xf32, #tpu.memory_space<vmem_shared>> -> memref<10240x128xf32, #tpu.memory_space<vmem_shared>>
    %dma_start3A_459 = tpu.memref_slice %arg12[%dma_start3A_448] : memref<5x!tpu.dma_semaphore, #tpu.memory_space<semaphore_mem>> -> memref<1x!tpu.dma_semaphore, #tpu.memory_space<semaphore_mem>>
    %dma_start3A_460 = tpu.memref_squeeze %dma_start3A_459 : memref<1x!tpu.dma_semaphore, #tpu.memory_space<semaphore_mem>> -> memref<!tpu.dma_semaphore, #tpu.memory_space<semaphore_mem>>
    tpu.enqueue_indirect_dma source(%dma_start3A_452 : memref<40x128xf32, #tpu.memory_space<vmem>>) target(%dma_start3A_458 : memref<10240x128xf32, #tpu.memory_space<vmem_shared>>) offsets(%dma_start3A_455 : memref<40xi32, #tpu.memory_space<vmem>>) semaphore(%dma_start3A_460 : memref<!tpu.dma_semaphore, #tpu.memory_space<semaphore_mem>>) {add = true}
    %dma_wait3A_461 = arith.constant 1 : i32
    %dma_wait3A_462 = arith.constant 0 : i32
    %dma_wait3A_463 = arith.constant 1 : i32
    %dma_wait3A_464 = arith.constant 0 : i32
    %dma_wait3A_465 = arith.constant 0 : i32
    %dma_wait3A_466 = tpu.memref_slice %arg10[%dma_wait3A_461, %dma_wait3A_464, %dma_wait3A_465] : memref<5x40x128xf32, #tpu.memory_space<vmem>> -> memref<1x40x128xf32, #tpu.memory_space<vmem>>
    %dma_wait3A_467 = tpu.memref_squeeze %dma_wait3A_466 : memref<1x40x128xf32, #tpu.memory_space<vmem>> -> memref<40x128xf32, #tpu.memory_space<vmem>>
    %dma_wait3A_468 = arith.constant 0 : i32
    %dma_wait3A_469 = tpu.memref_slice %arg9[%dma_wait3A_462, %dma_wait3A_468] : memref<250x40xi32, #tpu.memory_space<vmem>> -> memref<1x40xi32, #tpu.memory_space<vmem>>
    %dma_wait3A_470 = tpu.memref_squeeze %dma_wait3A_469 : memref<1x40xi32, #tpu.memory_space<vmem>> -> memref<40xi32, #tpu.memory_space<vmem>>
    %dma_wait3A_471 = arith.constant 0 : i32
    %dma_wait3A_472 = arith.constant 0 : i32
    %dma_wait3A_473 = tpu.memref_slice %arg7[%dma_wait3A_471, %dma_wait3A_472] : memref<10240x128xf32, #tpu.memory_space<vmem_shared>> -> memref<10240x128xf32, #tpu.memory_space<vmem_shared>>
    %dma_wait3A_474 = tpu.memref_slice %arg12[%dma_wait3A_463] : memref<5x!tpu.dma_semaphore, #tpu.memory_space<semaphore_mem>> -> memref<1x!tpu.dma_semaphore, #tpu.memory_space<semaphore_mem>>
    %dma_wait3A_475 = tpu.memref_squeeze %dma_wait3A_474 : memref<1x!tpu.dma_semaphore, #tpu.memory_space<semaphore_mem>> -> memref<!tpu.dma_semaphore, #tpu.memory_space<semaphore_mem>>
    tpu.wait_indirect_dma semaphore(%dma_wait3A_475 : memref<!tpu.dma_semaphore, #tpu.memory_space<semaphore_mem>>) src(%dma_wait3A_467 : memref<40x128xf32, #tpu.memory_space<vmem>>) dst(%dma_wait3A_473 : memref<10240x128xf32, #tpu.memory_space<vmem_shared>>)
    %dma_wait3A_476 = arith.constant 247 : i32
    %dma_wait3A_477 = arith.constant 2 : i32
    %dma_wait3A_478 = arith.constant 2 : i32
    %dma_wait3A_479 = arith.constant 0 : i32
    %dma_wait3A_480 = arith.constant 0 : i32
    %dma_wait3A_481 = tpu.memref_slice %arg10[%dma_wait3A_477, %dma_wait3A_479, %dma_wait3A_480] : memref<5x40x128xf32, #tpu.memory_space<vmem>> -> memref<1x40x128xf32, #tpu.memory_space<vmem>>
    %dma_wait3A_482 = tpu.memref_squeeze %dma_wait3A_481 : memref<1x40x128xf32, #tpu.memory_space<vmem>> -> memref<40x128xf32, #tpu.memory_space<vmem>>
    %dma_wait3A_483 = arith.constant 0 : i32
    %dma_wait3A_484 = tpu.memref_slice %arg8[%dma_wait3A_476, %dma_wait3A_483] : memref<250x40xi32, #tpu.memory_space<vmem>> -> memref<1x40xi32, #tpu.memory_space<vmem>>
    %dma_wait3A_485 = tpu.memref_squeeze %dma_wait3A_484 : memref<1x40xi32, #tpu.memory_space<vmem>> -> memref<40xi32, #tpu.memory_space<vmem>>
    %dma_wait3A_486 = arith.constant 0 : i32
    %dma_wait3A_487 = arith.constant 0 : i32
    %dma_wait3A_488 = tpu.memref_slice %arg2[%dma_wait3A_486, %dma_wait3A_487] : memref<10000x128xf32, #tpu.memory_space<hbm>> -> memref<10000x128xf32, #tpu.memory_space<hbm>>
    %dma_wait3A_489 = tpu.memref_slice %arg11[%dma_wait3A_478] : memref<5x!tpu.dma_semaphore, #tpu.memory_space<semaphore_mem>> -> memref<1x!tpu.dma_semaphore, #tpu.memory_space<semaphore_mem>>
    %dma_wait3A_490 = tpu.memref_squeeze %dma_wait3A_489 : memref<1x!tpu.dma_semaphore, #tpu.memory_space<semaphore_mem>> -> memref<!tpu.dma_semaphore, #tpu.memory_space<semaphore_mem>>
    tpu.wait_indirect_dma semaphore(%dma_wait3A_490 : memref<!tpu.dma_semaphore, #tpu.memory_space<semaphore_mem>>) src(%dma_wait3A_488 : memref<10000x128xf32, #tpu.memory_space<hbm>>) dst(%dma_wait3A_482 : memref<40x128xf32, #tpu.memory_space<vmem>>)
    %dma_start3A_491 = arith.constant 2 : i32
    %dma_start3A_492 = arith.constant 247 : i32
    %dma_start3A_493 = arith.constant 2 : i32
    %dma_start3A_494 = arith.constant 0 : i32
    %dma_start3A_495 = arith.constant 0 : i32
    %dma_start3A_496 = tpu.memref_slice %arg10[%dma_start3A_491, %dma_start3A_494, %dma_start3A_495] : memref<5x40x128xf32, #tpu.memory_space<vmem>> -> memref<1x40x128xf32, #tpu.memory_space<vmem>>
    %dma_start3A_497 = tpu.memref_squeeze %dma_start3A_496 : memref<1x40x128xf32, #tpu.memory_space<vmem>> -> memref<40x128xf32, #tpu.memory_space<vmem>>
    %dma_start3A_498 = arith.constant 0 : i32
    %dma_start3A_499 = tpu.memref_slice %arg9[%dma_start3A_492, %dma_start3A_498] : memref<250x40xi32, #tpu.memory_space<vmem>> -> memref<1x40xi32, #tpu.memory_space<vmem>>
    %dma_start3A_500 = tpu.memref_squeeze %dma_start3A_499 : memref<1x40xi32, #tpu.memory_space<vmem>> -> memref<40xi32, #tpu.memory_space<vmem>>
    %dma_start3A_501 = arith.constant 0 : i32
    %dma_start3A_502 = arith.constant 0 : i32
    %dma_start3A_503 = tpu.memref_slice %arg7[%dma_start3A_501, %dma_start3A_502] : memref<10240x128xf32, #tpu.memory_space<vmem_shared>> -> memref<10240x128xf32, #tpu.memory_space<vmem_shared>>
    %dma_start3A_504 = tpu.memref_slice %arg12[%dma_start3A_493] : memref<5x!tpu.dma_semaphore, #tpu.memory_space<semaphore_mem>> -> memref<1x!tpu.dma_semaphore, #tpu.memory_space<semaphore_mem>>
    %dma_start3A_505 = tpu.memref_squeeze %dma_start3A_504 : memref<1x!tpu.dma_semaphore, #tpu.memory_space<semaphore_mem>> -> memref<!tpu.dma_semaphore, #tpu.memory_space<semaphore_mem>>
    tpu.enqueue_indirect_dma source(%dma_start3A_497 : memref<40x128xf32, #tpu.memory_space<vmem>>) target(%dma_start3A_503 : memref<10240x128xf32, #tpu.memory_space<vmem_shared>>) offsets(%dma_start3A_500 : memref<40xi32, #tpu.memory_space<vmem>>) semaphore(%dma_start3A_505 : memref<!tpu.dma_semaphore, #tpu.memory_space<semaphore_mem>>) {add = true}
    %dma_wait3A_506 = arith.constant 2 : i32
    %dma_wait3A_507 = arith.constant 0 : i32
    %dma_wait3A_508 = arith.constant 2 : i32
    %dma_wait3A_509 = arith.constant 0 : i32
    %dma_wait3A_510 = arith.constant 0 : i32
    %dma_wait3A_511 = tpu.memref_slice %arg10[%dma_wait3A_506, %dma_wait3A_509, %dma_wait3A_510] : memref<5x40x128xf32, #tpu.memory_space<vmem>> -> memref<1x40x128xf32, #tpu.memory_space<vmem>>
    %dma_wait3A_512 = tpu.memref_squeeze %dma_wait3A_511 : memref<1x40x128xf32, #tpu.memory_space<vmem>> -> memref<40x128xf32, #tpu.memory_space<vmem>>
    %dma_wait3A_513 = arith.constant 0 : i32
    %dma_wait3A_514 = tpu.memref_slice %arg9[%dma_wait3A_507, %dma_wait3A_513] : memref<250x40xi32, #tpu.memory_space<vmem>> -> memref<1x40xi32, #tpu.memory_space<vmem>>
    %dma_wait3A_515 = tpu.memref_squeeze %dma_wait3A_514 : memref<1x40xi32, #tpu.memory_space<vmem>> -> memref<40xi32, #tpu.memory_space<vmem>>
    %dma_wait3A_516 = arith.constant 0 : i32
    %dma_wait3A_517 = arith.constant 0 : i32
    %dma_wait3A_518 = tpu.memref_slice %arg7[%dma_wait3A_516, %dma_wait3A_517] : memref<10240x128xf32, #tpu.memory_space<vmem_shared>> -> memref<10240x128xf32, #tpu.memory_space<vmem_shared>>
    %dma_wait3A_519 = tpu.memref_slice %arg12[%dma_wait3A_508] : memref<5x!tpu.dma_semaphore, #tpu.memory_space<semaphore_mem>> -> memref<1x!tpu.dma_semaphore, #tpu.memory_space<semaphore_mem>>
    %dma_wait3A_520 = tpu.memref_squeeze %dma_wait3A_519 : memref<1x!tpu.dma_semaphore, #tpu.memory_space<semaphore_mem>> -> memref<!tpu.dma_semaphore, #tpu.memory_space<semaphore_mem>>
    tpu.wait_indirect_dma semaphore(%dma_wait3A_520 : memref<!tpu.dma_semaphore, #tpu.memory_space<semaphore_mem>>) src(%dma_wait3A_512 : memref<40x128xf32, #tpu.memory_space<vmem>>) dst(%dma_wait3A_518 : memref<10240x128xf32, #tpu.memory_space<vmem_shared>>)
    %dma_wait3A_521 = arith.constant 248 : i32
    %dma_wait3A_522 = arith.constant 3 : i32
    %dma_wait3A_523 = arith.constant 3 : i32
    %dma_wait3A_524 = arith.constant 0 : i32
    %dma_wait3A_525 = arith.constant 0 : i32
    %dma_wait3A_526 = tpu.memref_slice %arg10[%dma_wait3A_522, %dma_wait3A_524, %dma_wait3A_525] : memref<5x40x128xf32, #tpu.memory_space<vmem>> -> memref<1x40x128xf32, #tpu.memory_space<vmem>>
    %dma_wait3A_527 = tpu.memref_squeeze %dma_wait3A_526 : memref<1x40x128xf32, #tpu.memory_space<vmem>> -> memref<40x128xf32, #tpu.memory_space<vmem>>
    %dma_wait3A_528 = arith.constant 0 : i32
    %dma_wait3A_529 = tpu.memref_slice %arg8[%dma_wait3A_521, %dma_wait3A_528] : memref<250x40xi32, #tpu.memory_space<vmem>> -> memref<1x40xi32, #tpu.memory_space<vmem>>
    %dma_wait3A_530 = tpu.memref_squeeze %dma_wait3A_529 : memref<1x40xi32, #tpu.memory_space<vmem>> -> memref<40xi32, #tpu.memory_space<vmem>>
    %dma_wait3A_531 = arith.constant 0 : i32
    %dma_wait3A_532 = arith.constant 0 : i32
    %dma_wait3A_533 = tpu.memref_slice %arg2[%dma_wait3A_531, %dma_wait3A_532] : memref<10000x128xf32, #tpu.memory_space<hbm>> -> memref<10000x128xf32, #tpu.memory_space<hbm>>
    %dma_wait3A_534 = tpu.memref_slice %arg11[%dma_wait3A_523] : memref<5x!tpu.dma_semaphore, #tpu.memory_space<semaphore_mem>> -> memref<1x!tpu.dma_semaphore, #tpu.memory_space<semaphore_mem>>
    %dma_wait3A_535 = tpu.memref_squeeze %dma_wait3A_534 : memref<1x!tpu.dma_semaphore, #tpu.memory_space<semaphore_mem>> -> memref<!tpu.dma_semaphore, #tpu.memory_space<semaphore_mem>>
    tpu.wait_indirect_dma semaphore(%dma_wait3A_535 : memref<!tpu.dma_semaphore, #tpu.memory_space<semaphore_mem>>) src(%dma_wait3A_533 : memref<10000x128xf32, #tpu.memory_space<hbm>>) dst(%dma_wait3A_527 : memref<40x128xf32, #tpu.memory_space<vmem>>)
    %dma_start3A_536 = arith.constant 3 : i32
    %dma_start3A_537 = arith.constant 248 : i32
    %dma_start3A_538 = arith.constant 3 : i32
    %dma_start3A_539 = arith.constant 0 : i32
    %dma_start3A_540 = arith.constant 0 : i32
    %dma_start3A_541 = tpu.memref_slice %arg10[%dma_start3A_536, %dma_start3A_539, %dma_start3A_540] : memref<5x40x128xf32, #tpu.memory_space<vmem>> -> memref<1x40x128xf32, #tpu.memory_space<vmem>>
    %dma_start3A_542 = tpu.memref_squeeze %dma_start3A_541 : memref<1x40x128xf32, #tpu.memory_space<vmem>> -> memref<40x128xf32, #tpu.memory_space<vmem>>
    %dma_start3A_543 = arith.constant 0 : i32
    %dma_start3A_544 = tpu.memref_slice %arg9[%dma_start3A_537, %dma_start3A_543] : memref<250x40xi32, #tpu.memory_space<vmem>> -> memref<1x40xi32, #tpu.memory_space<vmem>>
    %dma_start3A_545 = tpu.memref_squeeze %dma_start3A_544 : memref<1x40xi32, #tpu.memory_space<vmem>> -> memref<40xi32, #tpu.memory_space<vmem>>
    %dma_start3A_546 = arith.constant 0 : i32
    %dma_start3A_547 = arith.constant 0 : i32
    %dma_start3A_548 = tpu.memref_slice %arg7[%dma_start3A_546, %dma_start3A_547] : memref<10240x128xf32, #tpu.memory_space<vmem_shared>> -> memref<10240x128xf32, #tpu.memory_space<vmem_shared>>
    %dma_start3A_549 = tpu.memref_slice %arg12[%dma_start3A_538] : memref<5x!tpu.dma_semaphore, #tpu.memory_space<semaphore_mem>> -> memref<1x!tpu.dma_semaphore, #tpu.memory_space<semaphore_mem>>
    %dma_start3A_550 = tpu.memref_squeeze %dma_start3A_549 : memref<1x!tpu.dma_semaphore, #tpu.memory_space<semaphore_mem>> -> memref<!tpu.dma_semaphore, #tpu.memory_space<semaphore_mem>>
    tpu.enqueue_indirect_dma source(%dma_start3A_542 : memref<40x128xf32, #tpu.memory_space<vmem>>) target(%dma_start3A_548 : memref<10240x128xf32, #tpu.memory_space<vmem_shared>>) offsets(%dma_start3A_545 : memref<40xi32, #tpu.memory_space<vmem>>) semaphore(%dma_start3A_550 : memref<!tpu.dma_semaphore, #tpu.memory_space<semaphore_mem>>) {add = true}
    %dma_wait3A_551 = arith.constant 3 : i32
    %dma_wait3A_552 = arith.constant 0 : i32
    %dma_wait3A_553 = arith.constant 3 : i32
    %dma_wait3A_554 = arith.constant 0 : i32
    %dma_wait3A_555 = arith.constant 0 : i32
    %dma_wait3A_556 = tpu.memref_slice %arg10[%dma_wait3A_551, %dma_wait3A_554, %dma_wait3A_555] : memref<5x40x128xf32, #tpu.memory_space<vmem>> -> memref<1x40x128xf32, #tpu.memory_space<vmem>>
    %dma_wait3A_557 = tpu.memref_squeeze %dma_wait3A_556 : memref<1x40x128xf32, #tpu.memory_space<vmem>> -> memref<40x128xf32, #tpu.memory_space<vmem>>
    %dma_wait3A_558 = arith.constant 0 : i32
    %dma_wait3A_559 = tpu.memref_slice %arg9[%dma_wait3A_552, %dma_wait3A_558] : memref<250x40xi32, #tpu.memory_space<vmem>> -> memref<1x40xi32, #tpu.memory_space<vmem>>
    %dma_wait3A_560 = tpu.memref_squeeze %dma_wait3A_559 : memref<1x40xi32, #tpu.memory_space<vmem>> -> memref<40xi32, #tpu.memory_space<vmem>>
    %dma_wait3A_561 = arith.constant 0 : i32
    %dma_wait3A_562 = arith.constant 0 : i32
    %dma_wait3A_563 = tpu.memref_slice %arg7[%dma_wait3A_561, %dma_wait3A_562] : memref<10240x128xf32, #tpu.memory_space<vmem_shared>> -> memref<10240x128xf32, #tpu.memory_space<vmem_shared>>
    %dma_wait3A_564 = tpu.memref_slice %arg12[%dma_wait3A_553] : memref<5x!tpu.dma_semaphore, #tpu.memory_space<semaphore_mem>> -> memref<1x!tpu.dma_semaphore, #tpu.memory_space<semaphore_mem>>
    %dma_wait3A_565 = tpu.memref_squeeze %dma_wait3A_564 : memref<1x!tpu.dma_semaphore, #tpu.memory_space<semaphore_mem>> -> memref<!tpu.dma_semaphore, #tpu.memory_space<semaphore_mem>>
    tpu.wait_indirect_dma semaphore(%dma_wait3A_565 : memref<!tpu.dma_semaphore, #tpu.memory_space<semaphore_mem>>) src(%dma_wait3A_557 : memref<40x128xf32, #tpu.memory_space<vmem>>) dst(%dma_wait3A_563 : memref<10240x128xf32, #tpu.memory_space<vmem_shared>>)
    %dma_wait3A_566 = arith.constant 249 : i32
    %dma_wait3A_567 = arith.constant 4 : i32
    %dma_wait3A_568 = arith.constant 4 : i32
    %dma_wait3A_569 = arith.constant 0 : i32
    %dma_wait3A_570 = arith.constant 0 : i32
    %dma_wait3A_571 = tpu.memref_slice %arg10[%dma_wait3A_567, %dma_wait3A_569, %dma_wait3A_570] : memref<5x40x128xf32, #tpu.memory_space<vmem>> -> memref<1x40x128xf32, #tpu.memory_space<vmem>>
    %dma_wait3A_572 = tpu.memref_squeeze %dma_wait3A_571 : memref<1x40x128xf32, #tpu.memory_space<vmem>> -> memref<40x128xf32, #tpu.memory_space<vmem>>
    %dma_wait3A_573 = arith.constant 0 : i32
    %dma_wait3A_574 = tpu.memref_slice %arg8[%dma_wait3A_566, %dma_wait3A_573] : memref<250x40xi32, #tpu.memory_space<vmem>> -> memref<1x40xi32, #tpu.memory_space<vmem>>
    %dma_wait3A_575 = tpu.memref_squeeze %dma_wait3A_574 : memref<1x40xi32, #tpu.memory_space<vmem>> -> memref<40xi32, #tpu.memory_space<vmem>>
    %dma_wait3A_576 = arith.constant 0 : i32
    %dma_wait3A_577 = arith.constant 0 : i32
    %dma_wait3A_578 = tpu.memref_slice %arg2[%dma_wait3A_576, %dma_wait3A_577] : memref<10000x128xf32, #tpu.memory_space<hbm>> -> memref<10000x128xf32, #tpu.memory_space<hbm>>
    %dma_wait3A_579 = tpu.memref_slice %arg11[%dma_wait3A_568] : memref<5x!tpu.dma_semaphore, #tpu.memory_space<semaphore_mem>> -> memref<1x!tpu.dma_semaphore, #tpu.memory_space<semaphore_mem>>
    %dma_wait3A_580 = tpu.memref_squeeze %dma_wait3A_579 : memref<1x!tpu.dma_semaphore, #tpu.memory_space<semaphore_mem>> -> memref<!tpu.dma_semaphore, #tpu.memory_space<semaphore_mem>>
    tpu.wait_indirect_dma semaphore(%dma_wait3A_580 : memref<!tpu.dma_semaphore, #tpu.memory_space<semaphore_mem>>) src(%dma_wait3A_578 : memref<10000x128xf32, #tpu.memory_space<hbm>>) dst(%dma_wait3A_572 : memref<40x128xf32, #tpu.memory_space<vmem>>)
    %dma_start3A_581 = arith.constant 4 : i32
    %dma_start3A_582 = arith.constant 249 : i32
    %dma_start3A_583 = arith.constant 4 : i32
    %dma_start3A_584 = arith.constant 0 : i32
    %dma_start3A_585 = arith.constant 0 : i32
    %dma_start3A_586 = tpu.memref_slice %arg10[%dma_start3A_581, %dma_start3A_584, %dma_start3A_585] : memref<5x40x128xf32, #tpu.memory_space<vmem>> -> memref<1x40x128xf32, #tpu.memory_space<vmem>>
    %dma_start3A_587 = tpu.memref_squeeze %dma_start3A_586 : memref<1x40x128xf32, #tpu.memory_space<vmem>> -> memref<40x128xf32, #tpu.memory_space<vmem>>
    %dma_start3A_588 = arith.constant 0 : i32
    %dma_start3A_589 = tpu.memref_slice %arg9[%dma_start3A_582, %dma_start3A_588] : memref<250x40xi32, #tpu.memory_space<vmem>> -> memref<1x40xi32, #tpu.memory_space<vmem>>
    %dma_start3A_590 = tpu.memref_squeeze %dma_start3A_589 : memref<1x40xi32, #tpu.memory_space<vmem>> -> memref<40xi32, #tpu.memory_space<vmem>>
    %dma_start3A_591 = arith.constant 0 : i32
    %dma_start3A_592 = arith.constant 0 : i32
    %dma_start3A_593 = tpu.memref_slice %arg7[%dma_start3A_591, %dma_start3A_592] : memref<10240x128xf32, #tpu.memory_space<vmem_shared>> -> memref<10240x128xf32, #tpu.memory_space<vmem_shared>>
    %dma_start3A_594 = tpu.memref_slice %arg12[%dma_start3A_583] : memref<5x!tpu.dma_semaphore, #tpu.memory_space<semaphore_mem>> -> memref<1x!tpu.dma_semaphore, #tpu.memory_space<semaphore_mem>>
    %dma_start3A_595 = tpu.memref_squeeze %dma_start3A_594 : memref<1x!tpu.dma_semaphore, #tpu.memory_space<semaphore_mem>> -> memref<!tpu.dma_semaphore, #tpu.memory_space<semaphore_mem>>
    tpu.enqueue_indirect_dma source(%dma_start3A_587 : memref<40x128xf32, #tpu.memory_space<vmem>>) target(%dma_start3A_593 : memref<10240x128xf32, #tpu.memory_space<vmem_shared>>) offsets(%dma_start3A_590 : memref<40xi32, #tpu.memory_space<vmem>>) semaphore(%dma_start3A_595 : memref<!tpu.dma_semaphore, #tpu.memory_space<semaphore_mem>>) {add = true}
    %dma_wait3A_596 = arith.constant 4 : i32
    %dma_wait3A_597 = arith.constant 0 : i32
    %dma_wait3A_598 = arith.constant 4 : i32
    %dma_wait3A_599 = arith.constant 0 : i32
    %dma_wait3A_600 = arith.constant 0 : i32
    %dma_wait3A_601 = tpu.memref_slice %arg10[%dma_wait3A_596, %dma_wait3A_599, %dma_wait3A_600] : memref<5x40x128xf32, #tpu.memory_space<vmem>> -> memref<1x40x128xf32, #tpu.memory_space<vmem>>
    %dma_wait3A_602 = tpu.memref_squeeze %dma_wait3A_601 : memref<1x40x128xf32, #tpu.memory_space<vmem>> -> memref<40x128xf32, #tpu.memory_space<vmem>>
    %dma_wait3A_603 = arith.constant 0 : i32
    %dma_wait3A_604 = tpu.memref_slice %arg9[%dma_wait3A_597, %dma_wait3A_603] : memref<250x40xi32, #tpu.memory_space<vmem>> -> memref<1x40xi32, #tpu.memory_space<vmem>>
    %dma_wait3A_605 = tpu.memref_squeeze %dma_wait3A_604 : memref<1x40xi32, #tpu.memory_space<vmem>> -> memref<40xi32, #tpu.memory_space<vmem>>
    %dma_wait3A_606 = arith.constant 0 : i32
    %dma_wait3A_607 = arith.constant 0 : i32
    %dma_wait3A_608 = tpu.memref_slice %arg7[%dma_wait3A_606, %dma_wait3A_607] : memref<10240x128xf32, #tpu.memory_space<vmem_shared>> -> memref<10240x128xf32, #tpu.memory_space<vmem_shared>>
    %dma_wait3A_609 = tpu.memref_slice %arg12[%dma_wait3A_598] : memref<5x!tpu.dma_semaphore, #tpu.memory_space<semaphore_mem>> -> memref<1x!tpu.dma_semaphore, #tpu.memory_space<semaphore_mem>>
    %dma_wait3A_610 = tpu.memref_squeeze %dma_wait3A_609 : memref<1x!tpu.dma_semaphore, #tpu.memory_space<semaphore_mem>> -> memref<!tpu.dma_semaphore, #tpu.memory_space<semaphore_mem>>
    tpu.wait_indirect_dma semaphore(%dma_wait3A_610 : memref<!tpu.dma_semaphore, #tpu.memory_space<semaphore_mem>>) src(%dma_wait3A_602 : memref<40x128xf32, #tpu.memory_space<vmem>>) dst(%dma_wait3A_608 : memref<10240x128xf32, #tpu.memory_space<vmem_shared>>)
    %barrier3A_611 = arith.constant 0 : index
    tpu.barrier barrier_id(%barrier3A_611)
    %mul3A_612 = arith.constant 640 : i32
    %mul3A_613 = arith.muli %arg1, %mul3A_612 : i32
    %mul3A_614 = arith.constant 640 : i32
    %mul3A_615 = arith.muli %arg1, %mul3A_614 : i32
    "tpu.region"() ({
      %run_scoped3A = tpu.sem_alloc : memref<!tpu.dma_semaphore, #tpu.memory_space<semaphore_mem>>
      %dma_start3A_616 = arith.constant 0 : i32
      %dma_start3A_617 = tpu.memref_slice %arg6[%arg0, %mul3A_615, %dma_start3A_616] : memref<2x10240x128xf32, #tpu.memory_space<hbm>> -> memref<1x640x128xf32, #tpu.memory_space<hbm>>
      %dma_start3A_618 = tpu.memref_squeeze %dma_start3A_617 : memref<1x640x128xf32, #tpu.memory_space<hbm>> -> memref<640x128xf32, #tpu.memory_space<hbm>>
      %dma_start3A_619 = arith.constant 0 : i32
      %dma_start3A_620 = tpu.memref_slice %arg7[%mul3A_613, %dma_start3A_619] : memref<10240x128xf32, #tpu.memory_space<vmem_shared>> -> memref<640x128xf32, #tpu.memory_space<vmem_shared>>
      tpu.enqueue_dma source(%dma_start3A_620 : memref<640x128xf32, #tpu.memory_space<vmem_shared>>) target(%dma_start3A_618 : memref<640x128xf32, #tpu.memory_space<hbm>>) target_semaphore(%run_scoped3A : memref<!tpu.dma_semaphore, #tpu.memory_space<semaphore_mem>>)
      %dma_wait3A_621 = arith.constant 0 : i32
      %dma_wait3A_622 = tpu.memref_slice %arg6[%arg0, %mul3A_615, %dma_wait3A_621] : memref<2x10240x128xf32, #tpu.memory_space<hbm>> -> memref<1x640x128xf32, #tpu.memory_space<hbm>>
      %dma_wait3A_623 = tpu.memref_squeeze %dma_wait3A_622 : memref<1x640x128xf32, #tpu.memory_space<hbm>> -> memref<640x128xf32, #tpu.memory_space<hbm>>
      %dma_wait3A_624 = arith.constant 0 : i32
      %dma_wait3A_625 = tpu.memref_slice %arg7[%mul3A_613, %dma_wait3A_624] : memref<10240x128xf32, #tpu.memory_space<vmem_shared>> -> memref<640x128xf32, #tpu.memory_space<vmem_shared>>
      tpu.wait_dma2 semaphore(%run_scoped3A : memref<!tpu.dma_semaphore, #tpu.memory_space<semaphore_mem>>) src(%dma_wait3A_625 : memref<640x128xf32, #tpu.memory_space<vmem_shared>>) dst(%dma_wait3A_623 : memref<640x128xf32, #tpu.memory_space<hbm>>)
      tpu.yield
    }) : () -> ()
    return
  }
}

module attributes {stable_mosaic.version = 14 : i64} {
  func.func @_tc1_body(%arg0: i32, %arg1: memref<1000x128xf32, #tpu.memory_space<vmem>>, %arg2: memref<128x128xf32, #tpu.memory_space<vmem>>, %arg3: memref<1x1000x16xf32, #tpu.memory_space<vmem>>, %arg4: memref<1x1000x16xf32, #tpu.memory_space<vmem>>, %arg5: memref<1000x128xf32, #tpu.memory_space<vmem>>, %arg6: memref<1000x1xf32, #tpu.memory_space<vmem>>) attributes {dimension_semantics = [#tpu.dimension_semantics<arbitrary>], iteration_bounds = array<i64: 10>, scalar_prefetch = 0 : i64, scratch_operands = 0 : i64, tpu.core_type = #tpu.core_type<tc>, window_params = [{transform_indices = @transform_0, window_bounds = array<i64: 1000, 128>}, {pipeline_mode = #tpu.pipeline_mode<synchronous>, transform_indices = @transform_1, window_bounds = array<i64: 128, 128>}, {transform_indices = @transform_2, window_bounds = array<i64: 1, 1000, 16>}, {transform_indices = @transform_3, window_bounds = array<i64: 1, 1000, 16>}, {transform_indices = @transform_4, window_bounds = array<i64: 1000, 128>}, {transform_indices = @transform_5, window_bounds = array<i64: 1000, 1>}]} {
    %get3A = arith.constant 0 : index
    %get3A_0 = arith.constant 0 : index
    %get3A_1 = arith.constant 0 : index
    %get3A_2 = vector.load %arg3[%get3A, %get3A_0, %get3A_1] : memref<1x1000x16xf32, #tpu.memory_space<vmem>>, vector<1x1000x1xf32>
    %get3A_3 = vector.shape_cast %get3A_2 : vector<1x1000x1xf32> to vector<1000x1xf32>
    %get3A_4 = arith.constant 0 : index
    %get3A_5 = arith.constant 0 : index
    %get3A_6 = arith.constant 0 : index
    %get3A_7 = vector.load %arg4[%get3A_4, %get3A_5, %get3A_6] : memref<1x1000x16xf32, #tpu.memory_space<vmem>>, vector<1x1000x1xf32>
    %get3A_8 = vector.shape_cast %get3A_7 : vector<1x1000x1xf32> to vector<1000x1xf32>
    %add3A = arith.addf %get3A_3, %get3A_8 : vector<1000x1xf32>
    %add3A_9 = arith.constant 1.000000e+00 : f32
    %add3A_10 = vector.broadcast %add3A_9 : f32 to vector<1000x1xf32>
    %add3A_11 = arith.addf %add3A, %add3A_10 : vector<1000x1xf32>
    %rsqrt3A = math.rsqrt %add3A_11 : vector<1000x1xf32>
    %get3A_12 = arith.constant 0 : index
    %get3A_13 = arith.constant 0 : index
    %get3A_14 = vector.load %arg1[%get3A_12, %get3A_13] : memref<1000x128xf32, #tpu.memory_space<vmem>>, vector<1000x128xf32>
    %mul3A = vector.broadcast %rsqrt3A : vector<1000x1xf32> to vector<1000x128xf32>
    %mul3A_15 = arith.mulf %get3A_14, %mul3A : vector<1000x128xf32>
    %get3A_16 = arith.constant 0 : index
    %get3A_17 = arith.constant 0 : index
    %get3A_18 = vector.load %arg2[%get3A_16, %get3A_17] : memref<128x128xf32, #tpu.memory_space<vmem>>, vector<128x128xf32>
    %dot_general3A = arith.constant dense<0.000000e+00> : vector<1000x128xf32>
    %dot_general3A_19 = tpu.matmul %mul3A_15, %get3A_18, %dot_general3A {dimension_numbers = #tpu.dot_dimension_numbers<[1], [0], [0], [1], [0, 0, 1, 1], [], []>, transpose_lhs_hint = false} : vector<1000x128xf32>, vector<128x128xf32>, vector<1000x128xf32> -> vector<1000x128xf32>
    %swap3A = arith.constant 0 : index
    %swap3A_20 = arith.constant 0 : index
    %swap3A_21 = vector.load %arg5[%swap3A, %swap3A_20] : memref<1000x128xf32, #tpu.memory_space<vmem>>, vector<1000x128xf32>
    tpu.vector_store %arg5[%swap3A, %swap3A_20], %dot_general3A_19 {strides = array<i32>} : memref<1000x128xf32, #tpu.memory_space<vmem>>, vector<1000x128xf32>,
    %swap3A_22 = arith.constant 0 : index
    %swap3A_23 = arith.constant 0 : index
    %swap3A_24 = vector.load %arg6[%swap3A_22, %swap3A_23] : memref<1000x1xf32, #tpu.memory_space<vmem>>, vector<1000x1xf32>
    tpu.vector_store %arg6[%swap3A_22, %swap3A_23], %rsqrt3A {strides = array<i32>} : memref<1000x1xf32, #tpu.memory_space<vmem>>, vector<1000x1xf32>,
    return
  }
  func.func @transform_0(%arg0: i32) -> (i32, i32) {
    %c0_i32 = arith.constant 0 : i32
    %c0_i32_0 = arith.constant 0 : i32
    return %arg0, %c0_i32 : i32, i32
  }
  func.func @transform_1(%arg0: i32) -> (i32, i32) {
    %c0_i32 = arith.constant 0 : i32
    %c0_i32_0 = arith.constant 0 : i32
    %c0_i32_1 = arith.constant 0 : i32
    return %c0_i32, %c0_i32_0 : i32, i32
  }
  func.func @transform_2(%arg0: i32) -> (i32, i32, i32) {
    %c0_i32 = arith.constant 0 : i32
    %c0_i32_0 = arith.constant 0 : i32
    %c0_i32_1 = arith.constant 0 : i32
    return %c0_i32, %arg0, %c0_i32_0 : i32, i32, i32
  }
  func.func @transform_3(%arg0: i32) -> (i32, i32, i32) {
    %c1_i32 = arith.constant 1 : i32
    %c0_i32 = arith.constant 0 : i32
    %c0_i32_0 = arith.constant 0 : i32
    return %c1_i32, %arg0, %c0_i32 : i32, i32, i32
  }
  func.func @transform_4(%arg0: i32) -> (i32, i32) {
    %c0_i32 = arith.constant 0 : i32
    %c0_i32_0 = arith.constant 0 : i32
    return %arg0, %c0_i32 : i32, i32
  }
  func.func @transform_5(%arg0: i32) -> (i32, i32) {
    %c0_i32 = arith.constant 0 : i32
    %c0_i32_0 = arith.constant 0 : i32
    return %arg0, %c0_i32 : i32, i32
  }
}

module attributes {stable_mosaic.version = 14 : i64} {
  func.func @_tc2_body(%arg0: i32, %arg1: memref<1x1000x128xf32, #tpu.memory_space<vmem>>, %arg2: memref<1x1000x128xf32, #tpu.memory_space<vmem>>, %arg3: memref<1000x1xf32, #tpu.memory_space<vmem>>, %arg4: memref<1x128xf32, #tpu.memory_space<vmem>>, %arg5: memref<128x128xf32, #tpu.memory_space<vmem>>, %arg6: memref<1000x128xf32, #tpu.memory_space<vmem>>) attributes {dimension_semantics = [#tpu.dimension_semantics<arbitrary>], iteration_bounds = array<i64: 10>, scalar_prefetch = 0 : i64, scratch_operands = 0 : i64, tpu.core_type = #tpu.core_type<tc>, window_params = [{transform_indices = @transform_0, window_bounds = array<i64: 1, 1000, 128>}, {transform_indices = @transform_1, window_bounds = array<i64: 1, 1000, 128>}, {transform_indices = @transform_2, window_bounds = array<i64: 1000, 1>}, {pipeline_mode = #tpu.pipeline_mode<synchronous>, transform_indices = @transform_3, window_bounds = array<i64: 1, 128>}, {pipeline_mode = #tpu.pipeline_mode<synchronous>, transform_indices = @transform_4, window_bounds = array<i64: 128, 128>}, {transform_indices = @transform_5, window_bounds = array<i64: 1000, 128>}]} {
    %get3A = arith.constant 0 : index
    %get3A_0 = arith.constant 0 : index
    %get3A_1 = vector.load %arg3[%get3A, %get3A_0] : memref<1000x1xf32, #tpu.memory_space<vmem>>, vector<1000x1xf32>
    %get3A_2 = arith.constant 0 : index
    %get3A_3 = arith.constant 0 : index
    %get3A_4 = arith.constant 0 : index
    %get3A_5 = vector.load %arg1[%get3A_2, %get3A_3, %get3A_4] : memref<1x1000x128xf32, #tpu.memory_space<vmem>>, vector<1x1000x128xf32>
    %get3A_6 = vector.shape_cast %get3A_5 : vector<1x1000x128xf32> to vector<1000x128xf32>
    %get3A_7 = arith.constant 0 : index
    %get3A_8 = arith.constant 0 : index
    %get3A_9 = arith.constant 0 : index
    %get3A_10 = vector.load %arg2[%get3A_7, %get3A_8, %get3A_9] : memref<1x1000x128xf32, #tpu.memory_space<vmem>>, vector<1x1000x128xf32>
    %get3A_11 = vector.shape_cast %get3A_10 : vector<1x1000x128xf32> to vector<1000x128xf32>
    %add3A = arith.addf %get3A_6, %get3A_11 : vector<1000x128xf32>
    %mul3A = vector.broadcast %get3A_1 : vector<1000x1xf32> to vector<1000x128xf32>
    %mul3A_12 = arith.mulf %add3A, %mul3A : vector<1000x128xf32>
    %get3A_13 = arith.constant 0 : index
    %get3A_14 = arith.constant 0 : index
    %get3A_15 = vector.load %arg4[%get3A_13, %get3A_14] : memref<1x128xf32, #tpu.memory_space<vmem>>, vector<1x128xf32>
    %add3A_16 = vector.broadcast %get3A_15 : vector<1x128xf32> to vector<1000x128xf32>
    %add3A_17 = arith.addf %mul3A_12, %add3A_16 : vector<1000x128xf32>
    %max3A = arith.constant 0.000000e+00 : f32
    %max3A_18 = vector.broadcast %max3A : f32 to vector<1000x128xf32>
    %max3A_19 = arith.maximumf %add3A_17, %max3A_18 : vector<1000x128xf32>
    %get3A_20 = arith.constant 0 : index
    %get3A_21 = arith.constant 0 : index
    %get3A_22 = vector.load %arg5[%get3A_20, %get3A_21] : memref<128x128xf32, #tpu.memory_space<vmem>>, vector<128x128xf32>
    %dot_general3A = arith.constant dense<0.000000e+00> : vector<1000x128xf32>
    %dot_general3A_23 = tpu.matmul %max3A_19, %get3A_22, %dot_general3A {dimension_numbers = #tpu.dot_dimension_numbers<[1], [0], [0], [1], [0, 0, 1, 1], [], []>, transpose_lhs_hint = false} : vector<1000x128xf32>, vector<128x128xf32>, vector<1000x128xf32> -> vector<1000x128xf32>
    %mul3A_24 = vector.broadcast %get3A_1 : vector<1000x1xf32> to vector<1000x128xf32>
    %mul3A_25 = arith.mulf %dot_general3A_23, %mul3A_24 : vector<1000x128xf32>
    %swap3A = arith.constant 0 : index
    %swap3A_26 = arith.constant 0 : index
    %swap3A_27 = vector.load %arg6[%swap3A, %swap3A_26] : memref<1000x128xf32, #tpu.memory_space<vmem>>, vector<1000x128xf32>
    tpu.vector_store %arg6[%swap3A, %swap3A_26], %mul3A_25 {strides = array<i32>} : memref<1000x128xf32, #tpu.memory_space<vmem>>, vector<1000x128xf32>,
    return
  }
  func.func @transform_0(%arg0: i32) -> (i32, i32, i32) {
    %c0_i32 = arith.constant 0 : i32
    %c0_i32_0 = arith.constant 0 : i32
    %c0_i32_1 = arith.constant 0 : i32
    return %c0_i32, %arg0, %c0_i32_0 : i32, i32, i32
  }
  func.func @transform_1(%arg0: i32) -> (i32, i32, i32) {
    %c1_i32 = arith.constant 1 : i32
    %c0_i32 = arith.constant 0 : i32
    %c0_i32_0 = arith.constant 0 : i32
    return %c1_i32, %arg0, %c0_i32 : i32, i32, i32
  }
  func.func @transform_2(%arg0: i32) -> (i32, i32) {
    %c0_i32 = arith.constant 0 : i32
    %c0_i32_0 = arith.constant 0 : i32
    return %arg0, %c0_i32 : i32, i32
  }
  func.func @transform_3(%arg0: i32) -> (i32, i32) {
    %c0_i32 = arith.constant 0 : i32
    %c0_i32_0 = arith.constant 0 : i32
    %c0_i32_1 = arith.constant 0 : i32
    return %c0_i32, %c0_i32_0 : i32, i32
  }
  func.func @transform_4(%arg0: i32) -> (i32, i32) {
    %c0_i32 = arith.constant 0 : i32
    %c0_i32_0 = arith.constant 0 : i32
    %c0_i32_1 = arith.constant 0 : i32
    return %c0_i32, %c0_i32_0 : i32, i32
  }
  func.func @transform_5(%arg0: i32) -> (i32, i32) {
    %c0_i32 = arith.constant 0 : i32
    %c0_i32_0 = arith.constant 0 : i32
    return %arg0, %c0_i32 : i32, i32
  }
}

module attributes {stable_mosaic.version = 14 : i64} {
  func.func @_tc3_body(%arg0: i32, %arg1: memref<1x1000x128xf32, #tpu.memory_space<vmem>>, %arg2: memref<1x1000x128xf32, #tpu.memory_space<vmem>>, %arg3: memref<1000x1xf32, #tpu.memory_space<vmem>>, %arg4: memref<1x128xf32, #tpu.memory_space<vmem>>, %arg5: memref<1000x128xf32, #tpu.memory_space<vmem>>) attributes {dimension_semantics = [#tpu.dimension_semantics<arbitrary>], iteration_bounds = array<i64: 10>, scalar_prefetch = 0 : i64, scratch_operands = 0 : i64, tpu.core_type = #tpu.core_type<tc>, window_params = [{transform_indices = @transform_0, window_bounds = array<i64: 1, 1000, 128>}, {transform_indices = @transform_1, window_bounds = array<i64: 1, 1000, 128>}, {transform_indices = @transform_2, window_bounds = array<i64: 1000, 1>}, {pipeline_mode = #tpu.pipeline_mode<synchronous>, transform_indices = @transform_3, window_bounds = array<i64: 1, 128>}, {transform_indices = @transform_4, window_bounds = array<i64: 1000, 128>}]} {
    %get3A = arith.constant 0 : index
    %get3A_0 = arith.constant 0 : index
    %get3A_1 = arith.constant 0 : index
    %get3A_2 = vector.load %arg1[%get3A, %get3A_0, %get3A_1] : memref<1x1000x128xf32, #tpu.memory_space<vmem>>, vector<1x1000x128xf32>
    %get3A_3 = vector.shape_cast %get3A_2 : vector<1x1000x128xf32> to vector<1000x128xf32>
    %get3A_4 = arith.constant 0 : index
    %get3A_5 = arith.constant 0 : index
    %get3A_6 = arith.constant 0 : index
    %get3A_7 = vector.load %arg2[%get3A_4, %get3A_5, %get3A_6] : memref<1x1000x128xf32, #tpu.memory_space<vmem>>, vector<1x1000x128xf32>
    %get3A_8 = vector.shape_cast %get3A_7 : vector<1x1000x128xf32> to vector<1000x128xf32>
    %add3A = arith.addf %get3A_3, %get3A_8 : vector<1000x128xf32>
    %get3A_9 = arith.constant 0 : index
    %get3A_10 = arith.constant 0 : index
    %get3A_11 = vector.load %arg3[%get3A_9, %get3A_10] : memref<1000x1xf32, #tpu.memory_space<vmem>>, vector<1000x1xf32>
    %mul3A = vector.broadcast %get3A_11 : vector<1000x1xf32> to vector<1000x128xf32>
    %mul3A_12 = arith.mulf %add3A, %mul3A : vector<1000x128xf32>
    %get3A_13 = arith.constant 0 : index
    %get3A_14 = arith.constant 0 : index
    %get3A_15 = vector.load %arg4[%get3A_13, %get3A_14] : memref<1x128xf32, #tpu.memory_space<vmem>>, vector<1x128xf32>
    %add3A_16 = vector.broadcast %get3A_15 : vector<1x128xf32> to vector<1000x128xf32>
    %add3A_17 = arith.addf %mul3A_12, %add3A_16 : vector<1000x128xf32>
    %swap3A = arith.constant 0 : index
    %swap3A_18 = arith.constant 0 : index
    %swap3A_19 = vector.load %arg5[%swap3A, %swap3A_18] : memref<1000x128xf32, #tpu.memory_space<vmem>>, vector<1000x128xf32>
    tpu.vector_store %arg5[%swap3A, %swap3A_18], %add3A_17 {strides = array<i32>} : memref<1000x128xf32, #tpu.memory_space<vmem>>, vector<1000x128xf32>,
    return
  }
  func.func @transform_0(%arg0: i32) -> (i32, i32, i32) {
    %c0_i32 = arith.constant 0 : i32
    %c0_i32_0 = arith.constant 0 : i32
    %c0_i32_1 = arith.constant 0 : i32
    return %c0_i32, %arg0, %c0_i32_0 : i32, i32, i32
  }
  func.func @transform_1(%arg0: i32) -> (i32, i32, i32) {
    %c1_i32 = arith.constant 1 : i32
    %c0_i32 = arith.constant 0 : i32
    %c0_i32_0 = arith.constant 0 : i32
    return %c1_i32, %arg0, %c0_i32 : i32, i32, i32
  }
  func.func @transform_2(%arg0: i32) -> (i32, i32) {
    %c0_i32 = arith.constant 0 : i32
    %c0_i32_0 = arith.constant 0 : i32
    return %arg0, %c0_i32 : i32, i32
  }
  func.func @transform_3(%arg0: i32) -> (i32, i32) {
    %c0_i32 = arith.constant 0 : i32
    %c0_i32_0 = arith.constant 0 : i32
    %c0_i32_1 = arith.constant 0 : i32
    return %c0_i32, %c0_i32_0 : i32, i32
  }
  func.func @transform_4(%arg0: i32) -> (i32, i32) {
    %c0_i32 = arith.constant 0 : i32
    %c0_i32_0 = arith.constant 0 : i32
    return %arg0, %c0_i32 : i32, i32
  }
}

</mosaic_0001>

<sc_bundles>
// kernel: kernel.11.cloned.1.call-start
scs
__scs_entry_jumppad:
0x0: {  	(pc) =	sbr.rel $0x88, $3  }
0x1: {  	(tag) =	ssettag $0x0;
	lr =	simm.s32 $0x1  }
0x2: {  	[smem:$0x3F9B] =	sst lr;
	_ =	strace $0xD0000000  }
0x3: {  	_ = 	snop  }
0x4: {  	_ = 	snop  }
0x5: {  	_ = 	snop  }
0x6: {  	_ = 	snop  }
0x7: {  	_ = 	snop  }
__scs_overlays_trampoline_lowered:
0x8: {  	[smem:$0x3FAA] =	sst s0  }
0x9: {  	[smem:$0x3FAB] =	sst s1  }
0xa: {  	[smem:$0x3FAC] =	sst s2  }
0xb: {  	[smem:$0x3FAD] =	sst s3  }
0xc: {  	[smem:$0x3FAE] =	sst s4  }
0xd: {  	[smem:$0x3FAF] =	sst s5  }
0xe: {  	[smem:$0x3FB0] =	sst s6  }
0xf: {  	[smem:$0x3FB1] =	sst s7  }
0x10: {  	[smem:$0x3FB2] =	sst s8  }
0x11: {  	[smem:$0x3FB3] =	sst s9;
	s0 =	simm.s32 @!p0 $0x0  }
0x12: {  	s1 =	sld [smem:$0x3F99];
	s0 =	simm.s32 @p0 $0x1  }
0x13: {  	[smem:$0x3FB4] =	sst s0;
	s0 =	simm.s32 @!p1 $0x0  }
0x14: {  	s2 =	sld [smem:$0x3F98];
	s0 =	simm.s32 @p1 $0x1  }
0x15: {  	[smem:$0x3FB5] =	sst s0;
	s0 =	simm.s32 @!p2 $0x0  }
0x16: {  	s3 =	sld [smem:$0x3FDB];
	s0 =	simm.s32 @p2 $0x1  }
0x17: {  	s4 =	simm.s32 $0x1BF5;
	[smem:$0x3FB7] =	sst s0  }
0x18: {  	s0 =	sld [smem:$0x3F9A];
	_ =	swait.ge [sflag:s4], $0x0  }
0x19: {  	s7 =	sld [smem:$0x3F9B]  }
0x1a: {  	s8 =	sadd.s32 $0xFFFFE003, lr  }
0x1b: {  	s9 =	sadd.s32 $0xFFFFFEF7, lr;
	s5 =	simm.s32 $0xFFFFFFFF;
	p2 =	slt.u32 s8, $0xFFFFF086  }
0x1c: {  	p1 =	slt.u32 s9, $0xF7A;
	s5 =	simm.s32 @!p2 $0x0  }
0x1d: {  	s5 =	simm.s32 @p1 $0x1;
	p0 =	seq.s32 s7, s2  }
0x1e: {  	s7 =	smul.u32 @!p0 $0xF7A, s2;
	p2 =	seq.s32 @!p0 s5, $0x0  }
0x1f: {  	s9 =	smul.u32 $0xF7A, s1;
	s8 =	simm.s32 @!p0 $0x1BF5;
	p2 =	por !p2, p0  }
0x20: {  	[sflag:s8] =	ssyncset.s32 @!p0 $0xFFFFF086;
	s6 =	sadd.s32 @!p0 s3, s7;
	s7 =	simm.s32 @!p0 $0x108  }
0x21: {  	s3 =	sadd.s32 s3, s9;
	s6 =	sadd.s32 @!p0 $0x88, s6;
	s7 =	simm.s32 @p2 $0x1082  }
0x22: {  	[simem:s7], [sflag:s8] =	dma.local @!p0 [hbm:s6], $0xF7A  }
0x23: {  	s9 =	sor.u32 $0xD0000000, s2;
	s6 =	simm.s32 $0x108;
	_ =	swait.ge @!p0 [sflag:s8], $0x0  }
0x24: {  	s3 =	sadd.s32 $0x88, s3;
	s6 =	simm.s32 @!p1 $0x1082;
	[sflag:s4] =	ssyncset.s32 $0xFFFFF086  }
0x25: {  	[simem:s6], [sflag:s4] =	dma.local [hbm:s3], $0xF7A  }
0x26: {  	[smem:$0x3F9B] =	sst s1;
	(tag) =	ssettag s2;
	_ =	strace s9  }
0x27: {  	s1 =	sld [smem:$0x3FAB]  }
0x28: {  	s2 =	sld [smem:$0x3FAC]  }
0x29: {  	s4 =	sld [smem:$0x3FAE]  }
0x2a: {  	p0 =	seq.s32 s5, $0x0;
	s5 =	sld [smem:$0x3FAF]  }
0x2b: {  	s6 =	sld [smem:$0x3FB0]  }
0x2c: {  	s7 =	sld [smem:$0x3FB1]  }
0x2d: {  	s3 =	simm.s32 $0x108;
	s8 =	sld [smem:$0x3FB2]  }
0x2e: {  	s3 =	simm.s32 @!p0 $0x1082;
	s9 =	sld [smem:$0x3FB3]  }
0x2f: {  	lr =	sadd.s32 s0, s3;
	s0 =	sld [smem:$0x3FAA]  }
0x30: {  	s3 =	sld [smem:$0x3FAD]  }
0x31: {  	[smem:$0x3FB6] =	sst s10  }
0x32: {  	s10 =	sld [smem:$0x3FB4];
	_ =	sdelay $0x3  }
0x33: {  	p0 =	seq.s32 s10, $0x1;
	s10 =	sld [smem:$0x3FB6];
	_ =	sdelay $0x3  }
0x34: {  	[smem:$0x3FB6] =	sst s10  }
0x35: {  	s10 =	sld [smem:$0x3FB5];
	_ =	sdelay $0x3  }
0x36: {  	p1 =	seq.s32 s10, $0x1;
	s10 =	sld [smem:$0x3FB6];
	_ =	sdelay $0x3  }
0x37: {  	[smem:$0x3FB6] =	sst s10  }
0x38: {  	s10 =	sld [smem:$0x3FB7]  }
0x39: {  	_ = 	snop;
	(pc) =	sbr.ind lr, $3  }
0x3a: {  	_ = 	snop  }
0x3b: {  	_ = 	snop  }
0x3c: {  	p2 =	seq.s32 s10, $0x1;
	s10 =	sld [smem:$0x3FB6]  }
0x3d: {  	_ =	shalt  }
0x3e: {  	_ =	shalt  }
0x3f: {  	_ =	shalt  }
0x40: {  	_ =	shalt  }
0x41: {  	_ =	shalt  }
0x42: {  	_ =	shalt  }
0x43: {  	_ =	shalt  }
0x44: {  	_ =	shalt  }
0x45: {  	_ =	shalt  }
0x46: {  	_ =	shalt  }
0x47: {  	_ =	shalt  }
0x48: {  	_ =	shalt  }
0x49: {  	_ =	shalt  }
0x4a: {  	_ =	shalt  }
0x4b: {  	_ =	shalt  }
0x4c: {  	_ =	shalt  }
0x4d: {  	_ =	shalt  }
0x4e: {  	_ =	shalt  }
0x4f: {  	_ =	shalt  }
0x50: {  	_ =	shalt  }
0x51: {  	_ =	shalt  }
0x52: {  	_ =	shalt  }
0x53: {  	_ =	shalt  }
0x54: {  	_ =	shalt  }
0x55: {  	_ =	shalt  }
0x56: {  	_ =	shalt  }
0x57: {  	_ =	shalt  }
0x58: {  	_ =	shalt  }
0x59: {  	_ =	shalt  }
0x5a: {  	_ =	shalt  }
0x5b: {  	_ =	shalt  }
0x5c: {  	_ =	shalt  }
0x5d: {  	_ =	shalt  }
0x5e: {  	_ =	shalt  }
0x5f: {  	_ =	shalt  }
0x60: {  	_ =	shalt  }
0x61: {  	_ =	shalt  }
0x62: {  	_ =	shalt  }
0x63: {  	_ =	shalt  }
0x64: {  	_ =	shalt  }
0x65: {  	_ =	shalt  }
0x66: {  	_ =	shalt  }
0x67: {  	_ =	shalt  }
0x68: {  	_ =	shalt  }
0x69: {  	_ =	shalt  }
0x6a: {  	_ =	shalt  }
0x6b: {  	_ =	shalt  }
0x6c: {  	_ =	shalt  }
0x6d: {  	_ =	shalt  }
0x6e: {  	_ =	shalt  }
0x6f: {  	_ =	shalt  }
0x70: {  	_ =	shalt  }
0x71: {  	_ =	shalt  }
0x72: {  	_ =	shalt  }
0x73: {  	_ =	shalt  }
0x74: {  	_ =	shalt  }
0x75: {  	_ =	shalt  }
0x76: {  	_ =	shalt  }
0x77: {  	_ =	shalt  }
0x78: {  	_ =	shalt  }
0x79: {  	_ =	shalt  }
0x7a: {  	_ =	shalt  }
0x7b: {  	_ =	shalt  }
0x7c: {  	_ =	shalt  }
0x7d: {  	_ =	shalt  }
0x7e: {  	_ =	shalt  }
0x7f: {  	_ =	shalt  }
0x80: {  	_ =	shalt  }
0x81: {  	_ =	shalt  }
0x82: {  	_ =	shalt  }
0x83: {  	_ =	shalt  }
0x84: {  	_ =	shalt  }
0x85: {  	_ =	shalt  }
0x86: {  	_ =	shalt  }
0x87: {  	_ =	shalt  }
.Lfunc_end0:
.L_simem_size_0:
called_computation.1_lowered:
.L_overlay_start_0:
0x88: {  	s2 =	sld [smem:$0x3FD9]  }
0x89: {  	s3 =	sld [smem:$0x3FFE];
	_ =	sdelay $0x1  }
0x8a: {  	s1 =	srdreg.scid  }
0x8b: {  	s0 =	sand.u32 $0x1, s1  }
0x8c: {  	s17 =	sshll.u32 s0, $0xA;
	s2 =	sadd.s32 s3, s2  }
0x8d: {  	s2 =	sadd.s32 s2, s17  }
0x8e: {  	[smem:$0x3FC2] =	sst s2  }
0x8f: {  	_ = 	snop  }
0x90: {  	s2 =	sld [smem:$0x3FD0];
	(tm) =	ssettm $0x1  }
0x91: {  	s18 =	sld [smem:$0x3FFB];
	_ =	sdelay $0x3  }
0x92: {  	_ =	strace s18  }
0x93: {  	s3 =	sld [smem:$0x3FFC];
	_ =	sdelay $0x3  }
0x94: {  	_ =	strace s3  }
0x95: {  	s3 =	sld [smem:$0x3FFD];
	_ =	sdelay $0x3  }
0x96: {  	_ =	strace s3  }
0x97: {  	_ =	strace $0x8FFFFFFF  }
0x98: {  	s19 =	sld [smem:$0x3FDB];
	_ =	sdelay $0x1  }
0x99: {  	s4 =	simm.s32 $_scs_section_size  }
0x9a: {  	s5 =	simm.s32 $_size__tile_overlayer_lowered;
	s6 =	simm.s32 $_tile_overlayer_lowered  }
0x9b: {  	s22 =	simm.s32 $0x1BFF;
	s21 =	sshll.u32 s6, $0x1;
	s3 =	sadd.s32 s4, s19  }
0x9c: {  	s7 =	simm.s32 $0x0;
	s20 =	sshll.u32 s5, $0x1;
	s5 =	sadd.s32 s21, s3  }
0x9d: {  	[timem:s7], [sflag:s22] =	dma.local [hbm:s5], s20  }
0x9e: {  	_ =	swait.ge [sflag:s22], s20  }
0x9f: {  	s4 =	ssub.s32 $0x0, s20;
	[sflag:s22] =	ssyncset.done $0x0  }
0xa0: {  	[sflag:s22] =	ssyncadd.s32 s4;
	_ =	sdelay $0x1  }
0xa1: {  	s23 =	simm.s32 $0x1B8B  }
0xa2: {  	_ =	swait.ge [sflag:s23], $0x1  }
0xa3: {  	[sflag:s23] =	ssyncset.done $0x0  }
0xa4: {  	s25 =	simm.s32 $0x1B8E;
	s24 =	sld [smem:$0x3FFE];
	[sflag:s23] =	ssyncadd.s32 $0xFFFFFFFF  }
0xa5: {  	s26 =	simm.s32 $execute0_lowered;
	[smem:$0x3FD2] =	sst s25  }
0xa6: {  	s5 =	sshll.u32 s26, $0x1;
	_ =	strace $0x80000049;
	[dreg:$0x1] =	wrdreg $0xFFFFFFFF  }
0xa7: {  	s28 =	simm.s32 $_size_execute0_lowered;
	s3 =	sadd.s32 s3, s5;
	[dreg:$0x0] =	wrdreg $0x0  }
0xa8: {  	s5 =	sshll.u32 s28, $0x1;
	[dreg:$0x2] =	wrdreg s3  }
0xa9: {  	[dreg:$0x3] =	wrdreg s5  }
0xaa: {  	[dreg:$0x4] =	wrdreg $0xC0  }
0xab: {  	_ =	task [dreg:s7], $0x5FFFF  }
0xac: {  	[dreg:$0x1] =	wrdreg $0xFFFFFFFF  }
0xad: {  	[dreg:$0x0] =	wrdreg $0x60  }
0xae: {  	[dreg:$0x2] =	wrdreg s2  }
0xaf: {  	[dreg:$0x3] =	wrdreg s24  }
0xb0: {  	[dreg:$0x4] =	wrdreg $0x0  }
0xb1: {  	[dreg:$0x5] =	wrdreg $0x9  }
0xb2: {  	_ =	task.clear_ibuf [dreg:s7], $0x6FFFF;
	_ =	strace $0x90000049  }
0xb3: {  	s29 =	simm.s32 $0x9;
	_ =	strace $0x8000004B  }
0xb4: {  	_ =	swait.ge [sflag:s29], $0x1  }
0xb5: {  	[sflag:s29] =	ssyncadd.s32 $0xFFFFFFFF  }
0xb6: {  	_ =	strace $0x9000004B  }
0xb7: {  	_ =	sfence  }
0xb8: {  	s30 =	sld [smem:$0x0];
	_ =	sdelay $0x2  }
0xb9: {  	s31 =	sshll.u32 s1, $0xD;
	s1 =	sshrl.u32 s1, $0x2  }
0xba: {  	s3 =	sand.u32 $0x4000, s31;
	s1 =	sadd.s32 s1, s30  }
0xbb: {  	s0 =	sor.u32 s3, s0;
	s1 =	sshll.u32 s1, $0x11  }
0xbc: {  	s0 =	sor.u32 s1, s0  }
0xbd: {  	s0 =	sadd.s32 $0x8F2B, s0  }
0xbe: {  	[sflag:s0] =	ssyncadd.remote.s32 $0x1  }
0xbf: {  	_ =	sfence.sel $0xFFFF  }
0xc0: {  	[dreg:$0x0] =	wrdreg $0xFFFFFFFF;
	(pc) =	sbr.abs _section_cstart, $3  }
0xc1: {  	[dreg:$0x1] =	wrdreg $0xFFFFFFFF  }
0xc2: {  	_ =	task.clear_ibuf [dreg:s7], $0x2FFFF;
	_ =	strace $0x9FFFFFFF  }
0xc3: {  	(tm) =	ssettm $0x7FFFFFFF  }
tec
execute0_lowered:
.L_overlay_start_1:
0x0: {  	(tag) =	ssettag $0x1  }
0x1: {  	s2 =	srdreg.scid;
	s1 =	rddreg [dreg:$0x0]  }
0x2: {  	s0 =	stileid.u32;
	s4 =	rddreg [dreg:$0x1];
	s7 =	simm.s32 $0x0  }
0x3: {  	s14 =	simm.s32 $0xB;
	s16 =	simm.s32 $0x28;
	s17 =	simm.s32 $0x18E20  }
0x4: {  	s29 =	simm.s32 $0x1DE20;
	s30 =	simm.s32 $0x1;
	s31 =	simm.s32 $0x6  }
0x5: {  	s18 =	simm.s32 $0x2;
	s28 =	simm.s32 $0x8;
	s2 =	sand.u32 $0x1, s2  }
0x6: {  	s3 =	sshll.u32 s0, $0x1;
	s6 =	smul.u32 $0x14000, s0;
	[smem:$0x7FF] =	sst s7  }
0x7: {  	s23 =	smul.u32 $0x50000, s0;
	s25 =	sadd.s32 $0x25800, s1;
	s5 =	sor.u32 s2, s3  }
0x8: {  	s3 =	rddreg [dreg:$0x2];
	s19 =	smul.u32 $0x140000, s2;
	_ =	strace $0x8000004A  }
0x9: {  	s9 =	ssub.s32 $0x2, s2;
	p0 =	seq.s32 s2, $0x1;
	[dreg:$0x7] =	wrdreg s25  }
0xa: {  	s5 =	smul.u32 $0x4E2, s5;
	s10 =	sshrl.u32 s9, $0x1;
	s22 =	sshrl.u32 s6, $0x3  }
0xb: {  	s2 =	sadd.s32 $0x12C000, s3;
	s26 =	sshrl.u32 s23, $0x2;
	p2 =	seq.s32 @!p0 s0, $0xF  }
0xc: {  	s7 =	sadd.s32 s6, s19;
	s20 =	ssub.s32 s9, s10;
	s24 =	sadd.s32 s1, s22  }
0xd: {  	s9 =	sadd.s32 $0x138800, s3;
	s19 =	simm.s32 $0x1A220;
	p1 =	por !p2, p0  }
0xe: {  	p2 =	por p2, p0;
	s22 =	simm.s32 $0x7;
	s8 =	sadd.s32 s5, s4  }
0xf: {  	s5 =	sadd.s32 $0x15A00, s4;
	s7 =	sshrl.u32 s7, $0x3;
	[dreg:$0x6] =	wrdreg s24  }
0x10: {  	s12 =	smax.u32 s20, $0x1;
	s24 =	sshrl.u32 @!p1 s2, $0x3;
	s25 =	sshrl.u32 @!p1 s9, $0x3  }
0x11: {  	s2 =	simm.s32 $0x3;
	s20 =	simm.s32 $0x4;
	s21 =	sadd.s32 $0x1E00, s8  }
0x12: {  	s9 =	simm.s32 $0x0;
	s8 =	sadd.s32 $0xBC00, s8;
	[dreg:$0x4] =	wrdreg s21  }
0x13: {  	s4 =	sadd.s32 s7, s4;
	s7 =	simm.s32 $0xA;
	[dreg:$0x5] =	wrdreg s8  }
0x14: {  	s8 =	sadd.s32 s6, s3;
	s6 =	sadd.s32 s26, s3;
	s4 =	sadd.s32 $0x18200, s4  }
0x15: {  	s21 =	simm.s32 $0x1B620;
	s26 =	simm.s32 $0x1CA20;
	[dreg:$0x8] =	wrdreg s4  }
0x16: {  	s23 =	sshrl.u32 @p0 s6, $0x3;
	s4 =	simm.s32 $0x9;
	s6 =	simm.s32 $0x5  }
.LBB2_1:
0x17: {  	s10 =	simm.s32 $0x0;
	s13 =	rddreg [dreg:$0x4];
	s15 =	simm.s32 $0x14000  }
0x18: {  	[tilespmem:s15], [sflag:$0xB] =	stream.linear.gather [hbm4b:s13+s10], $0x2710, $0x38;
	[tilespmem:$0x1F220] =	vst v63  }
0x19: {  	_ =	swait.ge [sflag:s14], $0x2710  }
0x1a: {  	[sflag:s14] =	ssyncset.done $0x0  }
0x1b: {  	s11 =	simm.s32 $0x16710;
	s13 =	rddreg [dreg:$0x5];
	[sflag:s14] =	ssyncadd.s32 $0xFFFFD8F0  }
0x1c: {  	[tilespmem:s11], [sflag:$0xB] =	stream.linear.gather [hbm4b:s13+s10], $0x2710, $0x38;
	[tilespmem:$0x1F220] =	vst v63  }
0x1d: {  	_ =	swait.ge [sflag:s14], $0x2710  }
0x1e: {  	[sflag:s14] =	ssyncset.done $0x0  }
0x1f: {  	[sflag:s14] =	ssyncadd.s32 $0xFFFFD8F0  }
0x20: {  	[tilespmem:s17], [sflag:$0x1] =	stream.indirect.gather [hbm4b:s1+s16], $0x80, s15, s16, $0xb8;
	[tilespmem:$0x1F220] =	vst v63  }
0x21: {  	s13 =	simm.s32 $0x14028  }
0x22: {  	[tilespmem:s19], [sflag:$0x2] =	stream.indirect.gather [hbm4b:s1+s16], $0x80, s13, s16, $0xb8;
	[tilespmem:$0x1F220] =	vst v63  }
0x23: {  	s10 =	sshll.u32 @p0 s0, $0x6;
	s15 =	simm.s32 $0x14050  }
0x24: {  	[tilespmem:s21], [sflag:$0x3] =	stream.indirect.gather [hbm4b:s1+s16], $0x80, s15, s16, $0xb8;
	[tilespmem:$0x1F220] =	vst v63  }
0x25: {  	s10 =	sor.u32 @p0 $0x1C0B, s10;
	s13 =	simm.s32 $0x14078  }
0x26: {  	[tilespmem:s26], [sflag:$0x4] =	stream.indirect.gather [hbm4b:s1+s16], $0x80, s13, s16, $0xb8;
	[tilespmem:$0x1F220] =	vst v63  }
0x27: {  	[spmem:s23], [sflag:s10] =	dma.local @p0 [hbm:s5], $0x2800  }
0x28: {  	s10 =	simm.s32 @p0 $0xB  }
0x29: {  	_ =	swait.ge @p0 [sflag:s10], $0x2800  }
0x2a: {  	[sflag:s10] =	ssyncset.done @p0 $0x0  }
0x2b: {  	s13 =	rddreg [dreg:$0x7];
	[sflag:s10] =	ssyncadd.s32 @p0 $0xFFFFD800;
	s10 =	simm.s32 @!p1 $0x1FCB  }
0x2c: {  	[spmem:s24], [sflag:s10] =	dma.local @!p1 [hbm:s13], $0x1900  }
0x2d: {  	s13 =	simm.s32 @!p1 $0xB  }
0x2e: {  	_ =	swait.ge @!p1 [sflag:s13], $0x1900  }
0x2f: {  	[sflag:s13] =	ssyncset.done @!p1 $0x0  }
0x30: {  	[sflag:s13] =	ssyncadd.s32 @!p1 $0xFFFFE700  }
0x31: {  	[spmem:s25], [sflag:s10] =	dma.local @!p1 [hbm:s5], $0xF00  }
0x32: {  	s10 =	sshll.u32 @!p2 s0, $0x6;
	_ =	swait.ge @!p1 [sflag:s13], $0xF00  }
0x33: {  	s10 =	sor.u32 @!p2 $0x1C0B, s10;
	[sflag:s13] =	ssyncset.done @!p1 $0x0  }
0x34: {  	s15 =	rddreg [dreg:$0x6];
	[sflag:s13] =	ssyncadd.s32 @!p1 $0xFFFFF100;
	s13 =	sshrl.u32 @!p2 s8, $0x3  }
0x35: {  	[spmem:s13], [sflag:s10] =	dma.local @!p2 [hbm:s15], $0x2800  }
0x36: {  	s10 =	simm.s32 @!p2 $0xB  }
0x37: {  	_ =	swait.ge @!p2 [sflag:s10], $0x2800  }
0x38: {  	[sflag:s10] =	ssyncset.done @!p2 $0x0  }
0x39: {  	[sflag:s10] =	ssyncadd.s32 @!p2 $0xFFFFD800  }
0x3a: {  	s15 =	simm.s32 $0x140A0;
	[bflag:$0x0] =	sbarrier.arrive $0xFFFF  }
0x3b: {  	[tilespmem:s29], [sflag:$0x5] =	stream.indirect.gather [hbm4b:s1+s16], $0x80, s15, s16, $0xb8;
	[tilespmem:$0x1F220] =	vst v63  }
0x3c: {  	_ =	swait.ge [sflag:s30], $0x1400  }
0x3d: {  	[sflag:s30] =	ssyncset.done $0x0  }
0x3e: {  	[sflag:s30] =	ssyncadd.s32 $0xFFFFEC00  }
0x3f: {  	[spmem:s3] =	stream.indirect.scatter.add.f32 [tilespmem:s17], [sflag:$0x6], $0x80, s11, s16, $0xb8;
	[tilespmem:$0x1F220] =	vst v63  }
0x40: {  	_ =	swait.ge [sflag:s31], $0x1400  }
0x41: {  	[sflag:s31] =	ssyncset.done $0x0  }
0x42: {  	s13 =	simm.s32 $0x140C8;
	[sflag:s31] =	ssyncadd.s32 $0xFFFFEC00  }
0x43: {  	[tilespmem:s17], [sflag:$0x1] =	stream.indirect.gather [hbm4b:s1+s16], $0x80, s13, s16, $0xb8;
	[tilespmem:$0x1F220] =	vst v63  }
0x44: {  	_ =	swait.ge [sflag:s18], $0x1400  }
0x45: {  	[sflag:s18] =	ssyncset.done $0x0  }
0x46: {  	s15 =	simm.s32 $0x16738;
	[sflag:s18] =	ssyncadd.s32 $0xFFFFEC00  }
0x47: {  	[spmem:s3] =	stream.indirect.scatter.add.f32 [tilespmem:s19], [sflag:$0x7], $0x80, s15, s16, $0xb8;
	[tilespmem:$0x1F220] =	vst v63  }
0x48: {  	_ =	swait.ge [sflag:s22], $0x1400  }
0x49: {  	[sflag:s22] =	ssyncset.done $0x0  }
0x4a: {  	s11 =	simm.s32 $0x140F0;
	[sflag:s22] =	ssyncadd.s32 $0xFFFFEC00  }
0x4b: {  	[tilespmem:s19], [sflag:$0x2] =	stream.indirect.gather [hbm4b:s1+s16], $0x80, s11, s16, $0xb8;
	[tilespmem:$0x1F220] =	vst v63  }
0x4c: {  	_ =	swait.ge [sflag:s2], $0x1400  }
0x4d: {  	[sflag:s2] =	ssyncset.done $0x0  }
0x4e: {  	s13 =	simm.s32 $0x16760;
	[sflag:s2] =	ssyncadd.s32 $0xFFFFEC00  }
0x4f: {  	[spmem:s3] =	stream.indirect.scatter.add.f32 [tilespmem:s21], [sflag:$0x8], $0x80, s13, s16, $0xb8;
	[tilespmem:$0x1F220] =	vst v63  }
0x50: {  	_ =	swait.ge [sflag:s28], $0x1400  }
0x51: {  	[sflag:s28] =	ssyncset.done $0x0  }
0x52: {  	s15 =	simm.s32 $0x14118;
	[sflag:s28] =	ssyncadd.s32 $0xFFFFEC00  }
0x53: {  	[tilespmem:s21], [sflag:$0x3] =	stream.indirect.gather [hbm4b:s1+s16], $0x80, s15, s16, $0xb8;
	[tilespmem:$0x1F220] =	vst v63  }
0x54: {  	_ =	swait.ge [sflag:s20], $0x1400  }
0x55: {  	[sflag:s20] =	ssyncset.done $0x0  }
0x56: {  	s11 =	simm.s32 $0x16788;
	[sflag:s20] =	ssyncadd.s32 $0xFFFFEC00  }
0x57: {  	[spmem:s3] =	stream.indirect.scatter.add.f32 [tilespmem:s26], [sflag:$0x9], $0x80, s11, s16, $0xb8;
	[tilespmem:$0x1F220] =	vst v63  }
0x58: {  	_ =	swait.ge [sflag:s4], $0x1400  }
0x59: {  	[sflag:s4] =	ssyncset.done $0x0  }
0x5a: {  	s13 =	simm.s32 $0x14140;
	[sflag:s4] =	ssyncadd.s32 $0xFFFFEC00  }
0x5b: {  	[tilespmem:s26], [sflag:$0x4] =	stream.indirect.gather [hbm4b:s1+s16], $0x80, s13, s16, $0xb8;
	[tilespmem:$0x1F220] =	vst v63  }
0x5c: {  	_ =	swait.ge [sflag:s6], $0x1400  }
0x5d: {  	[sflag:s6] =	ssyncset.done $0x0  }
0x5e: {  	s15 =	simm.s32 $0x167B0;
	[sflag:s6] =	ssyncadd.s32 $0xFFFFEC00  }
0x5f: {  	[spmem:s3] =	stream.indirect.scatter.add.f32 [tilespmem:s29], [sflag:$0xA], $0x80, s15, s16, $0xb8;
	[tilespmem:$0x1F220] =	vst v63  }
0x60: {  	_ =	swait.ge [sflag:s7], $0x1400  }
0x61: {  	[sflag:s7] =	ssyncset.done $0x0  }
0x62: {  	s11 =	simm.s32 $0x14168;
	[sflag:s7] =	ssyncadd.s32 $0xFFFFEC00  }
0x63: {  	[tilespmem:s29], [sflag:$0x5] =	stream.indirect.gather [hbm4b:s1+s16], $0x80, s11, s16, $0xb8;
	[tilespmem:$0x1F220] =	vst v63  }
0x64: {  	_ =	swait.ge [sflag:s30], $0x1400  }
0x65: {  	[sflag:s30] =	ssyncset.done $0x0  }
0x66: {  	s13 =	simm.s32 $0x167D8;
	[sflag:s30] =	ssyncadd.s32 $0xFFFFEC00  }
0x67: {  	[spmem:s3] =	stream.indirect.scatter.add.f32 [tilespmem:s17], [sflag:$0x6], $0x80, s13, s16, $0xb8;
	[tilespmem:$0x1F220] =	vst v63  }
0x68: {  	_ =	swait.ge [sflag:s31], $0x1400  }
0x69: {  	[sflag:s31] =	ssyncset.done $0x0  }
0x6a: {  	s15 =	simm.s32 $0x14190;
	[sflag:s31] =	ssyncadd.s32 $0xFFFFEC00  }
0x6b: {  	[tilespmem:s17], [sflag:$0x1] =	stream.indirect.gather [hbm4b:s1+s16], $0x80, s15, s16, $0xb8;
	[tilespmem:$0x1F220] =	vst v63  }
0x6c: {  	_ =	swait.ge [sflag:s18], $0x1400  }
0x6d: {  	[sflag:s18] =	ssyncset.done $0x0  }
0x6e: {  	s11 =	simm.s32 $0x16800;
	[sflag:s18] =	ssyncadd.s32 $0xFFFFEC00  }
0x6f: {  	[spmem:s3] =	stream.indirect.scatter.add.f32 [tilespmem:s19], [sflag:$0x7], $0x80, s11, s16, $0xb8;
	[tilespmem:$0x1F220] =	vst v63  }
0x70: {  	_ =	swait.ge [sflag:s22], $0x1400  }
0x71: {  	[sflag:s22] =	ssyncset.done $0x0  }
0x72: {  	s13 =	simm.s32 $0x141B8;
	[sflag:s22] =	ssyncadd.s32 $0xFFFFEC00  }
0x73: {  	[tilespmem:s19], [sflag:$0x2] =	stream.indirect.gather [hbm4b:s1+s16], $0x80, s13, s16, $0xb8;
	[tilespmem:$0x1F220] =	vst v63  }
0x74: {  	_ =	swait.ge [sflag:s2], $0x1400  }
0x75: {  	[sflag:s2] =	ssyncset.done $0x0  }
0x76: {  	s15 =	simm.s32 $0x16828;
	[sflag:s2] =	ssyncadd.s32 $0xFFFFEC00  }
0x77: {  	[spmem:s3] =	stream.indirect.scatter.add.f32 [tilespmem:s21], [sflag:$0x8], $0x80, s15, s16, $0xb8;
	[tilespmem:$0x1F220] =	vst v63  }
0x78: {  	_ =	swait.ge [sflag:s28], $0x1400  }
0x79: {  	[sflag:s28] =	ssyncset.done $0x0  }
0x7a: {  	s11 =	simm.s32 $0x141E0;
	[sflag:s28] =	ssyncadd.s32 $0xFFFFEC00  }
0x7b: {  	[tilespmem:s21], [sflag:$0x3] =	stream.indirect.gather [hbm4b:s1+s16], $0x80, s11, s16, $0xb8;
	[tilespmem:$0x1F220] =	vst v63  }
0x7c: {  	_ =	swait.ge [sflag:s20], $0x1400  }
0x7d: {  	[sflag:s20] =	ssyncset.done $0x0  }
0x7e: {  	s13 =	simm.s32 $0x16850;
	[sflag:s20] =	ssyncadd.s32 $0xFFFFEC00  }
0x7f: {  	[spmem:s3] =	stream.indirect.scatter.add.f32 [tilespmem:s26], [sflag:$0x9], $0x80, s13, s16, $0xb8;
	[tilespmem:$0x1F220] =	vst v63  }
0x80: {  	_ =	swait.ge [sflag:s4], $0x1400  }
0x81: {  	[sflag:s4] =	ssyncset.done $0x0  }
0x82: {  	s15 =	simm.s32 $0x14208;
	[sflag:s4] =	ssyncadd.s32 $0xFFFFEC00  }
0x83: {  	[tilespmem:s26], [sflag:$0x4] =	stream.indirect.gather [hbm4b:s1+s16], $0x80, s15, s16, $0xb8;
	[tilespmem:$0x1F220] =	vst v63  }
0x84: {  	_ =	swait.ge [sflag:s6], $0x1400  }
0x85: {  	[sflag:s6] =	ssyncset.done $0x0  }
0x86: {  	s10 =	simm.s32 $0x320;
	s13 =	simm.s32 $0x16878;
	[sflag:s6] =	ssyncadd.s32 $0xFFFFEC00  }
.LBB2_2:
0x87: {  	[spmem:s3] =	stream.indirect.scatter.add.f32 [tilespmem:s29], [sflag:$0xA], $0x80, s13, s16, $0xb8;
	[tilespmem:$0x1F220] =	vst v63  }
0x88: {  	s13 =	smov.u32 s10  }
0x89: {  	p3 =	sne.s32 s10, $0x92E0;
	s10 =	sadd.s32 $0x320, s10;
	_ =	swait.ge [sflag:s7], $0x1400  }
0x8a: {  	s13 =	sshra.s32 s13, $0x2;
	[sflag:s7] =	ssyncset.done $0x0  }
0x8b: {  	s15 =	sadd.s32 $0x14168, s13;
	[sflag:s7] =	ssyncadd.s32 $0xFFFFEC00  }
0x8c: {  	[tilespmem:s29], [sflag:$0x5] =	stream.indirect.gather [hbm4b:s1+s16], $0x80, s15, s16, $0xb8;
	[tilespmem:$0x1F220] =	vst v63  }
0x8d: {  	_ =	swait.ge [sflag:s30], $0x1400  }
0x8e: {  	[sflag:s30] =	ssyncset.done $0x0  }
0x8f: {  	s15 =	sadd.s32 $0x167D8, s13;
	[sflag:s30] =	ssyncadd.s32 $0xFFFFEC00  }
0x90: {  	[spmem:s3] =	stream.indirect.scatter.add.f32 [tilespmem:s17], [sflag:$0x6], $0x80, s15, s16, $0xb8;
	[tilespmem:$0x1F220] =	vst v63  }
0x91: {  	_ =	swait.ge [sflag:s31], $0x1400  }
0x92: {  	[sflag:s31] =	ssyncset.done $0x0  }
0x93: {  	s15 =	sadd.s32 $0x14190, s13;
	[sflag:s31] =	ssyncadd.s32 $0xFFFFEC00  }
0x94: {  	[tilespmem:s17], [sflag:$0x1] =	stream.indirect.gather [hbm4b:s1+s16], $0x80, s15, s16, $0xb8;
	[tilespmem:$0x1F220] =	vst v63  }
0x95: {  	_ =	swait.ge [sflag:s18], $0x1400  }
0x96: {  	[sflag:s18] =	ssyncset.done $0x0  }
0x97: {  	s15 =	sadd.s32 $0x16800, s13;
	[sflag:s18] =	ssyncadd.s32 $0xFFFFEC00  }
0x98: {  	[spmem:s3] =	stream.indirect.scatter.add.f32 [tilespmem:s19], [sflag:$0x7], $0x80, s15, s16, $0xb8;
	[tilespmem:$0x1F220] =	vst v63  }
0x99: {  	_ =	swait.ge [sflag:s22], $0x1400  }
0x9a: {  	[sflag:s22] =	ssyncset.done $0x0  }
0x9b: {  	s15 =	sadd.s32 $0x141B8, s13;
	[sflag:s22] =	ssyncadd.s32 $0xFFFFEC00  }
0x9c: {  	[tilespmem:s19], [sflag:$0x2] =	stream.indirect.gather [hbm4b:s1+s16], $0x80, s15, s16, $0xb8;
	[tilespmem:$0x1F220] =	vst v63  }
0x9d: {  	_ =	swait.ge [sflag:s2], $0x1400  }
0x9e: {  	[sflag:s2] =	ssyncset.done $0x0  }
0x9f: {  	s15 =	sadd.s32 $0x16828, s13;
	[sflag:s2] =	ssyncadd.s32 $0xFFFFEC00  }
0xa0: {  	[spmem:s3] =	stream.indirect.scatter.add.f32 [tilespmem:s21], [sflag:$0x8], $0x80, s15, s16, $0xb8;
	[tilespmem:$0x1F220] =	vst v63  }
0xa1: {  	_ =	swait.ge [sflag:s28], $0x1400  }
0xa2: {  	[sflag:s28] =	ssyncset.done $0x0  }
0xa3: {  	s15 =	sadd.s32 $0x141E0, s13;
	[sflag:s28] =	ssyncadd.s32 $0xFFFFEC00  }
0xa4: {  	[tilespmem:s21], [sflag:$0x3] =	stream.indirect.gather [hbm4b:s1+s16], $0x80, s15, s16, $0xb8;
	[tilespmem:$0x1F220] =	vst v63  }
0xa5: {  	_ =	swait.ge [sflag:s20], $0x1400  }
0xa6: {  	[sflag:s20] =	ssyncset.done $0x0  }
0xa7: {  	s15 =	sadd.s32 $0x16850, s13;
	[sflag:s20] =	ssyncadd.s32 $0xFFFFEC00  }
0xa8: {  	[spmem:s3] =	stream.indirect.scatter.add.f32 [tilespmem:s26], [sflag:$0x9], $0x80, s15, s16, $0xb8;
	[tilespmem:$0x1F220] =	vst v63  }
0xa9: {  	_ =	swait.ge [sflag:s4], $0x1400  }
0xaa: {  	[sflag:s4] =	ssyncset.done $0x0  }
.Ltmp0:
0xab: {  	s15 =	sadd.s32 $0x14208, s13;
	[sflag:s4] =	ssyncadd.s32 $0xFFFFEC00;
	(pc) =	sbr.rel @p3 .LBB2_2-.Ltmp0, $4  }
0xac: {  	[tilespmem:s26], [sflag:$0x4] =	stream.indirect.gather [hbm4b:s1+s16], $0x80, s15, s16, $0xb8;
	[tilespmem:$0x1F220] =	vst v63  }
0xad: {  	_ =	swait.ge [sflag:s6], $0x1400  }
0xae: {  	[sflag:s6] =	ssyncset.done $0x0  }
0xaf: {  	s13 =	sadd.s32 $0x16878, s13;
	[sflag:s6] =	ssyncadd.s32 $0xFFFFEC00  }
0xb0: {  	[spmem:s3] =	stream.indirect.scatter.add.f32 [tilespmem:s29], [sflag:$0xA], $0x80, s13, s16, $0xb8;
	[tilespmem:$0x1F220] =	vst v63  }
0xb1: {  	_ =	swait.ge [sflag:s7], $0x1400  }
0xb2: {  	[sflag:s7] =	ssyncset.done $0x0  }
0xb3: {  	s10 =	simm.s32 $0x166E8;
	[sflag:s7] =	ssyncadd.s32 $0xFFFFEC00  }
0xb4: {  	[tilespmem:s29], [sflag:$0x5] =	stream.indirect.gather [hbm4b:s1+s16], $0x80, s10, s16, $0xb8;
	[tilespmem:$0x1F220] =	vst v63  }
0xb5: {  	_ =	swait.ge [sflag:s30], $0x1400  }
0xb6: {  	[sflag:s30] =	ssyncset.done $0x0  }
0xb7: {  	s15 =	simm.s32 $0x18D58;
	[sflag:s30] =	ssyncadd.s32 $0xFFFFEC00  }
0xb8: {  	[spmem:s3] =	stream.indirect.scatter.add.f32 [tilespmem:s17], [sflag:$0x6], $0x80, s15, s16, $0xb8;
	[tilespmem:$0x1F220] =	vst v63  }
0xb9: {  	_ =	swait.ge [sflag:s31], $0x1400  }
0xba: {  	[sflag:s31] =	ssyncset.done $0x0  }
0xbb: {  	[sflag:s31] =	ssyncadd.s32 $0xFFFFEC00  }
0xbc: {  	_ =	swait.ge [sflag:s18], $0x1400  }
0xbd: {  	[sflag:s18] =	ssyncset.done $0x0  }
0xbe: {  	s11 =	simm.s32 $0x18D80;
	[sflag:s18] =	ssyncadd.s32 $0xFFFFEC00  }
0xbf: {  	[spmem:s3] =	stream.indirect.scatter.add.f32 [tilespmem:s19], [sflag:$0x7], $0x80, s11, s16, $0xb8;
	[tilespmem:$0x1F220] =	vst v63  }
0xc0: {  	_ =	swait.ge [sflag:s22], $0x1400  }
0xc1: {  	[sflag:s22] =	ssyncset.done $0x0  }
0xc2: {  	[sflag:s22] =	ssyncadd.s32 $0xFFFFEC00  }
0xc3: {  	_ =	swait.ge [sflag:s2], $0x1400  }
0xc4: {  	[sflag:s2] =	ssyncset.done $0x0  }
0xc5: {  	s13 =	simm.s32 $0x18DA8;
	[sflag:s2] =	ssyncadd.s32 $0xFFFFEC00  }
0xc6: {  	[spmem:s3] =	stream.indirect.scatter.add.f32 [tilespmem:s21], [sflag:$0x8], $0x80, s13, s16, $0xb8;
	[tilespmem:$0x1F220] =	vst v63  }
0xc7: {  	_ =	swait.ge [sflag:s28], $0x1400  }
0xc8: {  	[sflag:s28] =	ssyncset.done $0x0  }
0xc9: {  	[sflag:s28] =	ssyncadd.s32 $0xFFFFEC00  }
0xca: {  	_ =	swait.ge [sflag:s20], $0x1400  }
0xcb: {  	[sflag:s20] =	ssyncset.done $0x0  }
0xcc: {  	s15 =	simm.s32 $0x18DD0;
	[sflag:s20] =	ssyncadd.s32 $0xFFFFEC00  }
0xcd: {  	[spmem:s3] =	stream.indirect.scatter.add.f32 [tilespmem:s26], [sflag:$0x9], $0x80, s15, s16, $0xb8;
	[tilespmem:$0x1F220] =	vst v63  }
0xce: {  	_ =	swait.ge [sflag:s4], $0x1400  }
0xcf: {  	[sflag:s4] =	ssyncset.done $0x0  }
0xd0: {  	[sflag:s4] =	ssyncadd.s32 $0xFFFFEC00  }
0xd1: {  	_ =	swait.ge [sflag:s6], $0x1400  }
0xd2: {  	[sflag:s6] =	ssyncset.done $0x0  }
0xd3: {  	s11 =	simm.s32 $0x18DF8;
	[sflag:s6] =	ssyncadd.s32 $0xFFFFEC00  }
0xd4: {  	[spmem:s3] =	stream.indirect.scatter.add.f32 [tilespmem:s29], [sflag:$0xA], $0x80, s11, s16, $0xb8;
	[tilespmem:$0x1F220] =	vst v63  }
0xd5: {  	_ =	swait.ge [sflag:s7], $0x1400  }
0xd6: {  	[sflag:s7] =	ssyncset.done $0x0  }
0xd7: {  	s9 =	sadd.s32 $0x1, s9;
	s13 =	sshll.u32 s0, $0x6;
	[sflag:s7] =	ssyncadd.s32 $0xFFFFEC00  }
0xd8: {  	p3 =	sne.s32 s9, s12;
	s10 =	sor.u32 $0x1C0B, s13;
	[bflag:$0x0] =	sbarrier.arrive $0xFFFF  }
.Ltmp1:
0xd9: {  	s15 =	sshrl.u32 s8, $0x3;
	s11 =	rddreg [dreg:$0x8];
	(pc) =	sbr.rel @p3 .LBB2_1-.Ltmp1, $4  }
0xda: {  	[hbm:s11], [sflag:s10] =	dma.local [spmem:s15], $0x2800  }
0xdb: {  	_ =	swait.ge [sflag:s14], $0x2800  }
0xdc: {  	[sflag:s14] =	ssyncset.done $0x0  }
0xdd: {  	[sflag:s14] =	ssyncadd.s32 $0xFFFFD800  }
0xde: {  	_ =	sfence.sel $0x180000  }
0xdf: {  	[bflag:$0x0] =	sbarrier.arrive $0xFFFF  }
0xe0: {  	_ =	strace $0x9000004A  }
0xe1: {  	[bflag:$0x2] =	sbarrier.arrive $0xFFFF  }
0xe2: {  	p0 =	sne.s32 s0, $0x0;
	s0 =	rddreg [dreg:$0x3]  }
0xe3: {  	s0 =	sadd.s32 @!p0 $0x100000, s0  }
0xe4: {  	[sflag:s0] =	ssyncadd.tile.s32 @!p0 $0x1;
	_ =	shalt  }
.Lfunc_end2:
_tile_overlayer_lowered:
.L_overlay_start_2:
0xe5: {  	(tag) =	ssettag $0x2  }
0xe6: {  	s0 =	rddreg [dreg:$0x0];
	s2 =	stileid.u32  }
0xe7: {  	s1 =	rddreg [dreg:$0x1];
	p0 =	sne.s32 s2, $0x0  }
0xe8: {  	s3 =	rddreg [dreg:$0x2];
	[bflag:$0x3] =	sbarrier.arrive $0xFFFF;
	s2 =	simm.s32 @!p0 $0x1C0B  }
0xe9: {  	[timem:s3], [sflag:s2] =	dma.local @!p0 [hbm:s0], s1  }
0xea: {  	s0 =	simm.s32 @!p0 $0xB  }
0xeb: {  	_ =	swait.ge @!p0 [sflag:s0], s1  }
0xec: {  	s1 =	ssub.s32 @!p0 $0x0, s1;
	[sflag:s0] =	ssyncset.done @!p0 $0x0  }
0xed: {  	[sflag:s0] =	ssyncadd.s32 @!p0 s1  }
0xee: {  	[bflag:$0x3] =	sbarrier.arrive $0xFFFF  }
0xef: {  	_ =	shalt  }

// kernel: kernel.14.cloned.1.call-start
scs
__scs_entry_jumppad:
0x0: {  	(pc) =	sbr.rel $0x88, $3  }
0x1: {  	(tag) =	ssettag $0x0;
	lr =	simm.s32 $0x1  }
0x2: {  	[smem:$0x3F9B] =	sst lr;
	_ =	strace $0xD0000000  }
0x3: {  	_ = 	snop  }
0x4: {  	_ = 	snop  }
0x5: {  	_ = 	snop  }
0x6: {  	_ = 	snop  }
0x7: {  	_ = 	snop  }
__scs_overlays_trampoline_lowered:
0x8: {  	[smem:$0x3FAA] =	sst s0  }
0x9: {  	[smem:$0x3FAB] =	sst s1  }
0xa: {  	[smem:$0x3FAC] =	sst s2  }
0xb: {  	[smem:$0x3FAD] =	sst s3  }
0xc: {  	[smem:$0x3FAE] =	sst s4  }
0xd: {  	[smem:$0x3FAF] =	sst s5  }
0xe: {  	[smem:$0x3FB0] =	sst s6  }
0xf: {  	[smem:$0x3FB1] =	sst s7  }
0x10: {  	[smem:$0x3FB2] =	sst s8  }
0x11: {  	[smem:$0x3FB3] =	sst s9;
	s0 =	simm.s32 @!p0 $0x0  }
0x12: {  	s1 =	sld [smem:$0x3F99];
	s0 =	simm.s32 @p0 $0x1  }
0x13: {  	[smem:$0x3FB4] =	sst s0;
	s0 =	simm.s32 @!p1 $0x0  }
0x14: {  	s2 =	sld [smem:$0x3F98];
	s0 =	simm.s32 @p1 $0x1  }
0x15: {  	[smem:$0x3FB5] =	sst s0;
	s0 =	simm.s32 @!p2 $0x0  }
0x16: {  	s3 =	sld [smem:$0x3FDB];
	s0 =	simm.s32 @p2 $0x1  }
0x17: {  	s4 =	simm.s32 $0x1BF5;
	[smem:$0x3FB7] =	sst s0  }
0x18: {  	s0 =	sld [smem:$0x3F9A];
	_ =	swait.ge [sflag:s4], $0x0  }
0x19: {  	s7 =	sld [smem:$0x3F9B]  }
0x1a: {  	s8 =	sadd.s32 $0xFFFFE003, lr  }
0x1b: {  	s9 =	sadd.s32 $0xFFFFFEF7, lr;
	s5 =	simm.s32 $0xFFFFFFFF;
	p2 =	slt.u32 s8, $0xFFFFF086  }
0x1c: {  	p1 =	slt.u32 s9, $0xF7A;
	s5 =	simm.s32 @!p2 $0x0  }
0x1d: {  	s5 =	simm.s32 @p1 $0x1;
	p0 =	seq.s32 s7, s2  }
0x1e: {  	s7 =	smul.u32 @!p0 $0xF7A, s2;
	p2 =	seq.s32 @!p0 s5, $0x0  }
0x1f: {  	s9 =	smul.u32 $0xF7A, s1;
	s8 =	simm.s32 @!p0 $0x1BF5;
	p2 =	por !p2, p0  }
0x20: {  	[sflag:s8] =	ssyncset.s32 @!p0 $0xFFFFF086;
	s6 =	sadd.s32 @!p0 s3, s7;
	s7 =	simm.s32 @!p0 $0x108  }
0x21: {  	s3 =	sadd.s32 s3, s9;
	s6 =	sadd.s32 @!p0 $0x88, s6;
	s7 =	simm.s32 @p2 $0x1082  }
0x22: {  	[simem:s7], [sflag:s8] =	dma.local @!p0 [hbm:s6], $0xF7A  }
0x23: {  	s9 =	sor.u32 $0xD0000000, s2;
	s6 =	simm.s32 $0x108;
	_ =	swait.ge @!p0 [sflag:s8], $0x0  }
0x24: {  	s3 =	sadd.s32 $0x88, s3;
	s6 =	simm.s32 @!p1 $0x1082;
	[sflag:s4] =	ssyncset.s32 $0xFFFFF086  }
0x25: {  	[simem:s6], [sflag:s4] =	dma.local [hbm:s3], $0xF7A  }
0x26: {  	[smem:$0x3F9B] =	sst s1;
	(tag) =	ssettag s2;
	_ =	strace s9  }
0x27: {  	s1 =	sld [smem:$0x3FAB]  }
0x28: {  	s2 =	sld [smem:$0x3FAC]  }
0x29: {  	s4 =	sld [smem:$0x3FAE]  }
0x2a: {  	p0 =	seq.s32 s5, $0x0;
	s5 =	sld [smem:$0x3FAF]  }
0x2b: {  	s6 =	sld [smem:$0x3FB0]  }
0x2c: {  	s7 =	sld [smem:$0x3FB1]  }
0x2d: {  	s3 =	simm.s32 $0x108;
	s8 =	sld [smem:$0x3FB2]  }
0x2e: {  	s3 =	simm.s32 @!p0 $0x1082;
	s9 =	sld [smem:$0x3FB3]  }
0x2f: {  	lr =	sadd.s32 s0, s3;
	s0 =	sld [smem:$0x3FAA]  }
0x30: {  	s3 =	sld [smem:$0x3FAD]  }
0x31: {  	[smem:$0x3FB6] =	sst s10  }
0x32: {  	s10 =	sld [smem:$0x3FB4];
	_ =	sdelay $0x3  }
0x33: {  	p0 =	seq.s32 s10, $0x1;
	s10 =	sld [smem:$0x3FB6];
	_ =	sdelay $0x3  }
0x34: {  	[smem:$0x3FB6] =	sst s10  }
0x35: {  	s10 =	sld [smem:$0x3FB5];
	_ =	sdelay $0x3  }
0x36: {  	p1 =	seq.s32 s10, $0x1;
	s10 =	sld [smem:$0x3FB6];
	_ =	sdelay $0x3  }
0x37: {  	[smem:$0x3FB6] =	sst s10  }
0x38: {  	s10 =	sld [smem:$0x3FB7]  }
0x39: {  	_ = 	snop;
	(pc) =	sbr.ind lr, $3  }
0x3a: {  	_ = 	snop  }
0x3b: {  	_ = 	snop  }
0x3c: {  	p2 =	seq.s32 s10, $0x1;
	s10 =	sld [smem:$0x3FB6]  }
0x3d: {  	_ =	shalt  }
0x3e: {  	_ =	shalt  }
0x3f: {  	_ =	shalt  }
0x40: {  	_ =	shalt  }
0x41: {  	_ =	shalt  }
0x42: {  	_ =	shalt  }
0x43: {  	_ =	shalt  }
0x44: {  	_ =	shalt  }
0x45: {  	_ =	shalt  }
0x46: {  	_ =	shalt  }
0x47: {  	_ =	shalt  }
0x48: {  	_ =	shalt  }
0x49: {  	_ =	shalt  }
0x4a: {  	_ =	shalt  }
0x4b: {  	_ =	shalt  }
0x4c: {  	_ =	shalt  }
0x4d: {  	_ =	shalt  }
0x4e: {  	_ =	shalt  }
0x4f: {  	_ =	shalt  }
0x50: {  	_ =	shalt  }
0x51: {  	_ =	shalt  }
0x52: {  	_ =	shalt  }
0x53: {  	_ =	shalt  }
0x54: {  	_ =	shalt  }
0x55: {  	_ =	shalt  }
0x56: {  	_ =	shalt  }
0x57: {  	_ =	shalt  }
0x58: {  	_ =	shalt  }
0x59: {  	_ =	shalt  }
0x5a: {  	_ =	shalt  }
0x5b: {  	_ =	shalt  }
0x5c: {  	_ =	shalt  }
0x5d: {  	_ =	shalt  }
0x5e: {  	_ =	shalt  }
0x5f: {  	_ =	shalt  }
0x60: {  	_ =	shalt  }
0x61: {  	_ =	shalt  }
0x62: {  	_ =	shalt  }
0x63: {  	_ =	shalt  }
0x64: {  	_ =	shalt  }
0x65: {  	_ =	shalt  }
0x66: {  	_ =	shalt  }
0x67: {  	_ =	shalt  }
0x68: {  	_ =	shalt  }
0x69: {  	_ =	shalt  }
0x6a: {  	_ =	shalt  }
0x6b: {  	_ =	shalt  }
0x6c: {  	_ =	shalt  }
0x6d: {  	_ =	shalt  }
0x6e: {  	_ =	shalt  }
0x6f: {  	_ =	shalt  }
0x70: {  	_ =	shalt  }
0x71: {  	_ =	shalt  }
0x72: {  	_ =	shalt  }
0x73: {  	_ =	shalt  }
0x74: {  	_ =	shalt  }
0x75: {  	_ =	shalt  }
0x76: {  	_ =	shalt  }
0x77: {  	_ =	shalt  }
0x78: {  	_ =	shalt  }
0x79: {  	_ =	shalt  }
0x7a: {  	_ =	shalt  }
0x7b: {  	_ =	shalt  }
0x7c: {  	_ =	shalt  }
0x7d: {  	_ =	shalt  }
0x7e: {  	_ =	shalt  }
0x7f: {  	_ =	shalt  }
0x80: {  	_ =	shalt  }
0x81: {  	_ =	shalt  }
0x82: {  	_ =	shalt  }
0x83: {  	_ =	shalt  }
0x84: {  	_ =	shalt  }
0x85: {  	_ =	shalt  }
0x86: {  	_ =	shalt  }
0x87: {  	_ =	shalt  }
.Lfunc_end0:
.L_simem_size_0:
called_computation.2_lowered:
.L_overlay_start_0:
0x88: {  	s2 =	sld [smem:$0x3FD9]  }
0x89: {  	s3 =	sld [smem:$0x3FFE];
	_ =	sdelay $0x1  }
0x8a: {  	s1 =	srdreg.scid  }
0x8b: {  	s0 =	sand.u32 $0x1, s1  }
0x8c: {  	s17 =	sshll.u32 s0, $0xA;
	s2 =	sadd.s32 s3, s2  }
0x8d: {  	s2 =	sadd.s32 s2, s17  }
0x8e: {  	[smem:$0x3FC2] =	sst s2  }
0x8f: {  	_ = 	snop  }
0x90: {  	s2 =	sld [smem:$0x3FD0];
	(tm) =	ssettm $0x1  }
0x91: {  	s18 =	sld [smem:$0x3FFB];
	_ =	sdelay $0x3  }
0x92: {  	_ =	strace s18  }
0x93: {  	s3 =	sld [smem:$0x3FFC];
	_ =	sdelay $0x3  }
0x94: {  	_ =	strace s3  }
0x95: {  	s3 =	sld [smem:$0x3FFD];
	_ =	sdelay $0x3  }
0x96: {  	_ =	strace s3  }
0x97: {  	_ =	strace $0x8FFFFFFF  }
0x98: {  	s19 =	sld [smem:$0x3FDB];
	_ =	sdelay $0x1  }
0x99: {  	s4 =	simm.s32 $_scs_section_size  }
0x9a: {  	s5 =	simm.s32 $_size__tile_overlayer_lowered;
	s6 =	simm.s32 $_tile_overlayer_lowered  }
0x9b: {  	s22 =	simm.s32 $0x1BFF;
	s21 =	sshll.u32 s6, $0x1;
	s3 =	sadd.s32 s4, s19  }
0x9c: {  	s7 =	simm.s32 $0x0;
	s20 =	sshll.u32 s5, $0x1;
	s5 =	sadd.s32 s21, s3  }
0x9d: {  	[timem:s7], [sflag:s22] =	dma.local [hbm:s5], s20  }
0x9e: {  	_ =	swait.ge [sflag:s22], s20  }
0x9f: {  	s4 =	ssub.s32 $0x0, s20;
	[sflag:s22] =	ssyncset.done $0x0  }
0xa0: {  	[sflag:s22] =	ssyncadd.s32 s4;
	_ =	sdelay $0x1  }
0xa1: {  	s23 =	simm.s32 $0x1B8B  }
0xa2: {  	_ =	swait.ge [sflag:s23], $0x1  }
0xa3: {  	[sflag:s23] =	ssyncset.done $0x0  }
0xa4: {  	s25 =	simm.s32 $0x1B8E;
	s24 =	sld [smem:$0x3FFE];
	[sflag:s23] =	ssyncadd.s32 $0xFFFFFFFF  }
0xa5: {  	s26 =	simm.s32 $execute0_lowered;
	[smem:$0x3FD2] =	sst s25  }
0xa6: {  	s5 =	sshll.u32 s26, $0x1;
	_ =	strace $0x8000004C;
	[dreg:$0x1] =	wrdreg $0xFFFFFFFF  }
0xa7: {  	s28 =	simm.s32 $_size_execute0_lowered;
	s3 =	sadd.s32 s3, s5;
	[dreg:$0x0] =	wrdreg $0x0  }
0xa8: {  	s5 =	sshll.u32 s28, $0x1;
	[dreg:$0x2] =	wrdreg s3  }
0xa9: {  	[dreg:$0x3] =	wrdreg s5  }
0xaa: {  	[dreg:$0x4] =	wrdreg $0xC0  }
0xab: {  	_ =	task [dreg:s7], $0x5FFFF  }
0xac: {  	[dreg:$0x1] =	wrdreg $0xFFFFFFFF  }
0xad: {  	[dreg:$0x0] =	wrdreg $0x60  }
0xae: {  	[dreg:$0x2] =	wrdreg s2  }
0xaf: {  	[dreg:$0x3] =	wrdreg s24  }
0xb0: {  	[dreg:$0x4] =	wrdreg $0x0  }
0xb1: {  	[dreg:$0x5] =	wrdreg $0x9  }
0xb2: {  	_ =	task.clear_ibuf [dreg:s7], $0x6FFFF;
	_ =	strace $0x9000004C  }
0xb3: {  	s29 =	simm.s32 $0x9;
	_ =	strace $0x8000004E  }
0xb4: {  	_ =	swait.ge [sflag:s29], $0x1  }
0xb5: {  	[sflag:s29] =	ssyncadd.s32 $0xFFFFFFFF  }
0xb6: {  	_ =	strace $0x9000004E  }
0xb7: {  	_ =	sfence  }
0xb8: {  	s30 =	sld [smem:$0x0];
	_ =	sdelay $0x2  }
0xb9: {  	s31 =	sshll.u32 s1, $0xD;
	s1 =	sshrl.u32 s1, $0x2  }
0xba: {  	s3 =	sand.u32 $0x4000, s31;
	s1 =	sadd.s32 s1, s30  }
0xbb: {  	s0 =	sor.u32 s3, s0;
	s1 =	sshll.u32 s1, $0x11  }
0xbc: {  	s0 =	sor.u32 s1, s0  }
0xbd: {  	s0 =	sadd.s32 $0x8F2B, s0  }
0xbe: {  	[sflag:s0] =	ssyncadd.remote.s32 $0x1  }
0xbf: {  	_ =	sfence.sel $0xFFFF  }
0xc0: {  	[dreg:$0x0] =	wrdreg $0xFFFFFFFF;
	(pc) =	sbr.abs _section_cstart, $3  }
0xc1: {  	[dreg:$0x1] =	wrdreg $0xFFFFFFFF  }
0xc2: {  	_ =	task.clear_ibuf [dreg:s7], $0x2FFFF;
	_ =	strace $0x9FFFFFFF  }
0xc3: {  	(tm) =	ssettm $0x7FFFFFFF  }
tec
execute0_lowered:
.L_overlay_start_1:
0x0: {  	(tag) =	ssettag $0x1  }
0x1: {  	s2 =	srdreg.scid;
	s1 =	rddreg [dreg:$0x0]  }
0x2: {  	s0 =	stileid.u32;
	s4 =	rddreg [dreg:$0x1];
	s7 =	simm.s32 $0x0  }
0x3: {  	s14 =	simm.s32 $0xB;
	s16 =	simm.s32 $0x28;
	s17 =	simm.s32 $0x18E20  }
0x4: {  	s29 =	simm.s32 $0x1DE20;
	s30 =	simm.s32 $0x1;
	s31 =	simm.s32 $0x6  }
0x5: {  	s18 =	simm.s32 $0x2;
	s28 =	simm.s32 $0x8;
	s2 =	sand.u32 $0x1, s2  }
0x6: {  	s3 =	sshll.u32 s0, $0x1;
	s6 =	smul.u32 $0x14000, s0;
	[smem:$0x7FF] =	sst s7  }
0x7: {  	s23 =	smul.u32 $0x50000, s0;
	s25 =	sadd.s32 $0x25800, s1;
	s5 =	sor.u32 s2, s3  }
0x8: {  	s3 =	rddreg [dreg:$0x2];
	s19 =	smul.u32 $0x140000, s2;
	_ =	strace $0x8000004D  }
0x9: {  	s9 =	ssub.s32 $0x2, s2;
	p0 =	seq.s32 s2, $0x1;
	[dreg:$0x7] =	wrdreg s25  }
0xa: {  	s5 =	smul.u32 $0x4E2, s5;
	s10 =	sshrl.u32 s9, $0x1;
	s22 =	sshrl.u32 s6, $0x3  }
0xb: {  	s2 =	sadd.s32 $0x12C000, s3;
	s26 =	sshrl.u32 s23, $0x2;
	p2 =	seq.s32 @!p0 s0, $0xF  }
0xc: {  	s7 =	sadd.s32 s6, s19;
	s20 =	ssub.s32 s9, s10;
	s24 =	sadd.s32 s1, s22  }
0xd: {  	s9 =	sadd.s32 $0x138800, s3;
	s19 =	simm.s32 $0x1A220;
	p1 =	por !p2, p0  }
0xe: {  	p2 =	por p2, p0;
	s22 =	simm.s32 $0x7;
	s8 =	sadd.s32 s5, s4  }
0xf: {  	s5 =	sadd.s32 $0x15A00, s4;
	s7 =	sshrl.u32 s7, $0x3;
	[dreg:$0x6] =	wrdreg s24  }
0x10: {  	s12 =	smax.u32 s20, $0x1;
	s24 =	sshrl.u32 @!p1 s2, $0x3;
	s25 =	sshrl.u32 @!p1 s9, $0x3  }
0x11: {  	s2 =	simm.s32 $0x3;
	s20 =	simm.s32 $0x4;
	s21 =	sadd.s32 $0x1E00, s8  }
0x12: {  	s9 =	simm.s32 $0x0;
	s8 =	sadd.s32 $0xBC00, s8;
	[dreg:$0x4] =	wrdreg s21  }
0x13: {  	s4 =	sadd.s32 s7, s4;
	s7 =	simm.s32 $0xA;
	[dreg:$0x5] =	wrdreg s8  }
0x14: {  	s8 =	sadd.s32 s6, s3;
	s6 =	sadd.s32 s26, s3;
	s4 =	sadd.s32 $0x18200, s4  }
0x15: {  	s21 =	simm.s32 $0x1B620;
	s26 =	simm.s32 $0x1CA20;
	[dreg:$0x8] =	wrdreg s4  }
0x16: {  	s23 =	sshrl.u32 @p0 s6, $0x3;
	s4 =	simm.s32 $0x9;
	s6 =	simm.s32 $0x5  }
.LBB2_1:
0x17: {  	s10 =	simm.s32 $0x0;
	s13 =	rddreg [dreg:$0x4];
	s15 =	simm.s32 $0x14000  }
0x18: {  	[tilespmem:s15], [sflag:$0xB] =	stream.linear.gather [hbm4b:s13+s10], $0x2710, $0x38;
	[tilespmem:$0x1F220] =	vst v63  }
0x19: {  	_ =	swait.ge [sflag:s14], $0x2710  }
0x1a: {  	[sflag:s14] =	ssyncset.done $0x0  }
0x1b: {  	s11 =	simm.s32 $0x16710;
	s13 =	rddreg [dreg:$0x5];
	[sflag:s14] =	ssyncadd.s32 $0xFFFFD8F0  }
0x1c: {  	[tilespmem:s11], [sflag:$0xB] =	stream.linear.gather [hbm4b:s13+s10], $0x2710, $0x38;
	[tilespmem:$0x1F220] =	vst v63  }
0x1d: {  	_ =	swait.ge [sflag:s14], $0x2710  }
0x1e: {  	[sflag:s14] =	ssyncset.done $0x0  }
0x1f: {  	[sflag:s14] =	ssyncadd.s32 $0xFFFFD8F0  }
0x20: {  	[tilespmem:s17], [sflag:$0x1] =	stream.indirect.gather [hbm4b:s1+s16], $0x80, s15, s16, $0xb8;
	[tilespmem:$0x1F220] =	vst v63  }
0x21: {  	s13 =	simm.s32 $0x14028  }
0x22: {  	[tilespmem:s19], [sflag:$0x2] =	stream.indirect.gather [hbm4b:s1+s16], $0x80, s13, s16, $0xb8;
	[tilespmem:$0x1F220] =	vst v63  }
0x23: {  	s10 =	sshll.u32 @p0 s0, $0x6;
	s15 =	simm.s32 $0x14050  }
0x24: {  	[tilespmem:s21], [sflag:$0x3] =	stream.indirect.gather [hbm4b:s1+s16], $0x80, s15, s16, $0xb8;
	[tilespmem:$0x1F220] =	vst v63  }
0x25: {  	s10 =	sor.u32 @p0 $0x1C0B, s10;
	s13 =	simm.s32 $0x14078  }
0x26: {  	[tilespmem:s26], [sflag:$0x4] =	stream.indirect.gather [hbm4b:s1+s16], $0x80, s13, s16, $0xb8;
	[tilespmem:$0x1F220] =	vst v63  }
0x27: {  	[spmem:s23], [sflag:s10] =	dma.local @p0 [hbm:s5], $0x2800  }
0x28: {  	s10 =	simm.s32 @p0 $0xB  }
0x29: {  	_ =	swait.ge @p0 [sflag:s10], $0x2800  }
0x2a: {  	[sflag:s10] =	ssyncset.done @p0 $0x0  }
0x2b: {  	s13 =	rddreg [dreg:$0x7];
	[sflag:s10] =	ssyncadd.s32 @p0 $0xFFFFD800;
	s10 =	simm.s32 @!p1 $0x1FCB  }
0x2c: {  	[spmem:s24], [sflag:s10] =	dma.local @!p1 [hbm:s13], $0x1900  }
0x2d: {  	s13 =	simm.s32 @!p1 $0xB  }
0x2e: {  	_ =	swait.ge @!p1 [sflag:s13], $0x1900  }
0x2f: {  	[sflag:s13] =	ssyncset.done @!p1 $0x0  }
0x30: {  	[sflag:s13] =	ssyncadd.s32 @!p1 $0xFFFFE700  }
0x31: {  	[spmem:s25], [sflag:s10] =	dma.local @!p1 [hbm:s5], $0xF00  }
0x32: {  	s10 =	sshll.u32 @!p2 s0, $0x6;
	_ =	swait.ge @!p1 [sflag:s13], $0xF00  }
0x33: {  	s10 =	sor.u32 @!p2 $0x1C0B, s10;
	[sflag:s13] =	ssyncset.done @!p1 $0x0  }
0x34: {  	s15 =	rddreg [dreg:$0x6];
	[sflag:s13] =	ssyncadd.s32 @!p1 $0xFFFFF100;
	s13 =	sshrl.u32 @!p2 s8, $0x3  }
0x35: {  	[spmem:s13], [sflag:s10] =	dma.local @!p2 [hbm:s15], $0x2800  }
0x36: {  	s10 =	simm.s32 @!p2 $0xB  }
0x37: {  	_ =	swait.ge @!p2 [sflag:s10], $0x2800  }
0x38: {  	[sflag:s10] =	ssyncset.done @!p2 $0x0  }
0x39: {  	[sflag:s10] =	ssyncadd.s32 @!p2 $0xFFFFD800  }
0x3a: {  	s15 =	simm.s32 $0x140A0;
	[bflag:$0x0] =	sbarrier.arrive $0xFFFF  }
0x3b: {  	[tilespmem:s29], [sflag:$0x5] =	stream.indirect.gather [hbm4b:s1+s16], $0x80, s15, s16, $0xb8;
	[tilespmem:$0x1F220] =	vst v63  }
0x3c: {  	_ =	swait.ge [sflag:s30], $0x1400  }
0x3d: {  	[sflag:s30] =	ssyncset.done $0x0  }
0x3e: {  	[sflag:s30] =	ssyncadd.s32 $0xFFFFEC00  }
0x3f: {  	[spmem:s3] =	stream.indirect.scatter.add.f32 [tilespmem:s17], [sflag:$0x6], $0x80, s11, s16, $0xb8;
	[tilespmem:$0x1F220] =	vst v63  }
0x40: {  	_ =	swait.ge [sflag:s31], $0x1400  }
0x41: {  	[sflag:s31] =	ssyncset.done $0x0  }
0x42: {  	s13 =	simm.s32 $0x140C8;
	[sflag:s31] =	ssyncadd.s32 $0xFFFFEC00  }
0x43: {  	[tilespmem:s17], [sflag:$0x1] =	stream.indirect.gather [hbm4b:s1+s16], $0x80, s13, s16, $0xb8;
	[tilespmem:$0x1F220] =	vst v63  }
0x44: {  	_ =	swait.ge [sflag:s18], $0x1400  }
0x45: {  	[sflag:s18] =	ssyncset.done $0x0  }
0x46: {  	s15 =	simm.s32 $0x16738;
	[sflag:s18] =	ssyncadd.s32 $0xFFFFEC00  }
0x47: {  	[spmem:s3] =	stream.indirect.scatter.add.f32 [tilespmem:s19], [sflag:$0x7], $0x80, s15, s16, $0xb8;
	[tilespmem:$0x1F220] =	vst v63  }
0x48: {  	_ =	swait.ge [sflag:s22], $0x1400  }
0x49: {  	[sflag:s22] =	ssyncset.done $0x0  }
0x4a: {  	s11 =	simm.s32 $0x140F0;
	[sflag:s22] =	ssyncadd.s32 $0xFFFFEC00  }
0x4b: {  	[tilespmem:s19], [sflag:$0x2] =	stream.indirect.gather [hbm4b:s1+s16], $0x80, s11, s16, $0xb8;
	[tilespmem:$0x1F220] =	vst v63  }
0x4c: {  	_ =	swait.ge [sflag:s2], $0x1400  }
0x4d: {  	[sflag:s2] =	ssyncset.done $0x0  }
0x4e: {  	s13 =	simm.s32 $0x16760;
	[sflag:s2] =	ssyncadd.s32 $0xFFFFEC00  }
0x4f: {  	[spmem:s3] =	stream.indirect.scatter.add.f32 [tilespmem:s21], [sflag:$0x8], $0x80, s13, s16, $0xb8;
	[tilespmem:$0x1F220] =	vst v63  }
0x50: {  	_ =	swait.ge [sflag:s28], $0x1400  }
0x51: {  	[sflag:s28] =	ssyncset.done $0x0  }
0x52: {  	s15 =	simm.s32 $0x14118;
	[sflag:s28] =	ssyncadd.s32 $0xFFFFEC00  }
0x53: {  	[tilespmem:s21], [sflag:$0x3] =	stream.indirect.gather [hbm4b:s1+s16], $0x80, s15, s16, $0xb8;
	[tilespmem:$0x1F220] =	vst v63  }
0x54: {  	_ =	swait.ge [sflag:s20], $0x1400  }
0x55: {  	[sflag:s20] =	ssyncset.done $0x0  }
0x56: {  	s11 =	simm.s32 $0x16788;
	[sflag:s20] =	ssyncadd.s32 $0xFFFFEC00  }
0x57: {  	[spmem:s3] =	stream.indirect.scatter.add.f32 [tilespmem:s26], [sflag:$0x9], $0x80, s11, s16, $0xb8;
	[tilespmem:$0x1F220] =	vst v63  }
0x58: {  	_ =	swait.ge [sflag:s4], $0x1400  }
0x59: {  	[sflag:s4] =	ssyncset.done $0x0  }
0x5a: {  	s13 =	simm.s32 $0x14140;
	[sflag:s4] =	ssyncadd.s32 $0xFFFFEC00  }
0x5b: {  	[tilespmem:s26], [sflag:$0x4] =	stream.indirect.gather [hbm4b:s1+s16], $0x80, s13, s16, $0xb8;
	[tilespmem:$0x1F220] =	vst v63  }
0x5c: {  	_ =	swait.ge [sflag:s6], $0x1400  }
0x5d: {  	[sflag:s6] =	ssyncset.done $0x0  }
0x5e: {  	s15 =	simm.s32 $0x167B0;
	[sflag:s6] =	ssyncadd.s32 $0xFFFFEC00  }
0x5f: {  	[spmem:s3] =	stream.indirect.scatter.add.f32 [tilespmem:s29], [sflag:$0xA], $0x80, s15, s16, $0xb8;
	[tilespmem:$0x1F220] =	vst v63  }
0x60: {  	_ =	swait.ge [sflag:s7], $0x1400  }
0x61: {  	[sflag:s7] =	ssyncset.done $0x0  }
0x62: {  	s11 =	simm.s32 $0x14168;
	[sflag:s7] =	ssyncadd.s32 $0xFFFFEC00  }
0x63: {  	[tilespmem:s29], [sflag:$0x5] =	stream.indirect.gather [hbm4b:s1+s16], $0x80, s11, s16, $0xb8;
	[tilespmem:$0x1F220] =	vst v63  }
0x64: {  	_ =	swait.ge [sflag:s30], $0x1400  }
0x65: {  	[sflag:s30] =	ssyncset.done $0x0  }
0x66: {  	s13 =	simm.s32 $0x167D8;
	[sflag:s30] =	ssyncadd.s32 $0xFFFFEC00  }
0x67: {  	[spmem:s3] =	stream.indirect.scatter.add.f32 [tilespmem:s17], [sflag:$0x6], $0x80, s13, s16, $0xb8;
	[tilespmem:$0x1F220] =	vst v63  }
0x68: {  	_ =	swait.ge [sflag:s31], $0x1400  }
0x69: {  	[sflag:s31] =	ssyncset.done $0x0  }
0x6a: {  	s15 =	simm.s32 $0x14190;
	[sflag:s31] =	ssyncadd.s32 $0xFFFFEC00  }
0x6b: {  	[tilespmem:s17], [sflag:$0x1] =	stream.indirect.gather [hbm4b:s1+s16], $0x80, s15, s16, $0xb8;
	[tilespmem:$0x1F220] =	vst v63  }
0x6c: {  	_ =	swait.ge [sflag:s18], $0x1400  }
0x6d: {  	[sflag:s18] =	ssyncset.done $0x0  }
0x6e: {  	s11 =	simm.s32 $0x16800;
	[sflag:s18] =	ssyncadd.s32 $0xFFFFEC00  }
0x6f: {  	[spmem:s3] =	stream.indirect.scatter.add.f32 [tilespmem:s19], [sflag:$0x7], $0x80, s11, s16, $0xb8;
	[tilespmem:$0x1F220] =	vst v63  }
0x70: {  	_ =	swait.ge [sflag:s22], $0x1400  }
0x71: {  	[sflag:s22] =	ssyncset.done $0x0  }
0x72: {  	s13 =	simm.s32 $0x141B8;
	[sflag:s22] =	ssyncadd.s32 $0xFFFFEC00  }
0x73: {  	[tilespmem:s19], [sflag:$0x2] =	stream.indirect.gather [hbm4b:s1+s16], $0x80, s13, s16, $0xb8;
	[tilespmem:$0x1F220] =	vst v63  }
0x74: {  	_ =	swait.ge [sflag:s2], $0x1400  }
0x75: {  	[sflag:s2] =	ssyncset.done $0x0  }
0x76: {  	s15 =	simm.s32 $0x16828;
	[sflag:s2] =	ssyncadd.s32 $0xFFFFEC00  }
0x77: {  	[spmem:s3] =	stream.indirect.scatter.add.f32 [tilespmem:s21], [sflag:$0x8], $0x80, s15, s16, $0xb8;
	[tilespmem:$0x1F220] =	vst v63  }
0x78: {  	_ =	swait.ge [sflag:s28], $0x1400  }
0x79: {  	[sflag:s28] =	ssyncset.done $0x0  }
0x7a: {  	s11 =	simm.s32 $0x141E0;
	[sflag:s28] =	ssyncadd.s32 $0xFFFFEC00  }
0x7b: {  	[tilespmem:s21], [sflag:$0x3] =	stream.indirect.gather [hbm4b:s1+s16], $0x80, s11, s16, $0xb8;
	[tilespmem:$0x1F220] =	vst v63  }
0x7c: {  	_ =	swait.ge [sflag:s20], $0x1400  }
0x7d: {  	[sflag:s20] =	ssyncset.done $0x0  }
0x7e: {  	s13 =	simm.s32 $0x16850;
	[sflag:s20] =	ssyncadd.s32 $0xFFFFEC00  }
0x7f: {  	[spmem:s3] =	stream.indirect.scatter.add.f32 [tilespmem:s26], [sflag:$0x9], $0x80, s13, s16, $0xb8;
	[tilespmem:$0x1F220] =	vst v63  }
0x80: {  	_ =	swait.ge [sflag:s4], $0x1400  }
0x81: {  	[sflag:s4] =	ssyncset.done $0x0  }
0x82: {  	s15 =	simm.s32 $0x14208;
	[sflag:s4] =	ssyncadd.s32 $0xFFFFEC00  }
0x83: {  	[tilespmem:s26], [sflag:$0x4] =	stream.indirect.gather [hbm4b:s1+s16], $0x80, s15, s16, $0xb8;
	[tilespmem:$0x1F220] =	vst v63  }
0x84: {  	_ =	swait.ge [sflag:s6], $0x1400  }
0x85: {  	[sflag:s6] =	ssyncset.done $0x0  }
0x86: {  	s10 =	simm.s32 $0x320;
	s13 =	simm.s32 $0x16878;
	[sflag:s6] =	ssyncadd.s32 $0xFFFFEC00  }
.LBB2_2:
0x87: {  	[spmem:s3] =	stream.indirect.scatter.add.f32 [tilespmem:s29], [sflag:$0xA], $0x80, s13, s16, $0xb8;
	[tilespmem:$0x1F220] =	vst v63  }
0x88: {  	s13 =	smov.u32 s10  }
0x89: {  	p3 =	sne.s32 s10, $0x92E0;
	s10 =	sadd.s32 $0x320, s10;
	_ =	swait.ge [sflag:s7], $0x1400  }
0x8a: {  	s13 =	sshra.s32 s13, $0x2;
	[sflag:s7] =	ssyncset.done $0x0  }
0x8b: {  	s15 =	sadd.s32 $0x14168, s13;
	[sflag:s7] =	ssyncadd.s32 $0xFFFFEC00  }
0x8c: {  	[tilespmem:s29], [sflag:$0x5] =	stream.indirect.gather [hbm4b:s1+s16], $0x80, s15, s16, $0xb8;
	[tilespmem:$0x1F220] =	vst v63  }
0x8d: {  	_ =	swait.ge [sflag:s30], $0x1400  }
0x8e: {  	[sflag:s30] =	ssyncset.done $0x0  }
0x8f: {  	s15 =	sadd.s32 $0x167D8, s13;
	[sflag:s30] =	ssyncadd.s32 $0xFFFFEC00  }
0x90: {  	[spmem:s3] =	stream.indirect.scatter.add.f32 [tilespmem:s17], [sflag:$0x6], $0x80, s15, s16, $0xb8;
	[tilespmem:$0x1F220] =	vst v63  }
0x91: {  	_ =	swait.ge [sflag:s31], $0x1400  }
0x92: {  	[sflag:s31] =	ssyncset.done $0x0  }
0x93: {  	s15 =	sadd.s32 $0x14190, s13;
	[sflag:s31] =	ssyncadd.s32 $0xFFFFEC00  }
0x94: {  	[tilespmem:s17], [sflag:$0x1] =	stream.indirect.gather [hbm4b:s1+s16], $0x80, s15, s16, $0xb8;
	[tilespmem:$0x1F220] =	vst v63  }
0x95: {  	_ =	swait.ge [sflag:s18], $0x1400  }
0x96: {  	[sflag:s18] =	ssyncset.done $0x0  }
0x97: {  	s15 =	sadd.s32 $0x16800, s13;
	[sflag:s18] =	ssyncadd.s32 $0xFFFFEC00  }
0x98: {  	[spmem:s3] =	stream.indirect.scatter.add.f32 [tilespmem:s19], [sflag:$0x7], $0x80, s15, s16, $0xb8;
	[tilespmem:$0x1F220] =	vst v63  }
0x99: {  	_ =	swait.ge [sflag:s22], $0x1400  }
0x9a: {  	[sflag:s22] =	ssyncset.done $0x0  }
0x9b: {  	s15 =	sadd.s32 $0x141B8, s13;
	[sflag:s22] =	ssyncadd.s32 $0xFFFFEC00  }
0x9c: {  	[tilespmem:s19], [sflag:$0x2] =	stream.indirect.gather [hbm4b:s1+s16], $0x80, s15, s16, $0xb8;
	[tilespmem:$0x1F220] =	vst v63  }
0x9d: {  	_ =	swait.ge [sflag:s2], $0x1400  }
0x9e: {  	[sflag:s2] =	ssyncset.done $0x0  }
0x9f: {  	s15 =	sadd.s32 $0x16828, s13;
	[sflag:s2] =	ssyncadd.s32 $0xFFFFEC00  }
0xa0: {  	[spmem:s3] =	stream.indirect.scatter.add.f32 [tilespmem:s21], [sflag:$0x8], $0x80, s15, s16, $0xb8;
	[tilespmem:$0x1F220] =	vst v63  }
0xa1: {  	_ =	swait.ge [sflag:s28], $0x1400  }
0xa2: {  	[sflag:s28] =	ssyncset.done $0x0  }
0xa3: {  	s15 =	sadd.s32 $0x141E0, s13;
	[sflag:s28] =	ssyncadd.s32 $0xFFFFEC00  }
0xa4: {  	[tilespmem:s21], [sflag:$0x3] =	stream.indirect.gather [hbm4b:s1+s16], $0x80, s15, s16, $0xb8;
	[tilespmem:$0x1F220] =	vst v63  }
0xa5: {  	_ =	swait.ge [sflag:s20], $0x1400  }
0xa6: {  	[sflag:s20] =	ssyncset.done $0x0  }
0xa7: {  	s15 =	sadd.s32 $0x16850, s13;
	[sflag:s20] =	ssyncadd.s32 $0xFFFFEC00  }
0xa8: {  	[spmem:s3] =	stream.indirect.scatter.add.f32 [tilespmem:s26], [sflag:$0x9], $0x80, s15, s16, $0xb8;
	[tilespmem:$0x1F220] =	vst v63  }
0xa9: {  	_ =	swait.ge [sflag:s4], $0x1400  }
0xaa: {  	[sflag:s4] =	ssyncset.done $0x0  }
.Ltmp0:
0xab: {  	s15 =	sadd.s32 $0x14208, s13;
	[sflag:s4] =	ssyncadd.s32 $0xFFFFEC00;
	(pc) =	sbr.rel @p3 .LBB2_2-.Ltmp0, $4  }
0xac: {  	[tilespmem:s26], [sflag:$0x4] =	stream.indirect.gather [hbm4b:s1+s16], $0x80, s15, s16, $0xb8;
	[tilespmem:$0x1F220] =	vst v63  }
0xad: {  	_ =	swait.ge [sflag:s6], $0x1400  }
0xae: {  	[sflag:s6] =	ssyncset.done $0x0  }
0xaf: {  	s13 =	sadd.s32 $0x16878, s13;
	[sflag:s6] =	ssyncadd.s32 $0xFFFFEC00  }
0xb0: {  	[spmem:s3] =	stream.indirect.scatter.add.f32 [tilespmem:s29], [sflag:$0xA], $0x80, s13, s16, $0xb8;
	[tilespmem:$0x1F220] =	vst v63  }
0xb1: {  	_ =	swait.ge [sflag:s7], $0x1400  }
0xb2: {  	[sflag:s7] =	ssyncset.done $0x0  }
0xb3: {  	s10 =	simm.s32 $0x166E8;
	[sflag:s7] =	ssyncadd.s32 $0xFFFFEC00  }
0xb4: {  	[tilespmem:s29], [sflag:$0x5] =	stream.indirect.gather [hbm4b:s1+s16], $0x80, s10, s16, $0xb8;
	[tilespmem:$0x1F220] =	vst v63  }
0xb5: {  	_ =	swait.ge [sflag:s30], $0x1400  }
0xb6: {  	[sflag:s30] =	ssyncset.done $0x0  }
0xb7: {  	s15 =	simm.s32 $0x18D58;
	[sflag:s30] =	ssyncadd.s32 $0xFFFFEC00  }
0xb8: {  	[spmem:s3] =	stream.indirect.scatter.add.f32 [tilespmem:s17], [sflag:$0x6], $0x80, s15, s16, $0xb8;
	[tilespmem:$0x1F220] =	vst v63  }
0xb9: {  	_ =	swait.ge [sflag:s31], $0x1400  }
0xba: {  	[sflag:s31] =	ssyncset.done $0x0  }
0xbb: {  	[sflag:s31] =	ssyncadd.s32 $0xFFFFEC00  }
0xbc: {  	_ =	swait.ge [sflag:s18], $0x1400  }
0xbd: {  	[sflag:s18] =	ssyncset.done $0x0  }
0xbe: {  	s11 =	simm.s32 $0x18D80;
	[sflag:s18] =	ssyncadd.s32 $0xFFFFEC00  }
0xbf: {  	[spmem:s3] =	stream.indirect.scatter.add.f32 [tilespmem:s19], [sflag:$0x7], $0x80, s11, s16, $0xb8;
	[tilespmem:$0x1F220] =	vst v63  }
0xc0: {  	_ =	swait.ge [sflag:s22], $0x1400  }
0xc1: {  	[sflag:s22] =	ssyncset.done $0x0  }
0xc2: {  	[sflag:s22] =	ssyncadd.s32 $0xFFFFEC00  }
0xc3: {  	_ =	swait.ge [sflag:s2], $0x1400  }
0xc4: {  	[sflag:s2] =	ssyncset.done $0x0  }
0xc5: {  	s13 =	simm.s32 $0x18DA8;
	[sflag:s2] =	ssyncadd.s32 $0xFFFFEC00  }
0xc6: {  	[spmem:s3] =	stream.indirect.scatter.add.f32 [tilespmem:s21], [sflag:$0x8], $0x80, s13, s16, $0xb8;
	[tilespmem:$0x1F220] =	vst v63  }
0xc7: {  	_ =	swait.ge [sflag:s28], $0x1400  }
0xc8: {  	[sflag:s28] =	ssyncset.done $0x0  }
0xc9: {  	[sflag:s28] =	ssyncadd.s32 $0xFFFFEC00  }
0xca: {  	_ =	swait.ge [sflag:s20], $0x1400  }
0xcb: {  	[sflag:s20] =	ssyncset.done $0x0  }
0xcc: {  	s15 =	simm.s32 $0x18DD0;
	[sflag:s20] =	ssyncadd.s32 $0xFFFFEC00  }
0xcd: {  	[spmem:s3] =	stream.indirect.scatter.add.f32 [tilespmem:s26], [sflag:$0x9], $0x80, s15, s16, $0xb8;
	[tilespmem:$0x1F220] =	vst v63  }
0xce: {  	_ =	swait.ge [sflag:s4], $0x1400  }
0xcf: {  	[sflag:s4] =	ssyncset.done $0x0  }
0xd0: {  	[sflag:s4] =	ssyncadd.s32 $0xFFFFEC00  }
0xd1: {  	_ =	swait.ge [sflag:s6], $0x1400  }
0xd2: {  	[sflag:s6] =	ssyncset.done $0x0  }
0xd3: {  	s11 =	simm.s32 $0x18DF8;
	[sflag:s6] =	ssyncadd.s32 $0xFFFFEC00  }
0xd4: {  	[spmem:s3] =	stream.indirect.scatter.add.f32 [tilespmem:s29], [sflag:$0xA], $0x80, s11, s16, $0xb8;
	[tilespmem:$0x1F220] =	vst v63  }
0xd5: {  	_ =	swait.ge [sflag:s7], $0x1400  }
0xd6: {  	[sflag:s7] =	ssyncset.done $0x0  }
0xd7: {  	s9 =	sadd.s32 $0x1, s9;
	s13 =	sshll.u32 s0, $0x6;
	[sflag:s7] =	ssyncadd.s32 $0xFFFFEC00  }
0xd8: {  	p3 =	sne.s32 s9, s12;
	s10 =	sor.u32 $0x1C0B, s13;
	[bflag:$0x0] =	sbarrier.arrive $0xFFFF  }
.Ltmp1:
0xd9: {  	s15 =	sshrl.u32 s8, $0x3;
	s11 =	rddreg [dreg:$0x8];
	(pc) =	sbr.rel @p3 .LBB2_1-.Ltmp1, $4  }
0xda: {  	[hbm:s11], [sflag:s10] =	dma.local [spmem:s15], $0x2800  }
0xdb: {  	_ =	swait.ge [sflag:s14], $0x2800  }
0xdc: {  	[sflag:s14] =	ssyncset.done $0x0  }
0xdd: {  	[sflag:s14] =	ssyncadd.s32 $0xFFFFD800  }
0xde: {  	_ =	sfence.sel $0x180000  }
0xdf: {  	[bflag:$0x0] =	sbarrier.arrive $0xFFFF  }
0xe0: {  	_ =	strace $0x9000004D  }
0xe1: {  	[bflag:$0x2] =	sbarrier.arrive $0xFFFF  }
0xe2: {  	p0 =	sne.s32 s0, $0x0;
	s0 =	rddreg [dreg:$0x3]  }
0xe3: {  	s0 =	sadd.s32 @!p0 $0x100000, s0  }
0xe4: {  	[sflag:s0] =	ssyncadd.tile.s32 @!p0 $0x1;
	_ =	shalt  }
.Lfunc_end2:
_tile_overlayer_lowered:
.L_overlay_start_2:
0xe5: {  	(tag) =	ssettag $0x2  }
0xe6: {  	s0 =	rddreg [dreg:$0x0];
	s2 =	stileid.u32  }
0xe7: {  	s1 =	rddreg [dreg:$0x1];
	p0 =	sne.s32 s2, $0x0  }
0xe8: {  	s3 =	rddreg [dreg:$0x2];
	[bflag:$0x3] =	sbarrier.arrive $0xFFFF;
	s2 =	simm.s32 @!p0 $0x1C0B  }
0xe9: {  	[timem:s3], [sflag:s2] =	dma.local @!p0 [hbm:s0], s1  }
0xea: {  	s0 =	simm.s32 @!p0 $0xB  }
0xeb: {  	_ =	swait.ge @!p0 [sflag:s0], s1  }
0xec: {  	s1 =	ssub.s32 @!p0 $0x0, s1;
	[sflag:s0] =	ssyncset.done @!p0 $0x0  }
0xed: {  	[sflag:s0] =	ssyncadd.s32 @!p0 s1  }
0xee: {  	[bflag:$0x3] =	sbarrier.arrive $0xFFFF  }
0xef: {  	_ =	shalt  }

// kernel: kernel.8.cloned.1.call-start
scs
__scs_entry_jumppad:
0x0: {  	(pc) =	sbr.rel $0x88, $3  }
0x1: {  	(tag) =	ssettag $0x0;
	lr =	simm.s32 $0x1  }
0x2: {  	[smem:$0x3F9B] =	sst lr;
	_ =	strace $0xD0000000  }
0x3: {  	_ = 	snop  }
0x4: {  	_ = 	snop  }
0x5: {  	_ = 	snop  }
0x6: {  	_ = 	snop  }
0x7: {  	_ = 	snop  }
__scs_overlays_trampoline_lowered:
0x8: {  	[smem:$0x3FAA] =	sst s0  }
0x9: {  	[smem:$0x3FAB] =	sst s1  }
0xa: {  	[smem:$0x3FAC] =	sst s2  }
0xb: {  	[smem:$0x3FAD] =	sst s3  }
0xc: {  	[smem:$0x3FAE] =	sst s4  }
0xd: {  	[smem:$0x3FAF] =	sst s5  }
0xe: {  	[smem:$0x3FB0] =	sst s6  }
0xf: {  	[smem:$0x3FB1] =	sst s7  }
0x10: {  	[smem:$0x3FB2] =	sst s8  }
0x11: {  	[smem:$0x3FB3] =	sst s9;
	s0 =	simm.s32 @!p0 $0x0  }
0x12: {  	s1 =	sld [smem:$0x3F99];
	s0 =	simm.s32 @p0 $0x1  }
0x13: {  	[smem:$0x3FB4] =	sst s0;
	s0 =	simm.s32 @!p1 $0x0  }
0x14: {  	s2 =	sld [smem:$0x3F98];
	s0 =	simm.s32 @p1 $0x1  }
0x15: {  	[smem:$0x3FB5] =	sst s0;
	s0 =	simm.s32 @!p2 $0x0  }
0x16: {  	s3 =	sld [smem:$0x3FDB];
	s0 =	simm.s32 @p2 $0x1  }
0x17: {  	s4 =	simm.s32 $0x1BF5;
	[smem:$0x3FB7] =	sst s0  }
0x18: {  	s0 =	sld [smem:$0x3F9A];
	_ =	swait.ge [sflag:s4], $0x0  }
0x19: {  	s7 =	sld [smem:$0x3F9B]  }
0x1a: {  	s8 =	sadd.s32 $0xFFFFE003, lr  }
0x1b: {  	s9 =	sadd.s32 $0xFFFFFEF7, lr;
	s5 =	simm.s32 $0xFFFFFFFF;
	p2 =	slt.u32 s8, $0xFFFFF086  }
0x1c: {  	p1 =	slt.u32 s9, $0xF7A;
	s5 =	simm.s32 @!p2 $0x0  }
0x1d: {  	s5 =	simm.s32 @p1 $0x1;
	p0 =	seq.s32 s7, s2  }
0x1e: {  	s7 =	smul.u32 @!p0 $0xF7A, s2;
	p2 =	seq.s32 @!p0 s5, $0x0  }
0x1f: {  	s9 =	smul.u32 $0xF7A, s1;
	s8 =	simm.s32 @!p0 $0x1BF5;
	p2 =	por !p2, p0  }
0x20: {  	[sflag:s8] =	ssyncset.s32 @!p0 $0xFFFFF086;
	s6 =	sadd.s32 @!p0 s3, s7;
	s7 =	simm.s32 @!p0 $0x108  }
0x21: {  	s3 =	sadd.s32 s3, s9;
	s6 =	sadd.s32 @!p0 $0x88, s6;
	s7 =	simm.s32 @p2 $0x1082  }
0x22: {  	[simem:s7], [sflag:s8] =	dma.local @!p0 [hbm:s6], $0xF7A  }
0x23: {  	s9 =	sor.u32 $0xD0000000, s2;
	s6 =	simm.s32 $0x108;
	_ =	swait.ge @!p0 [sflag:s8], $0x0  }
0x24: {  	s3 =	sadd.s32 $0x88, s3;
	s6 =	simm.s32 @!p1 $0x1082;
	[sflag:s4] =	ssyncset.s32 $0xFFFFF086  }
0x25: {  	[simem:s6], [sflag:s4] =	dma.local [hbm:s3], $0xF7A  }
0x26: {  	[smem:$0x3F9B] =	sst s1;
	(tag) =	ssettag s2;
	_ =	strace s9  }
0x27: {  	s1 =	sld [smem:$0x3FAB]  }
0x28: {  	s2 =	sld [smem:$0x3FAC]  }
0x29: {  	s4 =	sld [smem:$0x3FAE]  }
0x2a: {  	p0 =	seq.s32 s5, $0x0;
	s5 =	sld [smem:$0x3FAF]  }
0x2b: {  	s6 =	sld [smem:$0x3FB0]  }
0x2c: {  	s7 =	sld [smem:$0x3FB1]  }
0x2d: {  	s3 =	simm.s32 $0x108;
	s8 =	sld [smem:$0x3FB2]  }
0x2e: {  	s3 =	simm.s32 @!p0 $0x1082;
	s9 =	sld [smem:$0x3FB3]  }
0x2f: {  	lr =	sadd.s32 s0, s3;
	s0 =	sld [smem:$0x3FAA]  }
0x30: {  	s3 =	sld [smem:$0x3FAD]  }
0x31: {  	[smem:$0x3FB6] =	sst s10  }
0x32: {  	s10 =	sld [smem:$0x3FB4];
	_ =	sdelay $0x3  }
0x33: {  	p0 =	seq.s32 s10, $0x1;
	s10 =	sld [smem:$0x3FB6];
	_ =	sdelay $0x3  }
0x34: {  	[smem:$0x3FB6] =	sst s10  }
0x35: {  	s10 =	sld [smem:$0x3FB5];
	_ =	sdelay $0x3  }
0x36: {  	p1 =	seq.s32 s10, $0x1;
	s10 =	sld [smem:$0x3FB6];
	_ =	sdelay $0x3  }
0x37: {  	[smem:$0x3FB6] =	sst s10  }
0x38: {  	s10 =	sld [smem:$0x3FB7]  }
0x39: {  	_ = 	snop;
	(pc) =	sbr.ind lr, $3  }
0x3a: {  	_ = 	snop  }
0x3b: {  	_ = 	snop  }
0x3c: {  	p2 =	seq.s32 s10, $0x1;
	s10 =	sld [smem:$0x3FB6]  }
0x3d: {  	_ =	shalt  }
0x3e: {  	_ =	shalt  }
0x3f: {  	_ =	shalt  }
0x40: {  	_ =	shalt  }
0x41: {  	_ =	shalt  }
0x42: {  	_ =	shalt  }
0x43: {  	_ =	shalt  }
0x44: {  	_ =	shalt  }
0x45: {  	_ =	shalt  }
0x46: {  	_ =	shalt  }
0x47: {  	_ =	shalt  }
0x48: {  	_ =	shalt  }
0x49: {  	_ =	shalt  }
0x4a: {  	_ =	shalt  }
0x4b: {  	_ =	shalt  }
0x4c: {  	_ =	shalt  }
0x4d: {  	_ =	shalt  }
0x4e: {  	_ =	shalt  }
0x4f: {  	_ =	shalt  }
0x50: {  	_ =	shalt  }
0x51: {  	_ =	shalt  }
0x52: {  	_ =	shalt  }
0x53: {  	_ =	shalt  }
0x54: {  	_ =	shalt  }
0x55: {  	_ =	shalt  }
0x56: {  	_ =	shalt  }
0x57: {  	_ =	shalt  }
0x58: {  	_ =	shalt  }
0x59: {  	_ =	shalt  }
0x5a: {  	_ =	shalt  }
0x5b: {  	_ =	shalt  }
0x5c: {  	_ =	shalt  }
0x5d: {  	_ =	shalt  }
0x5e: {  	_ =	shalt  }
0x5f: {  	_ =	shalt  }
0x60: {  	_ =	shalt  }
0x61: {  	_ =	shalt  }
0x62: {  	_ =	shalt  }
0x63: {  	_ =	shalt  }
0x64: {  	_ =	shalt  }
0x65: {  	_ =	shalt  }
0x66: {  	_ =	shalt  }
0x67: {  	_ =	shalt  }
0x68: {  	_ =	shalt  }
0x69: {  	_ =	shalt  }
0x6a: {  	_ =	shalt  }
0x6b: {  	_ =	shalt  }
0x6c: {  	_ =	shalt  }
0x6d: {  	_ =	shalt  }
0x6e: {  	_ =	shalt  }
0x6f: {  	_ =	shalt  }
0x70: {  	_ =	shalt  }
0x71: {  	_ =	shalt  }
0x72: {  	_ =	shalt  }
0x73: {  	_ =	shalt  }
0x74: {  	_ =	shalt  }
0x75: {  	_ =	shalt  }
0x76: {  	_ =	shalt  }
0x77: {  	_ =	shalt  }
0x78: {  	_ =	shalt  }
0x79: {  	_ =	shalt  }
0x7a: {  	_ =	shalt  }
0x7b: {  	_ =	shalt  }
0x7c: {  	_ =	shalt  }
0x7d: {  	_ =	shalt  }
0x7e: {  	_ =	shalt  }
0x7f: {  	_ =	shalt  }
0x80: {  	_ =	shalt  }
0x81: {  	_ =	shalt  }
0x82: {  	_ =	shalt  }
0x83: {  	_ =	shalt  }
0x84: {  	_ =	shalt  }
0x85: {  	_ =	shalt  }
0x86: {  	_ =	shalt  }
0x87: {  	_ =	shalt  }
.Lfunc_end0:
.L_simem_size_0:
called_computation_lowered:
.L_overlay_start_0:
0x88: {  	s2 =	sld [smem:$0x3FD9]  }
0x89: {  	s3 =	sld [smem:$0x3FFE];
	_ =	sdelay $0x1  }
0x8a: {  	s1 =	srdreg.scid  }
0x8b: {  	s0 =	sand.u32 $0x1, s1  }
0x8c: {  	s17 =	sshll.u32 s0, $0xA;
	s2 =	sadd.s32 s3, s2  }
0x8d: {  	s2 =	sadd.s32 s2, s17  }
0x8e: {  	[smem:$0x3FC2] =	sst s2  }
0x8f: {  	_ = 	snop  }
0x90: {  	s2 =	sld [smem:$0x3FD0];
	(tm) =	ssettm $0x1  }
0x91: {  	s18 =	sld [smem:$0x3FFB];
	_ =	sdelay $0x3  }
0x92: {  	_ =	strace s18  }
0x93: {  	s3 =	sld [smem:$0x3FFC];
	_ =	sdelay $0x3  }
0x94: {  	_ =	strace s3  }
0x95: {  	s3 =	sld [smem:$0x3FFD];
	_ =	sdelay $0x3  }
0x96: {  	_ =	strace s3  }
0x97: {  	_ =	strace $0x8FFFFFFF  }
0x98: {  	s19 =	sld [smem:$0x3FDB];
	_ =	sdelay $0x1  }
0x99: {  	s4 =	simm.s32 $_scs_section_size  }
0x9a: {  	s5 =	simm.s32 $_size__tile_overlayer_lowered;
	s6 =	simm.s32 $_tile_overlayer_lowered  }
0x9b: {  	s22 =	simm.s32 $0x1BFF;
	s21 =	sshll.u32 s6, $0x1;
	s3 =	sadd.s32 s4, s19  }
0x9c: {  	s7 =	simm.s32 $0x0;
	s20 =	sshll.u32 s5, $0x1;
	s5 =	sadd.s32 s21, s3  }
0x9d: {  	[timem:s7], [sflag:s22] =	dma.local [hbm:s5], s20  }
0x9e: {  	_ =	swait.ge [sflag:s22], s20  }
0x9f: {  	s4 =	ssub.s32 $0x0, s20;
	[sflag:s22] =	ssyncset.done $0x0  }
0xa0: {  	[sflag:s22] =	ssyncadd.s32 s4;
	_ =	sdelay $0x1  }
0xa1: {  	s23 =	simm.s32 $0x1B8B  }
0xa2: {  	_ =	swait.ge [sflag:s23], $0x1  }
0xa3: {  	[sflag:s23] =	ssyncset.done $0x0  }
0xa4: {  	s25 =	simm.s32 $0x1B8E;
	s24 =	sld [smem:$0x3FFE];
	[sflag:s23] =	ssyncadd.s32 $0xFFFFFFFF  }
0xa5: {  	s26 =	simm.s32 $execute0_lowered;
	[smem:$0x3FD2] =	sst s25  }
0xa6: {  	s5 =	sshll.u32 s26, $0x1;
	_ =	strace $0x80000046;
	[dreg:$0x1] =	wrdreg $0xFFFFFFFF  }
0xa7: {  	s28 =	simm.s32 $_size_execute0_lowered;
	s3 =	sadd.s32 s3, s5;
	[dreg:$0x0] =	wrdreg $0x0  }
0xa8: {  	s5 =	sshll.u32 s28, $0x1;
	[dreg:$0x2] =	wrdreg s3  }
0xa9: {  	[dreg:$0x3] =	wrdreg s5  }
0xaa: {  	[dreg:$0x4] =	wrdreg $0xC0  }
0xab: {  	_ =	task [dreg:s7], $0x5FFFF  }
0xac: {  	[dreg:$0x1] =	wrdreg $0xFFFFFFFF  }
0xad: {  	[dreg:$0x0] =	wrdreg $0x60  }
0xae: {  	[dreg:$0x2] =	wrdreg s24  }
0xaf: {  	[dreg:$0x3] =	wrdreg s2  }
0xb0: {  	[dreg:$0x4] =	wrdreg $0x0  }
0xb1: {  	[dreg:$0x5] =	wrdreg $0x9  }
0xb2: {  	_ =	task.clear_ibuf [dreg:s7], $0x6FFFF;
	_ =	strace $0x90000046  }
0xb3: {  	s29 =	simm.s32 $0x9;
	_ =	strace $0x80000048  }
0xb4: {  	_ =	swait.ge [sflag:s29], $0x1  }
0xb5: {  	[sflag:s29] =	ssyncadd.s32 $0xFFFFFFFF  }
0xb6: {  	_ =	strace $0x90000048  }
0xb7: {  	_ =	sfence  }
0xb8: {  	s30 =	sld [smem:$0x0];
	_ =	sdelay $0x2  }
0xb9: {  	s31 =	sshll.u32 s1, $0xD;
	s1 =	sshrl.u32 s1, $0x2  }
0xba: {  	s3 =	sand.u32 $0x4000, s31;
	s1 =	sadd.s32 s1, s30  }
0xbb: {  	s0 =	sor.u32 s3, s0;
	s1 =	sshll.u32 s1, $0x11  }
0xbc: {  	s0 =	sor.u32 s1, s0  }
0xbd: {  	s0 =	sadd.s32 $0x8F2B, s0  }
0xbe: {  	[sflag:s0] =	ssyncadd.remote.s32 $0x1  }
0xbf: {  	_ =	sfence.sel $0xFFFF  }
0xc0: {  	[dreg:$0x0] =	wrdreg $0xFFFFFFFF;
	(pc) =	sbr.abs _section_cstart, $3  }
0xc1: {  	[dreg:$0x1] =	wrdreg $0xFFFFFFFF  }
0xc2: {  	_ =	task.clear_ibuf [dreg:s7], $0x2FFFF;
	_ =	strace $0x9FFFFFFF  }
0xc3: {  	(tm) =	ssettm $0x7FFFFFFF  }
tec
execute0_lowered:
.L_overlay_start_1:
0x0: {  	(tag) =	ssettag $0x1  }
0x1: {  	s5 =	rddreg [dreg:$0x0]  }
0x2: {  	s8 =	rddreg [dreg:$0x1];
	s1 =	srdreg.scid  }
0x3: {  	s0 =	stileid.u32;
	s2 =	rddreg [dreg:$0x2];
	s3 =	simm.s32 $0x0  }
0x4: {  	s14 =	simm.s32 $0x50;
	s15 =	simm.s32 $0x2850;
	s16 =	simm.s32 $0x28A0  }
0x5: {  	s17 =	simm.s32 $0x28F0;
	s18 =	simm.s32 $0x1;
	s19 =	simm.s32 $0x2  }
0x6: {  	s20 =	simm.s32 $0x3;
	s21 =	simm.s32 $0x4;
	s22 =	simm.s32 $0x0  }
0x7: {  	s4 =	sand.u32 $0x1, s1;
	s6 =	sshll.u32 s0, $0x1;
	s1 =	rddreg [dreg:$0x3]  }
0x8: {  	[smem:$0x7FF] =	sst s3;
	s9 =	smul.u32 $0x2800, s0;
	s31 =	sshll.u32 s0, $0x6  }
0x9: {  	s6 =	sor.u32 s4, s6;
	s7 =	ssub.s32 $0x2, s4;
	s11 =	smul.u32 $0x28000, s4  }
0xa: {  	_ =	strace $0x80000047;
	s6 =	smul.u32 $0x4E2, s6;
	s30 =	sshrl.u32 s7, $0x1  }
0xb: {  	s4 =	sadd.s32 $0x15A00, s5;
	s13 =	sadd.s32 s9, s2;
	s12 =	ssub.s32 s7, s30  }
0xc: {  	s9 =	sadd.s32 s9, s11;
	s11 =	simm.s32 $0x5;
	s10 =	sadd.s32 s6, s5  }
0xd: {  	s5 =	sadd.s32 $0x15C00, s5;
	s6 =	sor.u32 $0x1C05, s31;
	s9 =	sshrl.u32 s9, $0x3  }
0xe: {  	s7 =	sadd.s32 $0xBC00, s10;
	s8 =	sadd.s32 s8, s9;
	s9 =	smax.u32 s12, $0x1  }
0xf: {  	s10 =	sshrl.u32 s13, $0x3;
	s12 =	simm.s32 $0x2800;
	s13 =	simm.s32 $0x4F10  }
.LBB2_1:
0x10: {  	[spmem:s10], [sflag:s6] =	dma.local [hbm:s5], $0x500  }
0x11: {  	_ =	swait.ge [sflag:s11], $0x500  }
0x12: {  	[sflag:s11] =	ssyncset.done $0x0  }
0x13: {  	[sflag:s11] =	ssyncadd.s32 $0xFFFFFB00  }
0x14: {  	[tilespmem:s12], [sflag:$0x5] =	stream.linear.gather [hbm4b:s7+s3], $0x2710, $0x38;
	[tilespmem:$0x5410] =	vst v63  }
0x15: {  	_ =	swait.ge [sflag:s11], $0x2710  }
0x16: {  	[sflag:s11] =	ssyncset.done $0x0  }
0x17: {  	[sflag:s11] =	ssyncadd.s32 $0xFFFFD8F0  }
0x18: {  	[tilespmem:s13], [sflag:$0x5] =	stream.linear.gather [hbm4b:s4+s3], $0x500, $0x38;
	[tilespmem:$0x5410] =	vst v63  }
0x19: {  	_ =	swait.ge [sflag:s11], $0x500  }
0x1a: {  	[sflag:s11] =	ssyncset.done $0x0  }
0x1b: {  	[sflag:s11] =	ssyncadd.s32 $0xFFFFFB00  }
0x1c: {  	[bflag:$0x0] =	sbarrier.arrive $0xFFFF  }
0x1d: {  	[spmem:s2] =	stream.indirect.scatter.add.f32 [tilespmem:s13], [sflag:$0x1], $0x10, s12, s14, $0xb8;
	[tilespmem:$0x5410] =	vst v63  }
0x1e: {  	_ = 	snop  }
0x1f: {  	[spmem:s2] =	stream.indirect.scatter.add.f32 [tilespmem:s13], [sflag:$0x2], $0x10, s15, s14, $0xb8;
	[tilespmem:$0x5410] =	vst v63  }
0x20: {  	s23 =	sand.u32 $0x3, s21  }
0x21: {  	[spmem:s2] =	stream.indirect.scatter.add.f32 [tilespmem:s13], [sflag:$0x3], $0x10, s16, s14, $0xb8;
	[tilespmem:$0x5410] =	vst v63  }
0x22: {  	s24 =	sadd.s32 $0x1, s23  }
0x23: {  	[spmem:s2] =	stream.indirect.scatter.add.f32 [tilespmem:s13], [sflag:$0x4], $0x10, s17, s14, $0xb8;
	[tilespmem:$0x5410] =	vst v63  }
0x24: {  	_ =	swait.ge [sflag:s24], $0x500  }
0x25: {  	s25 =	simm.s32 $0x5;
	[sflag:s24] =	ssyncset.done $0x0  }
0x26: {  	s23 =	simm.s32 $0x2940;
	s25 =	sand.u32 $0x3, s25;
	[sflag:s24] =	ssyncadd.s32 $0xFFFFFB00  }
0x27: {  	[spmem:s2] =	stream.indirect.scatter.add.f32 [tilespmem:s13], [sflag:s24], $0x10, s23, s14, $0xb8;
	[tilespmem:$0x5410] =	vst v63  }
0x28: {  	s24 =	sadd.s32 $0x1, s25  }
0x29: {  	s25 =	simm.s32 $0x6;
	_ =	swait.ge [sflag:s24], $0x500  }
.LBB2_2:
0x2a: {  	s26 =	sand.u32 $0x3, s25  }
0x2b: {  	[sflag:s24] =	ssyncset.done $0x0;
	s23 =	sadd.s32 $0x50, s23;
	p0 =	sne.s32 s25, $0x7C  }
.Ltmp0:
0x2c: {  	s26 =	sadd.s32 $0x1, s26;
	[sflag:s24] =	ssyncadd.s32 $0xFFFFFB00;
	(pc) =	sbr.rel @p0 .LBB2_2-.Ltmp0, $3  }
0x2d: {  	[spmem:s2] =	stream.indirect.scatter.add.f32 [tilespmem:s13], [sflag:s24], $0x10, s23, s14, $0xb8;
	[tilespmem:$0x5410] =	vst v63  }
0x2e: {  	s24 =	smov.u32 s26;
	_ =	swait.ge [sflag:s26], $0x500;
	_ =	sdelay $0x1  }
0x2f: {  	s25 =	sadd.s32 $0x1, s25  }
0x30: {  	[sflag:s24] =	ssyncset.done $0x0  }
0x31: {  	s23 =	sadd.s32 $0x50, s23;
	[sflag:s24] =	ssyncadd.s32 $0xFFFFFB00  }
0x32: {  	[spmem:s2] =	stream.indirect.scatter.add.f32 [tilespmem:s13], [sflag:s24], $0x10, s23, s14, $0xb8;
	[tilespmem:$0x5410] =	vst v63  }
0x33: {  	_ =	swait.ge [sflag:s18], $0x500  }
0x34: {  	[sflag:s18] =	ssyncset.done $0x0  }
0x35: {  	[sflag:s18] =	ssyncadd.s32 $0xFFFFFB00  }
0x36: {  	_ =	swait.ge [sflag:s19], $0x500  }
0x37: {  	[sflag:s19] =	ssyncset.done $0x0  }
0x38: {  	[sflag:s19] =	ssyncadd.s32 $0xFFFFFB00  }
0x39: {  	_ =	swait.ge [sflag:s20], $0x500  }
0x3a: {  	[sflag:s20] =	ssyncset.done $0x0  }
0x3b: {  	[sflag:s20] =	ssyncadd.s32 $0xFFFFFB00  }
0x3c: {  	_ =	swait.ge [sflag:s21], $0x500  }
0x3d: {  	s22 =	sadd.s32 $0x1, s22;
	[sflag:s21] =	ssyncset.done $0x0  }
0x3e: {  	p0 =	sne.s32 s22, s9;
	[sflag:s21] =	ssyncadd.s32 $0xFFFFFB00  }
.Ltmp1:
0x3f: {  	[bflag:$0x0] =	sbarrier.arrive $0xFFFF;
	(pc) =	sbr.rel @p0 .LBB2_1-.Ltmp1, $4  }
0x40: {  	[hbm:s8], [sflag:s6] =	dma.local [spmem:s10], $0x500  }
0x41: {  	_ =	swait.ge [sflag:s11], $0x500  }
0x42: {  	[sflag:s11] =	ssyncset.done $0x0  }
0x43: {  	[sflag:s11] =	ssyncadd.s32 $0xFFFFFB00  }
0x44: {  	_ =	sfence.sel $0x180000  }
0x45: {  	[bflag:$0x0] =	sbarrier.arrive $0xFFFF  }
0x46: {  	p0 =	sne.s32 s0, $0x0;
	_ =	strace $0x90000047  }
0x47: {  	s0 =	sadd.s32 @!p0 $0x100000, s1;
	[bflag:$0x2] =	sbarrier.arrive $0xFFFF  }
0x48: {  	[sflag:s0] =	ssyncadd.tile.s32 @!p0 $0x1;
	_ =	shalt  }
.Lfunc_end2:
_tile_overlayer_lowered:
.L_overlay_start_2:
0x49: {  	(tag) =	ssettag $0x2  }
0x4a: {  	s0 =	rddreg [dreg:$0x0];
	s2 =	stileid.u32  }
0x4b: {  	s1 =	rddreg [dreg:$0x1];
	p0 =	sne.s32 s2, $0x0  }
0x4c: {  	s3 =	rddreg [dreg:$0x2];
	[bflag:$0x3] =	sbarrier.arrive $0xFFFF;
	s2 =	simm.s32 @!p0 $0x1C05  }
0x4d: {  	[timem:s3], [sflag:s2] =	dma.local @!p0 [hbm:s0], s1  }
0x4e: {  	s0 =	simm.s32 @!p0 $0x5  }
0x4f: {  	_ =	swait.ge @!p0 [sflag:s0], s1  }
0x50: {  	s1 =	ssub.s32 @!p0 $0x0, s1;
	[sflag:s0] =	ssyncset.done @!p0 $0x0  }
0x51: {  	[sflag:s0] =	ssyncadd.s32 @!p0 s1  }
0x52: {  	[bflag:$0x3] =	sbarrier.arrive $0xFFFF  }
0x53: {  	_ =	shalt  }

</sc_bundles>
